<compile_context>
chip_gen: v7x
topology: tpu7x:2x2x1
jax: 0.10.2.dev20260603
libtpu: 0.0.44.dev20260713+nightly
codegen_flags: <defaults>
</compile_context>

<pallas_src>
import functools

import jax
import jax.numpy as jnp
from jax import lax
from jax.experimental import pallas as pl
from jax.experimental.pallas import tpu as pltpu, tpu_sc as plsc

_B, _N, _C = 128, 8732, 21
_NP = 8736
_NV = _NP // 16
_RPW = 4
_RB = 4


def _s1_body(conf_ref, tgt_ref, locp_ref, loct_ref, ce_ref, kv_ref, acc_ref):
    i = pl.program_id(0)
    x = conf_ref[...]
    lse = jnp.log(jnp.sum(jnp.exp(x), axis=1))
    t = tgt_ref[:, 0, :]
    iot = lax.broadcasted_iota(jnp.int32, (_RB, _C, _N), 1)
    picked = jnp.sum(jnp.where(iot == t[:, None, :], x, 0.0), axis=1)
    ce = lse - picked

    pos = t > 0
    posf = pos.astype(jnp.float32)
    np_rows = jnp.sum(pos.astype(jnp.int32), axis=1, keepdims=True)
    kvals = jnp.minimum(3 * np_rows, _N - 1)
    kv_ref[:, 0, :] = jnp.broadcast_to(kvals, (_RB, 128)).astype(jnp.int32)

    ce_sel = jnp.where(pos, 0.0, jnp.maximum(ce, 0.0))
    ce_ref[:, 0, :] = jnp.concatenate(
        [ce_sel, jnp.zeros((_RB, _NP - _N), jnp.float32)], axis=1)

    d = locp_ref[...] - loct_ref[...]
    ad = jnp.abs(d)
    sl1 = jnp.where(ad < 1.0, 0.5 * d * d, ad - 0.5)
    loc_part = jnp.sum(jnp.sum(sl1, axis=1) * posf)
    ce_pos_part = jnp.sum(ce * posf)
    np_total = jnp.sum(posf)

    @pl.when(i == 0)
    def _():
        acc_ref[...] = jnp.zeros_like(acc_ref)

    lane = lax.broadcasted_iota(jnp.int32, (1, 128), 1)
    row0 = jnp.where(lane == 0, loc_part + ce_pos_part, 0.0)
    row1 = jnp.where(lane == 0, np_total, 0.0)
    acc_ref[...] += jnp.concatenate([row0, row1], axis=0)


def _stage1(conf_t, tgt3, locp_t, loct_t):
    return pl.pallas_call(
        _s1_body,
        grid=(_B // _RB,),
        in_specs=[
            pl.BlockSpec((_RB, _C, _N), lambda i: (i, 0, 0)),
            pl.BlockSpec((_RB, 1, _N), lambda i: (i, 0, 0)),
            pl.BlockSpec((_RB, 4, _N), lambda i: (i, 0, 0)),
            pl.BlockSpec((_RB, 4, _N), lambda i: (i, 0, 0)),
        ],
        out_specs=[
            pl.BlockSpec((_RB, 1, _NP), lambda i: (i, 0, 0)),
            pl.BlockSpec((_RB, 1, 128), lambda i: (i, 0, 0)),
            pl.BlockSpec((2, 128), lambda i: (0, 0)),
        ],
        out_shape=[
            jax.ShapeDtypeStruct((_B, 1, _NP), jnp.float32),
            jax.ShapeDtypeStruct((_B, 1, 128), jnp.int32),
            jax.ShapeDtypeStruct((2, 128), jnp.float32),
        ],
    )(conf_t, tgt3, locp_t, loct_t)


_mesh = plsc.VectorSubcoreMesh(core_axis_name="c", subcore_axis_name="s")


@functools.partial(
    pl.kernel,
    out_type=jax.ShapeDtypeStruct((_B, 16), jnp.float32),
    mesh=_mesh,
    compiler_params=pltpu.CompilerParams(needs_layout_passes=False),
    scratch_types=[
        pltpu.VMEM((_NP,), jnp.float32),
        pltpu.VMEM((128,), jnp.int32),
        pltpu.VMEM((256,), jnp.int32),
        pltpu.VMEM((16,), jnp.float32),
    ],
)
def _mine_sc(ce_hbm, kv_hbm, sneg_hbm, ce_v, kv_v, hcnt, out_v):
    wid = lax.axis_index("s") * 2 + lax.axis_index("c")
    zero16i = jnp.zeros((16,), jnp.int32)
    zero16f = jnp.zeros((16,), jnp.float32)
    ones16i = jnp.full((16,), 1, jnp.int32)
    last16 = jnp.full((16,), 15, jnp.int32)

    dnums = lax.GatherDimensionNumbers(
        offset_dims=(), collapsed_slice_dims=(0,), start_index_map=(0,))

    def take_splat(v, idx_splat):
        return lax.gather(v, idx_splat[:, None], dnums, (1,),
                          mode=lax.GatherScatterMode.PROMISE_IN_BOUNDS)

    def row_body(j, carry):
        r = wid * _RPW + j
        pltpu.sync_copy(ce_hbm.at[r, 0], ce_v)
        pltpu.sync_copy(kv_hbm.at[r, 0], kv_v)
        kval = kv_v[pl.ds(0, 16)]

        k_rem = kval
        P = zero16i

        for lvl, (shift, nb) in enumerate([(23, 256), (15, 256), (7, 256), (0, 128)]):
            for tz in range(nb // 16):
                hcnt[pl.ds(16 * tz, 16)] = zero16i

            def pass_body(v, c, shift=shift, nb=nb, lvl=lvl, P=P):
                xv = ce_v[pl.ds(v * 16, 16)]
                bits = lax.bitcast_convert_type(xv, jnp.int32)
                idx = lax.shift_right_logical(bits, jnp.int32(shift)) & jnp.int32(nb - 1)
                if lvl == 0:
                    plsc.addupdate_scatter(hcnt, [idx], ones16i)
                else:
                    pm = lax.shift_right_logical(
                        bits, jnp.int32(shift + (7 if lvl == 3 else 8))) == P
                    plsc.addupdate_scatter(hcnt, [idx], ones16i, mask=pm)
                return c

            lax.fori_loop(0, _NV, pass_body, jnp.int32(0))

            b_star = zero16i
            k_new = k_rem
            found = zero16i
            tot_above_c = zero16i
            for g in range(nb // 16 - 1, -1, -1):
                cvec = hcnt[pl.ds(16 * g, 16)]
                sfx_c = lax.rev(plsc.cumsum(lax.rev(cvec, (0,))), (0,))
                sfx_tot = sfx_c + tot_above_c
                mhit = sfx_tot >= k_rem
                cnt_set = plsc.all_reduce_population_count(mhit)
                t_lane = jnp.maximum(cnt_set - 1, 0)
                sfx_at = take_splat(sfx_c, t_lane) + tot_above_c
                cnt_at = take_splat(cvec, t_lane)
                is_hit = jnp.logical_and(cnt_set > 0, found == 0)
                b_star = jnp.where(is_hit, 16 * g + t_lane, b_star)
                k_new = jnp.where(is_hit, k_rem - (sfx_at - cnt_at), k_new)
                found = jnp.where(is_hit, 1, found)
                tot_above_c = tot_above_c + take_splat(plsc.cumsum(cvec), last16)
            k_rem = k_new
            P = P * jnp.int32(128 if lvl == 3 else 256) + b_star

        thr = lax.bitcast_convert_type(P, jnp.float32)

        def sum_body(v, acc):
            xv = ce_v[pl.ds(v * 16, 16)]
            return acc + jnp.where(xv > thr, xv, 0.0)

        acc = lax.fori_loop(0, _NV, sum_body, zero16f)
        S = take_splat(plsc.cumsum(acc), last16)
        S = S + k_rem.astype(jnp.float32) * thr
        S = jnp.where(kval > 0, S, 0.0)
        out_v[...] = S
        pltpu.sync_copy(out_v, sneg_hbm.at[r])
        return carry

    lax.fori_loop(0, _RPW, row_body, jnp.int32(0))


def _fin_body(acc_ref, sneg_ref, out_ref):
    acc = acc_ref[...]
    sneg = sneg_ref[...]
    total = jnp.sum(acc[0:1, :]) + jnp.sum(sneg[:, 0:1])
    nm = jnp.sum(acc[1:2, :])
    out_ref[...] = jnp.reshape(total / nm, (1, 1))


def kernel(loc_preds, loc_targets, conf_preds, conf_targets):
    B, N, _ = loc_preds.shape
    conf_t = jnp.swapaxes(conf_preds, 1, 2)
    locp_t = jnp.swapaxes(loc_preds, 1, 2)
    loct_t = jnp.swapaxes(loc_targets, 1, 2)
    tgt3 = conf_targets.astype(jnp.int32).reshape(B, 1, N)

    ce_sel, kv, acc = _stage1(conf_t, tgt3, locp_t, loct_t)
    sneg = _mine_sc(ce_sel, kv)
    out = pl.pallas_call(
        _fin_body,
        out_shape=jax.ShapeDtypeStruct((1, 1), jnp.float32),
    )(acc, sneg)
    return out[0, 0]

# --- scband reference (transcript-rebuilt; emitter-appended) ---
"""Pipeline reference for scband-multi-box-loss-68719476736651 (READ-ONLY COPY).

The authoritative reference and input builder live on the scoring server;
editing this copy changes nothing except your own understanding.
"""

import jax, jax.numpy as jnp
import numpy as np


def setup_inputs(seed: int = 0) -> dict:
    key = jax.random.key(seed)
    k1, k2, k3, k4 = jax.random.split(key, 4)
    B, N, C = 128, 8732, 21
    loc_preds = jax.random.normal(k1, (B, N, 4), dtype=jnp.float32)
    loc_targets = jax.random.normal(k2, (B, N, 4), dtype=jnp.float32)
    conf_preds = jax.random.normal(k3, (B, N, C), dtype=jnp.float32)
    conf_targets = jax.random.randint(k4, (B, N), 0, C).astype(jnp.int64)
    return {
        "loc_preds": loc_preds,
        "loc_targets": loc_targets,
        "conf_preds": conf_preds,
        "conf_targets": conf_targets,
    }


def reference(loc_preds, loc_targets, conf_preds, conf_targets):
    B, N, _ = loc_preds.shape
    C = conf_preds.shape[-1]

    pos = conf_targets > 0  # [B, N]
    num_matched = jnp.sum(pos.astype(jnp.float32))

    # SmoothL1 (beta=1) summed over positive boxes
    diff = loc_preds - loc_targets
    ad = jnp.abs(diff)
    sl1 = jnp.where(ad < 1.0, 0.5 * diff * diff, ad - 0.5)
    loc_loss = jnp.sum(sl1 * pos[..., None].astype(loc_preds.dtype))

    # per-element cross entropy over all B*N boxes
    logits = conf_preds.reshape(-1, C)
    tgt = conf_targets.reshape(-1)
    lse = jax.scipy.special.logsumexp(logits, axis=1)
    picked = jnp.take_along_axis(logits, tgt[:, None].astype(jnp.int32), axis=1)[:, 0]
    ce = lse - picked  # [B*N]

    # hard negative mining: zero out positives, rank by loss
    ce_z = jnp.where(pos.reshape(-1), 0.0, ce).reshape(B, N)
    idx = jnp.argsort(-ce_z, axis=1)
    rank = jnp.argsort(idx, axis=1)
    num_pos = jnp.sum(pos.astype(jnp.int32), axis=1)
    num_neg = jnp.minimum(3 * num_pos, N - 1)
    neg = rank < num_neg[:, None]

    mask = jnp.logical_or(pos, neg)
    conf_loss = jnp.sum(jnp.where(mask.reshape(-1), ce, 0.0))

    loc_loss = loc_loss / num_matched
    conf_loss = conf_loss / num_matched
    return loc_loss + conf_loss

if __name__ == "__main__":
    import jax
    _d = setup_inputs()
    print(jax.jit(kernel)(*tuple(_d.values())))

</pallas_src>

<mosaic_0001>
#map = affine_map<(d0, d1) -> (0, 0, 0)>
#map1 = affine_map<(d0, d1) -> (0, 0)>
module attributes {stable_mosaic.version = 14 : i64} {
  func.func @_mine_sc(%arg0: i32, %arg1: i32, %arg2: memref<128x1x8736xf32, #tpu.memory_space<hbm>>, %arg3: memref<128x1x128xi32, #tpu.memory_space<hbm>>, %arg4: memref<128x16xf32, #tpu.memory_space<hbm>>, %arg5: memref<8736xf32, #tpu.memory_space<vmem>>, %arg6: memref<128xi32, #tpu.memory_space<vmem>>, %arg7: memref<256xi32, #tpu.memory_space<vmem>>, %arg8: memref<16xf32, #tpu.memory_space<vmem>>) attributes {dimension_semantics = [#tpu.dimension_semantics<core_parallel>, #tpu.dimension_semantics<subcore_parallel>], iteration_bounds = array<i64: 2, 16>, scalar_prefetch = 0 : i64, scratch_operands = 4 : i64, tpu.core_type = #tpu.core_type<sc_vector_subcore>, window_params = [{transform_indices = #map}, {transform_indices = #map}, {transform_indices = #map1}]} {
    %mul3A = arith.constant 2 : i32
    %mul3A_0 = arith.muli %arg1, %mul3A : i32
    %add3A = arith.addi %mul3A_0, %arg0 : i32
    %broadcast_in_dim3A = arith.constant 0 : i32
    %broadcast_in_dim3A_1 = vector.broadcast %broadcast_in_dim3A : i32 to vector<16xi32>
    %broadcast_in_dim3A_2 = arith.constant 0.000000e+00 : f32
    %broadcast_in_dim3A_3 = vector.broadcast %broadcast_in_dim3A_2 : f32 to vector<16xf32>
    %broadcast_in_dim3A_4 = arith.constant 1 : i32
    %broadcast_in_dim3A_5 = vector.broadcast %broadcast_in_dim3A_4 : i32 to vector<16xi32>
    %broadcast_in_dim3A_6 = arith.constant 15 : i32
    %broadcast_in_dim3A_7 = vector.broadcast %broadcast_in_dim3A_6 : i32 to vector<16xi32>
    %scan3A = arith.constant 0 : i32
    %scan3A_8 = arith.constant 0 : i32
    %scan3A_9 = arith.constant 4 : i32
    %scan3A_10 = arith.addi %scan3A_8, %scan3A_9 : i32
    %scan3A_11 = arith.constant 1 : i32
    scf.for %scan3A_13 = %scan3A_8 to %scan3A_10 step %scan3A_11  : i32 {
      %mul3A_14 = arith.constant 4 : i32
      %mul3A_15 = arith.muli %add3A, %mul3A_14 : i32
      %add3A_16 = arith.addi %mul3A_15, %scan3A_13 : i32
      %run_scoped3A = arith.constant 0 : i32
      "tpu.region"() ({
        %run_scoped3A_3260 = tpu.sem_alloc : memref<!tpu.dma_semaphore, #tpu.memory_space<semaphore_mem>>
        %dma_start3A = arith.constant 0 : i32
        %dma_start3A_3261 = tpu.memref_slice %arg2[%add3A_16, %run_scoped3A, %dma_start3A] : memref<128x1x8736xf32, #tpu.memory_space<hbm>> -> memref<1x1x8736xf32, #tpu.memory_space<hbm>>
        %dma_start3A_3262 = tpu.memref_squeeze %dma_start3A_3261 : memref<1x1x8736xf32, #tpu.memory_space<hbm>> -> memref<8736xf32, #tpu.memory_space<hbm>>
        %dma_start3A_3263 = arith.constant 0 : i32
        %dma_start3A_3264 = tpu.memref_slice %arg2[%add3A_16, %run_scoped3A, %dma_start3A_3263] : memref<128x1x8736xf32, #tpu.memory_space<hbm>> -> memref<1x1x8736xf32, #tpu.memory_space<hbm>>
        %dma_start3A_3265 = tpu.memref_squeeze %dma_start3A_3264 : memref<1x1x8736xf32, #tpu.memory_space<hbm>> -> memref<8736xf32, #tpu.memory_space<hbm>>
        tpu.enqueue_dma source(%dma_start3A_3265 : memref<8736xf32, #tpu.memory_space<hbm>>) target(%arg5 : memref<8736xf32, #tpu.memory_space<vmem>>) target_semaphore(%run_scoped3A_3260 : memref<!tpu.dma_semaphore, #tpu.memory_space<semaphore_mem>>)
        %dma_wait3A = arith.constant 0 : i32
        %dma_wait3A_3266 = tpu.memref_slice %arg2[%add3A_16, %run_scoped3A, %dma_wait3A] : memref<128x1x8736xf32, #tpu.memory_space<hbm>> -> memref<1x1x8736xf32, #tpu.memory_space<hbm>>
        %dma_wait3A_3267 = tpu.memref_squeeze %dma_wait3A_3266 : memref<1x1x8736xf32, #tpu.memory_space<hbm>> -> memref<8736xf32, #tpu.memory_space<hbm>>
        %dma_wait3A_3268 = arith.constant 0 : i32
        %dma_wait3A_3269 = tpu.memref_slice %arg2[%add3A_16, %run_scoped3A, %dma_wait3A_3268] : memref<128x1x8736xf32, #tpu.memory_space<hbm>> -> memref<1x1x8736xf32, #tpu.memory_space<hbm>>
        %dma_wait3A_3270 = tpu.memref_squeeze %dma_wait3A_3269 : memref<1x1x8736xf32, #tpu.memory_space<hbm>> -> memref<8736xf32, #tpu.memory_space<hbm>>
        tpu.wait_dma2 semaphore(%run_scoped3A_3260 : memref<!tpu.dma_semaphore, #tpu.memory_space<semaphore_mem>>) src(%dma_wait3A_3270 : memref<8736xf32, #tpu.memory_space<hbm>>) dst(%arg5 : memref<8736xf32, #tpu.memory_space<vmem>>)
        tpu.yield
      }) : () -> ()
      %run_scoped3A_17 = arith.constant 0 : i32
      "tpu.region"() ({
        %run_scoped3A_3260 = tpu.sem_alloc : memref<!tpu.dma_semaphore, #tpu.memory_space<semaphore_mem>>
        %dma_start3A = arith.constant 0 : i32
        %dma_start3A_3261 = tpu.memref_slice %arg3[%add3A_16, %run_scoped3A_17, %dma_start3A] : memref<128x1x128xi32, #tpu.memory_space<hbm>> -> memref<1x1x128xi32, #tpu.memory_space<hbm>>
        %dma_start3A_3262 = tpu.memref_squeeze %dma_start3A_3261 : memref<1x1x128xi32, #tpu.memory_space<hbm>> -> memref<128xi32, #tpu.memory_space<hbm>>
        %dma_start3A_3263 = arith.constant 0 : i32
        %dma_start3A_3264 = tpu.memref_slice %arg3[%add3A_16, %run_scoped3A_17, %dma_start3A_3263] : memref<128x1x128xi32, #tpu.memory_space<hbm>> -> memref<1x1x128xi32, #tpu.memory_space<hbm>>
        %dma_start3A_3265 = tpu.memref_squeeze %dma_start3A_3264 : memref<1x1x128xi32, #tpu.memory_space<hbm>> -> memref<128xi32, #tpu.memory_space<hbm>>
        tpu.enqueue_dma source(%dma_start3A_3265 : memref<128xi32, #tpu.memory_space<hbm>>) target(%arg6 : memref<128xi32, #tpu.memory_space<vmem>>) target_semaphore(%run_scoped3A_3260 : memref<!tpu.dma_semaphore, #tpu.memory_space<semaphore_mem>>)
        %dma_wait3A = arith.constant 0 : i32
        %dma_wait3A_3266 = tpu.memref_slice %arg3[%add3A_16, %run_scoped3A_17, %dma_wait3A] : memref<128x1x128xi32, #tpu.memory_space<hbm>> -> memref<1x1x128xi32, #tpu.memory_space<hbm>>
        %dma_wait3A_3267 = tpu.memref_squeeze %dma_wait3A_3266 : memref<1x1x128xi32, #tpu.memory_space<hbm>> -> memref<128xi32, #tpu.memory_space<hbm>>
        %dma_wait3A_3268 = arith.constant 0 : i32
        %dma_wait3A_3269 = tpu.memref_slice %arg3[%add3A_16, %run_scoped3A_17, %dma_wait3A_3268] : memref<128x1x128xi32, #tpu.memory_space<hbm>> -> memref<1x1x128xi32, #tpu.memory_space<hbm>>
        %dma_wait3A_3270 = tpu.memref_squeeze %dma_wait3A_3269 : memref<1x1x128xi32, #tpu.memory_space<hbm>> -> memref<128xi32, #tpu.memory_space<hbm>>
        tpu.wait_dma2 semaphore(%run_scoped3A_3260 : memref<!tpu.dma_semaphore, #tpu.memory_space<semaphore_mem>>) src(%dma_wait3A_3270 : memref<128xi32, #tpu.memory_space<hbm>>) dst(%arg6 : memref<128xi32, #tpu.memory_space<vmem>>)
        tpu.yield
      }) : () -> ()
      %get3A = arith.constant 0 : index
      %get3A_18 = tpu.vector_load %arg6[%get3A] {strides = array<i32>} : memref<128xi32, #tpu.memory_space<vmem>>, vector<16xi32>,
      %swap3A = arith.constant 0 : index
      %swap3A_19 = tpu.vector_load %arg7[%swap3A] {strides = array<i32>} : memref<256xi32, #tpu.memory_space<vmem>>, vector<16xi32>,
      tpu.vector_store %arg7[%swap3A], %broadcast_in_dim3A_1 {strides = array<i32>} : memref<256xi32, #tpu.memory_space<vmem>>, vector<16xi32>,
      %swap3A_20 = arith.constant 16 : index
      %swap3A_21 = tpu.vector_load %arg7[%swap3A_20] {strides = array<i32>} : memref<256xi32, #tpu.memory_space<vmem>>, vector<16xi32>,
      tpu.vector_store %arg7[%swap3A_20], %broadcast_in_dim3A_1 {strides = array<i32>} : memref<256xi32, #tpu.memory_space<vmem>>, vector<16xi32>,
      %swap3A_22 = arith.constant 32 : index
      %swap3A_23 = tpu.vector_load %arg7[%swap3A_22] {strides = array<i32>} : memref<256xi32, #tpu.memory_space<vmem>>, vector<16xi32>,
      tpu.vector_store %arg7[%swap3A_22], %broadcast_in_dim3A_1 {strides = array<i32>} : memref<256xi32, #tpu.memory_space<vmem>>, vector<16xi32>,
      %swap3A_24 = arith.constant 48 : index
      %swap3A_25 = tpu.vector_load %arg7[%swap3A_24] {strides = array<i32>} : memref<256xi32, #tpu.memory_space<vmem>>, vector<16xi32>,
      tpu.vector_store %arg7[%swap3A_24], %broadcast_in_dim3A_1 {strides = array<i32>} : memref<256xi32, #tpu.memory_space<vmem>>, vector<16xi32>,
      %swap3A_26 = arith.constant 64 : index
      %swap3A_27 = tpu.vector_load %arg7[%swap3A_26] {strides = array<i32>} : memref<256xi32, #tpu.memory_space<vmem>>, vector<16xi32>,
      tpu.vector_store %arg7[%swap3A_26], %broadcast_in_dim3A_1 {strides = array<i32>} : memref<256xi32, #tpu.memory_space<vmem>>, vector<16xi32>,
      %swap3A_28 = arith.constant 80 : index
      %swap3A_29 = tpu.vector_load %arg7[%swap3A_28] {strides = array<i32>} : memref<256xi32, #tpu.memory_space<vmem>>, vector<16xi32>,
      tpu.vector_store %arg7[%swap3A_28], %broadcast_in_dim3A_1 {strides = array<i32>} : memref<256xi32, #tpu.memory_space<vmem>>, vector<16xi32>,
      %swap3A_30 = arith.constant 96 : index
      %swap3A_31 = tpu.vector_load %arg7[%swap3A_30] {strides = array<i32>} : memref<256xi32, #tpu.memory_space<vmem>>, vector<16xi32>,
      tpu.vector_store %arg7[%swap3A_30], %broadcast_in_dim3A_1 {strides = array<i32>} : memref<256xi32, #tpu.memory_space<vmem>>, vector<16xi32>,
      %swap3A_32 = arith.constant 112 : index
      %swap3A_33 = tpu.vector_load %arg7[%swap3A_32] {strides = array<i32>} : memref<256xi32, #tpu.memory_space<vmem>>, vector<16xi32>,
      tpu.vector_store %arg7[%swap3A_32], %broadcast_in_dim3A_1 {strides = array<i32>} : memref<256xi32, #tpu.memory_space<vmem>>, vector<16xi32>,
      %swap3A_34 = arith.constant 128 : index
      %swap3A_35 = tpu.vector_load %arg7[%swap3A_34] {strides = array<i32>} : memref<256xi32, #tpu.memory_space<vmem>>, vector<16xi32>,
      tpu.vector_store %arg7[%swap3A_34], %broadcast_in_dim3A_1 {strides = array<i32>} : memref<256xi32, #tpu.memory_space<vmem>>, vector<16xi32>,
      %swap3A_36 = arith.constant 144 : index
      %swap3A_37 = tpu.vector_load %arg7[%swap3A_36] {strides = array<i32>} : memref<256xi32, #tpu.memory_space<vmem>>, vector<16xi32>,
      tpu.vector_store %arg7[%swap3A_36], %broadcast_in_dim3A_1 {strides = array<i32>} : memref<256xi32, #tpu.memory_space<vmem>>, vector<16xi32>,
      %swap3A_38 = arith.constant 160 : index
      %swap3A_39 = tpu.vector_load %arg7[%swap3A_38] {strides = array<i32>} : memref<256xi32, #tpu.memory_space<vmem>>, vector<16xi32>,
      tpu.vector_store %arg7[%swap3A_38], %broadcast_in_dim3A_1 {strides = array<i32>} : memref<256xi32, #tpu.memory_space<vmem>>, vector<16xi32>,
      %swap3A_40 = arith.constant 176 : index
      %swap3A_41 = tpu.vector_load %arg7[%swap3A_40] {strides = array<i32>} : memref<256xi32, #tpu.memory_space<vmem>>, vector<16xi32>,
      tpu.vector_store %arg7[%swap3A_40], %broadcast_in_dim3A_1 {strides = array<i32>} : memref<256xi32, #tpu.memory_space<vmem>>, vector<16xi32>,
      %swap3A_42 = arith.constant 192 : index
      %swap3A_43 = tpu.vector_load %arg7[%swap3A_42] {strides = array<i32>} : memref<256xi32, #tpu.memory_space<vmem>>, vector<16xi32>,
      tpu.vector_store %arg7[%swap3A_42], %broadcast_in_dim3A_1 {strides = array<i32>} : memref<256xi32, #tpu.memory_space<vmem>>, vector<16xi32>,
      %swap3A_44 = arith.constant 208 : index
      %swap3A_45 = tpu.vector_load %arg7[%swap3A_44] {strides = array<i32>} : memref<256xi32, #tpu.memory_space<vmem>>, vector<16xi32>,
      tpu.vector_store %arg7[%swap3A_44], %broadcast_in_dim3A_1 {strides = array<i32>} : memref<256xi32, #tpu.memory_space<vmem>>, vector<16xi32>,
      %swap3A_46 = arith.constant 224 : index
      %swap3A_47 = tpu.vector_load %arg7[%swap3A_46] {strides = array<i32>} : memref<256xi32, #tpu.memory_space<vmem>>, vector<16xi32>,
      tpu.vector_store %arg7[%swap3A_46], %broadcast_in_dim3A_1 {strides = array<i32>} : memref<256xi32, #tpu.memory_space<vmem>>, vector<16xi32>,
      %swap3A_48 = arith.constant 240 : index
      %swap3A_49 = tpu.vector_load %arg7[%swap3A_48] {strides = array<i32>} : memref<256xi32, #tpu.memory_space<vmem>>, vector<16xi32>,
      tpu.vector_store %arg7[%swap3A_48], %broadcast_in_dim3A_1 {strides = array<i32>} : memref<256xi32, #tpu.memory_space<vmem>>, vector<16xi32>,
      %scan3A_50 = arith.constant 0 : i32
      %scan3A_51 = arith.constant 0 : i32
      %scan3A_52 = arith.constant 546 : i32
      %scan3A_53 = arith.addi %scan3A_51, %scan3A_52 : i32
      %scan3A_54 = arith.constant 1 : i32
      scf.for %scan3A_3260 = %scan3A_51 to %scan3A_53 step %scan3A_54  : i32 {
        %mul3A_3261 = arith.constant 16 : i32
        %mul3A_3262 = arith.muli %scan3A_3260, %mul3A_3261 : i32
        %get3A_3263 = arith.index_cast %mul3A_3262 : i32 to index
        %get3A_3264 = tpu.vector_load %arg5[%get3A_3263] {strides = array<i32>} : memref<8736xf32, #tpu.memory_space<vmem>>, vector<16xf32>,
        %bitcast_convert_type3A_3265 = tpu.bitcast %get3A_3264 : vector<16xf32> -> vector<16xi32>
        %shift_right_logical3A = arith.constant 23 : i32
        %shift_right_logical3A_3266 = vector.broadcast %shift_right_logical3A : i32 to vector<16xi32>
        %shift_right_logical3A_3267 = arith.shrui %bitcast_convert_type3A_3265, %shift_right_logical3A_3266 : vector<16xi32>
        %and3A_3268 = arith.constant 255 : i32
        %and3A_3269 = vector.broadcast %and3A_3268 : i32 to vector<16xi32>
        %and3A_3270 = arith.andi %shift_right_logical3A_3267, %and3A_3269 : vector<16xi32>
        tpu.vector_store_idx %arg7[%and3A_3270], %broadcast_in_dim3A_5 {add = true} : memref<256xi32, #tpu.memory_space<vmem>>[vector<16xi32>], vector<16xi32>,
      }
      %scan3A_55 = arith.constant 546 : i32
      %get3A_56 = arith.constant 240 : index
      %get3A_57 = tpu.vector_load %arg7[%get3A_56] {strides = array<i32>} : memref<256xi32, #tpu.memory_space<vmem>>, vector<16xi32>,
      %rev3A = arith.constant 15 : i32
      %rev3A_58 = vector.broadcast %rev3A : i32 to vector<16xi32>
      %rev3A_59 = tpu.iota {dimensions = array<i32: 0>} : vector<16xi32>
      %rev3A_60 = arith.subi %rev3A_58, %rev3A_59 : vector<16xi32>
      %rev3A_61 = tpu.dynamic_gather %get3A_57[%rev3A_60] in [0] : vector<16xi32>, vector<16xi32> -> vector<16xi32>
      %broadcast_in_dim3A_62 = arith.constant true
      %broadcast_in_dim3A_63 = vector.broadcast %broadcast_in_dim3A_62 : i1 to vector<16xi1>
      %masked_cumsum3A = tpu.scan <sum>, %rev3A_61 masked %broadcast_in_dim3A_63 : vector<16xi32>, vector<16xi1> -> vector<16xi32>
      %rev3A_64 = arith.constant 15 : i32
      %rev3A_65 = vector.broadcast %rev3A_64 : i32 to vector<16xi32>
      %rev3A_66 = tpu.iota {dimensions = array<i32: 0>} : vector<16xi32>
      %rev3A_67 = arith.subi %rev3A_65, %rev3A_66 : vector<16xi32>
      %rev3A_68 = tpu.dynamic_gather %masked_cumsum3A[%rev3A_67] in [0] : vector<16xi32>, vector<16xi32> -> vector<16xi32>
      %add3A_69 = arith.addi %rev3A_68, %broadcast_in_dim3A_1 : vector<16xi32>
      %ge3A = arith.cmpi sge, %add3A_69, %get3A_18 : vector<16xi32>
      %all_reduce_population_count3A = tpu.all_reduce %ge3A {dim = 0 : i64, kind = #tpu.reduction_kind<sum>} : vector<16xi1> -> vector<16xi32>
      %sub3A = arith.constant 1 : i32
      %sub3A_70 = vector.broadcast %sub3A : i32 to vector<16xi32>
      %sub3A_71 = arith.subi %all_reduce_population_count3A, %sub3A_70 : vector<16xi32>
      %max3A = arith.constant 0 : i32
      %max3A_72 = vector.broadcast %max3A : i32 to vector<16xi32>
      %max3A_73 = arith.maxsi %sub3A_71, %max3A_72 : vector<16xi32>
      %broadcast_in_dim3A_74 = vector.shape_cast %max3A_73 : vector<16xi32> to vector<16x1xi32>
      %gather3A = vector.shape_cast %broadcast_in_dim3A_74 : vector<16x1xi32> to vector<16xi32>
      %gather3A_75 = tpu.dynamic_gather %rev3A_68[%gather3A] in [0] : vector<16xi32>, vector<16xi32> -> vector<16xi32>
      %add3A_76 = arith.addi %gather3A_75, %broadcast_in_dim3A_1 : vector<16xi32>
      %broadcast_in_dim3A_77 = vector.shape_cast %max3A_73 : vector<16xi32> to vector<16x1xi32>
      %gather3A_78 = vector.shape_cast %broadcast_in_dim3A_77 : vector<16x1xi32> to vector<16xi32>
      %gather3A_79 = tpu.dynamic_gather %get3A_57[%gather3A_78] in [0] : vector<16xi32>, vector<16xi32> -> vector<16xi32>
      %gt3A = arith.constant 0 : i32
      %gt3A_80 = vector.broadcast %gt3A : i32 to vector<16xi32>
      %gt3A_81 = arith.cmpi sgt, %all_reduce_population_count3A, %gt3A_80 : vector<16xi32>
      %eq3A = arith.constant 0 : i32
      %eq3A_82 = vector.broadcast %eq3A : i32 to vector<16xi32>
      %eq3A_83 = arith.cmpi eq, %broadcast_in_dim3A_1, %eq3A_82 : vector<16xi32>
      %and3A = arith.andi %gt3A_81, %eq3A_83 : vector<16xi1>
      %add3A_84 = arith.constant 240 : i32
      %add3A_85 = vector.broadcast %add3A_84 : i32 to vector<16xi32>
      %add3A_86 = arith.addi %add3A_85, %max3A_73 : vector<16xi32>
      %select_n3A = arith.select %and3A, %add3A_86, %broadcast_in_dim3A_1 : vector<16xi1>, vector<16xi32>
      %sub3A_87 = arith.subi %add3A_76, %gather3A_79 : vector<16xi32>
      %sub3A_88 = arith.subi %get3A_18, %sub3A_87 : vector<16xi32>
      %select_n3A_89 = arith.select %and3A, %sub3A_88, %get3A_18 : vector<16xi1>, vector<16xi32>
      %jit3A = arith.constant 1 : i32
      %broadcast_in_dim3A_90 = vector.broadcast %jit3A : i32 to vector<16xi32>
      %select_n3A_91 = arith.select %and3A, %broadcast_in_dim3A_90, %broadcast_in_dim3A_1 : vector<16xi1>, vector<16xi32>
      %broadcast_in_dim3A_92 = arith.constant true
      %broadcast_in_dim3A_93 = vector.broadcast %broadcast_in_dim3A_92 : i1 to vector<16xi1>
      %masked_cumsum3A_94 = tpu.scan <sum>, %get3A_57 masked %broadcast_in_dim3A_93 : vector<16xi32>, vector<16xi1> -> vector<16xi32>
      %broadcast_in_dim3A_95 = vector.shape_cast %broadcast_in_dim3A_7 : vector<16xi32> to vector<16x1xi32>
      %gather3A_96 = vector.shape_cast %broadcast_in_dim3A_95 : vector<16x1xi32> to vector<16xi32>
      %gather3A_97 = tpu.dynamic_gather %masked_cumsum3A_94[%gather3A_96] in [0] : vector<16xi32>, vector<16xi32> -> vector<16xi32>
      %add3A_98 = arith.addi %broadcast_in_dim3A_1, %gather3A_97 : vector<16xi32>
      %get3A_99 = arith.constant 224 : index
      %get3A_100 = tpu.vector_load %arg7[%get3A_99] {strides = array<i32>} : memref<256xi32, #tpu.memory_space<vmem>>, vector<16xi32>,
      %rev3A_101 = arith.constant 15 : i32
      %rev3A_102 = vector.broadcast %rev3A_101 : i32 to vector<16xi32>
      %rev3A_103 = tpu.iota {dimensions = array<i32: 0>} : vector<16xi32>
      %rev3A_104 = arith.subi %rev3A_102, %rev3A_103 : vector<16xi32>
      %rev3A_105 = tpu.dynamic_gather %get3A_100[%rev3A_104] in [0] : vector<16xi32>, vector<16xi32> -> vector<16xi32>
      %broadcast_in_dim3A_106 = arith.constant true
      %broadcast_in_dim3A_107 = vector.broadcast %broadcast_in_dim3A_106 : i1 to vector<16xi1>
      %masked_cumsum3A_108 = tpu.scan <sum>, %rev3A_105 masked %broadcast_in_dim3A_107 : vector<16xi32>, vector<16xi1> -> vector<16xi32>
      %rev3A_109 = arith.constant 15 : i32
      %rev3A_110 = vector.broadcast %rev3A_109 : i32 to vector<16xi32>
      %rev3A_111 = tpu.iota {dimensions = array<i32: 0>} : vector<16xi32>
      %rev3A_112 = arith.subi %rev3A_110, %rev3A_111 : vector<16xi32>
      %rev3A_113 = tpu.dynamic_gather %masked_cumsum3A_108[%rev3A_112] in [0] : vector<16xi32>, vector<16xi32> -> vector<16xi32>
      %add3A_114 = arith.addi %rev3A_113, %add3A_98 : vector<16xi32>
      %ge3A_115 = arith.cmpi sge, %add3A_114, %get3A_18 : vector<16xi32>
      %all_reduce_population_count3A_116 = tpu.all_reduce %ge3A_115 {dim = 0 : i64, kind = #tpu.reduction_kind<sum>} : vector<16xi1> -> vector<16xi32>
      %sub3A_117 = arith.constant 1 : i32
      %sub3A_118 = vector.broadcast %sub3A_117 : i32 to vector<16xi32>
      %sub3A_119 = arith.subi %all_reduce_population_count3A_116, %sub3A_118 : vector<16xi32>
      %max3A_120 = arith.constant 0 : i32
      %max3A_121 = vector.broadcast %max3A_120 : i32 to vector<16xi32>
      %max3A_122 = arith.maxsi %sub3A_119, %max3A_121 : vector<16xi32>
      %broadcast_in_dim3A_123 = vector.shape_cast %max3A_122 : vector<16xi32> to vector<16x1xi32>
      %gather3A_124 = vector.shape_cast %broadcast_in_dim3A_123 : vector<16x1xi32> to vector<16xi32>
      %gather3A_125 = tpu.dynamic_gather %rev3A_113[%gather3A_124] in [0] : vector<16xi32>, vector<16xi32> -> vector<16xi32>
      %add3A_126 = arith.addi %gather3A_125, %add3A_98 : vector<16xi32>
      %broadcast_in_dim3A_127 = vector.shape_cast %max3A_122 : vector<16xi32> to vector<16x1xi32>
      %gather3A_128 = vector.shape_cast %broadcast_in_dim3A_127 : vector<16x1xi32> to vector<16xi32>
      %gather3A_129 = tpu.dynamic_gather %get3A_100[%gather3A_128] in [0] : vector<16xi32>, vector<16xi32> -> vector<16xi32>
      %gt3A_130 = arith.constant 0 : i32
      %gt3A_131 = vector.broadcast %gt3A_130 : i32 to vector<16xi32>
      %gt3A_132 = arith.cmpi sgt, %all_reduce_population_count3A_116, %gt3A_131 : vector<16xi32>
      %eq3A_133 = arith.constant 0 : i32
      %eq3A_134 = vector.broadcast %eq3A_133 : i32 to vector<16xi32>
      %eq3A_135 = arith.cmpi eq, %select_n3A_91, %eq3A_134 : vector<16xi32>
      %and3A_136 = arith.andi %gt3A_132, %eq3A_135 : vector<16xi1>
      %add3A_137 = arith.constant 224 : i32
      %add3A_138 = vector.broadcast %add3A_137 : i32 to vector<16xi32>
      %add3A_139 = arith.addi %add3A_138, %max3A_122 : vector<16xi32>
      %select_n3A_140 = arith.select %and3A_136, %add3A_139, %select_n3A : vector<16xi1>, vector<16xi32>
      %sub3A_141 = arith.subi %add3A_126, %gather3A_129 : vector<16xi32>
      %sub3A_142 = arith.subi %get3A_18, %sub3A_141 : vector<16xi32>
      %select_n3A_143 = arith.select %and3A_136, %sub3A_142, %select_n3A_89 : vector<16xi1>, vector<16xi32>
      %jit3A_144 = arith.constant 1 : i32
      %broadcast_in_dim3A_145 = vector.broadcast %jit3A_144 : i32 to vector<16xi32>
      %select_n3A_146 = arith.select %and3A_136, %broadcast_in_dim3A_145, %select_n3A_91 : vector<16xi1>, vector<16xi32>
      %broadcast_in_dim3A_147 = arith.constant true
      %broadcast_in_dim3A_148 = vector.broadcast %broadcast_in_dim3A_147 : i1 to vector<16xi1>
      %masked_cumsum3A_149 = tpu.scan <sum>, %get3A_100 masked %broadcast_in_dim3A_148 : vector<16xi32>, vector<16xi1> -> vector<16xi32>
      %broadcast_in_dim3A_150 = vector.shape_cast %broadcast_in_dim3A_7 : vector<16xi32> to vector<16x1xi32>
      %gather3A_151 = vector.shape_cast %broadcast_in_dim3A_150 : vector<16x1xi32> to vector<16xi32>
      %gather3A_152 = tpu.dynamic_gather %masked_cumsum3A_149[%gather3A_151] in [0] : vector<16xi32>, vector<16xi32> -> vector<16xi32>
      %add3A_153 = arith.addi %add3A_98, %gather3A_152 : vector<16xi32>
      %get3A_154 = arith.constant 208 : index
      %get3A_155 = tpu.vector_load %arg7[%get3A_154] {strides = array<i32>} : memref<256xi32, #tpu.memory_space<vmem>>, vector<16xi32>,
      %rev3A_156 = arith.constant 15 : i32
      %rev3A_157 = vector.broadcast %rev3A_156 : i32 to vector<16xi32>
      %rev3A_158 = tpu.iota {dimensions = array<i32: 0>} : vector<16xi32>
      %rev3A_159 = arith.subi %rev3A_157, %rev3A_158 : vector<16xi32>
      %rev3A_160 = tpu.dynamic_gather %get3A_155[%rev3A_159] in [0] : vector<16xi32>, vector<16xi32> -> vector<16xi32>
      %broadcast_in_dim3A_161 = arith.constant true
      %broadcast_in_dim3A_162 = vector.broadcast %broadcast_in_dim3A_161 : i1 to vector<16xi1>
      %masked_cumsum3A_163 = tpu.scan <sum>, %rev3A_160 masked %broadcast_in_dim3A_162 : vector<16xi32>, vector<16xi1> -> vector<16xi32>
      %rev3A_164 = arith.constant 15 : i32
      %rev3A_165 = vector.broadcast %rev3A_164 : i32 to vector<16xi32>
      %rev3A_166 = tpu.iota {dimensions = array<i32: 0>} : vector<16xi32>
      %rev3A_167 = arith.subi %rev3A_165, %rev3A_166 : vector<16xi32>
      %rev3A_168 = tpu.dynamic_gather %masked_cumsum3A_163[%rev3A_167] in [0] : vector<16xi32>, vector<16xi32> -> vector<16xi32>
      %add3A_169 = arith.addi %rev3A_168, %add3A_153 : vector<16xi32>
      %ge3A_170 = arith.cmpi sge, %add3A_169, %get3A_18 : vector<16xi32>
      %all_reduce_population_count3A_171 = tpu.all_reduce %ge3A_170 {dim = 0 : i64, kind = #tpu.reduction_kind<sum>} : vector<16xi1> -> vector<16xi32>
      %sub3A_172 = arith.constant 1 : i32
      %sub3A_173 = vector.broadcast %sub3A_172 : i32 to vector<16xi32>
      %sub3A_174 = arith.subi %all_reduce_population_count3A_171, %sub3A_173 : vector<16xi32>
      %max3A_175 = arith.constant 0 : i32
      %max3A_176 = vector.broadcast %max3A_175 : i32 to vector<16xi32>
      %max3A_177 = arith.maxsi %sub3A_174, %max3A_176 : vector<16xi32>
      %broadcast_in_dim3A_178 = vector.shape_cast %max3A_177 : vector<16xi32> to vector<16x1xi32>
      %gather3A_179 = vector.shape_cast %broadcast_in_dim3A_178 : vector<16x1xi32> to vector<16xi32>
      %gather3A_180 = tpu.dynamic_gather %rev3A_168[%gather3A_179] in [0] : vector<16xi32>, vector<16xi32> -> vector<16xi32>
      %add3A_181 = arith.addi %gather3A_180, %add3A_153 : vector<16xi32>
      %broadcast_in_dim3A_182 = vector.shape_cast %max3A_177 : vector<16xi32> to vector<16x1xi32>
      %gather3A_183 = vector.shape_cast %broadcast_in_dim3A_182 : vector<16x1xi32> to vector<16xi32>
      %gather3A_184 = tpu.dynamic_gather %get3A_155[%gather3A_183] in [0] : vector<16xi32>, vector<16xi32> -> vector<16xi32>
      %gt3A_185 = arith.constant 0 : i32
      %gt3A_186 = vector.broadcast %gt3A_185 : i32 to vector<16xi32>
      %gt3A_187 = arith.cmpi sgt, %all_reduce_population_count3A_171, %gt3A_186 : vector<16xi32>
      %eq3A_188 = arith.constant 0 : i32
      %eq3A_189 = vector.broadcast %eq3A_188 : i32 to vector<16xi32>
      %eq3A_190 = arith.cmpi eq, %select_n3A_146, %eq3A_189 : vector<16xi32>
      %and3A_191 = arith.andi %gt3A_187, %eq3A_190 : vector<16xi1>
      %add3A_192 = arith.constant 208 : i32
      %add3A_193 = vector.broadcast %add3A_192 : i32 to vector<16xi32>
      %add3A_194 = arith.addi %add3A_193, %max3A_177 : vector<16xi32>
      %select_n3A_195 = arith.select %and3A_191, %add3A_194, %select_n3A_140 : vector<16xi1>, vector<16xi32>
      %sub3A_196 = arith.subi %add3A_181, %gather3A_184 : vector<16xi32>
      %sub3A_197 = arith.subi %get3A_18, %sub3A_196 : vector<16xi32>
      %select_n3A_198 = arith.select %and3A_191, %sub3A_197, %select_n3A_143 : vector<16xi1>, vector<16xi32>
      %jit3A_199 = arith.constant 1 : i32
      %broadcast_in_dim3A_200 = vector.broadcast %jit3A_199 : i32 to vector<16xi32>
      %select_n3A_201 = arith.select %and3A_191, %broadcast_in_dim3A_200, %select_n3A_146 : vector<16xi1>, vector<16xi32>
      %broadcast_in_dim3A_202 = arith.constant true
      %broadcast_in_dim3A_203 = vector.broadcast %broadcast_in_dim3A_202 : i1 to vector<16xi1>
      %masked_cumsum3A_204 = tpu.scan <sum>, %get3A_155 masked %broadcast_in_dim3A_203 : vector<16xi32>, vector<16xi1> -> vector<16xi32>
      %broadcast_in_dim3A_205 = vector.shape_cast %broadcast_in_dim3A_7 : vector<16xi32> to vector<16x1xi32>
      %gather3A_206 = vector.shape_cast %broadcast_in_dim3A_205 : vector<16x1xi32> to vector<16xi32>
      %gather3A_207 = tpu.dynamic_gather %masked_cumsum3A_204[%gather3A_206] in [0] : vector<16xi32>, vector<16xi32> -> vector<16xi32>
      %add3A_208 = arith.addi %add3A_153, %gather3A_207 : vector<16xi32>
      %get3A_209 = arith.constant 192 : index
      %get3A_210 = tpu.vector_load %arg7[%get3A_209] {strides = array<i32>} : memref<256xi32, #tpu.memory_space<vmem>>, vector<16xi32>,
      %rev3A_211 = arith.constant 15 : i32
      %rev3A_212 = vector.broadcast %rev3A_211 : i32 to vector<16xi32>
      %rev3A_213 = tpu.iota {dimensions = array<i32: 0>} : vector<16xi32>
      %rev3A_214 = arith.subi %rev3A_212, %rev3A_213 : vector<16xi32>
      %rev3A_215 = tpu.dynamic_gather %get3A_210[%rev3A_214] in [0] : vector<16xi32>, vector<16xi32> -> vector<16xi32>
      %broadcast_in_dim3A_216 = arith.constant true
      %broadcast_in_dim3A_217 = vector.broadcast %broadcast_in_dim3A_216 : i1 to vector<16xi1>
      %masked_cumsum3A_218 = tpu.scan <sum>, %rev3A_215 masked %broadcast_in_dim3A_217 : vector<16xi32>, vector<16xi1> -> vector<16xi32>
      %rev3A_219 = arith.constant 15 : i32
      %rev3A_220 = vector.broadcast %rev3A_219 : i32 to vector<16xi32>
      %rev3A_221 = tpu.iota {dimensions = array<i32: 0>} : vector<16xi32>
      %rev3A_222 = arith.subi %rev3A_220, %rev3A_221 : vector<16xi32>
      %rev3A_223 = tpu.dynamic_gather %masked_cumsum3A_218[%rev3A_222] in [0] : vector<16xi32>, vector<16xi32> -> vector<16xi32>
      %add3A_224 = arith.addi %rev3A_223, %add3A_208 : vector<16xi32>
      %ge3A_225 = arith.cmpi sge, %add3A_224, %get3A_18 : vector<16xi32>
      %all_reduce_population_count3A_226 = tpu.all_reduce %ge3A_225 {dim = 0 : i64, kind = #tpu.reduction_kind<sum>} : vector<16xi1> -> vector<16xi32>
      %sub3A_227 = arith.constant 1 : i32
      %sub3A_228 = vector.broadcast %sub3A_227 : i32 to vector<16xi32>
      %sub3A_229 = arith.subi %all_reduce_population_count3A_226, %sub3A_228 : vector<16xi32>
      %max3A_230 = arith.constant 0 : i32
      %max3A_231 = vector.broadcast %max3A_230 : i32 to vector<16xi32>
      %max3A_232 = arith.maxsi %sub3A_229, %max3A_231 : vector<16xi32>
      %broadcast_in_dim3A_233 = vector.shape_cast %max3A_232 : vector<16xi32> to vector<16x1xi32>
      %gather3A_234 = vector.shape_cast %broadcast_in_dim3A_233 : vector<16x1xi32> to vector<16xi32>
      %gather3A_235 = tpu.dynamic_gather %rev3A_223[%gather3A_234] in [0] : vector<16xi32>, vector<16xi32> -> vector<16xi32>
      %add3A_236 = arith.addi %gather3A_235, %add3A_208 : vector<16xi32>
      %broadcast_in_dim3A_237 = vector.shape_cast %max3A_232 : vector<16xi32> to vector<16x1xi32>
      %gather3A_238 = vector.shape_cast %broadcast_in_dim3A_237 : vector<16x1xi32> to vector<16xi32>
      %gather3A_239 = tpu.dynamic_gather %get3A_210[%gather3A_238] in [0] : vector<16xi32>, vector<16xi32> -> vector<16xi32>
      %gt3A_240 = arith.constant 0 : i32
      %gt3A_241 = vector.broadcast %gt3A_240 : i32 to vector<16xi32>
      %gt3A_242 = arith.cmpi sgt, %all_reduce_population_count3A_226, %gt3A_241 : vector<16xi32>
      %eq3A_243 = arith.constant 0 : i32
      %eq3A_244 = vector.broadcast %eq3A_243 : i32 to vector<16xi32>
      %eq3A_245 = arith.cmpi eq, %select_n3A_201, %eq3A_244 : vector<16xi32>
      %and3A_246 = arith.andi %gt3A_242, %eq3A_245 : vector<16xi1>
      %add3A_247 = arith.constant 192 : i32
      %add3A_248 = vector.broadcast %add3A_247 : i32 to vector<16xi32>
      %add3A_249 = arith.addi %add3A_248, %max3A_232 : vector<16xi32>
      %select_n3A_250 = arith.select %and3A_246, %add3A_249, %select_n3A_195 : vector<16xi1>, vector<16xi32>
      %sub3A_251 = arith.subi %add3A_236, %gather3A_239 : vector<16xi32>
      %sub3A_252 = arith.subi %get3A_18, %sub3A_251 : vector<16xi32>
      %select_n3A_253 = arith.select %and3A_246, %sub3A_252, %select_n3A_198 : vector<16xi1>, vector<16xi32>
      %jit3A_254 = arith.constant 1 : i32
      %broadcast_in_dim3A_255 = vector.broadcast %jit3A_254 : i32 to vector<16xi32>
      %select_n3A_256 = arith.select %and3A_246, %broadcast_in_dim3A_255, %select_n3A_201 : vector<16xi1>, vector<16xi32>
      %broadcast_in_dim3A_257 = arith.constant true
      %broadcast_in_dim3A_258 = vector.broadcast %broadcast_in_dim3A_257 : i1 to vector<16xi1>
      %masked_cumsum3A_259 = tpu.scan <sum>, %get3A_210 masked %broadcast_in_dim3A_258 : vector<16xi32>, vector<16xi1> -> vector<16xi32>
      %broadcast_in_dim3A_260 = vector.shape_cast %broadcast_in_dim3A_7 : vector<16xi32> to vector<16x1xi32>
      %gather3A_261 = vector.shape_cast %broadcast_in_dim3A_260 : vector<16x1xi32> to vector<16xi32>
      %gather3A_262 = tpu.dynamic_gather %masked_cumsum3A_259[%gather3A_261] in [0] : vector<16xi32>, vector<16xi32> -> vector<16xi32>
      %add3A_263 = arith.addi %add3A_208, %gather3A_262 : vector<16xi32>
      %get3A_264 = arith.constant 176 : index
      %get3A_265 = tpu.vector_load %arg7[%get3A_264] {strides = array<i32>} : memref<256xi32, #tpu.memory_space<vmem>>, vector<16xi32>,
      %rev3A_266 = arith.constant 15 : i32
      %rev3A_267 = vector.broadcast %rev3A_266 : i32 to vector<16xi32>
      %rev3A_268 = tpu.iota {dimensions = array<i32: 0>} : vector<16xi32>
      %rev3A_269 = arith.subi %rev3A_267, %rev3A_268 : vector<16xi32>
      %rev3A_270 = tpu.dynamic_gather %get3A_265[%rev3A_269] in [0] : vector<16xi32>, vector<16xi32> -> vector<16xi32>
      %broadcast_in_dim3A_271 = arith.constant true
      %broadcast_in_dim3A_272 = vector.broadcast %broadcast_in_dim3A_271 : i1 to vector<16xi1>
      %masked_cumsum3A_273 = tpu.scan <sum>, %rev3A_270 masked %broadcast_in_dim3A_272 : vector<16xi32>, vector<16xi1> -> vector<16xi32>
      %rev3A_274 = arith.constant 15 : i32
      %rev3A_275 = vector.broadcast %rev3A_274 : i32 to vector<16xi32>
      %rev3A_276 = tpu.iota {dimensions = array<i32: 0>} : vector<16xi32>
      %rev3A_277 = arith.subi %rev3A_275, %rev3A_276 : vector<16xi32>
      %rev3A_278 = tpu.dynamic_gather %masked_cumsum3A_273[%rev3A_277] in [0] : vector<16xi32>, vector<16xi32> -> vector<16xi32>
      %add3A_279 = arith.addi %rev3A_278, %add3A_263 : vector<16xi32>
      %ge3A_280 = arith.cmpi sge, %add3A_279, %get3A_18 : vector<16xi32>
      %all_reduce_population_count3A_281 = tpu.all_reduce %ge3A_280 {dim = 0 : i64, kind = #tpu.reduction_kind<sum>} : vector<16xi1> -> vector<16xi32>
      %sub3A_282 = arith.constant 1 : i32
      %sub3A_283 = vector.broadcast %sub3A_282 : i32 to vector<16xi32>
      %sub3A_284 = arith.subi %all_reduce_population_count3A_281, %sub3A_283 : vector<16xi32>
      %max3A_285 = arith.constant 0 : i32
      %max3A_286 = vector.broadcast %max3A_285 : i32 to vector<16xi32>
      %max3A_287 = arith.maxsi %sub3A_284, %max3A_286 : vector<16xi32>
      %broadcast_in_dim3A_288 = vector.shape_cast %max3A_287 : vector<16xi32> to vector<16x1xi32>
      %gather3A_289 = vector.shape_cast %broadcast_in_dim3A_288 : vector<16x1xi32> to vector<16xi32>
      %gather3A_290 = tpu.dynamic_gather %rev3A_278[%gather3A_289] in [0] : vector<16xi32>, vector<16xi32> -> vector<16xi32>
      %add3A_291 = arith.addi %gather3A_290, %add3A_263 : vector<16xi32>
      %broadcast_in_dim3A_292 = vector.shape_cast %max3A_287 : vector<16xi32> to vector<16x1xi32>
      %gather3A_293 = vector.shape_cast %broadcast_in_dim3A_292 : vector<16x1xi32> to vector<16xi32>
      %gather3A_294 = tpu.dynamic_gather %get3A_265[%gather3A_293] in [0] : vector<16xi32>, vector<16xi32> -> vector<16xi32>
      %gt3A_295 = arith.constant 0 : i32
      %gt3A_296 = vector.broadcast %gt3A_295 : i32 to vector<16xi32>
      %gt3A_297 = arith.cmpi sgt, %all_reduce_population_count3A_281, %gt3A_296 : vector<16xi32>
      %eq3A_298 = arith.constant 0 : i32
      %eq3A_299 = vector.broadcast %eq3A_298 : i32 to vector<16xi32>
      %eq3A_300 = arith.cmpi eq, %select_n3A_256, %eq3A_299 : vector<16xi32>
      %and3A_301 = arith.andi %gt3A_297, %eq3A_300 : vector<16xi1>
      %add3A_302 = arith.constant 176 : i32
      %add3A_303 = vector.broadcast %add3A_302 : i32 to vector<16xi32>
      %add3A_304 = arith.addi %add3A_303, %max3A_287 : vector<16xi32>
      %select_n3A_305 = arith.select %and3A_301, %add3A_304, %select_n3A_250 : vector<16xi1>, vector<16xi32>
      %sub3A_306 = arith.subi %add3A_291, %gather3A_294 : vector<16xi32>
      %sub3A_307 = arith.subi %get3A_18, %sub3A_306 : vector<16xi32>
      %select_n3A_308 = arith.select %and3A_301, %sub3A_307, %select_n3A_253 : vector<16xi1>, vector<16xi32>
      %jit3A_309 = arith.constant 1 : i32
      %broadcast_in_dim3A_310 = vector.broadcast %jit3A_309 : i32 to vector<16xi32>
      %select_n3A_311 = arith.select %and3A_301, %broadcast_in_dim3A_310, %select_n3A_256 : vector<16xi1>, vector<16xi32>
      %broadcast_in_dim3A_312 = arith.constant true
      %broadcast_in_dim3A_313 = vector.broadcast %broadcast_in_dim3A_312 : i1 to vector<16xi1>
      %masked_cumsum3A_314 = tpu.scan <sum>, %get3A_265 masked %broadcast_in_dim3A_313 : vector<16xi32>, vector<16xi1> -> vector<16xi32>
      %broadcast_in_dim3A_315 = vector.shape_cast %broadcast_in_dim3A_7 : vector<16xi32> to vector<16x1xi32>
      %gather3A_316 = vector.shape_cast %broadcast_in_dim3A_315 : vector<16x1xi32> to vector<16xi32>
      %gather3A_317 = tpu.dynamic_gather %masked_cumsum3A_314[%gather3A_316] in [0] : vector<16xi32>, vector<16xi32> -> vector<16xi32>
      %add3A_318 = arith.addi %add3A_263, %gather3A_317 : vector<16xi32>
      %get3A_319 = arith.constant 160 : index
      %get3A_320 = tpu.vector_load %arg7[%get3A_319] {strides = array<i32>} : memref<256xi32, #tpu.memory_space<vmem>>, vector<16xi32>,
      %rev3A_321 = arith.constant 15 : i32
      %rev3A_322 = vector.broadcast %rev3A_321 : i32 to vector<16xi32>
      %rev3A_323 = tpu.iota {dimensions = array<i32: 0>} : vector<16xi32>
      %rev3A_324 = arith.subi %rev3A_322, %rev3A_323 : vector<16xi32>
      %rev3A_325 = tpu.dynamic_gather %get3A_320[%rev3A_324] in [0] : vector<16xi32>, vector<16xi32> -> vector<16xi32>
      %broadcast_in_dim3A_326 = arith.constant true
      %broadcast_in_dim3A_327 = vector.broadcast %broadcast_in_dim3A_326 : i1 to vector<16xi1>
      %masked_cumsum3A_328 = tpu.scan <sum>, %rev3A_325 masked %broadcast_in_dim3A_327 : vector<16xi32>, vector<16xi1> -> vector<16xi32>
      %rev3A_329 = arith.constant 15 : i32
      %rev3A_330 = vector.broadcast %rev3A_329 : i32 to vector<16xi32>
      %rev3A_331 = tpu.iota {dimensions = array<i32: 0>} : vector<16xi32>
      %rev3A_332 = arith.subi %rev3A_330, %rev3A_331 : vector<16xi32>
      %rev3A_333 = tpu.dynamic_gather %masked_cumsum3A_328[%rev3A_332] in [0] : vector<16xi32>, vector<16xi32> -> vector<16xi32>
      %add3A_334 = arith.addi %rev3A_333, %add3A_318 : vector<16xi32>
      %ge3A_335 = arith.cmpi sge, %add3A_334, %get3A_18 : vector<16xi32>
      %all_reduce_population_count3A_336 = tpu.all_reduce %ge3A_335 {dim = 0 : i64, kind = #tpu.reduction_kind<sum>} : vector<16xi1> -> vector<16xi32>
      %sub3A_337 = arith.constant 1 : i32
      %sub3A_338 = vector.broadcast %sub3A_337 : i32 to vector<16xi32>
      %sub3A_339 = arith.subi %all_reduce_population_count3A_336, %sub3A_338 : vector<16xi32>
      %max3A_340 = arith.constant 0 : i32
      %max3A_341 = vector.broadcast %max3A_340 : i32 to vector<16xi32>
      %max3A_342 = arith.maxsi %sub3A_339, %max3A_341 : vector<16xi32>
      %broadcast_in_dim3A_343 = vector.shape_cast %max3A_342 : vector<16xi32> to vector<16x1xi32>
      %gather3A_344 = vector.shape_cast %broadcast_in_dim3A_343 : vector<16x1xi32> to vector<16xi32>
      %gather3A_345 = tpu.dynamic_gather %rev3A_333[%gather3A_344] in [0] : vector<16xi32>, vector<16xi32> -> vector<16xi32>
      %add3A_346 = arith.addi %gather3A_345, %add3A_318 : vector<16xi32>
      %broadcast_in_dim3A_347 = vector.shape_cast %max3A_342 : vector<16xi32> to vector<16x1xi32>
      %gather3A_348 = vector.shape_cast %broadcast_in_dim3A_347 : vector<16x1xi32> to vector<16xi32>
      %gather3A_349 = tpu.dynamic_gather %get3A_320[%gather3A_348] in [0] : vector<16xi32>, vector<16xi32> -> vector<16xi32>
      %gt3A_350 = arith.constant 0 : i32
      %gt3A_351 = vector.broadcast %gt3A_350 : i32 to vector<16xi32>
      %gt3A_352 = arith.cmpi sgt, %all_reduce_population_count3A_336, %gt3A_351 : vector<16xi32>
      %eq3A_353 = arith.constant 0 : i32
      %eq3A_354 = vector.broadcast %eq3A_353 : i32 to vector<16xi32>
      %eq3A_355 = arith.cmpi eq, %select_n3A_311, %eq3A_354 : vector<16xi32>
      %and3A_356 = arith.andi %gt3A_352, %eq3A_355 : vector<16xi1>
      %add3A_357 = arith.constant 160 : i32
      %add3A_358 = vector.broadcast %add3A_357 : i32 to vector<16xi32>
      %add3A_359 = arith.addi %add3A_358, %max3A_342 : vector<16xi32>
      %select_n3A_360 = arith.select %and3A_356, %add3A_359, %select_n3A_305 : vector<16xi1>, vector<16xi32>
      %sub3A_361 = arith.subi %add3A_346, %gather3A_349 : vector<16xi32>
      %sub3A_362 = arith.subi %get3A_18, %sub3A_361 : vector<16xi32>
      %select_n3A_363 = arith.select %and3A_356, %sub3A_362, %select_n3A_308 : vector<16xi1>, vector<16xi32>
      %jit3A_364 = arith.constant 1 : i32
      %broadcast_in_dim3A_365 = vector.broadcast %jit3A_364 : i32 to vector<16xi32>
      %select_n3A_366 = arith.select %and3A_356, %broadcast_in_dim3A_365, %select_n3A_311 : vector<16xi1>, vector<16xi32>
      %broadcast_in_dim3A_367 = arith.constant true
      %broadcast_in_dim3A_368 = vector.broadcast %broadcast_in_dim3A_367 : i1 to vector<16xi1>
      %masked_cumsum3A_369 = tpu.scan <sum>, %get3A_320 masked %broadcast_in_dim3A_368 : vector<16xi32>, vector<16xi1> -> vector<16xi32>
      %broadcast_in_dim3A_370 = vector.shape_cast %broadcast_in_dim3A_7 : vector<16xi32> to vector<16x1xi32>
      %gather3A_371 = vector.shape_cast %broadcast_in_dim3A_370 : vector<16x1xi32> to vector<16xi32>
      %gather3A_372 = tpu.dynamic_gather %masked_cumsum3A_369[%gather3A_371] in [0] : vector<16xi32>, vector<16xi32> -> vector<16xi32>
      %add3A_373 = arith.addi %add3A_318, %gather3A_372 : vector<16xi32>
      %get3A_374 = arith.constant 144 : index
      %get3A_375 = tpu.vector_load %arg7[%get3A_374] {strides = array<i32>} : memref<256xi32, #tpu.memory_space<vmem>>, vector<16xi32>,
      %rev3A_376 = arith.constant 15 : i32
      %rev3A_377 = vector.broadcast %rev3A_376 : i32 to vector<16xi32>
      %rev3A_378 = tpu.iota {dimensions = array<i32: 0>} : vector<16xi32>
      %rev3A_379 = arith.subi %rev3A_377, %rev3A_378 : vector<16xi32>
      %rev3A_380 = tpu.dynamic_gather %get3A_375[%rev3A_379] in [0] : vector<16xi32>, vector<16xi32> -> vector<16xi32>
      %broadcast_in_dim3A_381 = arith.constant true
      %broadcast_in_dim3A_382 = vector.broadcast %broadcast_in_dim3A_381 : i1 to vector<16xi1>
      %masked_cumsum3A_383 = tpu.scan <sum>, %rev3A_380 masked %broadcast_in_dim3A_382 : vector<16xi32>, vector<16xi1> -> vector<16xi32>
      %rev3A_384 = arith.constant 15 : i32
      %rev3A_385 = vector.broadcast %rev3A_384 : i32 to vector<16xi32>
      %rev3A_386 = tpu.iota {dimensions = array<i32: 0>} : vector<16xi32>
      %rev3A_387 = arith.subi %rev3A_385, %rev3A_386 : vector<16xi32>
      %rev3A_388 = tpu.dynamic_gather %masked_cumsum3A_383[%rev3A_387] in [0] : vector<16xi32>, vector<16xi32> -> vector<16xi32>
      %add3A_389 = arith.addi %rev3A_388, %add3A_373 : vector<16xi32>
      %ge3A_390 = arith.cmpi sge, %add3A_389, %get3A_18 : vector<16xi32>
      %all_reduce_population_count3A_391 = tpu.all_reduce %ge3A_390 {dim = 0 : i64, kind = #tpu.reduction_kind<sum>} : vector<16xi1> -> vector<16xi32>
      %sub3A_392 = arith.constant 1 : i32
      %sub3A_393 = vector.broadcast %sub3A_392 : i32 to vector<16xi32>
      %sub3A_394 = arith.subi %all_reduce_population_count3A_391, %sub3A_393 : vector<16xi32>
      %max3A_395 = arith.constant 0 : i32
      %max3A_396 = vector.broadcast %max3A_395 : i32 to vector<16xi32>
      %max3A_397 = arith.maxsi %sub3A_394, %max3A_396 : vector<16xi32>
      %broadcast_in_dim3A_398 = vector.shape_cast %max3A_397 : vector<16xi32> to vector<16x1xi32>
      %gather3A_399 = vector.shape_cast %broadcast_in_dim3A_398 : vector<16x1xi32> to vector<16xi32>
      %gather3A_400 = tpu.dynamic_gather %rev3A_388[%gather3A_399] in [0] : vector<16xi32>, vector<16xi32> -> vector<16xi32>
      %add3A_401 = arith.addi %gather3A_400, %add3A_373 : vector<16xi32>
      %broadcast_in_dim3A_402 = vector.shape_cast %max3A_397 : vector<16xi32> to vector<16x1xi32>
      %gather3A_403 = vector.shape_cast %broadcast_in_dim3A_402 : vector<16x1xi32> to vector<16xi32>
      %gather3A_404 = tpu.dynamic_gather %get3A_375[%gather3A_403] in [0] : vector<16xi32>, vector<16xi32> -> vector<16xi32>
      %gt3A_405 = arith.constant 0 : i32
      %gt3A_406 = vector.broadcast %gt3A_405 : i32 to vector<16xi32>
      %gt3A_407 = arith.cmpi sgt, %all_reduce_population_count3A_391, %gt3A_406 : vector<16xi32>
      %eq3A_408 = arith.constant 0 : i32
      %eq3A_409 = vector.broadcast %eq3A_408 : i32 to vector<16xi32>
      %eq3A_410 = arith.cmpi eq, %select_n3A_366, %eq3A_409 : vector<16xi32>
      %and3A_411 = arith.andi %gt3A_407, %eq3A_410 : vector<16xi1>
      %add3A_412 = arith.constant 144 : i32
      %add3A_413 = vector.broadcast %add3A_412 : i32 to vector<16xi32>
      %add3A_414 = arith.addi %add3A_413, %max3A_397 : vector<16xi32>
      %select_n3A_415 = arith.select %and3A_411, %add3A_414, %select_n3A_360 : vector<16xi1>, vector<16xi32>
      %sub3A_416 = arith.subi %add3A_401, %gather3A_404 : vector<16xi32>
      %sub3A_417 = arith.subi %get3A_18, %sub3A_416 : vector<16xi32>
      %select_n3A_418 = arith.select %and3A_411, %sub3A_417, %select_n3A_363 : vector<16xi1>, vector<16xi32>
      %jit3A_419 = arith.constant 1 : i32
      %broadcast_in_dim3A_420 = vector.broadcast %jit3A_419 : i32 to vector<16xi32>
      %select_n3A_421 = arith.select %and3A_411, %broadcast_in_dim3A_420, %select_n3A_366 : vector<16xi1>, vector<16xi32>
      %broadcast_in_dim3A_422 = arith.constant true
      %broadcast_in_dim3A_423 = vector.broadcast %broadcast_in_dim3A_422 : i1 to vector<16xi1>
      %masked_cumsum3A_424 = tpu.scan <sum>, %get3A_375 masked %broadcast_in_dim3A_423 : vector<16xi32>, vector<16xi1> -> vector<16xi32>
      %broadcast_in_dim3A_425 = vector.shape_cast %broadcast_in_dim3A_7 : vector<16xi32> to vector<16x1xi32>
      %gather3A_426 = vector.shape_cast %broadcast_in_dim3A_425 : vector<16x1xi32> to vector<16xi32>
      %gather3A_427 = tpu.dynamic_gather %masked_cumsum3A_424[%gather3A_426] in [0] : vector<16xi32>, vector<16xi32> -> vector<16xi32>
      %add3A_428 = arith.addi %add3A_373, %gather3A_427 : vector<16xi32>
      %get3A_429 = arith.constant 128 : index
      %get3A_430 = tpu.vector_load %arg7[%get3A_429] {strides = array<i32>} : memref<256xi32, #tpu.memory_space<vmem>>, vector<16xi32>,
      %rev3A_431 = arith.constant 15 : i32
      %rev3A_432 = vector.broadcast %rev3A_431 : i32 to vector<16xi32>
      %rev3A_433 = tpu.iota {dimensions = array<i32: 0>} : vector<16xi32>
      %rev3A_434 = arith.subi %rev3A_432, %rev3A_433 : vector<16xi32>
      %rev3A_435 = tpu.dynamic_gather %get3A_430[%rev3A_434] in [0] : vector<16xi32>, vector<16xi32> -> vector<16xi32>
      %broadcast_in_dim3A_436 = arith.constant true
      %broadcast_in_dim3A_437 = vector.broadcast %broadcast_in_dim3A_436 : i1 to vector<16xi1>
      %masked_cumsum3A_438 = tpu.scan <sum>, %rev3A_435 masked %broadcast_in_dim3A_437 : vector<16xi32>, vector<16xi1> -> vector<16xi32>
      %rev3A_439 = arith.constant 15 : i32
      %rev3A_440 = vector.broadcast %rev3A_439 : i32 to vector<16xi32>
      %rev3A_441 = tpu.iota {dimensions = array<i32: 0>} : vector<16xi32>
      %rev3A_442 = arith.subi %rev3A_440, %rev3A_441 : vector<16xi32>
      %rev3A_443 = tpu.dynamic_gather %masked_cumsum3A_438[%rev3A_442] in [0] : vector<16xi32>, vector<16xi32> -> vector<16xi32>
      %add3A_444 = arith.addi %rev3A_443, %add3A_428 : vector<16xi32>
      %ge3A_445 = arith.cmpi sge, %add3A_444, %get3A_18 : vector<16xi32>
      %all_reduce_population_count3A_446 = tpu.all_reduce %ge3A_445 {dim = 0 : i64, kind = #tpu.reduction_kind<sum>} : vector<16xi1> -> vector<16xi32>
      %sub3A_447 = arith.constant 1 : i32
      %sub3A_448 = vector.broadcast %sub3A_447 : i32 to vector<16xi32>
      %sub3A_449 = arith.subi %all_reduce_population_count3A_446, %sub3A_448 : vector<16xi32>
      %max3A_450 = arith.constant 0 : i32
      %max3A_451 = vector.broadcast %max3A_450 : i32 to vector<16xi32>
      %max3A_452 = arith.maxsi %sub3A_449, %max3A_451 : vector<16xi32>
      %broadcast_in_dim3A_453 = vector.shape_cast %max3A_452 : vector<16xi32> to vector<16x1xi32>
      %gather3A_454 = vector.shape_cast %broadcast_in_dim3A_453 : vector<16x1xi32> to vector<16xi32>
      %gather3A_455 = tpu.dynamic_gather %rev3A_443[%gather3A_454] in [0] : vector<16xi32>, vector<16xi32> -> vector<16xi32>
      %add3A_456 = arith.addi %gather3A_455, %add3A_428 : vector<16xi32>
      %broadcast_in_dim3A_457 = vector.shape_cast %max3A_452 : vector<16xi32> to vector<16x1xi32>
      %gather3A_458 = vector.shape_cast %broadcast_in_dim3A_457 : vector<16x1xi32> to vector<16xi32>
      %gather3A_459 = tpu.dynamic_gather %get3A_430[%gather3A_458] in [0] : vector<16xi32>, vector<16xi32> -> vector<16xi32>
      %gt3A_460 = arith.constant 0 : i32
      %gt3A_461 = vector.broadcast %gt3A_460 : i32 to vector<16xi32>
      %gt3A_462 = arith.cmpi sgt, %all_reduce_population_count3A_446, %gt3A_461 : vector<16xi32>
      %eq3A_463 = arith.constant 0 : i32
      %eq3A_464 = vector.broadcast %eq3A_463 : i32 to vector<16xi32>
      %eq3A_465 = arith.cmpi eq, %select_n3A_421, %eq3A_464 : vector<16xi32>
      %and3A_466 = arith.andi %gt3A_462, %eq3A_465 : vector<16xi1>
      %add3A_467 = arith.constant 128 : i32
      %add3A_468 = vector.broadcast %add3A_467 : i32 to vector<16xi32>
      %add3A_469 = arith.addi %add3A_468, %max3A_452 : vector<16xi32>
      %select_n3A_470 = arith.select %and3A_466, %add3A_469, %select_n3A_415 : vector<16xi1>, vector<16xi32>
      %sub3A_471 = arith.subi %add3A_456, %gather3A_459 : vector<16xi32>
      %sub3A_472 = arith.subi %get3A_18, %sub3A_471 : vector<16xi32>
      %select_n3A_473 = arith.select %and3A_466, %sub3A_472, %select_n3A_418 : vector<16xi1>, vector<16xi32>
      %jit3A_474 = arith.constant 1 : i32
      %broadcast_in_dim3A_475 = vector.broadcast %jit3A_474 : i32 to vector<16xi32>
      %select_n3A_476 = arith.select %and3A_466, %broadcast_in_dim3A_475, %select_n3A_421 : vector<16xi1>, vector<16xi32>
      %broadcast_in_dim3A_477 = arith.constant true
      %broadcast_in_dim3A_478 = vector.broadcast %broadcast_in_dim3A_477 : i1 to vector<16xi1>
      %masked_cumsum3A_479 = tpu.scan <sum>, %get3A_430 masked %broadcast_in_dim3A_478 : vector<16xi32>, vector<16xi1> -> vector<16xi32>
      %broadcast_in_dim3A_480 = vector.shape_cast %broadcast_in_dim3A_7 : vector<16xi32> to vector<16x1xi32>
      %gather3A_481 = vector.shape_cast %broadcast_in_dim3A_480 : vector<16x1xi32> to vector<16xi32>
      %gather3A_482 = tpu.dynamic_gather %masked_cumsum3A_479[%gather3A_481] in [0] : vector<16xi32>, vector<16xi32> -> vector<16xi32>
      %add3A_483 = arith.addi %add3A_428, %gather3A_482 : vector<16xi32>
      %get3A_484 = arith.constant 112 : index
      %get3A_485 = tpu.vector_load %arg7[%get3A_484] {strides = array<i32>} : memref<256xi32, #tpu.memory_space<vmem>>, vector<16xi32>,
      %rev3A_486 = arith.constant 15 : i32
      %rev3A_487 = vector.broadcast %rev3A_486 : i32 to vector<16xi32>
      %rev3A_488 = tpu.iota {dimensions = array<i32: 0>} : vector<16xi32>
      %rev3A_489 = arith.subi %rev3A_487, %rev3A_488 : vector<16xi32>
      %rev3A_490 = tpu.dynamic_gather %get3A_485[%rev3A_489] in [0] : vector<16xi32>, vector<16xi32> -> vector<16xi32>
      %broadcast_in_dim3A_491 = arith.constant true
      %broadcast_in_dim3A_492 = vector.broadcast %broadcast_in_dim3A_491 : i1 to vector<16xi1>
      %masked_cumsum3A_493 = tpu.scan <sum>, %rev3A_490 masked %broadcast_in_dim3A_492 : vector<16xi32>, vector<16xi1> -> vector<16xi32>
      %rev3A_494 = arith.constant 15 : i32
      %rev3A_495 = vector.broadcast %rev3A_494 : i32 to vector<16xi32>
      %rev3A_496 = tpu.iota {dimensions = array<i32: 0>} : vector<16xi32>
      %rev3A_497 = arith.subi %rev3A_495, %rev3A_496 : vector<16xi32>
      %rev3A_498 = tpu.dynamic_gather %masked_cumsum3A_493[%rev3A_497] in [0] : vector<16xi32>, vector<16xi32> -> vector<16xi32>
      %add3A_499 = arith.addi %rev3A_498, %add3A_483 : vector<16xi32>
      %ge3A_500 = arith.cmpi sge, %add3A_499, %get3A_18 : vector<16xi32>
      %all_reduce_population_count3A_501 = tpu.all_reduce %ge3A_500 {dim = 0 : i64, kind = #tpu.reduction_kind<sum>} : vector<16xi1> -> vector<16xi32>
      %sub3A_502 = arith.constant 1 : i32
      %sub3A_503 = vector.broadcast %sub3A_502 : i32 to vector<16xi32>
      %sub3A_504 = arith.subi %all_reduce_population_count3A_501, %sub3A_503 : vector<16xi32>
      %max3A_505 = arith.constant 0 : i32
      %max3A_506 = vector.broadcast %max3A_505 : i32 to vector<16xi32>
      %max3A_507 = arith.maxsi %sub3A_504, %max3A_506 : vector<16xi32>
      %broadcast_in_dim3A_508 = vector.shape_cast %max3A_507 : vector<16xi32> to vector<16x1xi32>
      %gather3A_509 = vector.shape_cast %broadcast_in_dim3A_508 : vector<16x1xi32> to vector<16xi32>
      %gather3A_510 = tpu.dynamic_gather %rev3A_498[%gather3A_509] in [0] : vector<16xi32>, vector<16xi32> -> vector<16xi32>
      %add3A_511 = arith.addi %gather3A_510, %add3A_483 : vector<16xi32>
      %broadcast_in_dim3A_512 = vector.shape_cast %max3A_507 : vector<16xi32> to vector<16x1xi32>
      %gather3A_513 = vector.shape_cast %broadcast_in_dim3A_512 : vector<16x1xi32> to vector<16xi32>
      %gather3A_514 = tpu.dynamic_gather %get3A_485[%gather3A_513] in [0] : vector<16xi32>, vector<16xi32> -> vector<16xi32>
      %gt3A_515 = arith.constant 0 : i32
      %gt3A_516 = vector.broadcast %gt3A_515 : i32 to vector<16xi32>
      %gt3A_517 = arith.cmpi sgt, %all_reduce_population_count3A_501, %gt3A_516 : vector<16xi32>
      %eq3A_518 = arith.constant 0 : i32
      %eq3A_519 = vector.broadcast %eq3A_518 : i32 to vector<16xi32>
      %eq3A_520 = arith.cmpi eq, %select_n3A_476, %eq3A_519 : vector<16xi32>
      %and3A_521 = arith.andi %gt3A_517, %eq3A_520 : vector<16xi1>
      %add3A_522 = arith.constant 112 : i32
      %add3A_523 = vector.broadcast %add3A_522 : i32 to vector<16xi32>
      %add3A_524 = arith.addi %add3A_523, %max3A_507 : vector<16xi32>
      %select_n3A_525 = arith.select %and3A_521, %add3A_524, %select_n3A_470 : vector<16xi1>, vector<16xi32>
      %sub3A_526 = arith.subi %add3A_511, %gather3A_514 : vector<16xi32>
      %sub3A_527 = arith.subi %get3A_18, %sub3A_526 : vector<16xi32>
      %select_n3A_528 = arith.select %and3A_521, %sub3A_527, %select_n3A_473 : vector<16xi1>, vector<16xi32>
      %jit3A_529 = arith.constant 1 : i32
      %broadcast_in_dim3A_530 = vector.broadcast %jit3A_529 : i32 to vector<16xi32>
      %select_n3A_531 = arith.select %and3A_521, %broadcast_in_dim3A_530, %select_n3A_476 : vector<16xi1>, vector<16xi32>
      %broadcast_in_dim3A_532 = arith.constant true
      %broadcast_in_dim3A_533 = vector.broadcast %broadcast_in_dim3A_532 : i1 to vector<16xi1>
      %masked_cumsum3A_534 = tpu.scan <sum>, %get3A_485 masked %broadcast_in_dim3A_533 : vector<16xi32>, vector<16xi1> -> vector<16xi32>
      %broadcast_in_dim3A_535 = vector.shape_cast %broadcast_in_dim3A_7 : vector<16xi32> to vector<16x1xi32>
      %gather3A_536 = vector.shape_cast %broadcast_in_dim3A_535 : vector<16x1xi32> to vector<16xi32>
      %gather3A_537 = tpu.dynamic_gather %masked_cumsum3A_534[%gather3A_536] in [0] : vector<16xi32>, vector<16xi32> -> vector<16xi32>
      %add3A_538 = arith.addi %add3A_483, %gather3A_537 : vector<16xi32>
      %get3A_539 = arith.constant 96 : index
      %get3A_540 = tpu.vector_load %arg7[%get3A_539] {strides = array<i32>} : memref<256xi32, #tpu.memory_space<vmem>>, vector<16xi32>,
      %rev3A_541 = arith.constant 15 : i32
      %rev3A_542 = vector.broadcast %rev3A_541 : i32 to vector<16xi32>
      %rev3A_543 = tpu.iota {dimensions = array<i32: 0>} : vector<16xi32>
      %rev3A_544 = arith.subi %rev3A_542, %rev3A_543 : vector<16xi32>
      %rev3A_545 = tpu.dynamic_gather %get3A_540[%rev3A_544] in [0] : vector<16xi32>, vector<16xi32> -> vector<16xi32>
      %broadcast_in_dim3A_546 = arith.constant true
      %broadcast_in_dim3A_547 = vector.broadcast %broadcast_in_dim3A_546 : i1 to vector<16xi1>
      %masked_cumsum3A_548 = tpu.scan <sum>, %rev3A_545 masked %broadcast_in_dim3A_547 : vector<16xi32>, vector<16xi1> -> vector<16xi32>
      %rev3A_549 = arith.constant 15 : i32
      %rev3A_550 = vector.broadcast %rev3A_549 : i32 to vector<16xi32>
      %rev3A_551 = tpu.iota {dimensions = array<i32: 0>} : vector<16xi32>
      %rev3A_552 = arith.subi %rev3A_550, %rev3A_551 : vector<16xi32>
      %rev3A_553 = tpu.dynamic_gather %masked_cumsum3A_548[%rev3A_552] in [0] : vector<16xi32>, vector<16xi32> -> vector<16xi32>
      %add3A_554 = arith.addi %rev3A_553, %add3A_538 : vector<16xi32>
      %ge3A_555 = arith.cmpi sge, %add3A_554, %get3A_18 : vector<16xi32>
      %all_reduce_population_count3A_556 = tpu.all_reduce %ge3A_555 {dim = 0 : i64, kind = #tpu.reduction_kind<sum>} : vector<16xi1> -> vector<16xi32>
      %sub3A_557 = arith.constant 1 : i32
      %sub3A_558 = vector.broadcast %sub3A_557 : i32 to vector<16xi32>
      %sub3A_559 = arith.subi %all_reduce_population_count3A_556, %sub3A_558 : vector<16xi32>
      %max3A_560 = arith.constant 0 : i32
      %max3A_561 = vector.broadcast %max3A_560 : i32 to vector<16xi32>
      %max3A_562 = arith.maxsi %sub3A_559, %max3A_561 : vector<16xi32>
      %broadcast_in_dim3A_563 = vector.shape_cast %max3A_562 : vector<16xi32> to vector<16x1xi32>
      %gather3A_564 = vector.shape_cast %broadcast_in_dim3A_563 : vector<16x1xi32> to vector<16xi32>
      %gather3A_565 = tpu.dynamic_gather %rev3A_553[%gather3A_564] in [0] : vector<16xi32>, vector<16xi32> -> vector<16xi32>
      %add3A_566 = arith.addi %gather3A_565, %add3A_538 : vector<16xi32>
      %broadcast_in_dim3A_567 = vector.shape_cast %max3A_562 : vector<16xi32> to vector<16x1xi32>
      %gather3A_568 = vector.shape_cast %broadcast_in_dim3A_567 : vector<16x1xi32> to vector<16xi32>
      %gather3A_569 = tpu.dynamic_gather %get3A_540[%gather3A_568] in [0] : vector<16xi32>, vector<16xi32> -> vector<16xi32>
      %gt3A_570 = arith.constant 0 : i32
      %gt3A_571 = vector.broadcast %gt3A_570 : i32 to vector<16xi32>
      %gt3A_572 = arith.cmpi sgt, %all_reduce_population_count3A_556, %gt3A_571 : vector<16xi32>
      %eq3A_573 = arith.constant 0 : i32
      %eq3A_574 = vector.broadcast %eq3A_573 : i32 to vector<16xi32>
      %eq3A_575 = arith.cmpi eq, %select_n3A_531, %eq3A_574 : vector<16xi32>
      %and3A_576 = arith.andi %gt3A_572, %eq3A_575 : vector<16xi1>
      %add3A_577 = arith.constant 96 : i32
      %add3A_578 = vector.broadcast %add3A_577 : i32 to vector<16xi32>
      %add3A_579 = arith.addi %add3A_578, %max3A_562 : vector<16xi32>
      %select_n3A_580 = arith.select %and3A_576, %add3A_579, %select_n3A_525 : vector<16xi1>, vector<16xi32>
      %sub3A_581 = arith.subi %add3A_566, %gather3A_569 : vector<16xi32>
      %sub3A_582 = arith.subi %get3A_18, %sub3A_581 : vector<16xi32>
      %select_n3A_583 = arith.select %and3A_576, %sub3A_582, %select_n3A_528 : vector<16xi1>, vector<16xi32>
      %jit3A_584 = arith.constant 1 : i32
      %broadcast_in_dim3A_585 = vector.broadcast %jit3A_584 : i32 to vector<16xi32>
      %select_n3A_586 = arith.select %and3A_576, %broadcast_in_dim3A_585, %select_n3A_531 : vector<16xi1>, vector<16xi32>
      %broadcast_in_dim3A_587 = arith.constant true
      %broadcast_in_dim3A_588 = vector.broadcast %broadcast_in_dim3A_587 : i1 to vector<16xi1>
      %masked_cumsum3A_589 = tpu.scan <sum>, %get3A_540 masked %broadcast_in_dim3A_588 : vector<16xi32>, vector<16xi1> -> vector<16xi32>
      %broadcast_in_dim3A_590 = vector.shape_cast %broadcast_in_dim3A_7 : vector<16xi32> to vector<16x1xi32>
      %gather3A_591 = vector.shape_cast %broadcast_in_dim3A_590 : vector<16x1xi32> to vector<16xi32>
      %gather3A_592 = tpu.dynamic_gather %masked_cumsum3A_589[%gather3A_591] in [0] : vector<16xi32>, vector<16xi32> -> vector<16xi32>
      %add3A_593 = arith.addi %add3A_538, %gather3A_592 : vector<16xi32>
      %get3A_594 = arith.constant 80 : index
      %get3A_595 = tpu.vector_load %arg7[%get3A_594] {strides = array<i32>} : memref<256xi32, #tpu.memory_space<vmem>>, vector<16xi32>,
      %rev3A_596 = arith.constant 15 : i32
      %rev3A_597 = vector.broadcast %rev3A_596 : i32 to vector<16xi32>
      %rev3A_598 = tpu.iota {dimensions = array<i32: 0>} : vector<16xi32>
      %rev3A_599 = arith.subi %rev3A_597, %rev3A_598 : vector<16xi32>
      %rev3A_600 = tpu.dynamic_gather %get3A_595[%rev3A_599] in [0] : vector<16xi32>, vector<16xi32> -> vector<16xi32>
      %broadcast_in_dim3A_601 = arith.constant true
      %broadcast_in_dim3A_602 = vector.broadcast %broadcast_in_dim3A_601 : i1 to vector<16xi1>
      %masked_cumsum3A_603 = tpu.scan <sum>, %rev3A_600 masked %broadcast_in_dim3A_602 : vector<16xi32>, vector<16xi1> -> vector<16xi32>
      %rev3A_604 = arith.constant 15 : i32
      %rev3A_605 = vector.broadcast %rev3A_604 : i32 to vector<16xi32>
      %rev3A_606 = tpu.iota {dimensions = array<i32: 0>} : vector<16xi32>
      %rev3A_607 = arith.subi %rev3A_605, %rev3A_606 : vector<16xi32>
      %rev3A_608 = tpu.dynamic_gather %masked_cumsum3A_603[%rev3A_607] in [0] : vector<16xi32>, vector<16xi32> -> vector<16xi32>
      %add3A_609 = arith.addi %rev3A_608, %add3A_593 : vector<16xi32>
      %ge3A_610 = arith.cmpi sge, %add3A_609, %get3A_18 : vector<16xi32>
      %all_reduce_population_count3A_611 = tpu.all_reduce %ge3A_610 {dim = 0 : i64, kind = #tpu.reduction_kind<sum>} : vector<16xi1> -> vector<16xi32>
      %sub3A_612 = arith.constant 1 : i32
      %sub3A_613 = vector.broadcast %sub3A_612 : i32 to vector<16xi32>
      %sub3A_614 = arith.subi %all_reduce_population_count3A_611, %sub3A_613 : vector<16xi32>
      %max3A_615 = arith.constant 0 : i32
      %max3A_616 = vector.broadcast %max3A_615 : i32 to vector<16xi32>
      %max3A_617 = arith.maxsi %sub3A_614, %max3A_616 : vector<16xi32>
      %broadcast_in_dim3A_618 = vector.shape_cast %max3A_617 : vector<16xi32> to vector<16x1xi32>
      %gather3A_619 = vector.shape_cast %broadcast_in_dim3A_618 : vector<16x1xi32> to vector<16xi32>
      %gather3A_620 = tpu.dynamic_gather %rev3A_608[%gather3A_619] in [0] : vector<16xi32>, vector<16xi32> -> vector<16xi32>
      %add3A_621 = arith.addi %gather3A_620, %add3A_593 : vector<16xi32>
      %broadcast_in_dim3A_622 = vector.shape_cast %max3A_617 : vector<16xi32> to vector<16x1xi32>
      %gather3A_623 = vector.shape_cast %broadcast_in_dim3A_622 : vector<16x1xi32> to vector<16xi32>
      %gather3A_624 = tpu.dynamic_gather %get3A_595[%gather3A_623] in [0] : vector<16xi32>, vector<16xi32> -> vector<16xi32>
      %gt3A_625 = arith.constant 0 : i32
      %gt3A_626 = vector.broadcast %gt3A_625 : i32 to vector<16xi32>
      %gt3A_627 = arith.cmpi sgt, %all_reduce_population_count3A_611, %gt3A_626 : vector<16xi32>
      %eq3A_628 = arith.constant 0 : i32
      %eq3A_629 = vector.broadcast %eq3A_628 : i32 to vector<16xi32>
      %eq3A_630 = arith.cmpi eq, %select_n3A_586, %eq3A_629 : vector<16xi32>
      %and3A_631 = arith.andi %gt3A_627, %eq3A_630 : vector<16xi1>
      %add3A_632 = arith.constant 80 : i32
      %add3A_633 = vector.broadcast %add3A_632 : i32 to vector<16xi32>
      %add3A_634 = arith.addi %add3A_633, %max3A_617 : vector<16xi32>
      %select_n3A_635 = arith.select %and3A_631, %add3A_634, %select_n3A_580 : vector<16xi1>, vector<16xi32>
      %sub3A_636 = arith.subi %add3A_621, %gather3A_624 : vector<16xi32>
      %sub3A_637 = arith.subi %get3A_18, %sub3A_636 : vector<16xi32>
      %select_n3A_638 = arith.select %and3A_631, %sub3A_637, %select_n3A_583 : vector<16xi1>, vector<16xi32>
      %jit3A_639 = arith.constant 1 : i32
      %broadcast_in_dim3A_640 = vector.broadcast %jit3A_639 : i32 to vector<16xi32>
      %select_n3A_641 = arith.select %and3A_631, %broadcast_in_dim3A_640, %select_n3A_586 : vector<16xi1>, vector<16xi32>
      %broadcast_in_dim3A_642 = arith.constant true
      %broadcast_in_dim3A_643 = vector.broadcast %broadcast_in_dim3A_642 : i1 to vector<16xi1>
      %masked_cumsum3A_644 = tpu.scan <sum>, %get3A_595 masked %broadcast_in_dim3A_643 : vector<16xi32>, vector<16xi1> -> vector<16xi32>
      %broadcast_in_dim3A_645 = vector.shape_cast %broadcast_in_dim3A_7 : vector<16xi32> to vector<16x1xi32>
      %gather3A_646 = vector.shape_cast %broadcast_in_dim3A_645 : vector<16x1xi32> to vector<16xi32>
      %gather3A_647 = tpu.dynamic_gather %masked_cumsum3A_644[%gather3A_646] in [0] : vector<16xi32>, vector<16xi32> -> vector<16xi32>
      %add3A_648 = arith.addi %add3A_593, %gather3A_647 : vector<16xi32>
      %get3A_649 = arith.constant 64 : index
      %get3A_650 = tpu.vector_load %arg7[%get3A_649] {strides = array<i32>} : memref<256xi32, #tpu.memory_space<vmem>>, vector<16xi32>,
      %rev3A_651 = arith.constant 15 : i32
      %rev3A_652 = vector.broadcast %rev3A_651 : i32 to vector<16xi32>
      %rev3A_653 = tpu.iota {dimensions = array<i32: 0>} : vector<16xi32>
      %rev3A_654 = arith.subi %rev3A_652, %rev3A_653 : vector<16xi32>
      %rev3A_655 = tpu.dynamic_gather %get3A_650[%rev3A_654] in [0] : vector<16xi32>, vector<16xi32> -> vector<16xi32>
      %broadcast_in_dim3A_656 = arith.constant true
      %broadcast_in_dim3A_657 = vector.broadcast %broadcast_in_dim3A_656 : i1 to vector<16xi1>
      %masked_cumsum3A_658 = tpu.scan <sum>, %rev3A_655 masked %broadcast_in_dim3A_657 : vector<16xi32>, vector<16xi1> -> vector<16xi32>
      %rev3A_659 = arith.constant 15 : i32
      %rev3A_660 = vector.broadcast %rev3A_659 : i32 to vector<16xi32>
      %rev3A_661 = tpu.iota {dimensions = array<i32: 0>} : vector<16xi32>
      %rev3A_662 = arith.subi %rev3A_660, %rev3A_661 : vector<16xi32>
      %rev3A_663 = tpu.dynamic_gather %masked_cumsum3A_658[%rev3A_662] in [0] : vector<16xi32>, vector<16xi32> -> vector<16xi32>
      %add3A_664 = arith.addi %rev3A_663, %add3A_648 : vector<16xi32>
      %ge3A_665 = arith.cmpi sge, %add3A_664, %get3A_18 : vector<16xi32>
      %all_reduce_population_count3A_666 = tpu.all_reduce %ge3A_665 {dim = 0 : i64, kind = #tpu.reduction_kind<sum>} : vector<16xi1> -> vector<16xi32>
      %sub3A_667 = arith.constant 1 : i32
      %sub3A_668 = vector.broadcast %sub3A_667 : i32 to vector<16xi32>
      %sub3A_669 = arith.subi %all_reduce_population_count3A_666, %sub3A_668 : vector<16xi32>
      %max3A_670 = arith.constant 0 : i32
      %max3A_671 = vector.broadcast %max3A_670 : i32 to vector<16xi32>
      %max3A_672 = arith.maxsi %sub3A_669, %max3A_671 : vector<16xi32>
      %broadcast_in_dim3A_673 = vector.shape_cast %max3A_672 : vector<16xi32> to vector<16x1xi32>
      %gather3A_674 = vector.shape_cast %broadcast_in_dim3A_673 : vector<16x1xi32> to vector<16xi32>
      %gather3A_675 = tpu.dynamic_gather %rev3A_663[%gather3A_674] in [0] : vector<16xi32>, vector<16xi32> -> vector<16xi32>
      %add3A_676 = arith.addi %gather3A_675, %add3A_648 : vector<16xi32>
      %broadcast_in_dim3A_677 = vector.shape_cast %max3A_672 : vector<16xi32> to vector<16x1xi32>
      %gather3A_678 = vector.shape_cast %broadcast_in_dim3A_677 : vector<16x1xi32> to vector<16xi32>
      %gather3A_679 = tpu.dynamic_gather %get3A_650[%gather3A_678] in [0] : vector<16xi32>, vector<16xi32> -> vector<16xi32>
      %gt3A_680 = arith.constant 0 : i32
      %gt3A_681 = vector.broadcast %gt3A_680 : i32 to vector<16xi32>
      %gt3A_682 = arith.cmpi sgt, %all_reduce_population_count3A_666, %gt3A_681 : vector<16xi32>
      %eq3A_683 = arith.constant 0 : i32
      %eq3A_684 = vector.broadcast %eq3A_683 : i32 to vector<16xi32>
      %eq3A_685 = arith.cmpi eq, %select_n3A_641, %eq3A_684 : vector<16xi32>
      %and3A_686 = arith.andi %gt3A_682, %eq3A_685 : vector<16xi1>
      %add3A_687 = arith.constant 64 : i32
      %add3A_688 = vector.broadcast %add3A_687 : i32 to vector<16xi32>
      %add3A_689 = arith.addi %add3A_688, %max3A_672 : vector<16xi32>
      %select_n3A_690 = arith.select %and3A_686, %add3A_689, %select_n3A_635 : vector<16xi1>, vector<16xi32>
      %sub3A_691 = arith.subi %add3A_676, %gather3A_679 : vector<16xi32>
      %sub3A_692 = arith.subi %get3A_18, %sub3A_691 : vector<16xi32>
      %select_n3A_693 = arith.select %and3A_686, %sub3A_692, %select_n3A_638 : vector<16xi1>, vector<16xi32>
      %jit3A_694 = arith.constant 1 : i32
      %broadcast_in_dim3A_695 = vector.broadcast %jit3A_694 : i32 to vector<16xi32>
      %select_n3A_696 = arith.select %and3A_686, %broadcast_in_dim3A_695, %select_n3A_641 : vector<16xi1>, vector<16xi32>
      %broadcast_in_dim3A_697 = arith.constant true
      %broadcast_in_dim3A_698 = vector.broadcast %broadcast_in_dim3A_697 : i1 to vector<16xi1>
      %masked_cumsum3A_699 = tpu.scan <sum>, %get3A_650 masked %broadcast_in_dim3A_698 : vector<16xi32>, vector<16xi1> -> vector<16xi32>
      %broadcast_in_dim3A_700 = vector.shape_cast %broadcast_in_dim3A_7 : vector<16xi32> to vector<16x1xi32>
      %gather3A_701 = vector.shape_cast %broadcast_in_dim3A_700 : vector<16x1xi32> to vector<16xi32>
      %gather3A_702 = tpu.dynamic_gather %masked_cumsum3A_699[%gather3A_701] in [0] : vector<16xi32>, vector<16xi32> -> vector<16xi32>
      %add3A_703 = arith.addi %add3A_648, %gather3A_702 : vector<16xi32>
      %get3A_704 = arith.constant 48 : index
      %get3A_705 = tpu.vector_load %arg7[%get3A_704] {strides = array<i32>} : memref<256xi32, #tpu.memory_space<vmem>>, vector<16xi32>,
      %rev3A_706 = arith.constant 15 : i32
      %rev3A_707 = vector.broadcast %rev3A_706 : i32 to vector<16xi32>
      %rev3A_708 = tpu.iota {dimensions = array<i32: 0>} : vector<16xi32>
      %rev3A_709 = arith.subi %rev3A_707, %rev3A_708 : vector<16xi32>
      %rev3A_710 = tpu.dynamic_gather %get3A_705[%rev3A_709] in [0] : vector<16xi32>, vector<16xi32> -> vector<16xi32>
      %broadcast_in_dim3A_711 = arith.constant true
      %broadcast_in_dim3A_712 = vector.broadcast %broadcast_in_dim3A_711 : i1 to vector<16xi1>
      %masked_cumsum3A_713 = tpu.scan <sum>, %rev3A_710 masked %broadcast_in_dim3A_712 : vector<16xi32>, vector<16xi1> -> vector<16xi32>
      %rev3A_714 = arith.constant 15 : i32
      %rev3A_715 = vector.broadcast %rev3A_714 : i32 to vector<16xi32>
      %rev3A_716 = tpu.iota {dimensions = array<i32: 0>} : vector<16xi32>
      %rev3A_717 = arith.subi %rev3A_715, %rev3A_716 : vector<16xi32>
      %rev3A_718 = tpu.dynamic_gather %masked_cumsum3A_713[%rev3A_717] in [0] : vector<16xi32>, vector<16xi32> -> vector<16xi32>
      %add3A_719 = arith.addi %rev3A_718, %add3A_703 : vector<16xi32>
      %ge3A_720 = arith.cmpi sge, %add3A_719, %get3A_18 : vector<16xi32>
      %all_reduce_population_count3A_721 = tpu.all_reduce %ge3A_720 {dim = 0 : i64, kind = #tpu.reduction_kind<sum>} : vector<16xi1> -> vector<16xi32>
      %sub3A_722 = arith.constant 1 : i32
      %sub3A_723 = vector.broadcast %sub3A_722 : i32 to vector<16xi32>
      %sub3A_724 = arith.subi %all_reduce_population_count3A_721, %sub3A_723 : vector<16xi32>
      %max3A_725 = arith.constant 0 : i32
      %max3A_726 = vector.broadcast %max3A_725 : i32 to vector<16xi32>
      %max3A_727 = arith.maxsi %sub3A_724, %max3A_726 : vector<16xi32>
      %broadcast_in_dim3A_728 = vector.shape_cast %max3A_727 : vector<16xi32> to vector<16x1xi32>
      %gather3A_729 = vector.shape_cast %broadcast_in_dim3A_728 : vector<16x1xi32> to vector<16xi32>
      %gather3A_730 = tpu.dynamic_gather %rev3A_718[%gather3A_729] in [0] : vector<16xi32>, vector<16xi32> -> vector<16xi32>
      %add3A_731 = arith.addi %gather3A_730, %add3A_703 : vector<16xi32>
      %broadcast_in_dim3A_732 = vector.shape_cast %max3A_727 : vector<16xi32> to vector<16x1xi32>
      %gather3A_733 = vector.shape_cast %broadcast_in_dim3A_732 : vector<16x1xi32> to vector<16xi32>
      %gather3A_734 = tpu.dynamic_gather %get3A_705[%gather3A_733] in [0] : vector<16xi32>, vector<16xi32> -> vector<16xi32>
      %gt3A_735 = arith.constant 0 : i32
      %gt3A_736 = vector.broadcast %gt3A_735 : i32 to vector<16xi32>
      %gt3A_737 = arith.cmpi sgt, %all_reduce_population_count3A_721, %gt3A_736 : vector<16xi32>
      %eq3A_738 = arith.constant 0 : i32
      %eq3A_739 = vector.broadcast %eq3A_738 : i32 to vector<16xi32>
      %eq3A_740 = arith.cmpi eq, %select_n3A_696, %eq3A_739 : vector<16xi32>
      %and3A_741 = arith.andi %gt3A_737, %eq3A_740 : vector<16xi1>
      %add3A_742 = arith.constant 48 : i32
      %add3A_743 = vector.broadcast %add3A_742 : i32 to vector<16xi32>
      %add3A_744 = arith.addi %add3A_743, %max3A_727 : vector<16xi32>
      %select_n3A_745 = arith.select %and3A_741, %add3A_744, %select_n3A_690 : vector<16xi1>, vector<16xi32>
      %sub3A_746 = arith.subi %add3A_731, %gather3A_734 : vector<16xi32>
      %sub3A_747 = arith.subi %get3A_18, %sub3A_746 : vector<16xi32>
      %select_n3A_748 = arith.select %and3A_741, %sub3A_747, %select_n3A_693 : vector<16xi1>, vector<16xi32>
      %jit3A_749 = arith.constant 1 : i32
      %broadcast_in_dim3A_750 = vector.broadcast %jit3A_749 : i32 to vector<16xi32>
      %select_n3A_751 = arith.select %and3A_741, %broadcast_in_dim3A_750, %select_n3A_696 : vector<16xi1>, vector<16xi32>
      %broadcast_in_dim3A_752 = arith.constant true
      %broadcast_in_dim3A_753 = vector.broadcast %broadcast_in_dim3A_752 : i1 to vector<16xi1>
      %masked_cumsum3A_754 = tpu.scan <sum>, %get3A_705 masked %broadcast_in_dim3A_753 : vector<16xi32>, vector<16xi1> -> vector<16xi32>
      %broadcast_in_dim3A_755 = vector.shape_cast %broadcast_in_dim3A_7 : vector<16xi32> to vector<16x1xi32>
      %gather3A_756 = vector.shape_cast %broadcast_in_dim3A_755 : vector<16x1xi32> to vector<16xi32>
      %gather3A_757 = tpu.dynamic_gather %masked_cumsum3A_754[%gather3A_756] in [0] : vector<16xi32>, vector<16xi32> -> vector<16xi32>
      %add3A_758 = arith.addi %add3A_703, %gather3A_757 : vector<16xi32>
      %get3A_759 = arith.constant 32 : index
      %get3A_760 = tpu.vector_load %arg7[%get3A_759] {strides = array<i32>} : memref<256xi32, #tpu.memory_space<vmem>>, vector<16xi32>,
      %rev3A_761 = arith.constant 15 : i32
      %rev3A_762 = vector.broadcast %rev3A_761 : i32 to vector<16xi32>
      %rev3A_763 = tpu.iota {dimensions = array<i32: 0>} : vector<16xi32>
      %rev3A_764 = arith.subi %rev3A_762, %rev3A_763 : vector<16xi32>
      %rev3A_765 = tpu.dynamic_gather %get3A_760[%rev3A_764] in [0] : vector<16xi32>, vector<16xi32> -> vector<16xi32>
      %broadcast_in_dim3A_766 = arith.constant true
      %broadcast_in_dim3A_767 = vector.broadcast %broadcast_in_dim3A_766 : i1 to vector<16xi1>
      %masked_cumsum3A_768 = tpu.scan <sum>, %rev3A_765 masked %broadcast_in_dim3A_767 : vector<16xi32>, vector<16xi1> -> vector<16xi32>
      %rev3A_769 = arith.constant 15 : i32
      %rev3A_770 = vector.broadcast %rev3A_769 : i32 to vector<16xi32>
      %rev3A_771 = tpu.iota {dimensions = array<i32: 0>} : vector<16xi32>
      %rev3A_772 = arith.subi %rev3A_770, %rev3A_771 : vector<16xi32>
      %rev3A_773 = tpu.dynamic_gather %masked_cumsum3A_768[%rev3A_772] in [0] : vector<16xi32>, vector<16xi32> -> vector<16xi32>
      %add3A_774 = arith.addi %rev3A_773, %add3A_758 : vector<16xi32>
      %ge3A_775 = arith.cmpi sge, %add3A_774, %get3A_18 : vector<16xi32>
      %all_reduce_population_count3A_776 = tpu.all_reduce %ge3A_775 {dim = 0 : i64, kind = #tpu.reduction_kind<sum>} : vector<16xi1> -> vector<16xi32>
      %sub3A_777 = arith.constant 1 : i32
      %sub3A_778 = vector.broadcast %sub3A_777 : i32 to vector<16xi32>
      %sub3A_779 = arith.subi %all_reduce_population_count3A_776, %sub3A_778 : vector<16xi32>
      %max3A_780 = arith.constant 0 : i32
      %max3A_781 = vector.broadcast %max3A_780 : i32 to vector<16xi32>
      %max3A_782 = arith.maxsi %sub3A_779, %max3A_781 : vector<16xi32>
      %broadcast_in_dim3A_783 = vector.shape_cast %max3A_782 : vector<16xi32> to vector<16x1xi32>
      %gather3A_784 = vector.shape_cast %broadcast_in_dim3A_783 : vector<16x1xi32> to vector<16xi32>
      %gather3A_785 = tpu.dynamic_gather %rev3A_773[%gather3A_784] in [0] : vector<16xi32>, vector<16xi32> -> vector<16xi32>
      %add3A_786 = arith.addi %gather3A_785, %add3A_758 : vector<16xi32>
      %broadcast_in_dim3A_787 = vector.shape_cast %max3A_782 : vector<16xi32> to vector<16x1xi32>
      %gather3A_788 = vector.shape_cast %broadcast_in_dim3A_787 : vector<16x1xi32> to vector<16xi32>
      %gather3A_789 = tpu.dynamic_gather %get3A_760[%gather3A_788] in [0] : vector<16xi32>, vector<16xi32> -> vector<16xi32>
      %gt3A_790 = arith.constant 0 : i32
      %gt3A_791 = vector.broadcast %gt3A_790 : i32 to vector<16xi32>
      %gt3A_792 = arith.cmpi sgt, %all_reduce_population_count3A_776, %gt3A_791 : vector<16xi32>
      %eq3A_793 = arith.constant 0 : i32
      %eq3A_794 = vector.broadcast %eq3A_793 : i32 to vector<16xi32>
      %eq3A_795 = arith.cmpi eq, %select_n3A_751, %eq3A_794 : vector<16xi32>
      %and3A_796 = arith.andi %gt3A_792, %eq3A_795 : vector<16xi1>
      %add3A_797 = arith.constant 32 : i32
      %add3A_798 = vector.broadcast %add3A_797 : i32 to vector<16xi32>
      %add3A_799 = arith.addi %add3A_798, %max3A_782 : vector<16xi32>
      %select_n3A_800 = arith.select %and3A_796, %add3A_799, %select_n3A_745 : vector<16xi1>, vector<16xi32>
      %sub3A_801 = arith.subi %add3A_786, %gather3A_789 : vector<16xi32>
      %sub3A_802 = arith.subi %get3A_18, %sub3A_801 : vector<16xi32>
      %select_n3A_803 = arith.select %and3A_796, %sub3A_802, %select_n3A_748 : vector<16xi1>, vector<16xi32>
      %jit3A_804 = arith.constant 1 : i32
      %broadcast_in_dim3A_805 = vector.broadcast %jit3A_804 : i32 to vector<16xi32>
      %select_n3A_806 = arith.select %and3A_796, %broadcast_in_dim3A_805, %select_n3A_751 : vector<16xi1>, vector<16xi32>
      %broadcast_in_dim3A_807 = arith.constant true
      %broadcast_in_dim3A_808 = vector.broadcast %broadcast_in_dim3A_807 : i1 to vector<16xi1>
      %masked_cumsum3A_809 = tpu.scan <sum>, %get3A_760 masked %broadcast_in_dim3A_808 : vector<16xi32>, vector<16xi1> -> vector<16xi32>
      %broadcast_in_dim3A_810 = vector.shape_cast %broadcast_in_dim3A_7 : vector<16xi32> to vector<16x1xi32>
      %gather3A_811 = vector.shape_cast %broadcast_in_dim3A_810 : vector<16x1xi32> to vector<16xi32>
      %gather3A_812 = tpu.dynamic_gather %masked_cumsum3A_809[%gather3A_811] in [0] : vector<16xi32>, vector<16xi32> -> vector<16xi32>
      %add3A_813 = arith.addi %add3A_758, %gather3A_812 : vector<16xi32>
      %get3A_814 = arith.constant 16 : index
      %get3A_815 = tpu.vector_load %arg7[%get3A_814] {strides = array<i32>} : memref<256xi32, #tpu.memory_space<vmem>>, vector<16xi32>,
      %rev3A_816 = arith.constant 15 : i32
      %rev3A_817 = vector.broadcast %rev3A_816 : i32 to vector<16xi32>
      %rev3A_818 = tpu.iota {dimensions = array<i32: 0>} : vector<16xi32>
      %rev3A_819 = arith.subi %rev3A_817, %rev3A_818 : vector<16xi32>
      %rev3A_820 = tpu.dynamic_gather %get3A_815[%rev3A_819] in [0] : vector<16xi32>, vector<16xi32> -> vector<16xi32>
      %broadcast_in_dim3A_821 = arith.constant true
      %broadcast_in_dim3A_822 = vector.broadcast %broadcast_in_dim3A_821 : i1 to vector<16xi1>
      %masked_cumsum3A_823 = tpu.scan <sum>, %rev3A_820 masked %broadcast_in_dim3A_822 : vector<16xi32>, vector<16xi1> -> vector<16xi32>
      %rev3A_824 = arith.constant 15 : i32
      %rev3A_825 = vector.broadcast %rev3A_824 : i32 to vector<16xi32>
      %rev3A_826 = tpu.iota {dimensions = array<i32: 0>} : vector<16xi32>
      %rev3A_827 = arith.subi %rev3A_825, %rev3A_826 : vector<16xi32>
      %rev3A_828 = tpu.dynamic_gather %masked_cumsum3A_823[%rev3A_827] in [0] : vector<16xi32>, vector<16xi32> -> vector<16xi32>
      %add3A_829 = arith.addi %rev3A_828, %add3A_813 : vector<16xi32>
      %ge3A_830 = arith.cmpi sge, %add3A_829, %get3A_18 : vector<16xi32>
      %all_reduce_population_count3A_831 = tpu.all_reduce %ge3A_830 {dim = 0 : i64, kind = #tpu.reduction_kind<sum>} : vector<16xi1> -> vector<16xi32>
      %sub3A_832 = arith.constant 1 : i32
      %sub3A_833 = vector.broadcast %sub3A_832 : i32 to vector<16xi32>
      %sub3A_834 = arith.subi %all_reduce_population_count3A_831, %sub3A_833 : vector<16xi32>
      %max3A_835 = arith.constant 0 : i32
      %max3A_836 = vector.broadcast %max3A_835 : i32 to vector<16xi32>
      %max3A_837 = arith.maxsi %sub3A_834, %max3A_836 : vector<16xi32>
      %broadcast_in_dim3A_838 = vector.shape_cast %max3A_837 : vector<16xi32> to vector<16x1xi32>
      %gather3A_839 = vector.shape_cast %broadcast_in_dim3A_838 : vector<16x1xi32> to vector<16xi32>
      %gather3A_840 = tpu.dynamic_gather %rev3A_828[%gather3A_839] in [0] : vector<16xi32>, vector<16xi32> -> vector<16xi32>
      %add3A_841 = arith.addi %gather3A_840, %add3A_813 : vector<16xi32>
      %broadcast_in_dim3A_842 = vector.shape_cast %max3A_837 : vector<16xi32> to vector<16x1xi32>
      %gather3A_843 = vector.shape_cast %broadcast_in_dim3A_842 : vector<16x1xi32> to vector<16xi32>
      %gather3A_844 = tpu.dynamic_gather %get3A_815[%gather3A_843] in [0] : vector<16xi32>, vector<16xi32> -> vector<16xi32>
      %gt3A_845 = arith.constant 0 : i32
      %gt3A_846 = vector.broadcast %gt3A_845 : i32 to vector<16xi32>
      %gt3A_847 = arith.cmpi sgt, %all_reduce_population_count3A_831, %gt3A_846 : vector<16xi32>
      %eq3A_848 = arith.constant 0 : i32
      %eq3A_849 = vector.broadcast %eq3A_848 : i32 to vector<16xi32>
      %eq3A_850 = arith.cmpi eq, %select_n3A_806, %eq3A_849 : vector<16xi32>
      %and3A_851 = arith.andi %gt3A_847, %eq3A_850 : vector<16xi1>
      %add3A_852 = arith.constant 16 : i32
      %add3A_853 = vector.broadcast %add3A_852 : i32 to vector<16xi32>
      %add3A_854 = arith.addi %add3A_853, %max3A_837 : vector<16xi32>
      %select_n3A_855 = arith.select %and3A_851, %add3A_854, %select_n3A_800 : vector<16xi1>, vector<16xi32>
      %sub3A_856 = arith.subi %add3A_841, %gather3A_844 : vector<16xi32>
      %sub3A_857 = arith.subi %get3A_18, %sub3A_856 : vector<16xi32>
      %select_n3A_858 = arith.select %and3A_851, %sub3A_857, %select_n3A_803 : vector<16xi1>, vector<16xi32>
      %jit3A_859 = arith.constant 1 : i32
      %broadcast_in_dim3A_860 = vector.broadcast %jit3A_859 : i32 to vector<16xi32>
      %select_n3A_861 = arith.select %and3A_851, %broadcast_in_dim3A_860, %select_n3A_806 : vector<16xi1>, vector<16xi32>
      %broadcast_in_dim3A_862 = arith.constant true
      %broadcast_in_dim3A_863 = vector.broadcast %broadcast_in_dim3A_862 : i1 to vector<16xi1>
      %masked_cumsum3A_864 = tpu.scan <sum>, %get3A_815 masked %broadcast_in_dim3A_863 : vector<16xi32>, vector<16xi1> -> vector<16xi32>
      %broadcast_in_dim3A_865 = vector.shape_cast %broadcast_in_dim3A_7 : vector<16xi32> to vector<16x1xi32>
      %gather3A_866 = vector.shape_cast %broadcast_in_dim3A_865 : vector<16x1xi32> to vector<16xi32>
      %gather3A_867 = tpu.dynamic_gather %masked_cumsum3A_864[%gather3A_866] in [0] : vector<16xi32>, vector<16xi32> -> vector<16xi32>
      %add3A_868 = arith.addi %add3A_813, %gather3A_867 : vector<16xi32>
      %get3A_869 = arith.constant 0 : index
      %get3A_870 = tpu.vector_load %arg7[%get3A_869] {strides = array<i32>} : memref<256xi32, #tpu.memory_space<vmem>>, vector<16xi32>,
      %rev3A_871 = arith.constant 15 : i32
      %rev3A_872 = vector.broadcast %rev3A_871 : i32 to vector<16xi32>
      %rev3A_873 = tpu.iota {dimensions = array<i32: 0>} : vector<16xi32>
      %rev3A_874 = arith.subi %rev3A_872, %rev3A_873 : vector<16xi32>
      %rev3A_875 = tpu.dynamic_gather %get3A_870[%rev3A_874] in [0] : vector<16xi32>, vector<16xi32> -> vector<16xi32>
      %broadcast_in_dim3A_876 = arith.constant true
      %broadcast_in_dim3A_877 = vector.broadcast %broadcast_in_dim3A_876 : i1 to vector<16xi1>
      %masked_cumsum3A_878 = tpu.scan <sum>, %rev3A_875 masked %broadcast_in_dim3A_877 : vector<16xi32>, vector<16xi1> -> vector<16xi32>
      %rev3A_879 = arith.constant 15 : i32
      %rev3A_880 = vector.broadcast %rev3A_879 : i32 to vector<16xi32>
      %rev3A_881 = tpu.iota {dimensions = array<i32: 0>} : vector<16xi32>
      %rev3A_882 = arith.subi %rev3A_880, %rev3A_881 : vector<16xi32>
      %rev3A_883 = tpu.dynamic_gather %masked_cumsum3A_878[%rev3A_882] in [0] : vector<16xi32>, vector<16xi32> -> vector<16xi32>
      %add3A_884 = arith.addi %rev3A_883, %add3A_868 : vector<16xi32>
      %ge3A_885 = arith.cmpi sge, %add3A_884, %get3A_18 : vector<16xi32>
      %all_reduce_population_count3A_886 = tpu.all_reduce %ge3A_885 {dim = 0 : i64, kind = #tpu.reduction_kind<sum>} : vector<16xi1> -> vector<16xi32>
      %sub3A_887 = arith.constant 1 : i32
      %sub3A_888 = vector.broadcast %sub3A_887 : i32 to vector<16xi32>
      %sub3A_889 = arith.subi %all_reduce_population_count3A_886, %sub3A_888 : vector<16xi32>
      %max3A_890 = arith.constant 0 : i32
      %max3A_891 = vector.broadcast %max3A_890 : i32 to vector<16xi32>
      %max3A_892 = arith.maxsi %sub3A_889, %max3A_891 : vector<16xi32>
      %broadcast_in_dim3A_893 = vector.shape_cast %max3A_892 : vector<16xi32> to vector<16x1xi32>
      %gather3A_894 = vector.shape_cast %broadcast_in_dim3A_893 : vector<16x1xi32> to vector<16xi32>
      %gather3A_895 = tpu.dynamic_gather %rev3A_883[%gather3A_894] in [0] : vector<16xi32>, vector<16xi32> -> vector<16xi32>
      %add3A_896 = arith.addi %gather3A_895, %add3A_868 : vector<16xi32>
      %broadcast_in_dim3A_897 = vector.shape_cast %max3A_892 : vector<16xi32> to vector<16x1xi32>
      %gather3A_898 = vector.shape_cast %broadcast_in_dim3A_897 : vector<16x1xi32> to vector<16xi32>
      %gather3A_899 = tpu.dynamic_gather %get3A_870[%gather3A_898] in [0] : vector<16xi32>, vector<16xi32> -> vector<16xi32>
      %gt3A_900 = arith.constant 0 : i32
      %gt3A_901 = vector.broadcast %gt3A_900 : i32 to vector<16xi32>
      %gt3A_902 = arith.cmpi sgt, %all_reduce_population_count3A_886, %gt3A_901 : vector<16xi32>
      %eq3A_903 = arith.constant 0 : i32
      %eq3A_904 = vector.broadcast %eq3A_903 : i32 to vector<16xi32>
      %eq3A_905 = arith.cmpi eq, %select_n3A_861, %eq3A_904 : vector<16xi32>
      %and3A_906 = arith.andi %gt3A_902, %eq3A_905 : vector<16xi1>
      %add3A_907 = arith.constant 0 : i32
      %add3A_908 = vector.broadcast %add3A_907 : i32 to vector<16xi32>
      %add3A_909 = arith.addi %add3A_908, %max3A_892 : vector<16xi32>
      %select_n3A_910 = arith.select %and3A_906, %add3A_909, %select_n3A_855 : vector<16xi1>, vector<16xi32>
      %sub3A_911 = arith.subi %add3A_896, %gather3A_899 : vector<16xi32>
      %sub3A_912 = arith.subi %get3A_18, %sub3A_911 : vector<16xi32>
      %select_n3A_913 = arith.select %and3A_906, %sub3A_912, %select_n3A_858 : vector<16xi1>, vector<16xi32>
      %jit3A_914 = arith.constant 1 : i32
      %broadcast_in_dim3A_915 = vector.broadcast %jit3A_914 : i32 to vector<16xi32>
      %select_n3A_916 = arith.select %and3A_906, %broadcast_in_dim3A_915, %select_n3A_861 : vector<16xi1>, vector<16xi32>
      %broadcast_in_dim3A_917 = arith.constant true
      %broadcast_in_dim3A_918 = vector.broadcast %broadcast_in_dim3A_917 : i1 to vector<16xi1>
      %masked_cumsum3A_919 = tpu.scan <sum>, %get3A_870 masked %broadcast_in_dim3A_918 : vector<16xi32>, vector<16xi1> -> vector<16xi32>
      %broadcast_in_dim3A_920 = vector.shape_cast %broadcast_in_dim3A_7 : vector<16xi32> to vector<16x1xi32>
      %gather3A_921 = vector.shape_cast %broadcast_in_dim3A_920 : vector<16x1xi32> to vector<16xi32>
      %gather3A_922 = tpu.dynamic_gather %masked_cumsum3A_919[%gather3A_921] in [0] : vector<16xi32>, vector<16xi32> -> vector<16xi32>
      %add3A_923 = arith.addi %add3A_868, %gather3A_922 : vector<16xi32>
      %mul3A_924 = arith.constant 256 : i32
      %mul3A_925 = vector.broadcast %mul3A_924 : i32 to vector<16xi32>
      %mul3A_926 = arith.muli %broadcast_in_dim3A_1, %mul3A_925 : vector<16xi32>
      %add3A_927 = arith.addi %mul3A_926, %select_n3A_910 : vector<16xi32>
      %swap3A_928 = arith.constant 0 : index
      %swap3A_929 = tpu.vector_load %arg7[%swap3A_928] {strides = array<i32>} : memref<256xi32, #tpu.memory_space<vmem>>, vector<16xi32>,
      tpu.vector_store %arg7[%swap3A_928], %broadcast_in_dim3A_1 {strides = array<i32>} : memref<256xi32, #tpu.memory_space<vmem>>, vector<16xi32>,
      %swap3A_930 = arith.constant 16 : index
      %swap3A_931 = tpu.vector_load %arg7[%swap3A_930] {strides = array<i32>} : memref<256xi32, #tpu.memory_space<vmem>>, vector<16xi32>,
      tpu.vector_store %arg7[%swap3A_930], %broadcast_in_dim3A_1 {strides = array<i32>} : memref<256xi32, #tpu.memory_space<vmem>>, vector<16xi32>,
      %swap3A_932 = arith.constant 32 : index
      %swap3A_933 = tpu.vector_load %arg7[%swap3A_932] {strides = array<i32>} : memref<256xi32, #tpu.memory_space<vmem>>, vector<16xi32>,
      tpu.vector_store %arg7[%swap3A_932], %broadcast_in_dim3A_1 {strides = array<i32>} : memref<256xi32, #tpu.memory_space<vmem>>, vector<16xi32>,
      %swap3A_934 = arith.constant 48 : index
      %swap3A_935 = tpu.vector_load %arg7[%swap3A_934] {strides = array<i32>} : memref<256xi32, #tpu.memory_space<vmem>>, vector<16xi32>,
      tpu.vector_store %arg7[%swap3A_934], %broadcast_in_dim3A_1 {strides = array<i32>} : memref<256xi32, #tpu.memory_space<vmem>>, vector<16xi32>,
      %swap3A_936 = arith.constant 64 : index
      %swap3A_937 = tpu.vector_load %arg7[%swap3A_936] {strides = array<i32>} : memref<256xi32, #tpu.memory_space<vmem>>, vector<16xi32>,
      tpu.vector_store %arg7[%swap3A_936], %broadcast_in_dim3A_1 {strides = array<i32>} : memref<256xi32, #tpu.memory_space<vmem>>, vector<16xi32>,
      %swap3A_938 = arith.constant 80 : index
      %swap3A_939 = tpu.vector_load %arg7[%swap3A_938] {strides = array<i32>} : memref<256xi32, #tpu.memory_space<vmem>>, vector<16xi32>,
      tpu.vector_store %arg7[%swap3A_938], %broadcast_in_dim3A_1 {strides = array<i32>} : memref<256xi32, #tpu.memory_space<vmem>>, vector<16xi32>,
      %swap3A_940 = arith.constant 96 : index
      %swap3A_941 = tpu.vector_load %arg7[%swap3A_940] {strides = array<i32>} : memref<256xi32, #tpu.memory_space<vmem>>, vector<16xi32>,
      tpu.vector_store %arg7[%swap3A_940], %broadcast_in_dim3A_1 {strides = array<i32>} : memref<256xi32, #tpu.memory_space<vmem>>, vector<16xi32>,
      %swap3A_942 = arith.constant 112 : index
      %swap3A_943 = tpu.vector_load %arg7[%swap3A_942] {strides = array<i32>} : memref<256xi32, #tpu.memory_space<vmem>>, vector<16xi32>,
      tpu.vector_store %arg7[%swap3A_942], %broadcast_in_dim3A_1 {strides = array<i32>} : memref<256xi32, #tpu.memory_space<vmem>>, vector<16xi32>,
      %swap3A_944 = arith.constant 128 : index
      %swap3A_945 = tpu.vector_load %arg7[%swap3A_944] {strides = array<i32>} : memref<256xi32, #tpu.memory_space<vmem>>, vector<16xi32>,
      tpu.vector_store %arg7[%swap3A_944], %broadcast_in_dim3A_1 {strides = array<i32>} : memref<256xi32, #tpu.memory_space<vmem>>, vector<16xi32>,
      %swap3A_946 = arith.constant 144 : index
      %swap3A_947 = tpu.vector_load %arg7[%swap3A_946] {strides = array<i32>} : memref<256xi32, #tpu.memory_space<vmem>>, vector<16xi32>,
      tpu.vector_store %arg7[%swap3A_946], %broadcast_in_dim3A_1 {strides = array<i32>} : memref<256xi32, #tpu.memory_space<vmem>>, vector<16xi32>,
      %swap3A_948 = arith.constant 160 : index
      %swap3A_949 = tpu.vector_load %arg7[%swap3A_948] {strides = array<i32>} : memref<256xi32, #tpu.memory_space<vmem>>, vector<16xi32>,
      tpu.vector_store %arg7[%swap3A_948], %broadcast_in_dim3A_1 {strides = array<i32>} : memref<256xi32, #tpu.memory_space<vmem>>, vector<16xi32>,
      %swap3A_950 = arith.constant 176 : index
      %swap3A_951 = tpu.vector_load %arg7[%swap3A_950] {strides = array<i32>} : memref<256xi32, #tpu.memory_space<vmem>>, vector<16xi32>,
      tpu.vector_store %arg7[%swap3A_950], %broadcast_in_dim3A_1 {strides = array<i32>} : memref<256xi32, #tpu.memory_space<vmem>>, vector<16xi32>,
      %swap3A_952 = arith.constant 192 : index
      %swap3A_953 = tpu.vector_load %arg7[%swap3A_952] {strides = array<i32>} : memref<256xi32, #tpu.memory_space<vmem>>, vector<16xi32>,
      tpu.vector_store %arg7[%swap3A_952], %broadcast_in_dim3A_1 {strides = array<i32>} : memref<256xi32, #tpu.memory_space<vmem>>, vector<16xi32>,
      %swap3A_954 = arith.constant 208 : index
      %swap3A_955 = tpu.vector_load %arg7[%swap3A_954] {strides = array<i32>} : memref<256xi32, #tpu.memory_space<vmem>>, vector<16xi32>,
      tpu.vector_store %arg7[%swap3A_954], %broadcast_in_dim3A_1 {strides = array<i32>} : memref<256xi32, #tpu.memory_space<vmem>>, vector<16xi32>,
      %swap3A_956 = arith.constant 224 : index
      %swap3A_957 = tpu.vector_load %arg7[%swap3A_956] {strides = array<i32>} : memref<256xi32, #tpu.memory_space<vmem>>, vector<16xi32>,
      tpu.vector_store %arg7[%swap3A_956], %broadcast_in_dim3A_1 {strides = array<i32>} : memref<256xi32, #tpu.memory_space<vmem>>, vector<16xi32>,
      %swap3A_958 = arith.constant 240 : index
      %swap3A_959 = tpu.vector_load %arg7[%swap3A_958] {strides = array<i32>} : memref<256xi32, #tpu.memory_space<vmem>>, vector<16xi32>,
      tpu.vector_store %arg7[%swap3A_958], %broadcast_in_dim3A_1 {strides = array<i32>} : memref<256xi32, #tpu.memory_space<vmem>>, vector<16xi32>,
      %scan3A_960 = arith.constant 0 : i32
      %scan3A_961 = arith.constant 0 : i32
      %scan3A_962 = arith.constant 546 : i32
      %scan3A_963 = arith.addi %scan3A_961, %scan3A_962 : i32
      %scan3A_964 = arith.constant 1 : i32
      scf.for %scan3A_3260 = %scan3A_961 to %scan3A_963 step %scan3A_964  : i32 {
        %mul3A_3261 = arith.constant 16 : i32
        %mul3A_3262 = arith.muli %scan3A_3260, %mul3A_3261 : i32
        %get3A_3263 = arith.index_cast %mul3A_3262 : i32 to index
        %get3A_3264 = tpu.vector_load %arg5[%get3A_3263] {strides = array<i32>} : memref<8736xf32, #tpu.memory_space<vmem>>, vector<16xf32>,
        %bitcast_convert_type3A_3265 = tpu.bitcast %get3A_3264 : vector<16xf32> -> vector<16xi32>
        %shift_right_logical3A = arith.constant 15 : i32
        %shift_right_logical3A_3266 = vector.broadcast %shift_right_logical3A : i32 to vector<16xi32>
        %shift_right_logical3A_3267 = arith.shrui %bitcast_convert_type3A_3265, %shift_right_logical3A_3266 : vector<16xi32>
        %and3A_3268 = arith.constant 255 : i32
        %and3A_3269 = vector.broadcast %and3A_3268 : i32 to vector<16xi32>
        %and3A_3270 = arith.andi %shift_right_logical3A_3267, %and3A_3269 : vector<16xi32>
        %shift_right_logical3A_3271 = arith.constant 23 : i32
        %shift_right_logical3A_3272 = vector.broadcast %shift_right_logical3A_3271 : i32 to vector<16xi32>
        %shift_right_logical3A_3273 = arith.shrui %bitcast_convert_type3A_3265, %shift_right_logical3A_3272 : vector<16xi32>
        %eq3A_3274 = arith.cmpi eq, %shift_right_logical3A_3273, %add3A_927 : vector<16xi32>
        tpu.vector_store_idx %arg7[%and3A_3270], %broadcast_in_dim3A_5 masked %eq3A_3274 {add = true} : memref<256xi32, #tpu.memory_space<vmem>>[vector<16xi32>], vector<16xi32>, vector<16xi1>
      }
      %scan3A_965 = arith.constant 546 : i32
      %get3A_966 = arith.constant 240 : index
      %get3A_967 = tpu.vector_load %arg7[%get3A_966] {strides = array<i32>} : memref<256xi32, #tpu.memory_space<vmem>>, vector<16xi32>,
      %rev3A_968 = arith.constant 15 : i32
      %rev3A_969 = vector.broadcast %rev3A_968 : i32 to vector<16xi32>
      %rev3A_970 = tpu.iota {dimensions = array<i32: 0>} : vector<16xi32>
      %rev3A_971 = arith.subi %rev3A_969, %rev3A_970 : vector<16xi32>
      %rev3A_972 = tpu.dynamic_gather %get3A_967[%rev3A_971] in [0] : vector<16xi32>, vector<16xi32> -> vector<16xi32>
      %broadcast_in_dim3A_973 = arith.constant true
      %broadcast_in_dim3A_974 = vector.broadcast %broadcast_in_dim3A_973 : i1 to vector<16xi1>
      %masked_cumsum3A_975 = tpu.scan <sum>, %rev3A_972 masked %broadcast_in_dim3A_974 : vector<16xi32>, vector<16xi1> -> vector<16xi32>
      %rev3A_976 = arith.constant 15 : i32
      %rev3A_977 = vector.broadcast %rev3A_976 : i32 to vector<16xi32>
      %rev3A_978 = tpu.iota {dimensions = array<i32: 0>} : vector<16xi32>
      %rev3A_979 = arith.subi %rev3A_977, %rev3A_978 : vector<16xi32>
      %rev3A_980 = tpu.dynamic_gather %masked_cumsum3A_975[%rev3A_979] in [0] : vector<16xi32>, vector<16xi32> -> vector<16xi32>
      %add3A_981 = arith.addi %rev3A_980, %broadcast_in_dim3A_1 : vector<16xi32>
      %ge3A_982 = arith.cmpi sge, %add3A_981, %select_n3A_913 : vector<16xi32>
      %all_reduce_population_count3A_983 = tpu.all_reduce %ge3A_982 {dim = 0 : i64, kind = #tpu.reduction_kind<sum>} : vector<16xi1> -> vector<16xi32>
      %sub3A_984 = arith.constant 1 : i32
      %sub3A_985 = vector.broadcast %sub3A_984 : i32 to vector<16xi32>
      %sub3A_986 = arith.subi %all_reduce_population_count3A_983, %sub3A_985 : vector<16xi32>
      %max3A_987 = arith.constant 0 : i32
      %max3A_988 = vector.broadcast %max3A_987 : i32 to vector<16xi32>
      %max3A_989 = arith.maxsi %sub3A_986, %max3A_988 : vector<16xi32>
      %broadcast_in_dim3A_990 = vector.shape_cast %max3A_989 : vector<16xi32> to vector<16x1xi32>
      %gather3A_991 = vector.shape_cast %broadcast_in_dim3A_990 : vector<16x1xi32> to vector<16xi32>
      %gather3A_992 = tpu.dynamic_gather %rev3A_980[%gather3A_991] in [0] : vector<16xi32>, vector<16xi32> -> vector<16xi32>
      %add3A_993 = arith.addi %gather3A_992, %broadcast_in_dim3A_1 : vector<16xi32>
      %broadcast_in_dim3A_994 = vector.shape_cast %max3A_989 : vector<16xi32> to vector<16x1xi32>
      %gather3A_995 = vector.shape_cast %broadcast_in_dim3A_994 : vector<16x1xi32> to vector<16xi32>
      %gather3A_996 = tpu.dynamic_gather %get3A_967[%gather3A_995] in [0] : vector<16xi32>, vector<16xi32> -> vector<16xi32>
      %gt3A_997 = arith.constant 0 : i32
      %gt3A_998 = vector.broadcast %gt3A_997 : i32 to vector<16xi32>
      %gt3A_999 = arith.cmpi sgt, %all_reduce_population_count3A_983, %gt3A_998 : vector<16xi32>
      %eq3A_1000 = arith.constant 0 : i32
      %eq3A_1001 = vector.broadcast %eq3A_1000 : i32 to vector<16xi32>
      %eq3A_1002 = arith.cmpi eq, %broadcast_in_dim3A_1, %eq3A_1001 : vector<16xi32>
      %and3A_1003 = arith.andi %gt3A_999, %eq3A_1002 : vector<16xi1>
      %add3A_1004 = arith.constant 240 : i32
      %add3A_1005 = vector.broadcast %add3A_1004 : i32 to vector<16xi32>
      %add3A_1006 = arith.addi %add3A_1005, %max3A_989 : vector<16xi32>
      %select_n3A_1007 = arith.select %and3A_1003, %add3A_1006, %broadcast_in_dim3A_1 : vector<16xi1>, vector<16xi32>
      %sub3A_1008 = arith.subi %add3A_993, %gather3A_996 : vector<16xi32>
      %sub3A_1009 = arith.subi %select_n3A_913, %sub3A_1008 : vector<16xi32>
      %select_n3A_1010 = arith.select %and3A_1003, %sub3A_1009, %select_n3A_913 : vector<16xi1>, vector<16xi32>
      %jit3A_1011 = arith.constant 1 : i32
      %broadcast_in_dim3A_1012 = vector.broadcast %jit3A_1011 : i32 to vector<16xi32>
      %select_n3A_1013 = arith.select %and3A_1003, %broadcast_in_dim3A_1012, %broadcast_in_dim3A_1 : vector<16xi1>, vector<16xi32>
      %broadcast_in_dim3A_1014 = arith.constant true
      %broadcast_in_dim3A_1015 = vector.broadcast %broadcast_in_dim3A_1014 : i1 to vector<16xi1>
      %masked_cumsum3A_1016 = tpu.scan <sum>, %get3A_967 masked %broadcast_in_dim3A_1015 : vector<16xi32>, vector<16xi1> -> vector<16xi32>
      %broadcast_in_dim3A_1017 = vector.shape_cast %broadcast_in_dim3A_7 : vector<16xi32> to vector<16x1xi32>
      %gather3A_1018 = vector.shape_cast %broadcast_in_dim3A_1017 : vector<16x1xi32> to vector<16xi32>
      %gather3A_1019 = tpu.dynamic_gather %masked_cumsum3A_1016[%gather3A_1018] in [0] : vector<16xi32>, vector<16xi32> -> vector<16xi32>
      %add3A_1020 = arith.addi %broadcast_in_dim3A_1, %gather3A_1019 : vector<16xi32>
      %get3A_1021 = arith.constant 224 : index
      %get3A_1022 = tpu.vector_load %arg7[%get3A_1021] {strides = array<i32>} : memref<256xi32, #tpu.memory_space<vmem>>, vector<16xi32>,
      %rev3A_1023 = arith.constant 15 : i32
      %rev3A_1024 = vector.broadcast %rev3A_1023 : i32 to vector<16xi32>
      %rev3A_1025 = tpu.iota {dimensions = array<i32: 0>} : vector<16xi32>
      %rev3A_1026 = arith.subi %rev3A_1024, %rev3A_1025 : vector<16xi32>
      %rev3A_1027 = tpu.dynamic_gather %get3A_1022[%rev3A_1026] in [0] : vector<16xi32>, vector<16xi32> -> vector<16xi32>
      %broadcast_in_dim3A_1028 = arith.constant true
      %broadcast_in_dim3A_1029 = vector.broadcast %broadcast_in_dim3A_1028 : i1 to vector<16xi1>
      %masked_cumsum3A_1030 = tpu.scan <sum>, %rev3A_1027 masked %broadcast_in_dim3A_1029 : vector<16xi32>, vector<16xi1> -> vector<16xi32>
      %rev3A_1031 = arith.constant 15 : i32
      %rev3A_1032 = vector.broadcast %rev3A_1031 : i32 to vector<16xi32>
      %rev3A_1033 = tpu.iota {dimensions = array<i32: 0>} : vector<16xi32>
      %rev3A_1034 = arith.subi %rev3A_1032, %rev3A_1033 : vector<16xi32>
      %rev3A_1035 = tpu.dynamic_gather %masked_cumsum3A_1030[%rev3A_1034] in [0] : vector<16xi32>, vector<16xi32> -> vector<16xi32>
      %add3A_1036 = arith.addi %rev3A_1035, %add3A_1020 : vector<16xi32>
      %ge3A_1037 = arith.cmpi sge, %add3A_1036, %select_n3A_913 : vector<16xi32>
      %all_reduce_population_count3A_1038 = tpu.all_reduce %ge3A_1037 {dim = 0 : i64, kind = #tpu.reduction_kind<sum>} : vector<16xi1> -> vector<16xi32>
      %sub3A_1039 = arith.constant 1 : i32
      %sub3A_1040 = vector.broadcast %sub3A_1039 : i32 to vector<16xi32>
      %sub3A_1041 = arith.subi %all_reduce_population_count3A_1038, %sub3A_1040 : vector<16xi32>
      %max3A_1042 = arith.constant 0 : i32
      %max3A_1043 = vector.broadcast %max3A_1042 : i32 to vector<16xi32>
      %max3A_1044 = arith.maxsi %sub3A_1041, %max3A_1043 : vector<16xi32>
      %broadcast_in_dim3A_1045 = vector.shape_cast %max3A_1044 : vector<16xi32> to vector<16x1xi32>
      %gather3A_1046 = vector.shape_cast %broadcast_in_dim3A_1045 : vector<16x1xi32> to vector<16xi32>
      %gather3A_1047 = tpu.dynamic_gather %rev3A_1035[%gather3A_1046] in [0] : vector<16xi32>, vector<16xi32> -> vector<16xi32>
      %add3A_1048 = arith.addi %gather3A_1047, %add3A_1020 : vector<16xi32>
      %broadcast_in_dim3A_1049 = vector.shape_cast %max3A_1044 : vector<16xi32> to vector<16x1xi32>
      %gather3A_1050 = vector.shape_cast %broadcast_in_dim3A_1049 : vector<16x1xi32> to vector<16xi32>
      %gather3A_1051 = tpu.dynamic_gather %get3A_1022[%gather3A_1050] in [0] : vector<16xi32>, vector<16xi32> -> vector<16xi32>
      %gt3A_1052 = arith.constant 0 : i32
      %gt3A_1053 = vector.broadcast %gt3A_1052 : i32 to vector<16xi32>
      %gt3A_1054 = arith.cmpi sgt, %all_reduce_population_count3A_1038, %gt3A_1053 : vector<16xi32>
      %eq3A_1055 = arith.constant 0 : i32
      %eq3A_1056 = vector.broadcast %eq3A_1055 : i32 to vector<16xi32>
      %eq3A_1057 = arith.cmpi eq, %select_n3A_1013, %eq3A_1056 : vector<16xi32>
      %and3A_1058 = arith.andi %gt3A_1054, %eq3A_1057 : vector<16xi1>
      %add3A_1059 = arith.constant 224 : i32
      %add3A_1060 = vector.broadcast %add3A_1059 : i32 to vector<16xi32>
      %add3A_1061 = arith.addi %add3A_1060, %max3A_1044 : vector<16xi32>
      %select_n3A_1062 = arith.select %and3A_1058, %add3A_1061, %select_n3A_1007 : vector<16xi1>, vector<16xi32>
      %sub3A_1063 = arith.subi %add3A_1048, %gather3A_1051 : vector<16xi32>
      %sub3A_1064 = arith.subi %select_n3A_913, %sub3A_1063 : vector<16xi32>
      %select_n3A_1065 = arith.select %and3A_1058, %sub3A_1064, %select_n3A_1010 : vector<16xi1>, vector<16xi32>
      %jit3A_1066 = arith.constant 1 : i32
      %broadcast_in_dim3A_1067 = vector.broadcast %jit3A_1066 : i32 to vector<16xi32>
      %select_n3A_1068 = arith.select %and3A_1058, %broadcast_in_dim3A_1067, %select_n3A_1013 : vector<16xi1>, vector<16xi32>
      %broadcast_in_dim3A_1069 = arith.constant true
      %broadcast_in_dim3A_1070 = vector.broadcast %broadcast_in_dim3A_1069 : i1 to vector<16xi1>
      %masked_cumsum3A_1071 = tpu.scan <sum>, %get3A_1022 masked %broadcast_in_dim3A_1070 : vector<16xi32>, vector<16xi1> -> vector<16xi32>
      %broadcast_in_dim3A_1072 = vector.shape_cast %broadcast_in_dim3A_7 : vector<16xi32> to vector<16x1xi32>
      %gather3A_1073 = vector.shape_cast %broadcast_in_dim3A_1072 : vector<16x1xi32> to vector<16xi32>
      %gather3A_1074 = tpu.dynamic_gather %masked_cumsum3A_1071[%gather3A_1073] in [0] : vector<16xi32>, vector<16xi32> -> vector<16xi32>
      %add3A_1075 = arith.addi %add3A_1020, %gather3A_1074 : vector<16xi32>
      %get3A_1076 = arith.constant 208 : index
      %get3A_1077 = tpu.vector_load %arg7[%get3A_1076] {strides = array<i32>} : memref<256xi32, #tpu.memory_space<vmem>>, vector<16xi32>,
      %rev3A_1078 = arith.constant 15 : i32
      %rev3A_1079 = vector.broadcast %rev3A_1078 : i32 to vector<16xi32>
      %rev3A_1080 = tpu.iota {dimensions = array<i32: 0>} : vector<16xi32>
      %rev3A_1081 = arith.subi %rev3A_1079, %rev3A_1080 : vector<16xi32>
      %rev3A_1082 = tpu.dynamic_gather %get3A_1077[%rev3A_1081] in [0] : vector<16xi32>, vector<16xi32> -> vector<16xi32>
      %broadcast_in_dim3A_1083 = arith.constant true
      %broadcast_in_dim3A_1084 = vector.broadcast %broadcast_in_dim3A_1083 : i1 to vector<16xi1>
      %masked_cumsum3A_1085 = tpu.scan <sum>, %rev3A_1082 masked %broadcast_in_dim3A_1084 : vector<16xi32>, vector<16xi1> -> vector<16xi32>
      %rev3A_1086 = arith.constant 15 : i32
      %rev3A_1087 = vector.broadcast %rev3A_1086 : i32 to vector<16xi32>
      %rev3A_1088 = tpu.iota {dimensions = array<i32: 0>} : vector<16xi32>
      %rev3A_1089 = arith.subi %rev3A_1087, %rev3A_1088 : vector<16xi32>
      %rev3A_1090 = tpu.dynamic_gather %masked_cumsum3A_1085[%rev3A_1089] in [0] : vector<16xi32>, vector<16xi32> -> vector<16xi32>
      %add3A_1091 = arith.addi %rev3A_1090, %add3A_1075 : vector<16xi32>
      %ge3A_1092 = arith.cmpi sge, %add3A_1091, %select_n3A_913 : vector<16xi32>
      %all_reduce_population_count3A_1093 = tpu.all_reduce %ge3A_1092 {dim = 0 : i64, kind = #tpu.reduction_kind<sum>} : vector<16xi1> -> vector<16xi32>
      %sub3A_1094 = arith.constant 1 : i32
      %sub3A_1095 = vector.broadcast %sub3A_1094 : i32 to vector<16xi32>
      %sub3A_1096 = arith.subi %all_reduce_population_count3A_1093, %sub3A_1095 : vector<16xi32>
      %max3A_1097 = arith.constant 0 : i32
      %max3A_1098 = vector.broadcast %max3A_1097 : i32 to vector<16xi32>
      %max3A_1099 = arith.maxsi %sub3A_1096, %max3A_1098 : vector<16xi32>
      %broadcast_in_dim3A_1100 = vector.shape_cast %max3A_1099 : vector<16xi32> to vector<16x1xi32>
      %gather3A_1101 = vector.shape_cast %broadcast_in_dim3A_1100 : vector<16x1xi32> to vector<16xi32>
      %gather3A_1102 = tpu.dynamic_gather %rev3A_1090[%gather3A_1101] in [0] : vector<16xi32>, vector<16xi32> -> vector<16xi32>
      %add3A_1103 = arith.addi %gather3A_1102, %add3A_1075 : vector<16xi32>
      %broadcast_in_dim3A_1104 = vector.shape_cast %max3A_1099 : vector<16xi32> to vector<16x1xi32>
      %gather3A_1105 = vector.shape_cast %broadcast_in_dim3A_1104 : vector<16x1xi32> to vector<16xi32>
      %gather3A_1106 = tpu.dynamic_gather %get3A_1077[%gather3A_1105] in [0] : vector<16xi32>, vector<16xi32> -> vector<16xi32>
      %gt3A_1107 = arith.constant 0 : i32
      %gt3A_1108 = vector.broadcast %gt3A_1107 : i32 to vector<16xi32>
      %gt3A_1109 = arith.cmpi sgt, %all_reduce_population_count3A_1093, %gt3A_1108 : vector<16xi32>
      %eq3A_1110 = arith.constant 0 : i32
      %eq3A_1111 = vector.broadcast %eq3A_1110 : i32 to vector<16xi32>
      %eq3A_1112 = arith.cmpi eq, %select_n3A_1068, %eq3A_1111 : vector<16xi32>
      %and3A_1113 = arith.andi %gt3A_1109, %eq3A_1112 : vector<16xi1>
      %add3A_1114 = arith.constant 208 : i32
      %add3A_1115 = vector.broadcast %add3A_1114 : i32 to vector<16xi32>
      %add3A_1116 = arith.addi %add3A_1115, %max3A_1099 : vector<16xi32>
      %select_n3A_1117 = arith.select %and3A_1113, %add3A_1116, %select_n3A_1062 : vector<16xi1>, vector<16xi32>
      %sub3A_1118 = arith.subi %add3A_1103, %gather3A_1106 : vector<16xi32>
      %sub3A_1119 = arith.subi %select_n3A_913, %sub3A_1118 : vector<16xi32>
      %select_n3A_1120 = arith.select %and3A_1113, %sub3A_1119, %select_n3A_1065 : vector<16xi1>, vector<16xi32>
      %jit3A_1121 = arith.constant 1 : i32
      %broadcast_in_dim3A_1122 = vector.broadcast %jit3A_1121 : i32 to vector<16xi32>
      %select_n3A_1123 = arith.select %and3A_1113, %broadcast_in_dim3A_1122, %select_n3A_1068 : vector<16xi1>, vector<16xi32>
      %broadcast_in_dim3A_1124 = arith.constant true
      %broadcast_in_dim3A_1125 = vector.broadcast %broadcast_in_dim3A_1124 : i1 to vector<16xi1>
      %masked_cumsum3A_1126 = tpu.scan <sum>, %get3A_1077 masked %broadcast_in_dim3A_1125 : vector<16xi32>, vector<16xi1> -> vector<16xi32>
      %broadcast_in_dim3A_1127 = vector.shape_cast %broadcast_in_dim3A_7 : vector<16xi32> to vector<16x1xi32>
      %gather3A_1128 = vector.shape_cast %broadcast_in_dim3A_1127 : vector<16x1xi32> to vector<16xi32>
      %gather3A_1129 = tpu.dynamic_gather %masked_cumsum3A_1126[%gather3A_1128] in [0] : vector<16xi32>, vector<16xi32> -> vector<16xi32>
      %add3A_1130 = arith.addi %add3A_1075, %gather3A_1129 : vector<16xi32>
      %get3A_1131 = arith.constant 192 : index
      %get3A_1132 = tpu.vector_load %arg7[%get3A_1131] {strides = array<i32>} : memref<256xi32, #tpu.memory_space<vmem>>, vector<16xi32>,
      %rev3A_1133 = arith.constant 15 : i32
      %rev3A_1134 = vector.broadcast %rev3A_1133 : i32 to vector<16xi32>
      %rev3A_1135 = tpu.iota {dimensions = array<i32: 0>} : vector<16xi32>
      %rev3A_1136 = arith.subi %rev3A_1134, %rev3A_1135 : vector<16xi32>
      %rev3A_1137 = tpu.dynamic_gather %get3A_1132[%rev3A_1136] in [0] : vector<16xi32>, vector<16xi32> -> vector<16xi32>
      %broadcast_in_dim3A_1138 = arith.constant true
      %broadcast_in_dim3A_1139 = vector.broadcast %broadcast_in_dim3A_1138 : i1 to vector<16xi1>
      %masked_cumsum3A_1140 = tpu.scan <sum>, %rev3A_1137 masked %broadcast_in_dim3A_1139 : vector<16xi32>, vector<16xi1> -> vector<16xi32>
      %rev3A_1141 = arith.constant 15 : i32
      %rev3A_1142 = vector.broadcast %rev3A_1141 : i32 to vector<16xi32>
      %rev3A_1143 = tpu.iota {dimensions = array<i32: 0>} : vector<16xi32>
      %rev3A_1144 = arith.subi %rev3A_1142, %rev3A_1143 : vector<16xi32>
      %rev3A_1145 = tpu.dynamic_gather %masked_cumsum3A_1140[%rev3A_1144] in [0] : vector<16xi32>, vector<16xi32> -> vector<16xi32>
      %add3A_1146 = arith.addi %rev3A_1145, %add3A_1130 : vector<16xi32>
      %ge3A_1147 = arith.cmpi sge, %add3A_1146, %select_n3A_913 : vector<16xi32>
      %all_reduce_population_count3A_1148 = tpu.all_reduce %ge3A_1147 {dim = 0 : i64, kind = #tpu.reduction_kind<sum>} : vector<16xi1> -> vector<16xi32>
      %sub3A_1149 = arith.constant 1 : i32
      %sub3A_1150 = vector.broadcast %sub3A_1149 : i32 to vector<16xi32>
      %sub3A_1151 = arith.subi %all_reduce_population_count3A_1148, %sub3A_1150 : vector<16xi32>
      %max3A_1152 = arith.constant 0 : i32
      %max3A_1153 = vector.broadcast %max3A_1152 : i32 to vector<16xi32>
      %max3A_1154 = arith.maxsi %sub3A_1151, %max3A_1153 : vector<16xi32>
      %broadcast_in_dim3A_1155 = vector.shape_cast %max3A_1154 : vector<16xi32> to vector<16x1xi32>
      %gather3A_1156 = vector.shape_cast %broadcast_in_dim3A_1155 : vector<16x1xi32> to vector<16xi32>
      %gather3A_1157 = tpu.dynamic_gather %rev3A_1145[%gather3A_1156] in [0] : vector<16xi32>, vector<16xi32> -> vector<16xi32>
      %add3A_1158 = arith.addi %gather3A_1157, %add3A_1130 : vector<16xi32>
      %broadcast_in_dim3A_1159 = vector.shape_cast %max3A_1154 : vector<16xi32> to vector<16x1xi32>
      %gather3A_1160 = vector.shape_cast %broadcast_in_dim3A_1159 : vector<16x1xi32> to vector<16xi32>
      %gather3A_1161 = tpu.dynamic_gather %get3A_1132[%gather3A_1160] in [0] : vector<16xi32>, vector<16xi32> -> vector<16xi32>
      %gt3A_1162 = arith.constant 0 : i32
      %gt3A_1163 = vector.broadcast %gt3A_1162 : i32 to vector<16xi32>
      %gt3A_1164 = arith.cmpi sgt, %all_reduce_population_count3A_1148, %gt3A_1163 : vector<16xi32>
      %eq3A_1165 = arith.constant 0 : i32
      %eq3A_1166 = vector.broadcast %eq3A_1165 : i32 to vector<16xi32>
      %eq3A_1167 = arith.cmpi eq, %select_n3A_1123, %eq3A_1166 : vector<16xi32>
      %and3A_1168 = arith.andi %gt3A_1164, %eq3A_1167 : vector<16xi1>
      %add3A_1169 = arith.constant 192 : i32
      %add3A_1170 = vector.broadcast %add3A_1169 : i32 to vector<16xi32>
      %add3A_1171 = arith.addi %add3A_1170, %max3A_1154 : vector<16xi32>
      %select_n3A_1172 = arith.select %and3A_1168, %add3A_1171, %select_n3A_1117 : vector<16xi1>, vector<16xi32>
      %sub3A_1173 = arith.subi %add3A_1158, %gather3A_1161 : vector<16xi32>
      %sub3A_1174 = arith.subi %select_n3A_913, %sub3A_1173 : vector<16xi32>
      %select_n3A_1175 = arith.select %and3A_1168, %sub3A_1174, %select_n3A_1120 : vector<16xi1>, vector<16xi32>
      %jit3A_1176 = arith.constant 1 : i32
      %broadcast_in_dim3A_1177 = vector.broadcast %jit3A_1176 : i32 to vector<16xi32>
      %select_n3A_1178 = arith.select %and3A_1168, %broadcast_in_dim3A_1177, %select_n3A_1123 : vector<16xi1>, vector<16xi32>
      %broadcast_in_dim3A_1179 = arith.constant true
      %broadcast_in_dim3A_1180 = vector.broadcast %broadcast_in_dim3A_1179 : i1 to vector<16xi1>
      %masked_cumsum3A_1181 = tpu.scan <sum>, %get3A_1132 masked %broadcast_in_dim3A_1180 : vector<16xi32>, vector<16xi1> -> vector<16xi32>
      %broadcast_in_dim3A_1182 = vector.shape_cast %broadcast_in_dim3A_7 : vector<16xi32> to vector<16x1xi32>
      %gather3A_1183 = vector.shape_cast %broadcast_in_dim3A_1182 : vector<16x1xi32> to vector<16xi32>
      %gather3A_1184 = tpu.dynamic_gather %masked_cumsum3A_1181[%gather3A_1183] in [0] : vector<16xi32>, vector<16xi32> -> vector<16xi32>
      %add3A_1185 = arith.addi %add3A_1130, %gather3A_1184 : vector<16xi32>
      %get3A_1186 = arith.constant 176 : index
      %get3A_1187 = tpu.vector_load %arg7[%get3A_1186] {strides = array<i32>} : memref<256xi32, #tpu.memory_space<vmem>>, vector<16xi32>,
      %rev3A_1188 = arith.constant 15 : i32
      %rev3A_1189 = vector.broadcast %rev3A_1188 : i32 to vector<16xi32>
      %rev3A_1190 = tpu.iota {dimensions = array<i32: 0>} : vector<16xi32>
      %rev3A_1191 = arith.subi %rev3A_1189, %rev3A_1190 : vector<16xi32>
      %rev3A_1192 = tpu.dynamic_gather %get3A_1187[%rev3A_1191] in [0] : vector<16xi32>, vector<16xi32> -> vector<16xi32>
      %broadcast_in_dim3A_1193 = arith.constant true
      %broadcast_in_dim3A_1194 = vector.broadcast %broadcast_in_dim3A_1193 : i1 to vector<16xi1>
      %masked_cumsum3A_1195 = tpu.scan <sum>, %rev3A_1192 masked %broadcast_in_dim3A_1194 : vector<16xi32>, vector<16xi1> -> vector<16xi32>
      %rev3A_1196 = arith.constant 15 : i32
      %rev3A_1197 = vector.broadcast %rev3A_1196 : i32 to vector<16xi32>
      %rev3A_1198 = tpu.iota {dimensions = array<i32: 0>} : vector<16xi32>
      %rev3A_1199 = arith.subi %rev3A_1197, %rev3A_1198 : vector<16xi32>
      %rev3A_1200 = tpu.dynamic_gather %masked_cumsum3A_1195[%rev3A_1199] in [0] : vector<16xi32>, vector<16xi32> -> vector<16xi32>
      %add3A_1201 = arith.addi %rev3A_1200, %add3A_1185 : vector<16xi32>
      %ge3A_1202 = arith.cmpi sge, %add3A_1201, %select_n3A_913 : vector<16xi32>
      %all_reduce_population_count3A_1203 = tpu.all_reduce %ge3A_1202 {dim = 0 : i64, kind = #tpu.reduction_kind<sum>} : vector<16xi1> -> vector<16xi32>
      %sub3A_1204 = arith.constant 1 : i32
      %sub3A_1205 = vector.broadcast %sub3A_1204 : i32 to vector<16xi32>
      %sub3A_1206 = arith.subi %all_reduce_population_count3A_1203, %sub3A_1205 : vector<16xi32>
      %max3A_1207 = arith.constant 0 : i32
      %max3A_1208 = vector.broadcast %max3A_1207 : i32 to vector<16xi32>
      %max3A_1209 = arith.maxsi %sub3A_1206, %max3A_1208 : vector<16xi32>
      %broadcast_in_dim3A_1210 = vector.shape_cast %max3A_1209 : vector<16xi32> to vector<16x1xi32>
      %gather3A_1211 = vector.shape_cast %broadcast_in_dim3A_1210 : vector<16x1xi32> to vector<16xi32>
      %gather3A_1212 = tpu.dynamic_gather %rev3A_1200[%gather3A_1211] in [0] : vector<16xi32>, vector<16xi32> -> vector<16xi32>
      %add3A_1213 = arith.addi %gather3A_1212, %add3A_1185 : vector<16xi32>
      %broadcast_in_dim3A_1214 = vector.shape_cast %max3A_1209 : vector<16xi32> to vector<16x1xi32>
      %gather3A_1215 = vector.shape_cast %broadcast_in_dim3A_1214 : vector<16x1xi32> to vector<16xi32>
      %gather3A_1216 = tpu.dynamic_gather %get3A_1187[%gather3A_1215] in [0] : vector<16xi32>, vector<16xi32> -> vector<16xi32>
      %gt3A_1217 = arith.constant 0 : i32
      %gt3A_1218 = vector.broadcast %gt3A_1217 : i32 to vector<16xi32>
      %gt3A_1219 = arith.cmpi sgt, %all_reduce_population_count3A_1203, %gt3A_1218 : vector<16xi32>
      %eq3A_1220 = arith.constant 0 : i32
      %eq3A_1221 = vector.broadcast %eq3A_1220 : i32 to vector<16xi32>
      %eq3A_1222 = arith.cmpi eq, %select_n3A_1178, %eq3A_1221 : vector<16xi32>
      %and3A_1223 = arith.andi %gt3A_1219, %eq3A_1222 : vector<16xi1>
      %add3A_1224 = arith.constant 176 : i32
      %add3A_1225 = vector.broadcast %add3A_1224 : i32 to vector<16xi32>
      %add3A_1226 = arith.addi %add3A_1225, %max3A_1209 : vector<16xi32>
      %select_n3A_1227 = arith.select %and3A_1223, %add3A_1226, %select_n3A_1172 : vector<16xi1>, vector<16xi32>
      %sub3A_1228 = arith.subi %add3A_1213, %gather3A_1216 : vector<16xi32>
      %sub3A_1229 = arith.subi %select_n3A_913, %sub3A_1228 : vector<16xi32>
      %select_n3A_1230 = arith.select %and3A_1223, %sub3A_1229, %select_n3A_1175 : vector<16xi1>, vector<16xi32>
      %jit3A_1231 = arith.constant 1 : i32
      %broadcast_in_dim3A_1232 = vector.broadcast %jit3A_1231 : i32 to vector<16xi32>
      %select_n3A_1233 = arith.select %and3A_1223, %broadcast_in_dim3A_1232, %select_n3A_1178 : vector<16xi1>, vector<16xi32>
      %broadcast_in_dim3A_1234 = arith.constant true
      %broadcast_in_dim3A_1235 = vector.broadcast %broadcast_in_dim3A_1234 : i1 to vector<16xi1>
      %masked_cumsum3A_1236 = tpu.scan <sum>, %get3A_1187 masked %broadcast_in_dim3A_1235 : vector<16xi32>, vector<16xi1> -> vector<16xi32>
      %broadcast_in_dim3A_1237 = vector.shape_cast %broadcast_in_dim3A_7 : vector<16xi32> to vector<16x1xi32>
      %gather3A_1238 = vector.shape_cast %broadcast_in_dim3A_1237 : vector<16x1xi32> to vector<16xi32>
      %gather3A_1239 = tpu.dynamic_gather %masked_cumsum3A_1236[%gather3A_1238] in [0] : vector<16xi32>, vector<16xi32> -> vector<16xi32>
      %add3A_1240 = arith.addi %add3A_1185, %gather3A_1239 : vector<16xi32>
      %get3A_1241 = arith.constant 160 : index
      %get3A_1242 = tpu.vector_load %arg7[%get3A_1241] {strides = array<i32>} : memref<256xi32, #tpu.memory_space<vmem>>, vector<16xi32>,
      %rev3A_1243 = arith.constant 15 : i32
      %rev3A_1244 = vector.broadcast %rev3A_1243 : i32 to vector<16xi32>
      %rev3A_1245 = tpu.iota {dimensions = array<i32: 0>} : vector<16xi32>
      %rev3A_1246 = arith.subi %rev3A_1244, %rev3A_1245 : vector<16xi32>
      %rev3A_1247 = tpu.dynamic_gather %get3A_1242[%rev3A_1246] in [0] : vector<16xi32>, vector<16xi32> -> vector<16xi32>
      %broadcast_in_dim3A_1248 = arith.constant true
      %broadcast_in_dim3A_1249 = vector.broadcast %broadcast_in_dim3A_1248 : i1 to vector<16xi1>
      %masked_cumsum3A_1250 = tpu.scan <sum>, %rev3A_1247 masked %broadcast_in_dim3A_1249 : vector<16xi32>, vector<16xi1> -> vector<16xi32>
      %rev3A_1251 = arith.constant 15 : i32
      %rev3A_1252 = vector.broadcast %rev3A_1251 : i32 to vector<16xi32>
      %rev3A_1253 = tpu.iota {dimensions = array<i32: 0>} : vector<16xi32>
      %rev3A_1254 = arith.subi %rev3A_1252, %rev3A_1253 : vector<16xi32>
      %rev3A_1255 = tpu.dynamic_gather %masked_cumsum3A_1250[%rev3A_1254] in [0] : vector<16xi32>, vector<16xi32> -> vector<16xi32>
      %add3A_1256 = arith.addi %rev3A_1255, %add3A_1240 : vector<16xi32>
      %ge3A_1257 = arith.cmpi sge, %add3A_1256, %select_n3A_913 : vector<16xi32>
      %all_reduce_population_count3A_1258 = tpu.all_reduce %ge3A_1257 {dim = 0 : i64, kind = #tpu.reduction_kind<sum>} : vector<16xi1> -> vector<16xi32>
      %sub3A_1259 = arith.constant 1 : i32
      %sub3A_1260 = vector.broadcast %sub3A_1259 : i32 to vector<16xi32>
      %sub3A_1261 = arith.subi %all_reduce_population_count3A_1258, %sub3A_1260 : vector<16xi32>
      %max3A_1262 = arith.constant 0 : i32
      %max3A_1263 = vector.broadcast %max3A_1262 : i32 to vector<16xi32>
      %max3A_1264 = arith.maxsi %sub3A_1261, %max3A_1263 : vector<16xi32>
      %broadcast_in_dim3A_1265 = vector.shape_cast %max3A_1264 : vector<16xi32> to vector<16x1xi32>
      %gather3A_1266 = vector.shape_cast %broadcast_in_dim3A_1265 : vector<16x1xi32> to vector<16xi32>
      %gather3A_1267 = tpu.dynamic_gather %rev3A_1255[%gather3A_1266] in [0] : vector<16xi32>, vector<16xi32> -> vector<16xi32>
      %add3A_1268 = arith.addi %gather3A_1267, %add3A_1240 : vector<16xi32>
      %broadcast_in_dim3A_1269 = vector.shape_cast %max3A_1264 : vector<16xi32> to vector<16x1xi32>
      %gather3A_1270 = vector.shape_cast %broadcast_in_dim3A_1269 : vector<16x1xi32> to vector<16xi32>
      %gather3A_1271 = tpu.dynamic_gather %get3A_1242[%gather3A_1270] in [0] : vector<16xi32>, vector<16xi32> -> vector<16xi32>
      %gt3A_1272 = arith.constant 0 : i32
      %gt3A_1273 = vector.broadcast %gt3A_1272 : i32 to vector<16xi32>
      %gt3A_1274 = arith.cmpi sgt, %all_reduce_population_count3A_1258, %gt3A_1273 : vector<16xi32>
      %eq3A_1275 = arith.constant 0 : i32
      %eq3A_1276 = vector.broadcast %eq3A_1275 : i32 to vector<16xi32>
      %eq3A_1277 = arith.cmpi eq, %select_n3A_1233, %eq3A_1276 : vector<16xi32>
      %and3A_1278 = arith.andi %gt3A_1274, %eq3A_1277 : vector<16xi1>
      %add3A_1279 = arith.constant 160 : i32
      %add3A_1280 = vector.broadcast %add3A_1279 : i32 to vector<16xi32>
      %add3A_1281 = arith.addi %add3A_1280, %max3A_1264 : vector<16xi32>
      %select_n3A_1282 = arith.select %and3A_1278, %add3A_1281, %select_n3A_1227 : vector<16xi1>, vector<16xi32>
      %sub3A_1283 = arith.subi %add3A_1268, %gather3A_1271 : vector<16xi32>
      %sub3A_1284 = arith.subi %select_n3A_913, %sub3A_1283 : vector<16xi32>
      %select_n3A_1285 = arith.select %and3A_1278, %sub3A_1284, %select_n3A_1230 : vector<16xi1>, vector<16xi32>
      %jit3A_1286 = arith.constant 1 : i32
      %broadcast_in_dim3A_1287 = vector.broadcast %jit3A_1286 : i32 to vector<16xi32>
      %select_n3A_1288 = arith.select %and3A_1278, %broadcast_in_dim3A_1287, %select_n3A_1233 : vector<16xi1>, vector<16xi32>
      %broadcast_in_dim3A_1289 = arith.constant true
      %broadcast_in_dim3A_1290 = vector.broadcast %broadcast_in_dim3A_1289 : i1 to vector<16xi1>
      %masked_cumsum3A_1291 = tpu.scan <sum>, %get3A_1242 masked %broadcast_in_dim3A_1290 : vector<16xi32>, vector<16xi1> -> vector<16xi32>
      %broadcast_in_dim3A_1292 = vector.shape_cast %broadcast_in_dim3A_7 : vector<16xi32> to vector<16x1xi32>
      %gather3A_1293 = vector.shape_cast %broadcast_in_dim3A_1292 : vector<16x1xi32> to vector<16xi32>
      %gather3A_1294 = tpu.dynamic_gather %masked_cumsum3A_1291[%gather3A_1293] in [0] : vector<16xi32>, vector<16xi32> -> vector<16xi32>
      %add3A_1295 = arith.addi %add3A_1240, %gather3A_1294 : vector<16xi32>
      %get3A_1296 = arith.constant 144 : index
      %get3A_1297 = tpu.vector_load %arg7[%get3A_1296] {strides = array<i32>} : memref<256xi32, #tpu.memory_space<vmem>>, vector<16xi32>,
      %rev3A_1298 = arith.constant 15 : i32
      %rev3A_1299 = vector.broadcast %rev3A_1298 : i32 to vector<16xi32>
      %rev3A_1300 = tpu.iota {dimensions = array<i32: 0>} : vector<16xi32>
      %rev3A_1301 = arith.subi %rev3A_1299, %rev3A_1300 : vector<16xi32>
      %rev3A_1302 = tpu.dynamic_gather %get3A_1297[%rev3A_1301] in [0] : vector<16xi32>, vector<16xi32> -> vector<16xi32>
      %broadcast_in_dim3A_1303 = arith.constant true
      %broadcast_in_dim3A_1304 = vector.broadcast %broadcast_in_dim3A_1303 : i1 to vector<16xi1>
      %masked_cumsum3A_1305 = tpu.scan <sum>, %rev3A_1302 masked %broadcast_in_dim3A_1304 : vector<16xi32>, vector<16xi1> -> vector<16xi32>
      %rev3A_1306 = arith.constant 15 : i32
      %rev3A_1307 = vector.broadcast %rev3A_1306 : i32 to vector<16xi32>
      %rev3A_1308 = tpu.iota {dimensions = array<i32: 0>} : vector<16xi32>
      %rev3A_1309 = arith.subi %rev3A_1307, %rev3A_1308 : vector<16xi32>
      %rev3A_1310 = tpu.dynamic_gather %masked_cumsum3A_1305[%rev3A_1309] in [0] : vector<16xi32>, vector<16xi32> -> vector<16xi32>
      %add3A_1311 = arith.addi %rev3A_1310, %add3A_1295 : vector<16xi32>
      %ge3A_1312 = arith.cmpi sge, %add3A_1311, %select_n3A_913 : vector<16xi32>
      %all_reduce_population_count3A_1313 = tpu.all_reduce %ge3A_1312 {dim = 0 : i64, kind = #tpu.reduction_kind<sum>} : vector<16xi1> -> vector<16xi32>
      %sub3A_1314 = arith.constant 1 : i32
      %sub3A_1315 = vector.broadcast %sub3A_1314 : i32 to vector<16xi32>
      %sub3A_1316 = arith.subi %all_reduce_population_count3A_1313, %sub3A_1315 : vector<16xi32>
      %max3A_1317 = arith.constant 0 : i32
      %max3A_1318 = vector.broadcast %max3A_1317 : i32 to vector<16xi32>
      %max3A_1319 = arith.maxsi %sub3A_1316, %max3A_1318 : vector<16xi32>
      %broadcast_in_dim3A_1320 = vector.shape_cast %max3A_1319 : vector<16xi32> to vector<16x1xi32>
      %gather3A_1321 = vector.shape_cast %broadcast_in_dim3A_1320 : vector<16x1xi32> to vector<16xi32>
      %gather3A_1322 = tpu.dynamic_gather %rev3A_1310[%gather3A_1321] in [0] : vector<16xi32>, vector<16xi32> -> vector<16xi32>
      %add3A_1323 = arith.addi %gather3A_1322, %add3A_1295 : vector<16xi32>
      %broadcast_in_dim3A_1324 = vector.shape_cast %max3A_1319 : vector<16xi32> to vector<16x1xi32>
      %gather3A_1325 = vector.shape_cast %broadcast_in_dim3A_1324 : vector<16x1xi32> to vector<16xi32>
      %gather3A_1326 = tpu.dynamic_gather %get3A_1297[%gather3A_1325] in [0] : vector<16xi32>, vector<16xi32> -> vector<16xi32>
      %gt3A_1327 = arith.constant 0 : i32
      %gt3A_1328 = vector.broadcast %gt3A_1327 : i32 to vector<16xi32>
      %gt3A_1329 = arith.cmpi sgt, %all_reduce_population_count3A_1313, %gt3A_1328 : vector<16xi32>
      %eq3A_1330 = arith.constant 0 : i32
      %eq3A_1331 = vector.broadcast %eq3A_1330 : i32 to vector<16xi32>
      %eq3A_1332 = arith.cmpi eq, %select_n3A_1288, %eq3A_1331 : vector<16xi32>
      %and3A_1333 = arith.andi %gt3A_1329, %eq3A_1332 : vector<16xi1>
      %add3A_1334 = arith.constant 144 : i32
      %add3A_1335 = vector.broadcast %add3A_1334 : i32 to vector<16xi32>
      %add3A_1336 = arith.addi %add3A_1335, %max3A_1319 : vector<16xi32>
      %select_n3A_1337 = arith.select %and3A_1333, %add3A_1336, %select_n3A_1282 : vector<16xi1>, vector<16xi32>
      %sub3A_1338 = arith.subi %add3A_1323, %gather3A_1326 : vector<16xi32>
      %sub3A_1339 = arith.subi %select_n3A_913, %sub3A_1338 : vector<16xi32>
      %select_n3A_1340 = arith.select %and3A_1333, %sub3A_1339, %select_n3A_1285 : vector<16xi1>, vector<16xi32>
      %jit3A_1341 = arith.constant 1 : i32
      %broadcast_in_dim3A_1342 = vector.broadcast %jit3A_1341 : i32 to vector<16xi32>
      %select_n3A_1343 = arith.select %and3A_1333, %broadcast_in_dim3A_1342, %select_n3A_1288 : vector<16xi1>, vector<16xi32>
      %broadcast_in_dim3A_1344 = arith.constant true
      %broadcast_in_dim3A_1345 = vector.broadcast %broadcast_in_dim3A_1344 : i1 to vector<16xi1>
      %masked_cumsum3A_1346 = tpu.scan <sum>, %get3A_1297 masked %broadcast_in_dim3A_1345 : vector<16xi32>, vector<16xi1> -> vector<16xi32>
      %broadcast_in_dim3A_1347 = vector.shape_cast %broadcast_in_dim3A_7 : vector<16xi32> to vector<16x1xi32>
      %gather3A_1348 = vector.shape_cast %broadcast_in_dim3A_1347 : vector<16x1xi32> to vector<16xi32>
      %gather3A_1349 = tpu.dynamic_gather %masked_cumsum3A_1346[%gather3A_1348] in [0] : vector<16xi32>, vector<16xi32> -> vector<16xi32>
      %add3A_1350 = arith.addi %add3A_1295, %gather3A_1349 : vector<16xi32>
      %get3A_1351 = arith.constant 128 : index
      %get3A_1352 = tpu.vector_load %arg7[%get3A_1351] {strides = array<i32>} : memref<256xi32, #tpu.memory_space<vmem>>, vector<16xi32>,
      %rev3A_1353 = arith.constant 15 : i32
      %rev3A_1354 = vector.broadcast %rev3A_1353 : i32 to vector<16xi32>
      %rev3A_1355 = tpu.iota {dimensions = array<i32: 0>} : vector<16xi32>
      %rev3A_1356 = arith.subi %rev3A_1354, %rev3A_1355 : vector<16xi32>
      %rev3A_1357 = tpu.dynamic_gather %get3A_1352[%rev3A_1356] in [0] : vector<16xi32>, vector<16xi32> -> vector<16xi32>
      %broadcast_in_dim3A_1358 = arith.constant true
      %broadcast_in_dim3A_1359 = vector.broadcast %broadcast_in_dim3A_1358 : i1 to vector<16xi1>
      %masked_cumsum3A_1360 = tpu.scan <sum>, %rev3A_1357 masked %broadcast_in_dim3A_1359 : vector<16xi32>, vector<16xi1> -> vector<16xi32>
      %rev3A_1361 = arith.constant 15 : i32
      %rev3A_1362 = vector.broadcast %rev3A_1361 : i32 to vector<16xi32>
      %rev3A_1363 = tpu.iota {dimensions = array<i32: 0>} : vector<16xi32>
      %rev3A_1364 = arith.subi %rev3A_1362, %rev3A_1363 : vector<16xi32>
      %rev3A_1365 = tpu.dynamic_gather %masked_cumsum3A_1360[%rev3A_1364] in [0] : vector<16xi32>, vector<16xi32> -> vector<16xi32>
      %add3A_1366 = arith.addi %rev3A_1365, %add3A_1350 : vector<16xi32>
      %ge3A_1367 = arith.cmpi sge, %add3A_1366, %select_n3A_913 : vector<16xi32>
      %all_reduce_population_count3A_1368 = tpu.all_reduce %ge3A_1367 {dim = 0 : i64, kind = #tpu.reduction_kind<sum>} : vector<16xi1> -> vector<16xi32>
      %sub3A_1369 = arith.constant 1 : i32
      %sub3A_1370 = vector.broadcast %sub3A_1369 : i32 to vector<16xi32>
      %sub3A_1371 = arith.subi %all_reduce_population_count3A_1368, %sub3A_1370 : vector<16xi32>
      %max3A_1372 = arith.constant 0 : i32
      %max3A_1373 = vector.broadcast %max3A_1372 : i32 to vector<16xi32>
      %max3A_1374 = arith.maxsi %sub3A_1371, %max3A_1373 : vector<16xi32>
      %broadcast_in_dim3A_1375 = vector.shape_cast %max3A_1374 : vector<16xi32> to vector<16x1xi32>
      %gather3A_1376 = vector.shape_cast %broadcast_in_dim3A_1375 : vector<16x1xi32> to vector<16xi32>
      %gather3A_1377 = tpu.dynamic_gather %rev3A_1365[%gather3A_1376] in [0] : vector<16xi32>, vector<16xi32> -> vector<16xi32>
      %add3A_1378 = arith.addi %gather3A_1377, %add3A_1350 : vector<16xi32>
      %broadcast_in_dim3A_1379 = vector.shape_cast %max3A_1374 : vector<16xi32> to vector<16x1xi32>
      %gather3A_1380 = vector.shape_cast %broadcast_in_dim3A_1379 : vector<16x1xi32> to vector<16xi32>
      %gather3A_1381 = tpu.dynamic_gather %get3A_1352[%gather3A_1380] in [0] : vector<16xi32>, vector<16xi32> -> vector<16xi32>
      %gt3A_1382 = arith.constant 0 : i32
      %gt3A_1383 = vector.broadcast %gt3A_1382 : i32 to vector<16xi32>
      %gt3A_1384 = arith.cmpi sgt, %all_reduce_population_count3A_1368, %gt3A_1383 : vector<16xi32>
      %eq3A_1385 = arith.constant 0 : i32
      %eq3A_1386 = vector.broadcast %eq3A_1385 : i32 to vector<16xi32>
      %eq3A_1387 = arith.cmpi eq, %select_n3A_1343, %eq3A_1386 : vector<16xi32>
      %and3A_1388 = arith.andi %gt3A_1384, %eq3A_1387 : vector<16xi1>
      %add3A_1389 = arith.constant 128 : i32
      %add3A_1390 = vector.broadcast %add3A_1389 : i32 to vector<16xi32>
      %add3A_1391 = arith.addi %add3A_1390, %max3A_1374 : vector<16xi32>
      %select_n3A_1392 = arith.select %and3A_1388, %add3A_1391, %select_n3A_1337 : vector<16xi1>, vector<16xi32>
      %sub3A_1393 = arith.subi %add3A_1378, %gather3A_1381 : vector<16xi32>
      %sub3A_1394 = arith.subi %select_n3A_913, %sub3A_1393 : vector<16xi32>
      %select_n3A_1395 = arith.select %and3A_1388, %sub3A_1394, %select_n3A_1340 : vector<16xi1>, vector<16xi32>
      %jit3A_1396 = arith.constant 1 : i32
      %broadcast_in_dim3A_1397 = vector.broadcast %jit3A_1396 : i32 to vector<16xi32>
      %select_n3A_1398 = arith.select %and3A_1388, %broadcast_in_dim3A_1397, %select_n3A_1343 : vector<16xi1>, vector<16xi32>
      %broadcast_in_dim3A_1399 = arith.constant true
      %broadcast_in_dim3A_1400 = vector.broadcast %broadcast_in_dim3A_1399 : i1 to vector<16xi1>
      %masked_cumsum3A_1401 = tpu.scan <sum>, %get3A_1352 masked %broadcast_in_dim3A_1400 : vector<16xi32>, vector<16xi1> -> vector<16xi32>
      %broadcast_in_dim3A_1402 = vector.shape_cast %broadcast_in_dim3A_7 : vector<16xi32> to vector<16x1xi32>
      %gather3A_1403 = vector.shape_cast %broadcast_in_dim3A_1402 : vector<16x1xi32> to vector<16xi32>
      %gather3A_1404 = tpu.dynamic_gather %masked_cumsum3A_1401[%gather3A_1403] in [0] : vector<16xi32>, vector<16xi32> -> vector<16xi32>
      %add3A_1405 = arith.addi %add3A_1350, %gather3A_1404 : vector<16xi32>
      %get3A_1406 = arith.constant 112 : index
      %get3A_1407 = tpu.vector_load %arg7[%get3A_1406] {strides = array<i32>} : memref<256xi32, #tpu.memory_space<vmem>>, vector<16xi32>,
      %rev3A_1408 = arith.constant 15 : i32
      %rev3A_1409 = vector.broadcast %rev3A_1408 : i32 to vector<16xi32>
      %rev3A_1410 = tpu.iota {dimensions = array<i32: 0>} : vector<16xi32>
      %rev3A_1411 = arith.subi %rev3A_1409, %rev3A_1410 : vector<16xi32>
      %rev3A_1412 = tpu.dynamic_gather %get3A_1407[%rev3A_1411] in [0] : vector<16xi32>, vector<16xi32> -> vector<16xi32>
      %broadcast_in_dim3A_1413 = arith.constant true
      %broadcast_in_dim3A_1414 = vector.broadcast %broadcast_in_dim3A_1413 : i1 to vector<16xi1>
      %masked_cumsum3A_1415 = tpu.scan <sum>, %rev3A_1412 masked %broadcast_in_dim3A_1414 : vector<16xi32>, vector<16xi1> -> vector<16xi32>
      %rev3A_1416 = arith.constant 15 : i32
      %rev3A_1417 = vector.broadcast %rev3A_1416 : i32 to vector<16xi32>
      %rev3A_1418 = tpu.iota {dimensions = array<i32: 0>} : vector<16xi32>
      %rev3A_1419 = arith.subi %rev3A_1417, %rev3A_1418 : vector<16xi32>
      %rev3A_1420 = tpu.dynamic_gather %masked_cumsum3A_1415[%rev3A_1419] in [0] : vector<16xi32>, vector<16xi32> -> vector<16xi32>
      %add3A_1421 = arith.addi %rev3A_1420, %add3A_1405 : vector<16xi32>
      %ge3A_1422 = arith.cmpi sge, %add3A_1421, %select_n3A_913 : vector<16xi32>
      %all_reduce_population_count3A_1423 = tpu.all_reduce %ge3A_1422 {dim = 0 : i64, kind = #tpu.reduction_kind<sum>} : vector<16xi1> -> vector<16xi32>
      %sub3A_1424 = arith.constant 1 : i32
      %sub3A_1425 = vector.broadcast %sub3A_1424 : i32 to vector<16xi32>
      %sub3A_1426 = arith.subi %all_reduce_population_count3A_1423, %sub3A_1425 : vector<16xi32>
      %max3A_1427 = arith.constant 0 : i32
      %max3A_1428 = vector.broadcast %max3A_1427 : i32 to vector<16xi32>
      %max3A_1429 = arith.maxsi %sub3A_1426, %max3A_1428 : vector<16xi32>
      %broadcast_in_dim3A_1430 = vector.shape_cast %max3A_1429 : vector<16xi32> to vector<16x1xi32>
      %gather3A_1431 = vector.shape_cast %broadcast_in_dim3A_1430 : vector<16x1xi32> to vector<16xi32>
      %gather3A_1432 = tpu.dynamic_gather %rev3A_1420[%gather3A_1431] in [0] : vector<16xi32>, vector<16xi32> -> vector<16xi32>
      %add3A_1433 = arith.addi %gather3A_1432, %add3A_1405 : vector<16xi32>
      %broadcast_in_dim3A_1434 = vector.shape_cast %max3A_1429 : vector<16xi32> to vector<16x1xi32>
      %gather3A_1435 = vector.shape_cast %broadcast_in_dim3A_1434 : vector<16x1xi32> to vector<16xi32>
      %gather3A_1436 = tpu.dynamic_gather %get3A_1407[%gather3A_1435] in [0] : vector<16xi32>, vector<16xi32> -> vector<16xi32>
      %gt3A_1437 = arith.constant 0 : i32
      %gt3A_1438 = vector.broadcast %gt3A_1437 : i32 to vector<16xi32>
      %gt3A_1439 = arith.cmpi sgt, %all_reduce_population_count3A_1423, %gt3A_1438 : vector<16xi32>
      %eq3A_1440 = arith.constant 0 : i32
      %eq3A_1441 = vector.broadcast %eq3A_1440 : i32 to vector<16xi32>
      %eq3A_1442 = arith.cmpi eq, %select_n3A_1398, %eq3A_1441 : vector<16xi32>
      %and3A_1443 = arith.andi %gt3A_1439, %eq3A_1442 : vector<16xi1>
      %add3A_1444 = arith.constant 112 : i32
      %add3A_1445 = vector.broadcast %add3A_1444 : i32 to vector<16xi32>
      %add3A_1446 = arith.addi %add3A_1445, %max3A_1429 : vector<16xi32>
      %select_n3A_1447 = arith.select %and3A_1443, %add3A_1446, %select_n3A_1392 : vector<16xi1>, vector<16xi32>
      %sub3A_1448 = arith.subi %add3A_1433, %gather3A_1436 : vector<16xi32>
      %sub3A_1449 = arith.subi %select_n3A_913, %sub3A_1448 : vector<16xi32>
      %select_n3A_1450 = arith.select %and3A_1443, %sub3A_1449, %select_n3A_1395 : vector<16xi1>, vector<16xi32>
      %jit3A_1451 = arith.constant 1 : i32
      %broadcast_in_dim3A_1452 = vector.broadcast %jit3A_1451 : i32 to vector<16xi32>
      %select_n3A_1453 = arith.select %and3A_1443, %broadcast_in_dim3A_1452, %select_n3A_1398 : vector<16xi1>, vector<16xi32>
      %broadcast_in_dim3A_1454 = arith.constant true
      %broadcast_in_dim3A_1455 = vector.broadcast %broadcast_in_dim3A_1454 : i1 to vector<16xi1>
      %masked_cumsum3A_1456 = tpu.scan <sum>, %get3A_1407 masked %broadcast_in_dim3A_1455 : vector<16xi32>, vector<16xi1> -> vector<16xi32>
      %broadcast_in_dim3A_1457 = vector.shape_cast %broadcast_in_dim3A_7 : vector<16xi32> to vector<16x1xi32>
      %gather3A_1458 = vector.shape_cast %broadcast_in_dim3A_1457 : vector<16x1xi32> to vector<16xi32>
      %gather3A_1459 = tpu.dynamic_gather %masked_cumsum3A_1456[%gather3A_1458] in [0] : vector<16xi32>, vector<16xi32> -> vector<16xi32>
      %add3A_1460 = arith.addi %add3A_1405, %gather3A_1459 : vector<16xi32>
      %get3A_1461 = arith.constant 96 : index
      %get3A_1462 = tpu.vector_load %arg7[%get3A_1461] {strides = array<i32>} : memref<256xi32, #tpu.memory_space<vmem>>, vector<16xi32>,
      %rev3A_1463 = arith.constant 15 : i32
      %rev3A_1464 = vector.broadcast %rev3A_1463 : i32 to vector<16xi32>
      %rev3A_1465 = tpu.iota {dimensions = array<i32: 0>} : vector<16xi32>
      %rev3A_1466 = arith.subi %rev3A_1464, %rev3A_1465 : vector<16xi32>
      %rev3A_1467 = tpu.dynamic_gather %get3A_1462[%rev3A_1466] in [0] : vector<16xi32>, vector<16xi32> -> vector<16xi32>
      %broadcast_in_dim3A_1468 = arith.constant true
      %broadcast_in_dim3A_1469 = vector.broadcast %broadcast_in_dim3A_1468 : i1 to vector<16xi1>
      %masked_cumsum3A_1470 = tpu.scan <sum>, %rev3A_1467 masked %broadcast_in_dim3A_1469 : vector<16xi32>, vector<16xi1> -> vector<16xi32>
      %rev3A_1471 = arith.constant 15 : i32
      %rev3A_1472 = vector.broadcast %rev3A_1471 : i32 to vector<16xi32>
      %rev3A_1473 = tpu.iota {dimensions = array<i32: 0>} : vector<16xi32>
      %rev3A_1474 = arith.subi %rev3A_1472, %rev3A_1473 : vector<16xi32>
      %rev3A_1475 = tpu.dynamic_gather %masked_cumsum3A_1470[%rev3A_1474] in [0] : vector<16xi32>, vector<16xi32> -> vector<16xi32>
      %add3A_1476 = arith.addi %rev3A_1475, %add3A_1460 : vector<16xi32>
      %ge3A_1477 = arith.cmpi sge, %add3A_1476, %select_n3A_913 : vector<16xi32>
      %all_reduce_population_count3A_1478 = tpu.all_reduce %ge3A_1477 {dim = 0 : i64, kind = #tpu.reduction_kind<sum>} : vector<16xi1> -> vector<16xi32>
      %sub3A_1479 = arith.constant 1 : i32
      %sub3A_1480 = vector.broadcast %sub3A_1479 : i32 to vector<16xi32>
      %sub3A_1481 = arith.subi %all_reduce_population_count3A_1478, %sub3A_1480 : vector<16xi32>
      %max3A_1482 = arith.constant 0 : i32
      %max3A_1483 = vector.broadcast %max3A_1482 : i32 to vector<16xi32>
      %max3A_1484 = arith.maxsi %sub3A_1481, %max3A_1483 : vector<16xi32>
      %broadcast_in_dim3A_1485 = vector.shape_cast %max3A_1484 : vector<16xi32> to vector<16x1xi32>
      %gather3A_1486 = vector.shape_cast %broadcast_in_dim3A_1485 : vector<16x1xi32> to vector<16xi32>
      %gather3A_1487 = tpu.dynamic_gather %rev3A_1475[%gather3A_1486] in [0] : vector<16xi32>, vector<16xi32> -> vector<16xi32>
      %add3A_1488 = arith.addi %gather3A_1487, %add3A_1460 : vector<16xi32>
      %broadcast_in_dim3A_1489 = vector.shape_cast %max3A_1484 : vector<16xi32> to vector<16x1xi32>
      %gather3A_1490 = vector.shape_cast %broadcast_in_dim3A_1489 : vector<16x1xi32> to vector<16xi32>
      %gather3A_1491 = tpu.dynamic_gather %get3A_1462[%gather3A_1490] in [0] : vector<16xi32>, vector<16xi32> -> vector<16xi32>
      %gt3A_1492 = arith.constant 0 : i32
      %gt3A_1493 = vector.broadcast %gt3A_1492 : i32 to vector<16xi32>
      %gt3A_1494 = arith.cmpi sgt, %all_reduce_population_count3A_1478, %gt3A_1493 : vector<16xi32>
      %eq3A_1495 = arith.constant 0 : i32
      %eq3A_1496 = vector.broadcast %eq3A_1495 : i32 to vector<16xi32>
      %eq3A_1497 = arith.cmpi eq, %select_n3A_1453, %eq3A_1496 : vector<16xi32>
      %and3A_1498 = arith.andi %gt3A_1494, %eq3A_1497 : vector<16xi1>
      %add3A_1499 = arith.constant 96 : i32
      %add3A_1500 = vector.broadcast %add3A_1499 : i32 to vector<16xi32>
      %add3A_1501 = arith.addi %add3A_1500, %max3A_1484 : vector<16xi32>
      %select_n3A_1502 = arith.select %and3A_1498, %add3A_1501, %select_n3A_1447 : vector<16xi1>, vector<16xi32>
      %sub3A_1503 = arith.subi %add3A_1488, %gather3A_1491 : vector<16xi32>
      %sub3A_1504 = arith.subi %select_n3A_913, %sub3A_1503 : vector<16xi32>
      %select_n3A_1505 = arith.select %and3A_1498, %sub3A_1504, %select_n3A_1450 : vector<16xi1>, vector<16xi32>
      %jit3A_1506 = arith.constant 1 : i32
      %broadcast_in_dim3A_1507 = vector.broadcast %jit3A_1506 : i32 to vector<16xi32>
      %select_n3A_1508 = arith.select %and3A_1498, %broadcast_in_dim3A_1507, %select_n3A_1453 : vector<16xi1>, vector<16xi32>
      %broadcast_in_dim3A_1509 = arith.constant true
      %broadcast_in_dim3A_1510 = vector.broadcast %broadcast_in_dim3A_1509 : i1 to vector<16xi1>
      %masked_cumsum3A_1511 = tpu.scan <sum>, %get3A_1462 masked %broadcast_in_dim3A_1510 : vector<16xi32>, vector<16xi1> -> vector<16xi32>
      %broadcast_in_dim3A_1512 = vector.shape_cast %broadcast_in_dim3A_7 : vector<16xi32> to vector<16x1xi32>
      %gather3A_1513 = vector.shape_cast %broadcast_in_dim3A_1512 : vector<16x1xi32> to vector<16xi32>
      %gather3A_1514 = tpu.dynamic_gather %masked_cumsum3A_1511[%gather3A_1513] in [0] : vector<16xi32>, vector<16xi32> -> vector<16xi32>
      %add3A_1515 = arith.addi %add3A_1460, %gather3A_1514 : vector<16xi32>
      %get3A_1516 = arith.constant 80 : index
      %get3A_1517 = tpu.vector_load %arg7[%get3A_1516] {strides = array<i32>} : memref<256xi32, #tpu.memory_space<vmem>>, vector<16xi32>,
      %rev3A_1518 = arith.constant 15 : i32
      %rev3A_1519 = vector.broadcast %rev3A_1518 : i32 to vector<16xi32>
      %rev3A_1520 = tpu.iota {dimensions = array<i32: 0>} : vector<16xi32>
      %rev3A_1521 = arith.subi %rev3A_1519, %rev3A_1520 : vector<16xi32>
      %rev3A_1522 = tpu.dynamic_gather %get3A_1517[%rev3A_1521] in [0] : vector<16xi32>, vector<16xi32> -> vector<16xi32>
      %broadcast_in_dim3A_1523 = arith.constant true
      %broadcast_in_dim3A_1524 = vector.broadcast %broadcast_in_dim3A_1523 : i1 to vector<16xi1>
      %masked_cumsum3A_1525 = tpu.scan <sum>, %rev3A_1522 masked %broadcast_in_dim3A_1524 : vector<16xi32>, vector<16xi1> -> vector<16xi32>
      %rev3A_1526 = arith.constant 15 : i32
      %rev3A_1527 = vector.broadcast %rev3A_1526 : i32 to vector<16xi32>
      %rev3A_1528 = tpu.iota {dimensions = array<i32: 0>} : vector<16xi32>
      %rev3A_1529 = arith.subi %rev3A_1527, %rev3A_1528 : vector<16xi32>
      %rev3A_1530 = tpu.dynamic_gather %masked_cumsum3A_1525[%rev3A_1529] in [0] : vector<16xi32>, vector<16xi32> -> vector<16xi32>
      %add3A_1531 = arith.addi %rev3A_1530, %add3A_1515 : vector<16xi32>
      %ge3A_1532 = arith.cmpi sge, %add3A_1531, %select_n3A_913 : vector<16xi32>
      %all_reduce_population_count3A_1533 = tpu.all_reduce %ge3A_1532 {dim = 0 : i64, kind = #tpu.reduction_kind<sum>} : vector<16xi1> -> vector<16xi32>
      %sub3A_1534 = arith.constant 1 : i32
      %sub3A_1535 = vector.broadcast %sub3A_1534 : i32 to vector<16xi32>
      %sub3A_1536 = arith.subi %all_reduce_population_count3A_1533, %sub3A_1535 : vector<16xi32>
      %max3A_1537 = arith.constant 0 : i32
      %max3A_1538 = vector.broadcast %max3A_1537 : i32 to vector<16xi32>
      %max3A_1539 = arith.maxsi %sub3A_1536, %max3A_1538 : vector<16xi32>
      %broadcast_in_dim3A_1540 = vector.shape_cast %max3A_1539 : vector<16xi32> to vector<16x1xi32>
      %gather3A_1541 = vector.shape_cast %broadcast_in_dim3A_1540 : vector<16x1xi32> to vector<16xi32>
      %gather3A_1542 = tpu.dynamic_gather %rev3A_1530[%gather3A_1541] in [0] : vector<16xi32>, vector<16xi32> -> vector<16xi32>
      %add3A_1543 = arith.addi %gather3A_1542, %add3A_1515 : vector<16xi32>
      %broadcast_in_dim3A_1544 = vector.shape_cast %max3A_1539 : vector<16xi32> to vector<16x1xi32>
      %gather3A_1545 = vector.shape_cast %broadcast_in_dim3A_1544 : vector<16x1xi32> to vector<16xi32>
      %gather3A_1546 = tpu.dynamic_gather %get3A_1517[%gather3A_1545] in [0] : vector<16xi32>, vector<16xi32> -> vector<16xi32>
      %gt3A_1547 = arith.constant 0 : i32
      %gt3A_1548 = vector.broadcast %gt3A_1547 : i32 to vector<16xi32>
      %gt3A_1549 = arith.cmpi sgt, %all_reduce_population_count3A_1533, %gt3A_1548 : vector<16xi32>
      %eq3A_1550 = arith.constant 0 : i32
      %eq3A_1551 = vector.broadcast %eq3A_1550 : i32 to vector<16xi32>
      %eq3A_1552 = arith.cmpi eq, %select_n3A_1508, %eq3A_1551 : vector<16xi32>
      %and3A_1553 = arith.andi %gt3A_1549, %eq3A_1552 : vector<16xi1>
      %add3A_1554 = arith.constant 80 : i32
      %add3A_1555 = vector.broadcast %add3A_1554 : i32 to vector<16xi32>
      %add3A_1556 = arith.addi %add3A_1555, %max3A_1539 : vector<16xi32>
      %select_n3A_1557 = arith.select %and3A_1553, %add3A_1556, %select_n3A_1502 : vector<16xi1>, vector<16xi32>
      %sub3A_1558 = arith.subi %add3A_1543, %gather3A_1546 : vector<16xi32>
      %sub3A_1559 = arith.subi %select_n3A_913, %sub3A_1558 : vector<16xi32>
      %select_n3A_1560 = arith.select %and3A_1553, %sub3A_1559, %select_n3A_1505 : vector<16xi1>, vector<16xi32>
      %jit3A_1561 = arith.constant 1 : i32
      %broadcast_in_dim3A_1562 = vector.broadcast %jit3A_1561 : i32 to vector<16xi32>
      %select_n3A_1563 = arith.select %and3A_1553, %broadcast_in_dim3A_1562, %select_n3A_1508 : vector<16xi1>, vector<16xi32>
      %broadcast_in_dim3A_1564 = arith.constant true
      %broadcast_in_dim3A_1565 = vector.broadcast %broadcast_in_dim3A_1564 : i1 to vector<16xi1>
      %masked_cumsum3A_1566 = tpu.scan <sum>, %get3A_1517 masked %broadcast_in_dim3A_1565 : vector<16xi32>, vector<16xi1> -> vector<16xi32>
      %broadcast_in_dim3A_1567 = vector.shape_cast %broadcast_in_dim3A_7 : vector<16xi32> to vector<16x1xi32>
      %gather3A_1568 = vector.shape_cast %broadcast_in_dim3A_1567 : vector<16x1xi32> to vector<16xi32>
      %gather3A_1569 = tpu.dynamic_gather %masked_cumsum3A_1566[%gather3A_1568] in [0] : vector<16xi32>, vector<16xi32> -> vector<16xi32>
      %add3A_1570 = arith.addi %add3A_1515, %gather3A_1569 : vector<16xi32>
      %get3A_1571 = arith.constant 64 : index
      %get3A_1572 = tpu.vector_load %arg7[%get3A_1571] {strides = array<i32>} : memref<256xi32, #tpu.memory_space<vmem>>, vector<16xi32>,
      %rev3A_1573 = arith.constant 15 : i32
      %rev3A_1574 = vector.broadcast %rev3A_1573 : i32 to vector<16xi32>
      %rev3A_1575 = tpu.iota {dimensions = array<i32: 0>} : vector<16xi32>
      %rev3A_1576 = arith.subi %rev3A_1574, %rev3A_1575 : vector<16xi32>
      %rev3A_1577 = tpu.dynamic_gather %get3A_1572[%rev3A_1576] in [0] : vector<16xi32>, vector<16xi32> -> vector<16xi32>
      %broadcast_in_dim3A_1578 = arith.constant true
      %broadcast_in_dim3A_1579 = vector.broadcast %broadcast_in_dim3A_1578 : i1 to vector<16xi1>
      %masked_cumsum3A_1580 = tpu.scan <sum>, %rev3A_1577 masked %broadcast_in_dim3A_1579 : vector<16xi32>, vector<16xi1> -> vector<16xi32>
      %rev3A_1581 = arith.constant 15 : i32
      %rev3A_1582 = vector.broadcast %rev3A_1581 : i32 to vector<16xi32>
      %rev3A_1583 = tpu.iota {dimensions = array<i32: 0>} : vector<16xi32>
      %rev3A_1584 = arith.subi %rev3A_1582, %rev3A_1583 : vector<16xi32>
      %rev3A_1585 = tpu.dynamic_gather %masked_cumsum3A_1580[%rev3A_1584] in [0] : vector<16xi32>, vector<16xi32> -> vector<16xi32>
      %add3A_1586 = arith.addi %rev3A_1585, %add3A_1570 : vector<16xi32>
      %ge3A_1587 = arith.cmpi sge, %add3A_1586, %select_n3A_913 : vector<16xi32>
      %all_reduce_population_count3A_1588 = tpu.all_reduce %ge3A_1587 {dim = 0 : i64, kind = #tpu.reduction_kind<sum>} : vector<16xi1> -> vector<16xi32>
      %sub3A_1589 = arith.constant 1 : i32
      %sub3A_1590 = vector.broadcast %sub3A_1589 : i32 to vector<16xi32>
      %sub3A_1591 = arith.subi %all_reduce_population_count3A_1588, %sub3A_1590 : vector<16xi32>
      %max3A_1592 = arith.constant 0 : i32
      %max3A_1593 = vector.broadcast %max3A_1592 : i32 to vector<16xi32>
      %max3A_1594 = arith.maxsi %sub3A_1591, %max3A_1593 : vector<16xi32>
      %broadcast_in_dim3A_1595 = vector.shape_cast %max3A_1594 : vector<16xi32> to vector<16x1xi32>
      %gather3A_1596 = vector.shape_cast %broadcast_in_dim3A_1595 : vector<16x1xi32> to vector<16xi32>
      %gather3A_1597 = tpu.dynamic_gather %rev3A_1585[%gather3A_1596] in [0] : vector<16xi32>, vector<16xi32> -> vector<16xi32>
      %add3A_1598 = arith.addi %gather3A_1597, %add3A_1570 : vector<16xi32>
      %broadcast_in_dim3A_1599 = vector.shape_cast %max3A_1594 : vector<16xi32> to vector<16x1xi32>
      %gather3A_1600 = vector.shape_cast %broadcast_in_dim3A_1599 : vector<16x1xi32> to vector<16xi32>
      %gather3A_1601 = tpu.dynamic_gather %get3A_1572[%gather3A_1600] in [0] : vector<16xi32>, vector<16xi32> -> vector<16xi32>
      %gt3A_1602 = arith.constant 0 : i32
      %gt3A_1603 = vector.broadcast %gt3A_1602 : i32 to vector<16xi32>
      %gt3A_1604 = arith.cmpi sgt, %all_reduce_population_count3A_1588, %gt3A_1603 : vector<16xi32>
      %eq3A_1605 = arith.constant 0 : i32
      %eq3A_1606 = vector.broadcast %eq3A_1605 : i32 to vector<16xi32>
      %eq3A_1607 = arith.cmpi eq, %select_n3A_1563, %eq3A_1606 : vector<16xi32>
      %and3A_1608 = arith.andi %gt3A_1604, %eq3A_1607 : vector<16xi1>
      %add3A_1609 = arith.constant 64 : i32
      %add3A_1610 = vector.broadcast %add3A_1609 : i32 to vector<16xi32>
      %add3A_1611 = arith.addi %add3A_1610, %max3A_1594 : vector<16xi32>
      %select_n3A_1612 = arith.select %and3A_1608, %add3A_1611, %select_n3A_1557 : vector<16xi1>, vector<16xi32>
      %sub3A_1613 = arith.subi %add3A_1598, %gather3A_1601 : vector<16xi32>
      %sub3A_1614 = arith.subi %select_n3A_913, %sub3A_1613 : vector<16xi32>
      %select_n3A_1615 = arith.select %and3A_1608, %sub3A_1614, %select_n3A_1560 : vector<16xi1>, vector<16xi32>
      %jit3A_1616 = arith.constant 1 : i32
      %broadcast_in_dim3A_1617 = vector.broadcast %jit3A_1616 : i32 to vector<16xi32>
      %select_n3A_1618 = arith.select %and3A_1608, %broadcast_in_dim3A_1617, %select_n3A_1563 : vector<16xi1>, vector<16xi32>
      %broadcast_in_dim3A_1619 = arith.constant true
      %broadcast_in_dim3A_1620 = vector.broadcast %broadcast_in_dim3A_1619 : i1 to vector<16xi1>
      %masked_cumsum3A_1621 = tpu.scan <sum>, %get3A_1572 masked %broadcast_in_dim3A_1620 : vector<16xi32>, vector<16xi1> -> vector<16xi32>
      %broadcast_in_dim3A_1622 = vector.shape_cast %broadcast_in_dim3A_7 : vector<16xi32> to vector<16x1xi32>
      %gather3A_1623 = vector.shape_cast %broadcast_in_dim3A_1622 : vector<16x1xi32> to vector<16xi32>
      %gather3A_1624 = tpu.dynamic_gather %masked_cumsum3A_1621[%gather3A_1623] in [0] : vector<16xi32>, vector<16xi32> -> vector<16xi32>
      %add3A_1625 = arith.addi %add3A_1570, %gather3A_1624 : vector<16xi32>
      %get3A_1626 = arith.constant 48 : index
      %get3A_1627 = tpu.vector_load %arg7[%get3A_1626] {strides = array<i32>} : memref<256xi32, #tpu.memory_space<vmem>>, vector<16xi32>,
      %rev3A_1628 = arith.constant 15 : i32
      %rev3A_1629 = vector.broadcast %rev3A_1628 : i32 to vector<16xi32>
      %rev3A_1630 = tpu.iota {dimensions = array<i32: 0>} : vector<16xi32>
      %rev3A_1631 = arith.subi %rev3A_1629, %rev3A_1630 : vector<16xi32>
      %rev3A_1632 = tpu.dynamic_gather %get3A_1627[%rev3A_1631] in [0] : vector<16xi32>, vector<16xi32> -> vector<16xi32>
      %broadcast_in_dim3A_1633 = arith.constant true
      %broadcast_in_dim3A_1634 = vector.broadcast %broadcast_in_dim3A_1633 : i1 to vector<16xi1>
      %masked_cumsum3A_1635 = tpu.scan <sum>, %rev3A_1632 masked %broadcast_in_dim3A_1634 : vector<16xi32>, vector<16xi1> -> vector<16xi32>
      %rev3A_1636 = arith.constant 15 : i32
      %rev3A_1637 = vector.broadcast %rev3A_1636 : i32 to vector<16xi32>
      %rev3A_1638 = tpu.iota {dimensions = array<i32: 0>} : vector<16xi32>
      %rev3A_1639 = arith.subi %rev3A_1637, %rev3A_1638 : vector<16xi32>
      %rev3A_1640 = tpu.dynamic_gather %masked_cumsum3A_1635[%rev3A_1639] in [0] : vector<16xi32>, vector<16xi32> -> vector<16xi32>
      %add3A_1641 = arith.addi %rev3A_1640, %add3A_1625 : vector<16xi32>
      %ge3A_1642 = arith.cmpi sge, %add3A_1641, %select_n3A_913 : vector<16xi32>
      %all_reduce_population_count3A_1643 = tpu.all_reduce %ge3A_1642 {dim = 0 : i64, kind = #tpu.reduction_kind<sum>} : vector<16xi1> -> vector<16xi32>
      %sub3A_1644 = arith.constant 1 : i32
      %sub3A_1645 = vector.broadcast %sub3A_1644 : i32 to vector<16xi32>
      %sub3A_1646 = arith.subi %all_reduce_population_count3A_1643, %sub3A_1645 : vector<16xi32>
      %max3A_1647 = arith.constant 0 : i32
      %max3A_1648 = vector.broadcast %max3A_1647 : i32 to vector<16xi32>
      %max3A_1649 = arith.maxsi %sub3A_1646, %max3A_1648 : vector<16xi32>
      %broadcast_in_dim3A_1650 = vector.shape_cast %max3A_1649 : vector<16xi32> to vector<16x1xi32>
      %gather3A_1651 = vector.shape_cast %broadcast_in_dim3A_1650 : vector<16x1xi32> to vector<16xi32>
      %gather3A_1652 = tpu.dynamic_gather %rev3A_1640[%gather3A_1651] in [0] : vector<16xi32>, vector<16xi32> -> vector<16xi32>
      %add3A_1653 = arith.addi %gather3A_1652, %add3A_1625 : vector<16xi32>
      %broadcast_in_dim3A_1654 = vector.shape_cast %max3A_1649 : vector<16xi32> to vector<16x1xi32>
      %gather3A_1655 = vector.shape_cast %broadcast_in_dim3A_1654 : vector<16x1xi32> to vector<16xi32>
      %gather3A_1656 = tpu.dynamic_gather %get3A_1627[%gather3A_1655] in [0] : vector<16xi32>, vector<16xi32> -> vector<16xi32>
      %gt3A_1657 = arith.constant 0 : i32
      %gt3A_1658 = vector.broadcast %gt3A_1657 : i32 to vector<16xi32>
      %gt3A_1659 = arith.cmpi sgt, %all_reduce_population_count3A_1643, %gt3A_1658 : vector<16xi32>
      %eq3A_1660 = arith.constant 0 : i32
      %eq3A_1661 = vector.broadcast %eq3A_1660 : i32 to vector<16xi32>
      %eq3A_1662 = arith.cmpi eq, %select_n3A_1618, %eq3A_1661 : vector<16xi32>
      %and3A_1663 = arith.andi %gt3A_1659, %eq3A_1662 : vector<16xi1>
      %add3A_1664 = arith.constant 48 : i32
      %add3A_1665 = vector.broadcast %add3A_1664 : i32 to vector<16xi32>
      %add3A_1666 = arith.addi %add3A_1665, %max3A_1649 : vector<16xi32>
      %select_n3A_1667 = arith.select %and3A_1663, %add3A_1666, %select_n3A_1612 : vector<16xi1>, vector<16xi32>
      %sub3A_1668 = arith.subi %add3A_1653, %gather3A_1656 : vector<16xi32>
      %sub3A_1669 = arith.subi %select_n3A_913, %sub3A_1668 : vector<16xi32>
      %select_n3A_1670 = arith.select %and3A_1663, %sub3A_1669, %select_n3A_1615 : vector<16xi1>, vector<16xi32>
      %jit3A_1671 = arith.constant 1 : i32
      %broadcast_in_dim3A_1672 = vector.broadcast %jit3A_1671 : i32 to vector<16xi32>
      %select_n3A_1673 = arith.select %and3A_1663, %broadcast_in_dim3A_1672, %select_n3A_1618 : vector<16xi1>, vector<16xi32>
      %broadcast_in_dim3A_1674 = arith.constant true
      %broadcast_in_dim3A_1675 = vector.broadcast %broadcast_in_dim3A_1674 : i1 to vector<16xi1>
      %masked_cumsum3A_1676 = tpu.scan <sum>, %get3A_1627 masked %broadcast_in_dim3A_1675 : vector<16xi32>, vector<16xi1> -> vector<16xi32>
      %broadcast_in_dim3A_1677 = vector.shape_cast %broadcast_in_dim3A_7 : vector<16xi32> to vector<16x1xi32>
      %gather3A_1678 = vector.shape_cast %broadcast_in_dim3A_1677 : vector<16x1xi32> to vector<16xi32>
      %gather3A_1679 = tpu.dynamic_gather %masked_cumsum3A_1676[%gather3A_1678] in [0] : vector<16xi32>, vector<16xi32> -> vector<16xi32>
      %add3A_1680 = arith.addi %add3A_1625, %gather3A_1679 : vector<16xi32>
      %get3A_1681 = arith.constant 32 : index
      %get3A_1682 = tpu.vector_load %arg7[%get3A_1681] {strides = array<i32>} : memref<256xi32, #tpu.memory_space<vmem>>, vector<16xi32>,
      %rev3A_1683 = arith.constant 15 : i32
      %rev3A_1684 = vector.broadcast %rev3A_1683 : i32 to vector<16xi32>
      %rev3A_1685 = tpu.iota {dimensions = array<i32: 0>} : vector<16xi32>
      %rev3A_1686 = arith.subi %rev3A_1684, %rev3A_1685 : vector<16xi32>
      %rev3A_1687 = tpu.dynamic_gather %get3A_1682[%rev3A_1686] in [0] : vector<16xi32>, vector<16xi32> -> vector<16xi32>
      %broadcast_in_dim3A_1688 = arith.constant true
      %broadcast_in_dim3A_1689 = vector.broadcast %broadcast_in_dim3A_1688 : i1 to vector<16xi1>
      %masked_cumsum3A_1690 = tpu.scan <sum>, %rev3A_1687 masked %broadcast_in_dim3A_1689 : vector<16xi32>, vector<16xi1> -> vector<16xi32>
      %rev3A_1691 = arith.constant 15 : i32
      %rev3A_1692 = vector.broadcast %rev3A_1691 : i32 to vector<16xi32>
      %rev3A_1693 = tpu.iota {dimensions = array<i32: 0>} : vector<16xi32>
      %rev3A_1694 = arith.subi %rev3A_1692, %rev3A_1693 : vector<16xi32>
      %rev3A_1695 = tpu.dynamic_gather %masked_cumsum3A_1690[%rev3A_1694] in [0] : vector<16xi32>, vector<16xi32> -> vector<16xi32>
      %add3A_1696 = arith.addi %rev3A_1695, %add3A_1680 : vector<16xi32>
      %ge3A_1697 = arith.cmpi sge, %add3A_1696, %select_n3A_913 : vector<16xi32>
      %all_reduce_population_count3A_1698 = tpu.all_reduce %ge3A_1697 {dim = 0 : i64, kind = #tpu.reduction_kind<sum>} : vector<16xi1> -> vector<16xi32>
      %sub3A_1699 = arith.constant 1 : i32
      %sub3A_1700 = vector.broadcast %sub3A_1699 : i32 to vector<16xi32>
      %sub3A_1701 = arith.subi %all_reduce_population_count3A_1698, %sub3A_1700 : vector<16xi32>
      %max3A_1702 = arith.constant 0 : i32
      %max3A_1703 = vector.broadcast %max3A_1702 : i32 to vector<16xi32>
      %max3A_1704 = arith.maxsi %sub3A_1701, %max3A_1703 : vector<16xi32>
      %broadcast_in_dim3A_1705 = vector.shape_cast %max3A_1704 : vector<16xi32> to vector<16x1xi32>
      %gather3A_1706 = vector.shape_cast %broadcast_in_dim3A_1705 : vector<16x1xi32> to vector<16xi32>
      %gather3A_1707 = tpu.dynamic_gather %rev3A_1695[%gather3A_1706] in [0] : vector<16xi32>, vector<16xi32> -> vector<16xi32>
      %add3A_1708 = arith.addi %gather3A_1707, %add3A_1680 : vector<16xi32>
      %broadcast_in_dim3A_1709 = vector.shape_cast %max3A_1704 : vector<16xi32> to vector<16x1xi32>
      %gather3A_1710 = vector.shape_cast %broadcast_in_dim3A_1709 : vector<16x1xi32> to vector<16xi32>
      %gather3A_1711 = tpu.dynamic_gather %get3A_1682[%gather3A_1710] in [0] : vector<16xi32>, vector<16xi32> -> vector<16xi32>
      %gt3A_1712 = arith.constant 0 : i32
      %gt3A_1713 = vector.broadcast %gt3A_1712 : i32 to vector<16xi32>
      %gt3A_1714 = arith.cmpi sgt, %all_reduce_population_count3A_1698, %gt3A_1713 : vector<16xi32>
      %eq3A_1715 = arith.constant 0 : i32
      %eq3A_1716 = vector.broadcast %eq3A_1715 : i32 to vector<16xi32>
      %eq3A_1717 = arith.cmpi eq, %select_n3A_1673, %eq3A_1716 : vector<16xi32>
      %and3A_1718 = arith.andi %gt3A_1714, %eq3A_1717 : vector<16xi1>
      %add3A_1719 = arith.constant 32 : i32
      %add3A_1720 = vector.broadcast %add3A_1719 : i32 to vector<16xi32>
      %add3A_1721 = arith.addi %add3A_1720, %max3A_1704 : vector<16xi32>
      %select_n3A_1722 = arith.select %and3A_1718, %add3A_1721, %select_n3A_1667 : vector<16xi1>, vector<16xi32>
      %sub3A_1723 = arith.subi %add3A_1708, %gather3A_1711 : vector<16xi32>
      %sub3A_1724 = arith.subi %select_n3A_913, %sub3A_1723 : vector<16xi32>
      %select_n3A_1725 = arith.select %and3A_1718, %sub3A_1724, %select_n3A_1670 : vector<16xi1>, vector<16xi32>
      %jit3A_1726 = arith.constant 1 : i32
      %broadcast_in_dim3A_1727 = vector.broadcast %jit3A_1726 : i32 to vector<16xi32>
      %select_n3A_1728 = arith.select %and3A_1718, %broadcast_in_dim3A_1727, %select_n3A_1673 : vector<16xi1>, vector<16xi32>
      %broadcast_in_dim3A_1729 = arith.constant true
      %broadcast_in_dim3A_1730 = vector.broadcast %broadcast_in_dim3A_1729 : i1 to vector<16xi1>
      %masked_cumsum3A_1731 = tpu.scan <sum>, %get3A_1682 masked %broadcast_in_dim3A_1730 : vector<16xi32>, vector<16xi1> -> vector<16xi32>
      %broadcast_in_dim3A_1732 = vector.shape_cast %broadcast_in_dim3A_7 : vector<16xi32> to vector<16x1xi32>
      %gather3A_1733 = vector.shape_cast %broadcast_in_dim3A_1732 : vector<16x1xi32> to vector<16xi32>
      %gather3A_1734 = tpu.dynamic_gather %masked_cumsum3A_1731[%gather3A_1733] in [0] : vector<16xi32>, vector<16xi32> -> vector<16xi32>
      %add3A_1735 = arith.addi %add3A_1680, %gather3A_1734 : vector<16xi32>
      %get3A_1736 = arith.constant 16 : index
      %get3A_1737 = tpu.vector_load %arg7[%get3A_1736] {strides = array<i32>} : memref<256xi32, #tpu.memory_space<vmem>>, vector<16xi32>,
      %rev3A_1738 = arith.constant 15 : i32
      %rev3A_1739 = vector.broadcast %rev3A_1738 : i32 to vector<16xi32>
      %rev3A_1740 = tpu.iota {dimensions = array<i32: 0>} : vector<16xi32>
      %rev3A_1741 = arith.subi %rev3A_1739, %rev3A_1740 : vector<16xi32>
      %rev3A_1742 = tpu.dynamic_gather %get3A_1737[%rev3A_1741] in [0] : vector<16xi32>, vector<16xi32> -> vector<16xi32>
      %broadcast_in_dim3A_1743 = arith.constant true
      %broadcast_in_dim3A_1744 = vector.broadcast %broadcast_in_dim3A_1743 : i1 to vector<16xi1>
      %masked_cumsum3A_1745 = tpu.scan <sum>, %rev3A_1742 masked %broadcast_in_dim3A_1744 : vector<16xi32>, vector<16xi1> -> vector<16xi32>
      %rev3A_1746 = arith.constant 15 : i32
      %rev3A_1747 = vector.broadcast %rev3A_1746 : i32 to vector<16xi32>
      %rev3A_1748 = tpu.iota {dimensions = array<i32: 0>} : vector<16xi32>
      %rev3A_1749 = arith.subi %rev3A_1747, %rev3A_1748 : vector<16xi32>
      %rev3A_1750 = tpu.dynamic_gather %masked_cumsum3A_1745[%rev3A_1749] in [0] : vector<16xi32>, vector<16xi32> -> vector<16xi32>
      %add3A_1751 = arith.addi %rev3A_1750, %add3A_1735 : vector<16xi32>
      %ge3A_1752 = arith.cmpi sge, %add3A_1751, %select_n3A_913 : vector<16xi32>
      %all_reduce_population_count3A_1753 = tpu.all_reduce %ge3A_1752 {dim = 0 : i64, kind = #tpu.reduction_kind<sum>} : vector<16xi1> -> vector<16xi32>
      %sub3A_1754 = arith.constant 1 : i32
      %sub3A_1755 = vector.broadcast %sub3A_1754 : i32 to vector<16xi32>
      %sub3A_1756 = arith.subi %all_reduce_population_count3A_1753, %sub3A_1755 : vector<16xi32>
      %max3A_1757 = arith.constant 0 : i32
      %max3A_1758 = vector.broadcast %max3A_1757 : i32 to vector<16xi32>
      %max3A_1759 = arith.maxsi %sub3A_1756, %max3A_1758 : vector<16xi32>
      %broadcast_in_dim3A_1760 = vector.shape_cast %max3A_1759 : vector<16xi32> to vector<16x1xi32>
      %gather3A_1761 = vector.shape_cast %broadcast_in_dim3A_1760 : vector<16x1xi32> to vector<16xi32>
      %gather3A_1762 = tpu.dynamic_gather %rev3A_1750[%gather3A_1761] in [0] : vector<16xi32>, vector<16xi32> -> vector<16xi32>
      %add3A_1763 = arith.addi %gather3A_1762, %add3A_1735 : vector<16xi32>
      %broadcast_in_dim3A_1764 = vector.shape_cast %max3A_1759 : vector<16xi32> to vector<16x1xi32>
      %gather3A_1765 = vector.shape_cast %broadcast_in_dim3A_1764 : vector<16x1xi32> to vector<16xi32>
      %gather3A_1766 = tpu.dynamic_gather %get3A_1737[%gather3A_1765] in [0] : vector<16xi32>, vector<16xi32> -> vector<16xi32>
      %gt3A_1767 = arith.constant 0 : i32
      %gt3A_1768 = vector.broadcast %gt3A_1767 : i32 to vector<16xi32>
      %gt3A_1769 = arith.cmpi sgt, %all_reduce_population_count3A_1753, %gt3A_1768 : vector<16xi32>
      %eq3A_1770 = arith.constant 0 : i32
      %eq3A_1771 = vector.broadcast %eq3A_1770 : i32 to vector<16xi32>
      %eq3A_1772 = arith.cmpi eq, %select_n3A_1728, %eq3A_1771 : vector<16xi32>
      %and3A_1773 = arith.andi %gt3A_1769, %eq3A_1772 : vector<16xi1>
      %add3A_1774 = arith.constant 16 : i32
      %add3A_1775 = vector.broadcast %add3A_1774 : i32 to vector<16xi32>
      %add3A_1776 = arith.addi %add3A_1775, %max3A_1759 : vector<16xi32>
      %select_n3A_1777 = arith.select %and3A_1773, %add3A_1776, %select_n3A_1722 : vector<16xi1>, vector<16xi32>
      %sub3A_1778 = arith.subi %add3A_1763, %gather3A_1766 : vector<16xi32>
      %sub3A_1779 = arith.subi %select_n3A_913, %sub3A_1778 : vector<16xi32>
      %select_n3A_1780 = arith.select %and3A_1773, %sub3A_1779, %select_n3A_1725 : vector<16xi1>, vector<16xi32>
      %jit3A_1781 = arith.constant 1 : i32
      %broadcast_in_dim3A_1782 = vector.broadcast %jit3A_1781 : i32 to vector<16xi32>
      %select_n3A_1783 = arith.select %and3A_1773, %broadcast_in_dim3A_1782, %select_n3A_1728 : vector<16xi1>, vector<16xi32>
      %broadcast_in_dim3A_1784 = arith.constant true
      %broadcast_in_dim3A_1785 = vector.broadcast %broadcast_in_dim3A_1784 : i1 to vector<16xi1>
      %masked_cumsum3A_1786 = tpu.scan <sum>, %get3A_1737 masked %broadcast_in_dim3A_1785 : vector<16xi32>, vector<16xi1> -> vector<16xi32>
      %broadcast_in_dim3A_1787 = vector.shape_cast %broadcast_in_dim3A_7 : vector<16xi32> to vector<16x1xi32>
      %gather3A_1788 = vector.shape_cast %broadcast_in_dim3A_1787 : vector<16x1xi32> to vector<16xi32>
      %gather3A_1789 = tpu.dynamic_gather %masked_cumsum3A_1786[%gather3A_1788] in [0] : vector<16xi32>, vector<16xi32> -> vector<16xi32>
      %add3A_1790 = arith.addi %add3A_1735, %gather3A_1789 : vector<16xi32>
      %get3A_1791 = arith.constant 0 : index
      %get3A_1792 = tpu.vector_load %arg7[%get3A_1791] {strides = array<i32>} : memref<256xi32, #tpu.memory_space<vmem>>, vector<16xi32>,
      %rev3A_1793 = arith.constant 15 : i32
      %rev3A_1794 = vector.broadcast %rev3A_1793 : i32 to vector<16xi32>
      %rev3A_1795 = tpu.iota {dimensions = array<i32: 0>} : vector<16xi32>
      %rev3A_1796 = arith.subi %rev3A_1794, %rev3A_1795 : vector<16xi32>
      %rev3A_1797 = tpu.dynamic_gather %get3A_1792[%rev3A_1796] in [0] : vector<16xi32>, vector<16xi32> -> vector<16xi32>
      %broadcast_in_dim3A_1798 = arith.constant true
      %broadcast_in_dim3A_1799 = vector.broadcast %broadcast_in_dim3A_1798 : i1 to vector<16xi1>
      %masked_cumsum3A_1800 = tpu.scan <sum>, %rev3A_1797 masked %broadcast_in_dim3A_1799 : vector<16xi32>, vector<16xi1> -> vector<16xi32>
      %rev3A_1801 = arith.constant 15 : i32
      %rev3A_1802 = vector.broadcast %rev3A_1801 : i32 to vector<16xi32>
      %rev3A_1803 = tpu.iota {dimensions = array<i32: 0>} : vector<16xi32>
      %rev3A_1804 = arith.subi %rev3A_1802, %rev3A_1803 : vector<16xi32>
      %rev3A_1805 = tpu.dynamic_gather %masked_cumsum3A_1800[%rev3A_1804] in [0] : vector<16xi32>, vector<16xi32> -> vector<16xi32>
      %add3A_1806 = arith.addi %rev3A_1805, %add3A_1790 : vector<16xi32>
      %ge3A_1807 = arith.cmpi sge, %add3A_1806, %select_n3A_913 : vector<16xi32>
      %all_reduce_population_count3A_1808 = tpu.all_reduce %ge3A_1807 {dim = 0 : i64, kind = #tpu.reduction_kind<sum>} : vector<16xi1> -> vector<16xi32>
      %sub3A_1809 = arith.constant 1 : i32
      %sub3A_1810 = vector.broadcast %sub3A_1809 : i32 to vector<16xi32>
      %sub3A_1811 = arith.subi %all_reduce_population_count3A_1808, %sub3A_1810 : vector<16xi32>
      %max3A_1812 = arith.constant 0 : i32
      %max3A_1813 = vector.broadcast %max3A_1812 : i32 to vector<16xi32>
      %max3A_1814 = arith.maxsi %sub3A_1811, %max3A_1813 : vector<16xi32>
      %broadcast_in_dim3A_1815 = vector.shape_cast %max3A_1814 : vector<16xi32> to vector<16x1xi32>
      %gather3A_1816 = vector.shape_cast %broadcast_in_dim3A_1815 : vector<16x1xi32> to vector<16xi32>
      %gather3A_1817 = tpu.dynamic_gather %rev3A_1805[%gather3A_1816] in [0] : vector<16xi32>, vector<16xi32> -> vector<16xi32>
      %add3A_1818 = arith.addi %gather3A_1817, %add3A_1790 : vector<16xi32>
      %broadcast_in_dim3A_1819 = vector.shape_cast %max3A_1814 : vector<16xi32> to vector<16x1xi32>
      %gather3A_1820 = vector.shape_cast %broadcast_in_dim3A_1819 : vector<16x1xi32> to vector<16xi32>
      %gather3A_1821 = tpu.dynamic_gather %get3A_1792[%gather3A_1820] in [0] : vector<16xi32>, vector<16xi32> -> vector<16xi32>
      %gt3A_1822 = arith.constant 0 : i32
      %gt3A_1823 = vector.broadcast %gt3A_1822 : i32 to vector<16xi32>
      %gt3A_1824 = arith.cmpi sgt, %all_reduce_population_count3A_1808, %gt3A_1823 : vector<16xi32>
      %eq3A_1825 = arith.constant 0 : i32
      %eq3A_1826 = vector.broadcast %eq3A_1825 : i32 to vector<16xi32>
      %eq3A_1827 = arith.cmpi eq, %select_n3A_1783, %eq3A_1826 : vector<16xi32>
      %and3A_1828 = arith.andi %gt3A_1824, %eq3A_1827 : vector<16xi1>
      %add3A_1829 = arith.constant 0 : i32
      %add3A_1830 = vector.broadcast %add3A_1829 : i32 to vector<16xi32>
      %add3A_1831 = arith.addi %add3A_1830, %max3A_1814 : vector<16xi32>
      %select_n3A_1832 = arith.select %and3A_1828, %add3A_1831, %select_n3A_1777 : vector<16xi1>, vector<16xi32>
      %sub3A_1833 = arith.subi %add3A_1818, %gather3A_1821 : vector<16xi32>
      %sub3A_1834 = arith.subi %select_n3A_913, %sub3A_1833 : vector<16xi32>
      %select_n3A_1835 = arith.select %and3A_1828, %sub3A_1834, %select_n3A_1780 : vector<16xi1>, vector<16xi32>
      %jit3A_1836 = arith.constant 1 : i32
      %broadcast_in_dim3A_1837 = vector.broadcast %jit3A_1836 : i32 to vector<16xi32>
      %select_n3A_1838 = arith.select %and3A_1828, %broadcast_in_dim3A_1837, %select_n3A_1783 : vector<16xi1>, vector<16xi32>
      %broadcast_in_dim3A_1839 = arith.constant true
      %broadcast_in_dim3A_1840 = vector.broadcast %broadcast_in_dim3A_1839 : i1 to vector<16xi1>
      %masked_cumsum3A_1841 = tpu.scan <sum>, %get3A_1792 masked %broadcast_in_dim3A_1840 : vector<16xi32>, vector<16xi1> -> vector<16xi32>
      %broadcast_in_dim3A_1842 = vector.shape_cast %broadcast_in_dim3A_7 : vector<16xi32> to vector<16x1xi32>
      %gather3A_1843 = vector.shape_cast %broadcast_in_dim3A_1842 : vector<16x1xi32> to vector<16xi32>
      %gather3A_1844 = tpu.dynamic_gather %masked_cumsum3A_1841[%gather3A_1843] in [0] : vector<16xi32>, vector<16xi32> -> vector<16xi32>
      %add3A_1845 = arith.addi %add3A_1790, %gather3A_1844 : vector<16xi32>
      %mul3A_1846 = arith.constant 256 : i32
      %mul3A_1847 = vector.broadcast %mul3A_1846 : i32 to vector<16xi32>
      %mul3A_1848 = arith.muli %add3A_927, %mul3A_1847 : vector<16xi32>
      %add3A_1849 = arith.addi %mul3A_1848, %select_n3A_1832 : vector<16xi32>
      %swap3A_1850 = arith.constant 0 : index
      %swap3A_1851 = tpu.vector_load %arg7[%swap3A_1850] {strides = array<i32>} : memref<256xi32, #tpu.memory_space<vmem>>, vector<16xi32>,
      tpu.vector_store %arg7[%swap3A_1850], %broadcast_in_dim3A_1 {strides = array<i32>} : memref<256xi32, #tpu.memory_space<vmem>>, vector<16xi32>,
      %swap3A_1852 = arith.constant 16 : index
      %swap3A_1853 = tpu.vector_load %arg7[%swap3A_1852] {strides = array<i32>} : memref<256xi32, #tpu.memory_space<vmem>>, vector<16xi32>,
      tpu.vector_store %arg7[%swap3A_1852], %broadcast_in_dim3A_1 {strides = array<i32>} : memref<256xi32, #tpu.memory_space<vmem>>, vector<16xi32>,
      %swap3A_1854 = arith.constant 32 : index
      %swap3A_1855 = tpu.vector_load %arg7[%swap3A_1854] {strides = array<i32>} : memref<256xi32, #tpu.memory_space<vmem>>, vector<16xi32>,
      tpu.vector_store %arg7[%swap3A_1854], %broadcast_in_dim3A_1 {strides = array<i32>} : memref<256xi32, #tpu.memory_space<vmem>>, vector<16xi32>,
      %swap3A_1856 = arith.constant 48 : index
      %swap3A_1857 = tpu.vector_load %arg7[%swap3A_1856] {strides = array<i32>} : memref<256xi32, #tpu.memory_space<vmem>>, vector<16xi32>,
      tpu.vector_store %arg7[%swap3A_1856], %broadcast_in_dim3A_1 {strides = array<i32>} : memref<256xi32, #tpu.memory_space<vmem>>, vector<16xi32>,
      %swap3A_1858 = arith.constant 64 : index
      %swap3A_1859 = tpu.vector_load %arg7[%swap3A_1858] {strides = array<i32>} : memref<256xi32, #tpu.memory_space<vmem>>, vector<16xi32>,
      tpu.vector_store %arg7[%swap3A_1858], %broadcast_in_dim3A_1 {strides = array<i32>} : memref<256xi32, #tpu.memory_space<vmem>>, vector<16xi32>,
      %swap3A_1860 = arith.constant 80 : index
      %swap3A_1861 = tpu.vector_load %arg7[%swap3A_1860] {strides = array<i32>} : memref<256xi32, #tpu.memory_space<vmem>>, vector<16xi32>,
      tpu.vector_store %arg7[%swap3A_1860], %broadcast_in_dim3A_1 {strides = array<i32>} : memref<256xi32, #tpu.memory_space<vmem>>, vector<16xi32>,
      %swap3A_1862 = arith.constant 96 : index
      %swap3A_1863 = tpu.vector_load %arg7[%swap3A_1862] {strides = array<i32>} : memref<256xi32, #tpu.memory_space<vmem>>, vector<16xi32>,
      tpu.vector_store %arg7[%swap3A_1862], %broadcast_in_dim3A_1 {strides = array<i32>} : memref<256xi32, #tpu.memory_space<vmem>>, vector<16xi32>,
      %swap3A_1864 = arith.constant 112 : index
      %swap3A_1865 = tpu.vector_load %arg7[%swap3A_1864] {strides = array<i32>} : memref<256xi32, #tpu.memory_space<vmem>>, vector<16xi32>,
      tpu.vector_store %arg7[%swap3A_1864], %broadcast_in_dim3A_1 {strides = array<i32>} : memref<256xi32, #tpu.memory_space<vmem>>, vector<16xi32>,
      %swap3A_1866 = arith.constant 128 : index
      %swap3A_1867 = tpu.vector_load %arg7[%swap3A_1866] {strides = array<i32>} : memref<256xi32, #tpu.memory_space<vmem>>, vector<16xi32>,
      tpu.vector_store %arg7[%swap3A_1866], %broadcast_in_dim3A_1 {strides = array<i32>} : memref<256xi32, #tpu.memory_space<vmem>>, vector<16xi32>,
      %swap3A_1868 = arith.constant 144 : index
      %swap3A_1869 = tpu.vector_load %arg7[%swap3A_1868] {strides = array<i32>} : memref<256xi32, #tpu.memory_space<vmem>>, vector<16xi32>,
      tpu.vector_store %arg7[%swap3A_1868], %broadcast_in_dim3A_1 {strides = array<i32>} : memref<256xi32, #tpu.memory_space<vmem>>, vector<16xi32>,
      %swap3A_1870 = arith.constant 160 : index
      %swap3A_1871 = tpu.vector_load %arg7[%swap3A_1870] {strides = array<i32>} : memref<256xi32, #tpu.memory_space<vmem>>, vector<16xi32>,
      tpu.vector_store %arg7[%swap3A_1870], %broadcast_in_dim3A_1 {strides = array<i32>} : memref<256xi32, #tpu.memory_space<vmem>>, vector<16xi32>,
      %swap3A_1872 = arith.constant 176 : index
      %swap3A_1873 = tpu.vector_load %arg7[%swap3A_1872] {strides = array<i32>} : memref<256xi32, #tpu.memory_space<vmem>>, vector<16xi32>,
      tpu.vector_store %arg7[%swap3A_1872], %broadcast_in_dim3A_1 {strides = array<i32>} : memref<256xi32, #tpu.memory_space<vmem>>, vector<16xi32>,
      %swap3A_1874 = arith.constant 192 : index
      %swap3A_1875 = tpu.vector_load %arg7[%swap3A_1874] {strides = array<i32>} : memref<256xi32, #tpu.memory_space<vmem>>, vector<16xi32>,
      tpu.vector_store %arg7[%swap3A_1874], %broadcast_in_dim3A_1 {strides = array<i32>} : memref<256xi32, #tpu.memory_space<vmem>>, vector<16xi32>,
      %swap3A_1876 = arith.constant 208 : index
      %swap3A_1877 = tpu.vector_load %arg7[%swap3A_1876] {strides = array<i32>} : memref<256xi32, #tpu.memory_space<vmem>>, vector<16xi32>,
      tpu.vector_store %arg7[%swap3A_1876], %broadcast_in_dim3A_1 {strides = array<i32>} : memref<256xi32, #tpu.memory_space<vmem>>, vector<16xi32>,
      %swap3A_1878 = arith.constant 224 : index
      %swap3A_1879 = tpu.vector_load %arg7[%swap3A_1878] {strides = array<i32>} : memref<256xi32, #tpu.memory_space<vmem>>, vector<16xi32>,
      tpu.vector_store %arg7[%swap3A_1878], %broadcast_in_dim3A_1 {strides = array<i32>} : memref<256xi32, #tpu.memory_space<vmem>>, vector<16xi32>,
      %swap3A_1880 = arith.constant 240 : index
      %swap3A_1881 = tpu.vector_load %arg7[%swap3A_1880] {strides = array<i32>} : memref<256xi32, #tpu.memory_space<vmem>>, vector<16xi32>,
      tpu.vector_store %arg7[%swap3A_1880], %broadcast_in_dim3A_1 {strides = array<i32>} : memref<256xi32, #tpu.memory_space<vmem>>, vector<16xi32>,
      %scan3A_1882 = arith.constant 0 : i32
      %scan3A_1883 = arith.constant 0 : i32
      %scan3A_1884 = arith.constant 546 : i32
      %scan3A_1885 = arith.addi %scan3A_1883, %scan3A_1884 : i32
      %scan3A_1886 = arith.constant 1 : i32
      scf.for %scan3A_3260 = %scan3A_1883 to %scan3A_1885 step %scan3A_1886  : i32 {
        %mul3A_3261 = arith.constant 16 : i32
        %mul3A_3262 = arith.muli %scan3A_3260, %mul3A_3261 : i32
        %get3A_3263 = arith.index_cast %mul3A_3262 : i32 to index
        %get3A_3264 = tpu.vector_load %arg5[%get3A_3263] {strides = array<i32>} : memref<8736xf32, #tpu.memory_space<vmem>>, vector<16xf32>,
        %bitcast_convert_type3A_3265 = tpu.bitcast %get3A_3264 : vector<16xf32> -> vector<16xi32>
        %shift_right_logical3A = arith.constant 7 : i32
        %shift_right_logical3A_3266 = vector.broadcast %shift_right_logical3A : i32 to vector<16xi32>
        %shift_right_logical3A_3267 = arith.shrui %bitcast_convert_type3A_3265, %shift_right_logical3A_3266 : vector<16xi32>
        %and3A_3268 = arith.constant 255 : i32
        %and3A_3269 = vector.broadcast %and3A_3268 : i32 to vector<16xi32>
        %and3A_3270 = arith.andi %shift_right_logical3A_3267, %and3A_3269 : vector<16xi32>
        %shift_right_logical3A_3271 = arith.constant 15 : i32
        %shift_right_logical3A_3272 = vector.broadcast %shift_right_logical3A_3271 : i32 to vector<16xi32>
        %shift_right_logical3A_3273 = arith.shrui %bitcast_convert_type3A_3265, %shift_right_logical3A_3272 : vector<16xi32>
        %eq3A_3274 = arith.cmpi eq, %shift_right_logical3A_3273, %add3A_1849 : vector<16xi32>
        tpu.vector_store_idx %arg7[%and3A_3270], %broadcast_in_dim3A_5 masked %eq3A_3274 {add = true} : memref<256xi32, #tpu.memory_space<vmem>>[vector<16xi32>], vector<16xi32>, vector<16xi1>
      }
      %scan3A_1887 = arith.constant 546 : i32
      %get3A_1888 = arith.constant 240 : index
      %get3A_1889 = tpu.vector_load %arg7[%get3A_1888] {strides = array<i32>} : memref<256xi32, #tpu.memory_space<vmem>>, vector<16xi32>,
      %rev3A_1890 = arith.constant 15 : i32
      %rev3A_1891 = vector.broadcast %rev3A_1890 : i32 to vector<16xi32>
      %rev3A_1892 = tpu.iota {dimensions = array<i32: 0>} : vector<16xi32>
      %rev3A_1893 = arith.subi %rev3A_1891, %rev3A_1892 : vector<16xi32>
      %rev3A_1894 = tpu.dynamic_gather %get3A_1889[%rev3A_1893] in [0] : vector<16xi32>, vector<16xi32> -> vector<16xi32>
      %broadcast_in_dim3A_1895 = arith.constant true
      %broadcast_in_dim3A_1896 = vector.broadcast %broadcast_in_dim3A_1895 : i1 to vector<16xi1>
      %masked_cumsum3A_1897 = tpu.scan <sum>, %rev3A_1894 masked %broadcast_in_dim3A_1896 : vector<16xi32>, vector<16xi1> -> vector<16xi32>
      %rev3A_1898 = arith.constant 15 : i32
      %rev3A_1899 = vector.broadcast %rev3A_1898 : i32 to vector<16xi32>
      %rev3A_1900 = tpu.iota {dimensions = array<i32: 0>} : vector<16xi32>
      %rev3A_1901 = arith.subi %rev3A_1899, %rev3A_1900 : vector<16xi32>
      %rev3A_1902 = tpu.dynamic_gather %masked_cumsum3A_1897[%rev3A_1901] in [0] : vector<16xi32>, vector<16xi32> -> vector<16xi32>
      %add3A_1903 = arith.addi %rev3A_1902, %broadcast_in_dim3A_1 : vector<16xi32>
      %ge3A_1904 = arith.cmpi sge, %add3A_1903, %select_n3A_1835 : vector<16xi32>
      %all_reduce_population_count3A_1905 = tpu.all_reduce %ge3A_1904 {dim = 0 : i64, kind = #tpu.reduction_kind<sum>} : vector<16xi1> -> vector<16xi32>
      %sub3A_1906 = arith.constant 1 : i32
      %sub3A_1907 = vector.broadcast %sub3A_1906 : i32 to vector<16xi32>
      %sub3A_1908 = arith.subi %all_reduce_population_count3A_1905, %sub3A_1907 : vector<16xi32>
      %max3A_1909 = arith.constant 0 : i32
      %max3A_1910 = vector.broadcast %max3A_1909 : i32 to vector<16xi32>
      %max3A_1911 = arith.maxsi %sub3A_1908, %max3A_1910 : vector<16xi32>
      %broadcast_in_dim3A_1912 = vector.shape_cast %max3A_1911 : vector<16xi32> to vector<16x1xi32>
      %gather3A_1913 = vector.shape_cast %broadcast_in_dim3A_1912 : vector<16x1xi32> to vector<16xi32>
      %gather3A_1914 = tpu.dynamic_gather %rev3A_1902[%gather3A_1913] in [0] : vector<16xi32>, vector<16xi32> -> vector<16xi32>
      %add3A_1915 = arith.addi %gather3A_1914, %broadcast_in_dim3A_1 : vector<16xi32>
      %broadcast_in_dim3A_1916 = vector.shape_cast %max3A_1911 : vector<16xi32> to vector<16x1xi32>
      %gather3A_1917 = vector.shape_cast %broadcast_in_dim3A_1916 : vector<16x1xi32> to vector<16xi32>
      %gather3A_1918 = tpu.dynamic_gather %get3A_1889[%gather3A_1917] in [0] : vector<16xi32>, vector<16xi32> -> vector<16xi32>
      %gt3A_1919 = arith.constant 0 : i32
      %gt3A_1920 = vector.broadcast %gt3A_1919 : i32 to vector<16xi32>
      %gt3A_1921 = arith.cmpi sgt, %all_reduce_population_count3A_1905, %gt3A_1920 : vector<16xi32>
      %eq3A_1922 = arith.constant 0 : i32
      %eq3A_1923 = vector.broadcast %eq3A_1922 : i32 to vector<16xi32>
      %eq3A_1924 = arith.cmpi eq, %broadcast_in_dim3A_1, %eq3A_1923 : vector<16xi32>
      %and3A_1925 = arith.andi %gt3A_1921, %eq3A_1924 : vector<16xi1>
      %add3A_1926 = arith.constant 240 : i32
      %add3A_1927 = vector.broadcast %add3A_1926 : i32 to vector<16xi32>
      %add3A_1928 = arith.addi %add3A_1927, %max3A_1911 : vector<16xi32>
      %select_n3A_1929 = arith.select %and3A_1925, %add3A_1928, %broadcast_in_dim3A_1 : vector<16xi1>, vector<16xi32>
      %sub3A_1930 = arith.subi %add3A_1915, %gather3A_1918 : vector<16xi32>
      %sub3A_1931 = arith.subi %select_n3A_1835, %sub3A_1930 : vector<16xi32>
      %select_n3A_1932 = arith.select %and3A_1925, %sub3A_1931, %select_n3A_1835 : vector<16xi1>, vector<16xi32>
      %jit3A_1933 = arith.constant 1 : i32
      %broadcast_in_dim3A_1934 = vector.broadcast %jit3A_1933 : i32 to vector<16xi32>
      %select_n3A_1935 = arith.select %and3A_1925, %broadcast_in_dim3A_1934, %broadcast_in_dim3A_1 : vector<16xi1>, vector<16xi32>
      %broadcast_in_dim3A_1936 = arith.constant true
      %broadcast_in_dim3A_1937 = vector.broadcast %broadcast_in_dim3A_1936 : i1 to vector<16xi1>
      %masked_cumsum3A_1938 = tpu.scan <sum>, %get3A_1889 masked %broadcast_in_dim3A_1937 : vector<16xi32>, vector<16xi1> -> vector<16xi32>
      %broadcast_in_dim3A_1939 = vector.shape_cast %broadcast_in_dim3A_7 : vector<16xi32> to vector<16x1xi32>
      %gather3A_1940 = vector.shape_cast %broadcast_in_dim3A_1939 : vector<16x1xi32> to vector<16xi32>
      %gather3A_1941 = tpu.dynamic_gather %masked_cumsum3A_1938[%gather3A_1940] in [0] : vector<16xi32>, vector<16xi32> -> vector<16xi32>
      %add3A_1942 = arith.addi %broadcast_in_dim3A_1, %gather3A_1941 : vector<16xi32>
      %get3A_1943 = arith.constant 224 : index
      %get3A_1944 = tpu.vector_load %arg7[%get3A_1943] {strides = array<i32>} : memref<256xi32, #tpu.memory_space<vmem>>, vector<16xi32>,
      %rev3A_1945 = arith.constant 15 : i32
      %rev3A_1946 = vector.broadcast %rev3A_1945 : i32 to vector<16xi32>
      %rev3A_1947 = tpu.iota {dimensions = array<i32: 0>} : vector<16xi32>
      %rev3A_1948 = arith.subi %rev3A_1946, %rev3A_1947 : vector<16xi32>
      %rev3A_1949 = tpu.dynamic_gather %get3A_1944[%rev3A_1948] in [0] : vector<16xi32>, vector<16xi32> -> vector<16xi32>
      %broadcast_in_dim3A_1950 = arith.constant true
      %broadcast_in_dim3A_1951 = vector.broadcast %broadcast_in_dim3A_1950 : i1 to vector<16xi1>
      %masked_cumsum3A_1952 = tpu.scan <sum>, %rev3A_1949 masked %broadcast_in_dim3A_1951 : vector<16xi32>, vector<16xi1> -> vector<16xi32>
      %rev3A_1953 = arith.constant 15 : i32
      %rev3A_1954 = vector.broadcast %rev3A_1953 : i32 to vector<16xi32>
      %rev3A_1955 = tpu.iota {dimensions = array<i32: 0>} : vector<16xi32>
      %rev3A_1956 = arith.subi %rev3A_1954, %rev3A_1955 : vector<16xi32>
      %rev3A_1957 = tpu.dynamic_gather %masked_cumsum3A_1952[%rev3A_1956] in [0] : vector<16xi32>, vector<16xi32> -> vector<16xi32>
      %add3A_1958 = arith.addi %rev3A_1957, %add3A_1942 : vector<16xi32>
      %ge3A_1959 = arith.cmpi sge, %add3A_1958, %select_n3A_1835 : vector<16xi32>
      %all_reduce_population_count3A_1960 = tpu.all_reduce %ge3A_1959 {dim = 0 : i64, kind = #tpu.reduction_kind<sum>} : vector<16xi1> -> vector<16xi32>
      %sub3A_1961 = arith.constant 1 : i32
      %sub3A_1962 = vector.broadcast %sub3A_1961 : i32 to vector<16xi32>
      %sub3A_1963 = arith.subi %all_reduce_population_count3A_1960, %sub3A_1962 : vector<16xi32>
      %max3A_1964 = arith.constant 0 : i32
      %max3A_1965 = vector.broadcast %max3A_1964 : i32 to vector<16xi32>
      %max3A_1966 = arith.maxsi %sub3A_1963, %max3A_1965 : vector<16xi32>
      %broadcast_in_dim3A_1967 = vector.shape_cast %max3A_1966 : vector<16xi32> to vector<16x1xi32>
      %gather3A_1968 = vector.shape_cast %broadcast_in_dim3A_1967 : vector<16x1xi32> to vector<16xi32>
      %gather3A_1969 = tpu.dynamic_gather %rev3A_1957[%gather3A_1968] in [0] : vector<16xi32>, vector<16xi32> -> vector<16xi32>
      %add3A_1970 = arith.addi %gather3A_1969, %add3A_1942 : vector<16xi32>
      %broadcast_in_dim3A_1971 = vector.shape_cast %max3A_1966 : vector<16xi32> to vector<16x1xi32>
      %gather3A_1972 = vector.shape_cast %broadcast_in_dim3A_1971 : vector<16x1xi32> to vector<16xi32>
      %gather3A_1973 = tpu.dynamic_gather %get3A_1944[%gather3A_1972] in [0] : vector<16xi32>, vector<16xi32> -> vector<16xi32>
      %gt3A_1974 = arith.constant 0 : i32
      %gt3A_1975 = vector.broadcast %gt3A_1974 : i32 to vector<16xi32>
      %gt3A_1976 = arith.cmpi sgt, %all_reduce_population_count3A_1960, %gt3A_1975 : vector<16xi32>
      %eq3A_1977 = arith.constant 0 : i32
      %eq3A_1978 = vector.broadcast %eq3A_1977 : i32 to vector<16xi32>
      %eq3A_1979 = arith.cmpi eq, %select_n3A_1935, %eq3A_1978 : vector<16xi32>
      %and3A_1980 = arith.andi %gt3A_1976, %eq3A_1979 : vector<16xi1>
      %add3A_1981 = arith.constant 224 : i32
      %add3A_1982 = vector.broadcast %add3A_1981 : i32 to vector<16xi32>
      %add3A_1983 = arith.addi %add3A_1982, %max3A_1966 : vector<16xi32>
      %select_n3A_1984 = arith.select %and3A_1980, %add3A_1983, %select_n3A_1929 : vector<16xi1>, vector<16xi32>
      %sub3A_1985 = arith.subi %add3A_1970, %gather3A_1973 : vector<16xi32>
      %sub3A_1986 = arith.subi %select_n3A_1835, %sub3A_1985 : vector<16xi32>
      %select_n3A_1987 = arith.select %and3A_1980, %sub3A_1986, %select_n3A_1932 : vector<16xi1>, vector<16xi32>
      %jit3A_1988 = arith.constant 1 : i32
      %broadcast_in_dim3A_1989 = vector.broadcast %jit3A_1988 : i32 to vector<16xi32>
      %select_n3A_1990 = arith.select %and3A_1980, %broadcast_in_dim3A_1989, %select_n3A_1935 : vector<16xi1>, vector<16xi32>
      %broadcast_in_dim3A_1991 = arith.constant true
      %broadcast_in_dim3A_1992 = vector.broadcast %broadcast_in_dim3A_1991 : i1 to vector<16xi1>
      %masked_cumsum3A_1993 = tpu.scan <sum>, %get3A_1944 masked %broadcast_in_dim3A_1992 : vector<16xi32>, vector<16xi1> -> vector<16xi32>
      %broadcast_in_dim3A_1994 = vector.shape_cast %broadcast_in_dim3A_7 : vector<16xi32> to vector<16x1xi32>
      %gather3A_1995 = vector.shape_cast %broadcast_in_dim3A_1994 : vector<16x1xi32> to vector<16xi32>
      %gather3A_1996 = tpu.dynamic_gather %masked_cumsum3A_1993[%gather3A_1995] in [0] : vector<16xi32>, vector<16xi32> -> vector<16xi32>
      %add3A_1997 = arith.addi %add3A_1942, %gather3A_1996 : vector<16xi32>
      %get3A_1998 = arith.constant 208 : index
      %get3A_1999 = tpu.vector_load %arg7[%get3A_1998] {strides = array<i32>} : memref<256xi32, #tpu.memory_space<vmem>>, vector<16xi32>,
      %rev3A_2000 = arith.constant 15 : i32
      %rev3A_2001 = vector.broadcast %rev3A_2000 : i32 to vector<16xi32>
      %rev3A_2002 = tpu.iota {dimensions = array<i32: 0>} : vector<16xi32>
      %rev3A_2003 = arith.subi %rev3A_2001, %rev3A_2002 : vector<16xi32>
      %rev3A_2004 = tpu.dynamic_gather %get3A_1999[%rev3A_2003] in [0] : vector<16xi32>, vector<16xi32> -> vector<16xi32>
      %broadcast_in_dim3A_2005 = arith.constant true
      %broadcast_in_dim3A_2006 = vector.broadcast %broadcast_in_dim3A_2005 : i1 to vector<16xi1>
      %masked_cumsum3A_2007 = tpu.scan <sum>, %rev3A_2004 masked %broadcast_in_dim3A_2006 : vector<16xi32>, vector<16xi1> -> vector<16xi32>
      %rev3A_2008 = arith.constant 15 : i32
      %rev3A_2009 = vector.broadcast %rev3A_2008 : i32 to vector<16xi32>
      %rev3A_2010 = tpu.iota {dimensions = array<i32: 0>} : vector<16xi32>
      %rev3A_2011 = arith.subi %rev3A_2009, %rev3A_2010 : vector<16xi32>
      %rev3A_2012 = tpu.dynamic_gather %masked_cumsum3A_2007[%rev3A_2011] in [0] : vector<16xi32>, vector<16xi32> -> vector<16xi32>
      %add3A_2013 = arith.addi %rev3A_2012, %add3A_1997 : vector<16xi32>
      %ge3A_2014 = arith.cmpi sge, %add3A_2013, %select_n3A_1835 : vector<16xi32>
      %all_reduce_population_count3A_2015 = tpu.all_reduce %ge3A_2014 {dim = 0 : i64, kind = #tpu.reduction_kind<sum>} : vector<16xi1> -> vector<16xi32>
      %sub3A_2016 = arith.constant 1 : i32
      %sub3A_2017 = vector.broadcast %sub3A_2016 : i32 to vector<16xi32>
      %sub3A_2018 = arith.subi %all_reduce_population_count3A_2015, %sub3A_2017 : vector<16xi32>
      %max3A_2019 = arith.constant 0 : i32
      %max3A_2020 = vector.broadcast %max3A_2019 : i32 to vector<16xi32>
      %max3A_2021 = arith.maxsi %sub3A_2018, %max3A_2020 : vector<16xi32>
      %broadcast_in_dim3A_2022 = vector.shape_cast %max3A_2021 : vector<16xi32> to vector<16x1xi32>
      %gather3A_2023 = vector.shape_cast %broadcast_in_dim3A_2022 : vector<16x1xi32> to vector<16xi32>
      %gather3A_2024 = tpu.dynamic_gather %rev3A_2012[%gather3A_2023] in [0] : vector<16xi32>, vector<16xi32> -> vector<16xi32>
      %add3A_2025 = arith.addi %gather3A_2024, %add3A_1997 : vector<16xi32>
      %broadcast_in_dim3A_2026 = vector.shape_cast %max3A_2021 : vector<16xi32> to vector<16x1xi32>
      %gather3A_2027 = vector.shape_cast %broadcast_in_dim3A_2026 : vector<16x1xi32> to vector<16xi32>
      %gather3A_2028 = tpu.dynamic_gather %get3A_1999[%gather3A_2027] in [0] : vector<16xi32>, vector<16xi32> -> vector<16xi32>
      %gt3A_2029 = arith.constant 0 : i32
      %gt3A_2030 = vector.broadcast %gt3A_2029 : i32 to vector<16xi32>
      %gt3A_2031 = arith.cmpi sgt, %all_reduce_population_count3A_2015, %gt3A_2030 : vector<16xi32>
      %eq3A_2032 = arith.constant 0 : i32
      %eq3A_2033 = vector.broadcast %eq3A_2032 : i32 to vector<16xi32>
      %eq3A_2034 = arith.cmpi eq, %select_n3A_1990, %eq3A_2033 : vector<16xi32>
      %and3A_2035 = arith.andi %gt3A_2031, %eq3A_2034 : vector<16xi1>
      %add3A_2036 = arith.constant 208 : i32
      %add3A_2037 = vector.broadcast %add3A_2036 : i32 to vector<16xi32>
      %add3A_2038 = arith.addi %add3A_2037, %max3A_2021 : vector<16xi32>
      %select_n3A_2039 = arith.select %and3A_2035, %add3A_2038, %select_n3A_1984 : vector<16xi1>, vector<16xi32>
      %sub3A_2040 = arith.subi %add3A_2025, %gather3A_2028 : vector<16xi32>
      %sub3A_2041 = arith.subi %select_n3A_1835, %sub3A_2040 : vector<16xi32>
      %select_n3A_2042 = arith.select %and3A_2035, %sub3A_2041, %select_n3A_1987 : vector<16xi1>, vector<16xi32>
      %jit3A_2043 = arith.constant 1 : i32
      %broadcast_in_dim3A_2044 = vector.broadcast %jit3A_2043 : i32 to vector<16xi32>
      %select_n3A_2045 = arith.select %and3A_2035, %broadcast_in_dim3A_2044, %select_n3A_1990 : vector<16xi1>, vector<16xi32>
      %broadcast_in_dim3A_2046 = arith.constant true
      %broadcast_in_dim3A_2047 = vector.broadcast %broadcast_in_dim3A_2046 : i1 to vector<16xi1>
      %masked_cumsum3A_2048 = tpu.scan <sum>, %get3A_1999 masked %broadcast_in_dim3A_2047 : vector<16xi32>, vector<16xi1> -> vector<16xi32>
      %broadcast_in_dim3A_2049 = vector.shape_cast %broadcast_in_dim3A_7 : vector<16xi32> to vector<16x1xi32>
      %gather3A_2050 = vector.shape_cast %broadcast_in_dim3A_2049 : vector<16x1xi32> to vector<16xi32>
      %gather3A_2051 = tpu.dynamic_gather %masked_cumsum3A_2048[%gather3A_2050] in [0] : vector<16xi32>, vector<16xi32> -> vector<16xi32>
      %add3A_2052 = arith.addi %add3A_1997, %gather3A_2051 : vector<16xi32>
      %get3A_2053 = arith.constant 192 : index
      %get3A_2054 = tpu.vector_load %arg7[%get3A_2053] {strides = array<i32>} : memref<256xi32, #tpu.memory_space<vmem>>, vector<16xi32>,
      %rev3A_2055 = arith.constant 15 : i32
      %rev3A_2056 = vector.broadcast %rev3A_2055 : i32 to vector<16xi32>
      %rev3A_2057 = tpu.iota {dimensions = array<i32: 0>} : vector<16xi32>
      %rev3A_2058 = arith.subi %rev3A_2056, %rev3A_2057 : vector<16xi32>
      %rev3A_2059 = tpu.dynamic_gather %get3A_2054[%rev3A_2058] in [0] : vector<16xi32>, vector<16xi32> -> vector<16xi32>
      %broadcast_in_dim3A_2060 = arith.constant true
      %broadcast_in_dim3A_2061 = vector.broadcast %broadcast_in_dim3A_2060 : i1 to vector<16xi1>
      %masked_cumsum3A_2062 = tpu.scan <sum>, %rev3A_2059 masked %broadcast_in_dim3A_2061 : vector<16xi32>, vector<16xi1> -> vector<16xi32>
      %rev3A_2063 = arith.constant 15 : i32
      %rev3A_2064 = vector.broadcast %rev3A_2063 : i32 to vector<16xi32>
      %rev3A_2065 = tpu.iota {dimensions = array<i32: 0>} : vector<16xi32>
      %rev3A_2066 = arith.subi %rev3A_2064, %rev3A_2065 : vector<16xi32>
      %rev3A_2067 = tpu.dynamic_gather %masked_cumsum3A_2062[%rev3A_2066] in [0] : vector<16xi32>, vector<16xi32> -> vector<16xi32>
      %add3A_2068 = arith.addi %rev3A_2067, %add3A_2052 : vector<16xi32>
      %ge3A_2069 = arith.cmpi sge, %add3A_2068, %select_n3A_1835 : vector<16xi32>
      %all_reduce_population_count3A_2070 = tpu.all_reduce %ge3A_2069 {dim = 0 : i64, kind = #tpu.reduction_kind<sum>} : vector<16xi1> -> vector<16xi32>
      %sub3A_2071 = arith.constant 1 : i32
      %sub3A_2072 = vector.broadcast %sub3A_2071 : i32 to vector<16xi32>
      %sub3A_2073 = arith.subi %all_reduce_population_count3A_2070, %sub3A_2072 : vector<16xi32>
      %max3A_2074 = arith.constant 0 : i32
      %max3A_2075 = vector.broadcast %max3A_2074 : i32 to vector<16xi32>
      %max3A_2076 = arith.maxsi %sub3A_2073, %max3A_2075 : vector<16xi32>
      %broadcast_in_dim3A_2077 = vector.shape_cast %max3A_2076 : vector<16xi32> to vector<16x1xi32>
      %gather3A_2078 = vector.shape_cast %broadcast_in_dim3A_2077 : vector<16x1xi32> to vector<16xi32>
      %gather3A_2079 = tpu.dynamic_gather %rev3A_2067[%gather3A_2078] in [0] : vector<16xi32>, vector<16xi32> -> vector<16xi32>
      %add3A_2080 = arith.addi %gather3A_2079, %add3A_2052 : vector<16xi32>
      %broadcast_in_dim3A_2081 = vector.shape_cast %max3A_2076 : vector<16xi32> to vector<16x1xi32>
      %gather3A_2082 = vector.shape_cast %broadcast_in_dim3A_2081 : vector<16x1xi32> to vector<16xi32>
      %gather3A_2083 = tpu.dynamic_gather %get3A_2054[%gather3A_2082] in [0] : vector<16xi32>, vector<16xi32> -> vector<16xi32>
      %gt3A_2084 = arith.constant 0 : i32
      %gt3A_2085 = vector.broadcast %gt3A_2084 : i32 to vector<16xi32>
      %gt3A_2086 = arith.cmpi sgt, %all_reduce_population_count3A_2070, %gt3A_2085 : vector<16xi32>
      %eq3A_2087 = arith.constant 0 : i32
      %eq3A_2088 = vector.broadcast %eq3A_2087 : i32 to vector<16xi32>
      %eq3A_2089 = arith.cmpi eq, %select_n3A_2045, %eq3A_2088 : vector<16xi32>
      %and3A_2090 = arith.andi %gt3A_2086, %eq3A_2089 : vector<16xi1>
      %add3A_2091 = arith.constant 192 : i32
      %add3A_2092 = vector.broadcast %add3A_2091 : i32 to vector<16xi32>
      %add3A_2093 = arith.addi %add3A_2092, %max3A_2076 : vector<16xi32>
      %select_n3A_2094 = arith.select %and3A_2090, %add3A_2093, %select_n3A_2039 : vector<16xi1>, vector<16xi32>
      %sub3A_2095 = arith.subi %add3A_2080, %gather3A_2083 : vector<16xi32>
      %sub3A_2096 = arith.subi %select_n3A_1835, %sub3A_2095 : vector<16xi32>
      %select_n3A_2097 = arith.select %and3A_2090, %sub3A_2096, %select_n3A_2042 : vector<16xi1>, vector<16xi32>
      %jit3A_2098 = arith.constant 1 : i32
      %broadcast_in_dim3A_2099 = vector.broadcast %jit3A_2098 : i32 to vector<16xi32>
      %select_n3A_2100 = arith.select %and3A_2090, %broadcast_in_dim3A_2099, %select_n3A_2045 : vector<16xi1>, vector<16xi32>
      %broadcast_in_dim3A_2101 = arith.constant true
      %broadcast_in_dim3A_2102 = vector.broadcast %broadcast_in_dim3A_2101 : i1 to vector<16xi1>
      %masked_cumsum3A_2103 = tpu.scan <sum>, %get3A_2054 masked %broadcast_in_dim3A_2102 : vector<16xi32>, vector<16xi1> -> vector<16xi32>
      %broadcast_in_dim3A_2104 = vector.shape_cast %broadcast_in_dim3A_7 : vector<16xi32> to vector<16x1xi32>
      %gather3A_2105 = vector.shape_cast %broadcast_in_dim3A_2104 : vector<16x1xi32> to vector<16xi32>
      %gather3A_2106 = tpu.dynamic_gather %masked_cumsum3A_2103[%gather3A_2105] in [0] : vector<16xi32>, vector<16xi32> -> vector<16xi32>
      %add3A_2107 = arith.addi %add3A_2052, %gather3A_2106 : vector<16xi32>
      %get3A_2108 = arith.constant 176 : index
      %get3A_2109 = tpu.vector_load %arg7[%get3A_2108] {strides = array<i32>} : memref<256xi32, #tpu.memory_space<vmem>>, vector<16xi32>,
      %rev3A_2110 = arith.constant 15 : i32
      %rev3A_2111 = vector.broadcast %rev3A_2110 : i32 to vector<16xi32>
      %rev3A_2112 = tpu.iota {dimensions = array<i32: 0>} : vector<16xi32>
      %rev3A_2113 = arith.subi %rev3A_2111, %rev3A_2112 : vector<16xi32>
      %rev3A_2114 = tpu.dynamic_gather %get3A_2109[%rev3A_2113] in [0] : vector<16xi32>, vector<16xi32> -> vector<16xi32>
      %broadcast_in_dim3A_2115 = arith.constant true
      %broadcast_in_dim3A_2116 = vector.broadcast %broadcast_in_dim3A_2115 : i1 to vector<16xi1>
      %masked_cumsum3A_2117 = tpu.scan <sum>, %rev3A_2114 masked %broadcast_in_dim3A_2116 : vector<16xi32>, vector<16xi1> -> vector<16xi32>
      %rev3A_2118 = arith.constant 15 : i32
      %rev3A_2119 = vector.broadcast %rev3A_2118 : i32 to vector<16xi32>
      %rev3A_2120 = tpu.iota {dimensions = array<i32: 0>} : vector<16xi32>
      %rev3A_2121 = arith.subi %rev3A_2119, %rev3A_2120 : vector<16xi32>
      %rev3A_2122 = tpu.dynamic_gather %masked_cumsum3A_2117[%rev3A_2121] in [0] : vector<16xi32>, vector<16xi32> -> vector<16xi32>
      %add3A_2123 = arith.addi %rev3A_2122, %add3A_2107 : vector<16xi32>
      %ge3A_2124 = arith.cmpi sge, %add3A_2123, %select_n3A_1835 : vector<16xi32>
      %all_reduce_population_count3A_2125 = tpu.all_reduce %ge3A_2124 {dim = 0 : i64, kind = #tpu.reduction_kind<sum>} : vector<16xi1> -> vector<16xi32>
      %sub3A_2126 = arith.constant 1 : i32
      %sub3A_2127 = vector.broadcast %sub3A_2126 : i32 to vector<16xi32>
      %sub3A_2128 = arith.subi %all_reduce_population_count3A_2125, %sub3A_2127 : vector<16xi32>
      %max3A_2129 = arith.constant 0 : i32
      %max3A_2130 = vector.broadcast %max3A_2129 : i32 to vector<16xi32>
      %max3A_2131 = arith.maxsi %sub3A_2128, %max3A_2130 : vector<16xi32>
      %broadcast_in_dim3A_2132 = vector.shape_cast %max3A_2131 : vector<16xi32> to vector<16x1xi32>
      %gather3A_2133 = vector.shape_cast %broadcast_in_dim3A_2132 : vector<16x1xi32> to vector<16xi32>
      %gather3A_2134 = tpu.dynamic_gather %rev3A_2122[%gather3A_2133] in [0] : vector<16xi32>, vector<16xi32> -> vector<16xi32>
      %add3A_2135 = arith.addi %gather3A_2134, %add3A_2107 : vector<16xi32>
      %broadcast_in_dim3A_2136 = vector.shape_cast %max3A_2131 : vector<16xi32> to vector<16x1xi32>
      %gather3A_2137 = vector.shape_cast %broadcast_in_dim3A_2136 : vector<16x1xi32> to vector<16xi32>
      %gather3A_2138 = tpu.dynamic_gather %get3A_2109[%gather3A_2137] in [0] : vector<16xi32>, vector<16xi32> -> vector<16xi32>
      %gt3A_2139 = arith.constant 0 : i32
      %gt3A_2140 = vector.broadcast %gt3A_2139 : i32 to vector<16xi32>
      %gt3A_2141 = arith.cmpi sgt, %all_reduce_population_count3A_2125, %gt3A_2140 : vector<16xi32>
      %eq3A_2142 = arith.constant 0 : i32
      %eq3A_2143 = vector.broadcast %eq3A_2142 : i32 to vector<16xi32>
      %eq3A_2144 = arith.cmpi eq, %select_n3A_2100, %eq3A_2143 : vector<16xi32>
      %and3A_2145 = arith.andi %gt3A_2141, %eq3A_2144 : vector<16xi1>
      %add3A_2146 = arith.constant 176 : i32
      %add3A_2147 = vector.broadcast %add3A_2146 : i32 to vector<16xi32>
      %add3A_2148 = arith.addi %add3A_2147, %max3A_2131 : vector<16xi32>
      %select_n3A_2149 = arith.select %and3A_2145, %add3A_2148, %select_n3A_2094 : vector<16xi1>, vector<16xi32>
      %sub3A_2150 = arith.subi %add3A_2135, %gather3A_2138 : vector<16xi32>
      %sub3A_2151 = arith.subi %select_n3A_1835, %sub3A_2150 : vector<16xi32>
      %select_n3A_2152 = arith.select %and3A_2145, %sub3A_2151, %select_n3A_2097 : vector<16xi1>, vector<16xi32>
      %jit3A_2153 = arith.constant 1 : i32
      %broadcast_in_dim3A_2154 = vector.broadcast %jit3A_2153 : i32 to vector<16xi32>
      %select_n3A_2155 = arith.select %and3A_2145, %broadcast_in_dim3A_2154, %select_n3A_2100 : vector<16xi1>, vector<16xi32>
      %broadcast_in_dim3A_2156 = arith.constant true
      %broadcast_in_dim3A_2157 = vector.broadcast %broadcast_in_dim3A_2156 : i1 to vector<16xi1>
      %masked_cumsum3A_2158 = tpu.scan <sum>, %get3A_2109 masked %broadcast_in_dim3A_2157 : vector<16xi32>, vector<16xi1> -> vector<16xi32>
      %broadcast_in_dim3A_2159 = vector.shape_cast %broadcast_in_dim3A_7 : vector<16xi32> to vector<16x1xi32>
      %gather3A_2160 = vector.shape_cast %broadcast_in_dim3A_2159 : vector<16x1xi32> to vector<16xi32>
      %gather3A_2161 = tpu.dynamic_gather %masked_cumsum3A_2158[%gather3A_2160] in [0] : vector<16xi32>, vector<16xi32> -> vector<16xi32>
      %add3A_2162 = arith.addi %add3A_2107, %gather3A_2161 : vector<16xi32>
      %get3A_2163 = arith.constant 160 : index
      %get3A_2164 = tpu.vector_load %arg7[%get3A_2163] {strides = array<i32>} : memref<256xi32, #tpu.memory_space<vmem>>, vector<16xi32>,
      %rev3A_2165 = arith.constant 15 : i32
      %rev3A_2166 = vector.broadcast %rev3A_2165 : i32 to vector<16xi32>
      %rev3A_2167 = tpu.iota {dimensions = array<i32: 0>} : vector<16xi32>
      %rev3A_2168 = arith.subi %rev3A_2166, %rev3A_2167 : vector<16xi32>
      %rev3A_2169 = tpu.dynamic_gather %get3A_2164[%rev3A_2168] in [0] : vector<16xi32>, vector<16xi32> -> vector<16xi32>
      %broadcast_in_dim3A_2170 = arith.constant true
      %broadcast_in_dim3A_2171 = vector.broadcast %broadcast_in_dim3A_2170 : i1 to vector<16xi1>
      %masked_cumsum3A_2172 = tpu.scan <sum>, %rev3A_2169 masked %broadcast_in_dim3A_2171 : vector<16xi32>, vector<16xi1> -> vector<16xi32>
      %rev3A_2173 = arith.constant 15 : i32
      %rev3A_2174 = vector.broadcast %rev3A_2173 : i32 to vector<16xi32>
      %rev3A_2175 = tpu.iota {dimensions = array<i32: 0>} : vector<16xi32>
      %rev3A_2176 = arith.subi %rev3A_2174, %rev3A_2175 : vector<16xi32>
      %rev3A_2177 = tpu.dynamic_gather %masked_cumsum3A_2172[%rev3A_2176] in [0] : vector<16xi32>, vector<16xi32> -> vector<16xi32>
      %add3A_2178 = arith.addi %rev3A_2177, %add3A_2162 : vector<16xi32>
      %ge3A_2179 = arith.cmpi sge, %add3A_2178, %select_n3A_1835 : vector<16xi32>
      %all_reduce_population_count3A_2180 = tpu.all_reduce %ge3A_2179 {dim = 0 : i64, kind = #tpu.reduction_kind<sum>} : vector<16xi1> -> vector<16xi32>
      %sub3A_2181 = arith.constant 1 : i32
      %sub3A_2182 = vector.broadcast %sub3A_2181 : i32 to vector<16xi32>
      %sub3A_2183 = arith.subi %all_reduce_population_count3A_2180, %sub3A_2182 : vector<16xi32>
      %max3A_2184 = arith.constant 0 : i32
      %max3A_2185 = vector.broadcast %max3A_2184 : i32 to vector<16xi32>
      %max3A_2186 = arith.maxsi %sub3A_2183, %max3A_2185 : vector<16xi32>
      %broadcast_in_dim3A_2187 = vector.shape_cast %max3A_2186 : vector<16xi32> to vector<16x1xi32>
      %gather3A_2188 = vector.shape_cast %broadcast_in_dim3A_2187 : vector<16x1xi32> to vector<16xi32>
      %gather3A_2189 = tpu.dynamic_gather %rev3A_2177[%gather3A_2188] in [0] : vector<16xi32>, vector<16xi32> -> vector<16xi32>
      %add3A_2190 = arith.addi %gather3A_2189, %add3A_2162 : vector<16xi32>
      %broadcast_in_dim3A_2191 = vector.shape_cast %max3A_2186 : vector<16xi32> to vector<16x1xi32>
      %gather3A_2192 = vector.shape_cast %broadcast_in_dim3A_2191 : vector<16x1xi32> to vector<16xi32>
      %gather3A_2193 = tpu.dynamic_gather %get3A_2164[%gather3A_2192] in [0] : vector<16xi32>, vector<16xi32> -> vector<16xi32>
      %gt3A_2194 = arith.constant 0 : i32
      %gt3A_2195 = vector.broadcast %gt3A_2194 : i32 to vector<16xi32>
      %gt3A_2196 = arith.cmpi sgt, %all_reduce_population_count3A_2180, %gt3A_2195 : vector<16xi32>
      %eq3A_2197 = arith.constant 0 : i32
      %eq3A_2198 = vector.broadcast %eq3A_2197 : i32 to vector<16xi32>
      %eq3A_2199 = arith.cmpi eq, %select_n3A_2155, %eq3A_2198 : vector<16xi32>
      %and3A_2200 = arith.andi %gt3A_2196, %eq3A_2199 : vector<16xi1>
      %add3A_2201 = arith.constant 160 : i32
      %add3A_2202 = vector.broadcast %add3A_2201 : i32 to vector<16xi32>
      %add3A_2203 = arith.addi %add3A_2202, %max3A_2186 : vector<16xi32>
      %select_n3A_2204 = arith.select %and3A_2200, %add3A_2203, %select_n3A_2149 : vector<16xi1>, vector<16xi32>
      %sub3A_2205 = arith.subi %add3A_2190, %gather3A_2193 : vector<16xi32>
      %sub3A_2206 = arith.subi %select_n3A_1835, %sub3A_2205 : vector<16xi32>
      %select_n3A_2207 = arith.select %and3A_2200, %sub3A_2206, %select_n3A_2152 : vector<16xi1>, vector<16xi32>
      %jit3A_2208 = arith.constant 1 : i32
      %broadcast_in_dim3A_2209 = vector.broadcast %jit3A_2208 : i32 to vector<16xi32>
      %select_n3A_2210 = arith.select %and3A_2200, %broadcast_in_dim3A_2209, %select_n3A_2155 : vector<16xi1>, vector<16xi32>
      %broadcast_in_dim3A_2211 = arith.constant true
      %broadcast_in_dim3A_2212 = vector.broadcast %broadcast_in_dim3A_2211 : i1 to vector<16xi1>
      %masked_cumsum3A_2213 = tpu.scan <sum>, %get3A_2164 masked %broadcast_in_dim3A_2212 : vector<16xi32>, vector<16xi1> -> vector<16xi32>
      %broadcast_in_dim3A_2214 = vector.shape_cast %broadcast_in_dim3A_7 : vector<16xi32> to vector<16x1xi32>
      %gather3A_2215 = vector.shape_cast %broadcast_in_dim3A_2214 : vector<16x1xi32> to vector<16xi32>
      %gather3A_2216 = tpu.dynamic_gather %masked_cumsum3A_2213[%gather3A_2215] in [0] : vector<16xi32>, vector<16xi32> -> vector<16xi32>
      %add3A_2217 = arith.addi %add3A_2162, %gather3A_2216 : vector<16xi32>
      %get3A_2218 = arith.constant 144 : index
      %get3A_2219 = tpu.vector_load %arg7[%get3A_2218] {strides = array<i32>} : memref<256xi32, #tpu.memory_space<vmem>>, vector<16xi32>,
      %rev3A_2220 = arith.constant 15 : i32
      %rev3A_2221 = vector.broadcast %rev3A_2220 : i32 to vector<16xi32>
      %rev3A_2222 = tpu.iota {dimensions = array<i32: 0>} : vector<16xi32>
      %rev3A_2223 = arith.subi %rev3A_2221, %rev3A_2222 : vector<16xi32>
      %rev3A_2224 = tpu.dynamic_gather %get3A_2219[%rev3A_2223] in [0] : vector<16xi32>, vector<16xi32> -> vector<16xi32>
      %broadcast_in_dim3A_2225 = arith.constant true
      %broadcast_in_dim3A_2226 = vector.broadcast %broadcast_in_dim3A_2225 : i1 to vector<16xi1>
      %masked_cumsum3A_2227 = tpu.scan <sum>, %rev3A_2224 masked %broadcast_in_dim3A_2226 : vector<16xi32>, vector<16xi1> -> vector<16xi32>
      %rev3A_2228 = arith.constant 15 : i32
      %rev3A_2229 = vector.broadcast %rev3A_2228 : i32 to vector<16xi32>
      %rev3A_2230 = tpu.iota {dimensions = array<i32: 0>} : vector<16xi32>
      %rev3A_2231 = arith.subi %rev3A_2229, %rev3A_2230 : vector<16xi32>
      %rev3A_2232 = tpu.dynamic_gather %masked_cumsum3A_2227[%rev3A_2231] in [0] : vector<16xi32>, vector<16xi32> -> vector<16xi32>
      %add3A_2233 = arith.addi %rev3A_2232, %add3A_2217 : vector<16xi32>
      %ge3A_2234 = arith.cmpi sge, %add3A_2233, %select_n3A_1835 : vector<16xi32>
      %all_reduce_population_count3A_2235 = tpu.all_reduce %ge3A_2234 {dim = 0 : i64, kind = #tpu.reduction_kind<sum>} : vector<16xi1> -> vector<16xi32>
      %sub3A_2236 = arith.constant 1 : i32
      %sub3A_2237 = vector.broadcast %sub3A_2236 : i32 to vector<16xi32>
      %sub3A_2238 = arith.subi %all_reduce_population_count3A_2235, %sub3A_2237 : vector<16xi32>
      %max3A_2239 = arith.constant 0 : i32
      %max3A_2240 = vector.broadcast %max3A_2239 : i32 to vector<16xi32>
      %max3A_2241 = arith.maxsi %sub3A_2238, %max3A_2240 : vector<16xi32>
      %broadcast_in_dim3A_2242 = vector.shape_cast %max3A_2241 : vector<16xi32> to vector<16x1xi32>
      %gather3A_2243 = vector.shape_cast %broadcast_in_dim3A_2242 : vector<16x1xi32> to vector<16xi32>
      %gather3A_2244 = tpu.dynamic_gather %rev3A_2232[%gather3A_2243] in [0] : vector<16xi32>, vector<16xi32> -> vector<16xi32>
      %add3A_2245 = arith.addi %gather3A_2244, %add3A_2217 : vector<16xi32>
      %broadcast_in_dim3A_2246 = vector.shape_cast %max3A_2241 : vector<16xi32> to vector<16x1xi32>
      %gather3A_2247 = vector.shape_cast %broadcast_in_dim3A_2246 : vector<16x1xi32> to vector<16xi32>
      %gather3A_2248 = tpu.dynamic_gather %get3A_2219[%gather3A_2247] in [0] : vector<16xi32>, vector<16xi32> -> vector<16xi32>
      %gt3A_2249 = arith.constant 0 : i32
      %gt3A_2250 = vector.broadcast %gt3A_2249 : i32 to vector<16xi32>
      %gt3A_2251 = arith.cmpi sgt, %all_reduce_population_count3A_2235, %gt3A_2250 : vector<16xi32>
      %eq3A_2252 = arith.constant 0 : i32
      %eq3A_2253 = vector.broadcast %eq3A_2252 : i32 to vector<16xi32>
      %eq3A_2254 = arith.cmpi eq, %select_n3A_2210, %eq3A_2253 : vector<16xi32>
      %and3A_2255 = arith.andi %gt3A_2251, %eq3A_2254 : vector<16xi1>
      %add3A_2256 = arith.constant 144 : i32
      %add3A_2257 = vector.broadcast %add3A_2256 : i32 to vector<16xi32>
      %add3A_2258 = arith.addi %add3A_2257, %max3A_2241 : vector<16xi32>
      %select_n3A_2259 = arith.select %and3A_2255, %add3A_2258, %select_n3A_2204 : vector<16xi1>, vector<16xi32>
      %sub3A_2260 = arith.subi %add3A_2245, %gather3A_2248 : vector<16xi32>
      %sub3A_2261 = arith.subi %select_n3A_1835, %sub3A_2260 : vector<16xi32>
      %select_n3A_2262 = arith.select %and3A_2255, %sub3A_2261, %select_n3A_2207 : vector<16xi1>, vector<16xi32>
      %jit3A_2263 = arith.constant 1 : i32
      %broadcast_in_dim3A_2264 = vector.broadcast %jit3A_2263 : i32 to vector<16xi32>
      %select_n3A_2265 = arith.select %and3A_2255, %broadcast_in_dim3A_2264, %select_n3A_2210 : vector<16xi1>, vector<16xi32>
      %broadcast_in_dim3A_2266 = arith.constant true
      %broadcast_in_dim3A_2267 = vector.broadcast %broadcast_in_dim3A_2266 : i1 to vector<16xi1>
      %masked_cumsum3A_2268 = tpu.scan <sum>, %get3A_2219 masked %broadcast_in_dim3A_2267 : vector<16xi32>, vector<16xi1> -> vector<16xi32>
      %broadcast_in_dim3A_2269 = vector.shape_cast %broadcast_in_dim3A_7 : vector<16xi32> to vector<16x1xi32>
      %gather3A_2270 = vector.shape_cast %broadcast_in_dim3A_2269 : vector<16x1xi32> to vector<16xi32>
      %gather3A_2271 = tpu.dynamic_gather %masked_cumsum3A_2268[%gather3A_2270] in [0] : vector<16xi32>, vector<16xi32> -> vector<16xi32>
      %add3A_2272 = arith.addi %add3A_2217, %gather3A_2271 : vector<16xi32>
      %get3A_2273 = arith.constant 128 : index
      %get3A_2274 = tpu.vector_load %arg7[%get3A_2273] {strides = array<i32>} : memref<256xi32, #tpu.memory_space<vmem>>, vector<16xi32>,
      %rev3A_2275 = arith.constant 15 : i32
      %rev3A_2276 = vector.broadcast %rev3A_2275 : i32 to vector<16xi32>
      %rev3A_2277 = tpu.iota {dimensions = array<i32: 0>} : vector<16xi32>
      %rev3A_2278 = arith.subi %rev3A_2276, %rev3A_2277 : vector<16xi32>
      %rev3A_2279 = tpu.dynamic_gather %get3A_2274[%rev3A_2278] in [0] : vector<16xi32>, vector<16xi32> -> vector<16xi32>
      %broadcast_in_dim3A_2280 = arith.constant true
      %broadcast_in_dim3A_2281 = vector.broadcast %broadcast_in_dim3A_2280 : i1 to vector<16xi1>
      %masked_cumsum3A_2282 = tpu.scan <sum>, %rev3A_2279 masked %broadcast_in_dim3A_2281 : vector<16xi32>, vector<16xi1> -> vector<16xi32>
      %rev3A_2283 = arith.constant 15 : i32
      %rev3A_2284 = vector.broadcast %rev3A_2283 : i32 to vector<16xi32>
      %rev3A_2285 = tpu.iota {dimensions = array<i32: 0>} : vector<16xi32>
      %rev3A_2286 = arith.subi %rev3A_2284, %rev3A_2285 : vector<16xi32>
      %rev3A_2287 = tpu.dynamic_gather %masked_cumsum3A_2282[%rev3A_2286] in [0] : vector<16xi32>, vector<16xi32> -> vector<16xi32>
      %add3A_2288 = arith.addi %rev3A_2287, %add3A_2272 : vector<16xi32>
      %ge3A_2289 = arith.cmpi sge, %add3A_2288, %select_n3A_1835 : vector<16xi32>
      %all_reduce_population_count3A_2290 = tpu.all_reduce %ge3A_2289 {dim = 0 : i64, kind = #tpu.reduction_kind<sum>} : vector<16xi1> -> vector<16xi32>
      %sub3A_2291 = arith.constant 1 : i32
      %sub3A_2292 = vector.broadcast %sub3A_2291 : i32 to vector<16xi32>
      %sub3A_2293 = arith.subi %all_reduce_population_count3A_2290, %sub3A_2292 : vector<16xi32>
      %max3A_2294 = arith.constant 0 : i32
      %max3A_2295 = vector.broadcast %max3A_2294 : i32 to vector<16xi32>
      %max3A_2296 = arith.maxsi %sub3A_2293, %max3A_2295 : vector<16xi32>
      %broadcast_in_dim3A_2297 = vector.shape_cast %max3A_2296 : vector<16xi32> to vector<16x1xi32>
      %gather3A_2298 = vector.shape_cast %broadcast_in_dim3A_2297 : vector<16x1xi32> to vector<16xi32>
      %gather3A_2299 = tpu.dynamic_gather %rev3A_2287[%gather3A_2298] in [0] : vector<16xi32>, vector<16xi32> -> vector<16xi32>
      %add3A_2300 = arith.addi %gather3A_2299, %add3A_2272 : vector<16xi32>
      %broadcast_in_dim3A_2301 = vector.shape_cast %max3A_2296 : vector<16xi32> to vector<16x1xi32>
      %gather3A_2302 = vector.shape_cast %broadcast_in_dim3A_2301 : vector<16x1xi32> to vector<16xi32>
      %gather3A_2303 = tpu.dynamic_gather %get3A_2274[%gather3A_2302] in [0] : vector<16xi32>, vector<16xi32> -> vector<16xi32>
      %gt3A_2304 = arith.constant 0 : i32
      %gt3A_2305 = vector.broadcast %gt3A_2304 : i32 to vector<16xi32>
      %gt3A_2306 = arith.cmpi sgt, %all_reduce_population_count3A_2290, %gt3A_2305 : vector<16xi32>
      %eq3A_2307 = arith.constant 0 : i32
      %eq3A_2308 = vector.broadcast %eq3A_2307 : i32 to vector<16xi32>
      %eq3A_2309 = arith.cmpi eq, %select_n3A_2265, %eq3A_2308 : vector<16xi32>
      %and3A_2310 = arith.andi %gt3A_2306, %eq3A_2309 : vector<16xi1>
      %add3A_2311 = arith.constant 128 : i32
      %add3A_2312 = vector.broadcast %add3A_2311 : i32 to vector<16xi32>
      %add3A_2313 = arith.addi %add3A_2312, %max3A_2296 : vector<16xi32>
      %select_n3A_2314 = arith.select %and3A_2310, %add3A_2313, %select_n3A_2259 : vector<16xi1>, vector<16xi32>
      %sub3A_2315 = arith.subi %add3A_2300, %gather3A_2303 : vector<16xi32>
      %sub3A_2316 = arith.subi %select_n3A_1835, %sub3A_2315 : vector<16xi32>
      %select_n3A_2317 = arith.select %and3A_2310, %sub3A_2316, %select_n3A_2262 : vector<16xi1>, vector<16xi32>
      %jit3A_2318 = arith.constant 1 : i32
      %broadcast_in_dim3A_2319 = vector.broadcast %jit3A_2318 : i32 to vector<16xi32>
      %select_n3A_2320 = arith.select %and3A_2310, %broadcast_in_dim3A_2319, %select_n3A_2265 : vector<16xi1>, vector<16xi32>
      %broadcast_in_dim3A_2321 = arith.constant true
      %broadcast_in_dim3A_2322 = vector.broadcast %broadcast_in_dim3A_2321 : i1 to vector<16xi1>
      %masked_cumsum3A_2323 = tpu.scan <sum>, %get3A_2274 masked %broadcast_in_dim3A_2322 : vector<16xi32>, vector<16xi1> -> vector<16xi32>
      %broadcast_in_dim3A_2324 = vector.shape_cast %broadcast_in_dim3A_7 : vector<16xi32> to vector<16x1xi32>
      %gather3A_2325 = vector.shape_cast %broadcast_in_dim3A_2324 : vector<16x1xi32> to vector<16xi32>
      %gather3A_2326 = tpu.dynamic_gather %masked_cumsum3A_2323[%gather3A_2325] in [0] : vector<16xi32>, vector<16xi32> -> vector<16xi32>
      %add3A_2327 = arith.addi %add3A_2272, %gather3A_2326 : vector<16xi32>
      %get3A_2328 = arith.constant 112 : index
      %get3A_2329 = tpu.vector_load %arg7[%get3A_2328] {strides = array<i32>} : memref<256xi32, #tpu.memory_space<vmem>>, vector<16xi32>,
      %rev3A_2330 = arith.constant 15 : i32
      %rev3A_2331 = vector.broadcast %rev3A_2330 : i32 to vector<16xi32>
      %rev3A_2332 = tpu.iota {dimensions = array<i32: 0>} : vector<16xi32>
      %rev3A_2333 = arith.subi %rev3A_2331, %rev3A_2332 : vector<16xi32>
      %rev3A_2334 = tpu.dynamic_gather %get3A_2329[%rev3A_2333] in [0] : vector<16xi32>, vector<16xi32> -> vector<16xi32>
      %broadcast_in_dim3A_2335 = arith.constant true
      %broadcast_in_dim3A_2336 = vector.broadcast %broadcast_in_dim3A_2335 : i1 to vector<16xi1>
      %masked_cumsum3A_2337 = tpu.scan <sum>, %rev3A_2334 masked %broadcast_in_dim3A_2336 : vector<16xi32>, vector<16xi1> -> vector<16xi32>
      %rev3A_2338 = arith.constant 15 : i32
      %rev3A_2339 = vector.broadcast %rev3A_2338 : i32 to vector<16xi32>
      %rev3A_2340 = tpu.iota {dimensions = array<i32: 0>} : vector<16xi32>
      %rev3A_2341 = arith.subi %rev3A_2339, %rev3A_2340 : vector<16xi32>
      %rev3A_2342 = tpu.dynamic_gather %masked_cumsum3A_2337[%rev3A_2341] in [0] : vector<16xi32>, vector<16xi32> -> vector<16xi32>
      %add3A_2343 = arith.addi %rev3A_2342, %add3A_2327 : vector<16xi32>
      %ge3A_2344 = arith.cmpi sge, %add3A_2343, %select_n3A_1835 : vector<16xi32>
      %all_reduce_population_count3A_2345 = tpu.all_reduce %ge3A_2344 {dim = 0 : i64, kind = #tpu.reduction_kind<sum>} : vector<16xi1> -> vector<16xi32>
      %sub3A_2346 = arith.constant 1 : i32
      %sub3A_2347 = vector.broadcast %sub3A_2346 : i32 to vector<16xi32>
      %sub3A_2348 = arith.subi %all_reduce_population_count3A_2345, %sub3A_2347 : vector<16xi32>
      %max3A_2349 = arith.constant 0 : i32
      %max3A_2350 = vector.broadcast %max3A_2349 : i32 to vector<16xi32>
      %max3A_2351 = arith.maxsi %sub3A_2348, %max3A_2350 : vector<16xi32>
      %broadcast_in_dim3A_2352 = vector.shape_cast %max3A_2351 : vector<16xi32> to vector<16x1xi32>
      %gather3A_2353 = vector.shape_cast %broadcast_in_dim3A_2352 : vector<16x1xi32> to vector<16xi32>
      %gather3A_2354 = tpu.dynamic_gather %rev3A_2342[%gather3A_2353] in [0] : vector<16xi32>, vector<16xi32> -> vector<16xi32>
      %add3A_2355 = arith.addi %gather3A_2354, %add3A_2327 : vector<16xi32>
      %broadcast_in_dim3A_2356 = vector.shape_cast %max3A_2351 : vector<16xi32> to vector<16x1xi32>
      %gather3A_2357 = vector.shape_cast %broadcast_in_dim3A_2356 : vector<16x1xi32> to vector<16xi32>
      %gather3A_2358 = tpu.dynamic_gather %get3A_2329[%gather3A_2357] in [0] : vector<16xi32>, vector<16xi32> -> vector<16xi32>
      %gt3A_2359 = arith.constant 0 : i32
      %gt3A_2360 = vector.broadcast %gt3A_2359 : i32 to vector<16xi32>
      %gt3A_2361 = arith.cmpi sgt, %all_reduce_population_count3A_2345, %gt3A_2360 : vector<16xi32>
      %eq3A_2362 = arith.constant 0 : i32
      %eq3A_2363 = vector.broadcast %eq3A_2362 : i32 to vector<16xi32>
      %eq3A_2364 = arith.cmpi eq, %select_n3A_2320, %eq3A_2363 : vector<16xi32>
      %and3A_2365 = arith.andi %gt3A_2361, %eq3A_2364 : vector<16xi1>
      %add3A_2366 = arith.constant 112 : i32
      %add3A_2367 = vector.broadcast %add3A_2366 : i32 to vector<16xi32>
      %add3A_2368 = arith.addi %add3A_2367, %max3A_2351 : vector<16xi32>
      %select_n3A_2369 = arith.select %and3A_2365, %add3A_2368, %select_n3A_2314 : vector<16xi1>, vector<16xi32>
      %sub3A_2370 = arith.subi %add3A_2355, %gather3A_2358 : vector<16xi32>
      %sub3A_2371 = arith.subi %select_n3A_1835, %sub3A_2370 : vector<16xi32>
      %select_n3A_2372 = arith.select %and3A_2365, %sub3A_2371, %select_n3A_2317 : vector<16xi1>, vector<16xi32>
      %jit3A_2373 = arith.constant 1 : i32
      %broadcast_in_dim3A_2374 = vector.broadcast %jit3A_2373 : i32 to vector<16xi32>
      %select_n3A_2375 = arith.select %and3A_2365, %broadcast_in_dim3A_2374, %select_n3A_2320 : vector<16xi1>, vector<16xi32>
      %broadcast_in_dim3A_2376 = arith.constant true
      %broadcast_in_dim3A_2377 = vector.broadcast %broadcast_in_dim3A_2376 : i1 to vector<16xi1>
      %masked_cumsum3A_2378 = tpu.scan <sum>, %get3A_2329 masked %broadcast_in_dim3A_2377 : vector<16xi32>, vector<16xi1> -> vector<16xi32>
      %broadcast_in_dim3A_2379 = vector.shape_cast %broadcast_in_dim3A_7 : vector<16xi32> to vector<16x1xi32>
      %gather3A_2380 = vector.shape_cast %broadcast_in_dim3A_2379 : vector<16x1xi32> to vector<16xi32>
      %gather3A_2381 = tpu.dynamic_gather %masked_cumsum3A_2378[%gather3A_2380] in [0] : vector<16xi32>, vector<16xi32> -> vector<16xi32>
      %add3A_2382 = arith.addi %add3A_2327, %gather3A_2381 : vector<16xi32>
      %get3A_2383 = arith.constant 96 : index
      %get3A_2384 = tpu.vector_load %arg7[%get3A_2383] {strides = array<i32>} : memref<256xi32, #tpu.memory_space<vmem>>, vector<16xi32>,
      %rev3A_2385 = arith.constant 15 : i32
      %rev3A_2386 = vector.broadcast %rev3A_2385 : i32 to vector<16xi32>
      %rev3A_2387 = tpu.iota {dimensions = array<i32: 0>} : vector<16xi32>
      %rev3A_2388 = arith.subi %rev3A_2386, %rev3A_2387 : vector<16xi32>
      %rev3A_2389 = tpu.dynamic_gather %get3A_2384[%rev3A_2388] in [0] : vector<16xi32>, vector<16xi32> -> vector<16xi32>
      %broadcast_in_dim3A_2390 = arith.constant true
      %broadcast_in_dim3A_2391 = vector.broadcast %broadcast_in_dim3A_2390 : i1 to vector<16xi1>
      %masked_cumsum3A_2392 = tpu.scan <sum>, %rev3A_2389 masked %broadcast_in_dim3A_2391 : vector<16xi32>, vector<16xi1> -> vector<16xi32>
      %rev3A_2393 = arith.constant 15 : i32
      %rev3A_2394 = vector.broadcast %rev3A_2393 : i32 to vector<16xi32>
      %rev3A_2395 = tpu.iota {dimensions = array<i32: 0>} : vector<16xi32>
      %rev3A_2396 = arith.subi %rev3A_2394, %rev3A_2395 : vector<16xi32>
      %rev3A_2397 = tpu.dynamic_gather %masked_cumsum3A_2392[%rev3A_2396] in [0] : vector<16xi32>, vector<16xi32> -> vector<16xi32>
      %add3A_2398 = arith.addi %rev3A_2397, %add3A_2382 : vector<16xi32>
      %ge3A_2399 = arith.cmpi sge, %add3A_2398, %select_n3A_1835 : vector<16xi32>
      %all_reduce_population_count3A_2400 = tpu.all_reduce %ge3A_2399 {dim = 0 : i64, kind = #tpu.reduction_kind<sum>} : vector<16xi1> -> vector<16xi32>
      %sub3A_2401 = arith.constant 1 : i32
      %sub3A_2402 = vector.broadcast %sub3A_2401 : i32 to vector<16xi32>
      %sub3A_2403 = arith.subi %all_reduce_population_count3A_2400, %sub3A_2402 : vector<16xi32>
      %max3A_2404 = arith.constant 0 : i32
      %max3A_2405 = vector.broadcast %max3A_2404 : i32 to vector<16xi32>
      %max3A_2406 = arith.maxsi %sub3A_2403, %max3A_2405 : vector<16xi32>
      %broadcast_in_dim3A_2407 = vector.shape_cast %max3A_2406 : vector<16xi32> to vector<16x1xi32>
      %gather3A_2408 = vector.shape_cast %broadcast_in_dim3A_2407 : vector<16x1xi32> to vector<16xi32>
      %gather3A_2409 = tpu.dynamic_gather %rev3A_2397[%gather3A_2408] in [0] : vector<16xi32>, vector<16xi32> -> vector<16xi32>
      %add3A_2410 = arith.addi %gather3A_2409, %add3A_2382 : vector<16xi32>
      %broadcast_in_dim3A_2411 = vector.shape_cast %max3A_2406 : vector<16xi32> to vector<16x1xi32>
      %gather3A_2412 = vector.shape_cast %broadcast_in_dim3A_2411 : vector<16x1xi32> to vector<16xi32>
      %gather3A_2413 = tpu.dynamic_gather %get3A_2384[%gather3A_2412] in [0] : vector<16xi32>, vector<16xi32> -> vector<16xi32>
      %gt3A_2414 = arith.constant 0 : i32
      %gt3A_2415 = vector.broadcast %gt3A_2414 : i32 to vector<16xi32>
      %gt3A_2416 = arith.cmpi sgt, %all_reduce_population_count3A_2400, %gt3A_2415 : vector<16xi32>
      %eq3A_2417 = arith.constant 0 : i32
      %eq3A_2418 = vector.broadcast %eq3A_2417 : i32 to vector<16xi32>
      %eq3A_2419 = arith.cmpi eq, %select_n3A_2375, %eq3A_2418 : vector<16xi32>
      %and3A_2420 = arith.andi %gt3A_2416, %eq3A_2419 : vector<16xi1>
      %add3A_2421 = arith.constant 96 : i32
      %add3A_2422 = vector.broadcast %add3A_2421 : i32 to vector<16xi32>
      %add3A_2423 = arith.addi %add3A_2422, %max3A_2406 : vector<16xi32>
      %select_n3A_2424 = arith.select %and3A_2420, %add3A_2423, %select_n3A_2369 : vector<16xi1>, vector<16xi32>
      %sub3A_2425 = arith.subi %add3A_2410, %gather3A_2413 : vector<16xi32>
      %sub3A_2426 = arith.subi %select_n3A_1835, %sub3A_2425 : vector<16xi32>
      %select_n3A_2427 = arith.select %and3A_2420, %sub3A_2426, %select_n3A_2372 : vector<16xi1>, vector<16xi32>
      %jit3A_2428 = arith.constant 1 : i32
      %broadcast_in_dim3A_2429 = vector.broadcast %jit3A_2428 : i32 to vector<16xi32>
      %select_n3A_2430 = arith.select %and3A_2420, %broadcast_in_dim3A_2429, %select_n3A_2375 : vector<16xi1>, vector<16xi32>
      %broadcast_in_dim3A_2431 = arith.constant true
      %broadcast_in_dim3A_2432 = vector.broadcast %broadcast_in_dim3A_2431 : i1 to vector<16xi1>
      %masked_cumsum3A_2433 = tpu.scan <sum>, %get3A_2384 masked %broadcast_in_dim3A_2432 : vector<16xi32>, vector<16xi1> -> vector<16xi32>
      %broadcast_in_dim3A_2434 = vector.shape_cast %broadcast_in_dim3A_7 : vector<16xi32> to vector<16x1xi32>
      %gather3A_2435 = vector.shape_cast %broadcast_in_dim3A_2434 : vector<16x1xi32> to vector<16xi32>
      %gather3A_2436 = tpu.dynamic_gather %masked_cumsum3A_2433[%gather3A_2435] in [0] : vector<16xi32>, vector<16xi32> -> vector<16xi32>
      %add3A_2437 = arith.addi %add3A_2382, %gather3A_2436 : vector<16xi32>
      %get3A_2438 = arith.constant 80 : index
      %get3A_2439 = tpu.vector_load %arg7[%get3A_2438] {strides = array<i32>} : memref<256xi32, #tpu.memory_space<vmem>>, vector<16xi32>,
      %rev3A_2440 = arith.constant 15 : i32
      %rev3A_2441 = vector.broadcast %rev3A_2440 : i32 to vector<16xi32>
      %rev3A_2442 = tpu.iota {dimensions = array<i32: 0>} : vector<16xi32>
      %rev3A_2443 = arith.subi %rev3A_2441, %rev3A_2442 : vector<16xi32>
      %rev3A_2444 = tpu.dynamic_gather %get3A_2439[%rev3A_2443] in [0] : vector<16xi32>, vector<16xi32> -> vector<16xi32>
      %broadcast_in_dim3A_2445 = arith.constant true
      %broadcast_in_dim3A_2446 = vector.broadcast %broadcast_in_dim3A_2445 : i1 to vector<16xi1>
      %masked_cumsum3A_2447 = tpu.scan <sum>, %rev3A_2444 masked %broadcast_in_dim3A_2446 : vector<16xi32>, vector<16xi1> -> vector<16xi32>
      %rev3A_2448 = arith.constant 15 : i32
      %rev3A_2449 = vector.broadcast %rev3A_2448 : i32 to vector<16xi32>
      %rev3A_2450 = tpu.iota {dimensions = array<i32: 0>} : vector<16xi32>
      %rev3A_2451 = arith.subi %rev3A_2449, %rev3A_2450 : vector<16xi32>
      %rev3A_2452 = tpu.dynamic_gather %masked_cumsum3A_2447[%rev3A_2451] in [0] : vector<16xi32>, vector<16xi32> -> vector<16xi32>
      %add3A_2453 = arith.addi %rev3A_2452, %add3A_2437 : vector<16xi32>
      %ge3A_2454 = arith.cmpi sge, %add3A_2453, %select_n3A_1835 : vector<16xi32>
      %all_reduce_population_count3A_2455 = tpu.all_reduce %ge3A_2454 {dim = 0 : i64, kind = #tpu.reduction_kind<sum>} : vector<16xi1> -> vector<16xi32>
      %sub3A_2456 = arith.constant 1 : i32
      %sub3A_2457 = vector.broadcast %sub3A_2456 : i32 to vector<16xi32>
      %sub3A_2458 = arith.subi %all_reduce_population_count3A_2455, %sub3A_2457 : vector<16xi32>
      %max3A_2459 = arith.constant 0 : i32
      %max3A_2460 = vector.broadcast %max3A_2459 : i32 to vector<16xi32>
      %max3A_2461 = arith.maxsi %sub3A_2458, %max3A_2460 : vector<16xi32>
      %broadcast_in_dim3A_2462 = vector.shape_cast %max3A_2461 : vector<16xi32> to vector<16x1xi32>
      %gather3A_2463 = vector.shape_cast %broadcast_in_dim3A_2462 : vector<16x1xi32> to vector<16xi32>
      %gather3A_2464 = tpu.dynamic_gather %rev3A_2452[%gather3A_2463] in [0] : vector<16xi32>, vector<16xi32> -> vector<16xi32>
      %add3A_2465 = arith.addi %gather3A_2464, %add3A_2437 : vector<16xi32>
      %broadcast_in_dim3A_2466 = vector.shape_cast %max3A_2461 : vector<16xi32> to vector<16x1xi32>
      %gather3A_2467 = vector.shape_cast %broadcast_in_dim3A_2466 : vector<16x1xi32> to vector<16xi32>
      %gather3A_2468 = tpu.dynamic_gather %get3A_2439[%gather3A_2467] in [0] : vector<16xi32>, vector<16xi32> -> vector<16xi32>
      %gt3A_2469 = arith.constant 0 : i32
      %gt3A_2470 = vector.broadcast %gt3A_2469 : i32 to vector<16xi32>
      %gt3A_2471 = arith.cmpi sgt, %all_reduce_population_count3A_2455, %gt3A_2470 : vector<16xi32>
      %eq3A_2472 = arith.constant 0 : i32
      %eq3A_2473 = vector.broadcast %eq3A_2472 : i32 to vector<16xi32>
      %eq3A_2474 = arith.cmpi eq, %select_n3A_2430, %eq3A_2473 : vector<16xi32>
      %and3A_2475 = arith.andi %gt3A_2471, %eq3A_2474 : vector<16xi1>
      %add3A_2476 = arith.constant 80 : i32
      %add3A_2477 = vector.broadcast %add3A_2476 : i32 to vector<16xi32>
      %add3A_2478 = arith.addi %add3A_2477, %max3A_2461 : vector<16xi32>
      %select_n3A_2479 = arith.select %and3A_2475, %add3A_2478, %select_n3A_2424 : vector<16xi1>, vector<16xi32>
      %sub3A_2480 = arith.subi %add3A_2465, %gather3A_2468 : vector<16xi32>
      %sub3A_2481 = arith.subi %select_n3A_1835, %sub3A_2480 : vector<16xi32>
      %select_n3A_2482 = arith.select %and3A_2475, %sub3A_2481, %select_n3A_2427 : vector<16xi1>, vector<16xi32>
      %jit3A_2483 = arith.constant 1 : i32
      %broadcast_in_dim3A_2484 = vector.broadcast %jit3A_2483 : i32 to vector<16xi32>
      %select_n3A_2485 = arith.select %and3A_2475, %broadcast_in_dim3A_2484, %select_n3A_2430 : vector<16xi1>, vector<16xi32>
      %broadcast_in_dim3A_2486 = arith.constant true
      %broadcast_in_dim3A_2487 = vector.broadcast %broadcast_in_dim3A_2486 : i1 to vector<16xi1>
      %masked_cumsum3A_2488 = tpu.scan <sum>, %get3A_2439 masked %broadcast_in_dim3A_2487 : vector<16xi32>, vector<16xi1> -> vector<16xi32>
      %broadcast_in_dim3A_2489 = vector.shape_cast %broadcast_in_dim3A_7 : vector<16xi32> to vector<16x1xi32>
      %gather3A_2490 = vector.shape_cast %broadcast_in_dim3A_2489 : vector<16x1xi32> to vector<16xi32>
      %gather3A_2491 = tpu.dynamic_gather %masked_cumsum3A_2488[%gather3A_2490] in [0] : vector<16xi32>, vector<16xi32> -> vector<16xi32>
      %add3A_2492 = arith.addi %add3A_2437, %gather3A_2491 : vector<16xi32>
      %get3A_2493 = arith.constant 64 : index
      %get3A_2494 = tpu.vector_load %arg7[%get3A_2493] {strides = array<i32>} : memref<256xi32, #tpu.memory_space<vmem>>, vector<16xi32>,
      %rev3A_2495 = arith.constant 15 : i32
      %rev3A_2496 = vector.broadcast %rev3A_2495 : i32 to vector<16xi32>
      %rev3A_2497 = tpu.iota {dimensions = array<i32: 0>} : vector<16xi32>
      %rev3A_2498 = arith.subi %rev3A_2496, %rev3A_2497 : vector<16xi32>
      %rev3A_2499 = tpu.dynamic_gather %get3A_2494[%rev3A_2498] in [0] : vector<16xi32>, vector<16xi32> -> vector<16xi32>
      %broadcast_in_dim3A_2500 = arith.constant true
      %broadcast_in_dim3A_2501 = vector.broadcast %broadcast_in_dim3A_2500 : i1 to vector<16xi1>
      %masked_cumsum3A_2502 = tpu.scan <sum>, %rev3A_2499 masked %broadcast_in_dim3A_2501 : vector<16xi32>, vector<16xi1> -> vector<16xi32>
      %rev3A_2503 = arith.constant 15 : i32
      %rev3A_2504 = vector.broadcast %rev3A_2503 : i32 to vector<16xi32>
      %rev3A_2505 = tpu.iota {dimensions = array<i32: 0>} : vector<16xi32>
      %rev3A_2506 = arith.subi %rev3A_2504, %rev3A_2505 : vector<16xi32>
      %rev3A_2507 = tpu.dynamic_gather %masked_cumsum3A_2502[%rev3A_2506] in [0] : vector<16xi32>, vector<16xi32> -> vector<16xi32>
      %add3A_2508 = arith.addi %rev3A_2507, %add3A_2492 : vector<16xi32>
      %ge3A_2509 = arith.cmpi sge, %add3A_2508, %select_n3A_1835 : vector<16xi32>
      %all_reduce_population_count3A_2510 = tpu.all_reduce %ge3A_2509 {dim = 0 : i64, kind = #tpu.reduction_kind<sum>} : vector<16xi1> -> vector<16xi32>
      %sub3A_2511 = arith.constant 1 : i32
      %sub3A_2512 = vector.broadcast %sub3A_2511 : i32 to vector<16xi32>
      %sub3A_2513 = arith.subi %all_reduce_population_count3A_2510, %sub3A_2512 : vector<16xi32>
      %max3A_2514 = arith.constant 0 : i32
      %max3A_2515 = vector.broadcast %max3A_2514 : i32 to vector<16xi32>
      %max3A_2516 = arith.maxsi %sub3A_2513, %max3A_2515 : vector<16xi32>
      %broadcast_in_dim3A_2517 = vector.shape_cast %max3A_2516 : vector<16xi32> to vector<16x1xi32>
      %gather3A_2518 = vector.shape_cast %broadcast_in_dim3A_2517 : vector<16x1xi32> to vector<16xi32>
      %gather3A_2519 = tpu.dynamic_gather %rev3A_2507[%gather3A_2518] in [0] : vector<16xi32>, vector<16xi32> -> vector<16xi32>
      %add3A_2520 = arith.addi %gather3A_2519, %add3A_2492 : vector<16xi32>
      %broadcast_in_dim3A_2521 = vector.shape_cast %max3A_2516 : vector<16xi32> to vector<16x1xi32>
      %gather3A_2522 = vector.shape_cast %broadcast_in_dim3A_2521 : vector<16x1xi32> to vector<16xi32>
      %gather3A_2523 = tpu.dynamic_gather %get3A_2494[%gather3A_2522] in [0] : vector<16xi32>, vector<16xi32> -> vector<16xi32>
      %gt3A_2524 = arith.constant 0 : i32
      %gt3A_2525 = vector.broadcast %gt3A_2524 : i32 to vector<16xi32>
      %gt3A_2526 = arith.cmpi sgt, %all_reduce_population_count3A_2510, %gt3A_2525 : vector<16xi32>
      %eq3A_2527 = arith.constant 0 : i32
      %eq3A_2528 = vector.broadcast %eq3A_2527 : i32 to vector<16xi32>
      %eq3A_2529 = arith.cmpi eq, %select_n3A_2485, %eq3A_2528 : vector<16xi32>
      %and3A_2530 = arith.andi %gt3A_2526, %eq3A_2529 : vector<16xi1>
      %add3A_2531 = arith.constant 64 : i32
      %add3A_2532 = vector.broadcast %add3A_2531 : i32 to vector<16xi32>
      %add3A_2533 = arith.addi %add3A_2532, %max3A_2516 : vector<16xi32>
      %select_n3A_2534 = arith.select %and3A_2530, %add3A_2533, %select_n3A_2479 : vector<16xi1>, vector<16xi32>
      %sub3A_2535 = arith.subi %add3A_2520, %gather3A_2523 : vector<16xi32>
      %sub3A_2536 = arith.subi %select_n3A_1835, %sub3A_2535 : vector<16xi32>
      %select_n3A_2537 = arith.select %and3A_2530, %sub3A_2536, %select_n3A_2482 : vector<16xi1>, vector<16xi32>
      %jit3A_2538 = arith.constant 1 : i32
      %broadcast_in_dim3A_2539 = vector.broadcast %jit3A_2538 : i32 to vector<16xi32>
      %select_n3A_2540 = arith.select %and3A_2530, %broadcast_in_dim3A_2539, %select_n3A_2485 : vector<16xi1>, vector<16xi32>
      %broadcast_in_dim3A_2541 = arith.constant true
      %broadcast_in_dim3A_2542 = vector.broadcast %broadcast_in_dim3A_2541 : i1 to vector<16xi1>
      %masked_cumsum3A_2543 = tpu.scan <sum>, %get3A_2494 masked %broadcast_in_dim3A_2542 : vector<16xi32>, vector<16xi1> -> vector<16xi32>
      %broadcast_in_dim3A_2544 = vector.shape_cast %broadcast_in_dim3A_7 : vector<16xi32> to vector<16x1xi32>
      %gather3A_2545 = vector.shape_cast %broadcast_in_dim3A_2544 : vector<16x1xi32> to vector<16xi32>
      %gather3A_2546 = tpu.dynamic_gather %masked_cumsum3A_2543[%gather3A_2545] in [0] : vector<16xi32>, vector<16xi32> -> vector<16xi32>
      %add3A_2547 = arith.addi %add3A_2492, %gather3A_2546 : vector<16xi32>
      %get3A_2548 = arith.constant 48 : index
      %get3A_2549 = tpu.vector_load %arg7[%get3A_2548] {strides = array<i32>} : memref<256xi32, #tpu.memory_space<vmem>>, vector<16xi32>,
      %rev3A_2550 = arith.constant 15 : i32
      %rev3A_2551 = vector.broadcast %rev3A_2550 : i32 to vector<16xi32>
      %rev3A_2552 = tpu.iota {dimensions = array<i32: 0>} : vector<16xi32>
      %rev3A_2553 = arith.subi %rev3A_2551, %rev3A_2552 : vector<16xi32>
      %rev3A_2554 = tpu.dynamic_gather %get3A_2549[%rev3A_2553] in [0] : vector<16xi32>, vector<16xi32> -> vector<16xi32>
      %broadcast_in_dim3A_2555 = arith.constant true
      %broadcast_in_dim3A_2556 = vector.broadcast %broadcast_in_dim3A_2555 : i1 to vector<16xi1>
      %masked_cumsum3A_2557 = tpu.scan <sum>, %rev3A_2554 masked %broadcast_in_dim3A_2556 : vector<16xi32>, vector<16xi1> -> vector<16xi32>
      %rev3A_2558 = arith.constant 15 : i32
      %rev3A_2559 = vector.broadcast %rev3A_2558 : i32 to vector<16xi32>
      %rev3A_2560 = tpu.iota {dimensions = array<i32: 0>} : vector<16xi32>
      %rev3A_2561 = arith.subi %rev3A_2559, %rev3A_2560 : vector<16xi32>
      %rev3A_2562 = tpu.dynamic_gather %masked_cumsum3A_2557[%rev3A_2561] in [0] : vector<16xi32>, vector<16xi32> -> vector<16xi32>
      %add3A_2563 = arith.addi %rev3A_2562, %add3A_2547 : vector<16xi32>
      %ge3A_2564 = arith.cmpi sge, %add3A_2563, %select_n3A_1835 : vector<16xi32>
      %all_reduce_population_count3A_2565 = tpu.all_reduce %ge3A_2564 {dim = 0 : i64, kind = #tpu.reduction_kind<sum>} : vector<16xi1> -> vector<16xi32>
      %sub3A_2566 = arith.constant 1 : i32
      %sub3A_2567 = vector.broadcast %sub3A_2566 : i32 to vector<16xi32>
      %sub3A_2568 = arith.subi %all_reduce_population_count3A_2565, %sub3A_2567 : vector<16xi32>
      %max3A_2569 = arith.constant 0 : i32
      %max3A_2570 = vector.broadcast %max3A_2569 : i32 to vector<16xi32>
      %max3A_2571 = arith.maxsi %sub3A_2568, %max3A_2570 : vector<16xi32>
      %broadcast_in_dim3A_2572 = vector.shape_cast %max3A_2571 : vector<16xi32> to vector<16x1xi32>
      %gather3A_2573 = vector.shape_cast %broadcast_in_dim3A_2572 : vector<16x1xi32> to vector<16xi32>
      %gather3A_2574 = tpu.dynamic_gather %rev3A_2562[%gather3A_2573] in [0] : vector<16xi32>, vector<16xi32> -> vector<16xi32>
      %add3A_2575 = arith.addi %gather3A_2574, %add3A_2547 : vector<16xi32>
      %broadcast_in_dim3A_2576 = vector.shape_cast %max3A_2571 : vector<16xi32> to vector<16x1xi32>
      %gather3A_2577 = vector.shape_cast %broadcast_in_dim3A_2576 : vector<16x1xi32> to vector<16xi32>
      %gather3A_2578 = tpu.dynamic_gather %get3A_2549[%gather3A_2577] in [0] : vector<16xi32>, vector<16xi32> -> vector<16xi32>
      %gt3A_2579 = arith.constant 0 : i32
      %gt3A_2580 = vector.broadcast %gt3A_2579 : i32 to vector<16xi32>
      %gt3A_2581 = arith.cmpi sgt, %all_reduce_population_count3A_2565, %gt3A_2580 : vector<16xi32>
      %eq3A_2582 = arith.constant 0 : i32
      %eq3A_2583 = vector.broadcast %eq3A_2582 : i32 to vector<16xi32>
      %eq3A_2584 = arith.cmpi eq, %select_n3A_2540, %eq3A_2583 : vector<16xi32>
      %and3A_2585 = arith.andi %gt3A_2581, %eq3A_2584 : vector<16xi1>
      %add3A_2586 = arith.constant 48 : i32
      %add3A_2587 = vector.broadcast %add3A_2586 : i32 to vector<16xi32>
      %add3A_2588 = arith.addi %add3A_2587, %max3A_2571 : vector<16xi32>
      %select_n3A_2589 = arith.select %and3A_2585, %add3A_2588, %select_n3A_2534 : vector<16xi1>, vector<16xi32>
      %sub3A_2590 = arith.subi %add3A_2575, %gather3A_2578 : vector<16xi32>
      %sub3A_2591 = arith.subi %select_n3A_1835, %sub3A_2590 : vector<16xi32>
      %select_n3A_2592 = arith.select %and3A_2585, %sub3A_2591, %select_n3A_2537 : vector<16xi1>, vector<16xi32>
      %jit3A_2593 = arith.constant 1 : i32
      %broadcast_in_dim3A_2594 = vector.broadcast %jit3A_2593 : i32 to vector<16xi32>
      %select_n3A_2595 = arith.select %and3A_2585, %broadcast_in_dim3A_2594, %select_n3A_2540 : vector<16xi1>, vector<16xi32>
      %broadcast_in_dim3A_2596 = arith.constant true
      %broadcast_in_dim3A_2597 = vector.broadcast %broadcast_in_dim3A_2596 : i1 to vector<16xi1>
      %masked_cumsum3A_2598 = tpu.scan <sum>, %get3A_2549 masked %broadcast_in_dim3A_2597 : vector<16xi32>, vector<16xi1> -> vector<16xi32>
      %broadcast_in_dim3A_2599 = vector.shape_cast %broadcast_in_dim3A_7 : vector<16xi32> to vector<16x1xi32>
      %gather3A_2600 = vector.shape_cast %broadcast_in_dim3A_2599 : vector<16x1xi32> to vector<16xi32>
      %gather3A_2601 = tpu.dynamic_gather %masked_cumsum3A_2598[%gather3A_2600] in [0] : vector<16xi32>, vector<16xi32> -> vector<16xi32>
      %add3A_2602 = arith.addi %add3A_2547, %gather3A_2601 : vector<16xi32>
      %get3A_2603 = arith.constant 32 : index
      %get3A_2604 = tpu.vector_load %arg7[%get3A_2603] {strides = array<i32>} : memref<256xi32, #tpu.memory_space<vmem>>, vector<16xi32>,
      %rev3A_2605 = arith.constant 15 : i32
      %rev3A_2606 = vector.broadcast %rev3A_2605 : i32 to vector<16xi32>
      %rev3A_2607 = tpu.iota {dimensions = array<i32: 0>} : vector<16xi32>
      %rev3A_2608 = arith.subi %rev3A_2606, %rev3A_2607 : vector<16xi32>
      %rev3A_2609 = tpu.dynamic_gather %get3A_2604[%rev3A_2608] in [0] : vector<16xi32>, vector<16xi32> -> vector<16xi32>
      %broadcast_in_dim3A_2610 = arith.constant true
      %broadcast_in_dim3A_2611 = vector.broadcast %broadcast_in_dim3A_2610 : i1 to vector<16xi1>
      %masked_cumsum3A_2612 = tpu.scan <sum>, %rev3A_2609 masked %broadcast_in_dim3A_2611 : vector<16xi32>, vector<16xi1> -> vector<16xi32>
      %rev3A_2613 = arith.constant 15 : i32
      %rev3A_2614 = vector.broadcast %rev3A_2613 : i32 to vector<16xi32>
      %rev3A_2615 = tpu.iota {dimensions = array<i32: 0>} : vector<16xi32>
      %rev3A_2616 = arith.subi %rev3A_2614, %rev3A_2615 : vector<16xi32>
      %rev3A_2617 = tpu.dynamic_gather %masked_cumsum3A_2612[%rev3A_2616] in [0] : vector<16xi32>, vector<16xi32> -> vector<16xi32>
      %add3A_2618 = arith.addi %rev3A_2617, %add3A_2602 : vector<16xi32>
      %ge3A_2619 = arith.cmpi sge, %add3A_2618, %select_n3A_1835 : vector<16xi32>
      %all_reduce_population_count3A_2620 = tpu.all_reduce %ge3A_2619 {dim = 0 : i64, kind = #tpu.reduction_kind<sum>} : vector<16xi1> -> vector<16xi32>
      %sub3A_2621 = arith.constant 1 : i32
      %sub3A_2622 = vector.broadcast %sub3A_2621 : i32 to vector<16xi32>
      %sub3A_2623 = arith.subi %all_reduce_population_count3A_2620, %sub3A_2622 : vector<16xi32>
      %max3A_2624 = arith.constant 0 : i32
      %max3A_2625 = vector.broadcast %max3A_2624 : i32 to vector<16xi32>
      %max3A_2626 = arith.maxsi %sub3A_2623, %max3A_2625 : vector<16xi32>
      %broadcast_in_dim3A_2627 = vector.shape_cast %max3A_2626 : vector<16xi32> to vector<16x1xi32>
      %gather3A_2628 = vector.shape_cast %broadcast_in_dim3A_2627 : vector<16x1xi32> to vector<16xi32>
      %gather3A_2629 = tpu.dynamic_gather %rev3A_2617[%gather3A_2628] in [0] : vector<16xi32>, vector<16xi32> -> vector<16xi32>
      %add3A_2630 = arith.addi %gather3A_2629, %add3A_2602 : vector<16xi32>
      %broadcast_in_dim3A_2631 = vector.shape_cast %max3A_2626 : vector<16xi32> to vector<16x1xi32>
      %gather3A_2632 = vector.shape_cast %broadcast_in_dim3A_2631 : vector<16x1xi32> to vector<16xi32>
      %gather3A_2633 = tpu.dynamic_gather %get3A_2604[%gather3A_2632] in [0] : vector<16xi32>, vector<16xi32> -> vector<16xi32>
      %gt3A_2634 = arith.constant 0 : i32
      %gt3A_2635 = vector.broadcast %gt3A_2634 : i32 to vector<16xi32>
      %gt3A_2636 = arith.cmpi sgt, %all_reduce_population_count3A_2620, %gt3A_2635 : vector<16xi32>
      %eq3A_2637 = arith.constant 0 : i32
      %eq3A_2638 = vector.broadcast %eq3A_2637 : i32 to vector<16xi32>
      %eq3A_2639 = arith.cmpi eq, %select_n3A_2595, %eq3A_2638 : vector<16xi32>
      %and3A_2640 = arith.andi %gt3A_2636, %eq3A_2639 : vector<16xi1>
      %add3A_2641 = arith.constant 32 : i32
      %add3A_2642 = vector.broadcast %add3A_2641 : i32 to vector<16xi32>
      %add3A_2643 = arith.addi %add3A_2642, %max3A_2626 : vector<16xi32>
      %select_n3A_2644 = arith.select %and3A_2640, %add3A_2643, %select_n3A_2589 : vector<16xi1>, vector<16xi32>
      %sub3A_2645 = arith.subi %add3A_2630, %gather3A_2633 : vector<16xi32>
      %sub3A_2646 = arith.subi %select_n3A_1835, %sub3A_2645 : vector<16xi32>
      %select_n3A_2647 = arith.select %and3A_2640, %sub3A_2646, %select_n3A_2592 : vector<16xi1>, vector<16xi32>
      %jit3A_2648 = arith.constant 1 : i32
      %broadcast_in_dim3A_2649 = vector.broadcast %jit3A_2648 : i32 to vector<16xi32>
      %select_n3A_2650 = arith.select %and3A_2640, %broadcast_in_dim3A_2649, %select_n3A_2595 : vector<16xi1>, vector<16xi32>
      %broadcast_in_dim3A_2651 = arith.constant true
      %broadcast_in_dim3A_2652 = vector.broadcast %broadcast_in_dim3A_2651 : i1 to vector<16xi1>
      %masked_cumsum3A_2653 = tpu.scan <sum>, %get3A_2604 masked %broadcast_in_dim3A_2652 : vector<16xi32>, vector<16xi1> -> vector<16xi32>
      %broadcast_in_dim3A_2654 = vector.shape_cast %broadcast_in_dim3A_7 : vector<16xi32> to vector<16x1xi32>
      %gather3A_2655 = vector.shape_cast %broadcast_in_dim3A_2654 : vector<16x1xi32> to vector<16xi32>
      %gather3A_2656 = tpu.dynamic_gather %masked_cumsum3A_2653[%gather3A_2655] in [0] : vector<16xi32>, vector<16xi32> -> vector<16xi32>
      %add3A_2657 = arith.addi %add3A_2602, %gather3A_2656 : vector<16xi32>
      %get3A_2658 = arith.constant 16 : index
      %get3A_2659 = tpu.vector_load %arg7[%get3A_2658] {strides = array<i32>} : memref<256xi32, #tpu.memory_space<vmem>>, vector<16xi32>,
      %rev3A_2660 = arith.constant 15 : i32
      %rev3A_2661 = vector.broadcast %rev3A_2660 : i32 to vector<16xi32>
      %rev3A_2662 = tpu.iota {dimensions = array<i32: 0>} : vector<16xi32>
      %rev3A_2663 = arith.subi %rev3A_2661, %rev3A_2662 : vector<16xi32>
      %rev3A_2664 = tpu.dynamic_gather %get3A_2659[%rev3A_2663] in [0] : vector<16xi32>, vector<16xi32> -> vector<16xi32>
      %broadcast_in_dim3A_2665 = arith.constant true
      %broadcast_in_dim3A_2666 = vector.broadcast %broadcast_in_dim3A_2665 : i1 to vector<16xi1>
      %masked_cumsum3A_2667 = tpu.scan <sum>, %rev3A_2664 masked %broadcast_in_dim3A_2666 : vector<16xi32>, vector<16xi1> -> vector<16xi32>
      %rev3A_2668 = arith.constant 15 : i32
      %rev3A_2669 = vector.broadcast %rev3A_2668 : i32 to vector<16xi32>
      %rev3A_2670 = tpu.iota {dimensions = array<i32: 0>} : vector<16xi32>
      %rev3A_2671 = arith.subi %rev3A_2669, %rev3A_2670 : vector<16xi32>
      %rev3A_2672 = tpu.dynamic_gather %masked_cumsum3A_2667[%rev3A_2671] in [0] : vector<16xi32>, vector<16xi32> -> vector<16xi32>
      %add3A_2673 = arith.addi %rev3A_2672, %add3A_2657 : vector<16xi32>
      %ge3A_2674 = arith.cmpi sge, %add3A_2673, %select_n3A_1835 : vector<16xi32>
      %all_reduce_population_count3A_2675 = tpu.all_reduce %ge3A_2674 {dim = 0 : i64, kind = #tpu.reduction_kind<sum>} : vector<16xi1> -> vector<16xi32>
      %sub3A_2676 = arith.constant 1 : i32
      %sub3A_2677 = vector.broadcast %sub3A_2676 : i32 to vector<16xi32>
      %sub3A_2678 = arith.subi %all_reduce_population_count3A_2675, %sub3A_2677 : vector<16xi32>
      %max3A_2679 = arith.constant 0 : i32
      %max3A_2680 = vector.broadcast %max3A_2679 : i32 to vector<16xi32>
      %max3A_2681 = arith.maxsi %sub3A_2678, %max3A_2680 : vector<16xi32>
      %broadcast_in_dim3A_2682 = vector.shape_cast %max3A_2681 : vector<16xi32> to vector<16x1xi32>
      %gather3A_2683 = vector.shape_cast %broadcast_in_dim3A_2682 : vector<16x1xi32> to vector<16xi32>
      %gather3A_2684 = tpu.dynamic_gather %rev3A_2672[%gather3A_2683] in [0] : vector<16xi32>, vector<16xi32> -> vector<16xi32>
      %add3A_2685 = arith.addi %gather3A_2684, %add3A_2657 : vector<16xi32>
      %broadcast_in_dim3A_2686 = vector.shape_cast %max3A_2681 : vector<16xi32> to vector<16x1xi32>
      %gather3A_2687 = vector.shape_cast %broadcast_in_dim3A_2686 : vector<16x1xi32> to vector<16xi32>
      %gather3A_2688 = tpu.dynamic_gather %get3A_2659[%gather3A_2687] in [0] : vector<16xi32>, vector<16xi32> -> vector<16xi32>
      %gt3A_2689 = arith.constant 0 : i32
      %gt3A_2690 = vector.broadcast %gt3A_2689 : i32 to vector<16xi32>
      %gt3A_2691 = arith.cmpi sgt, %all_reduce_population_count3A_2675, %gt3A_2690 : vector<16xi32>
      %eq3A_2692 = arith.constant 0 : i32
      %eq3A_2693 = vector.broadcast %eq3A_2692 : i32 to vector<16xi32>
      %eq3A_2694 = arith.cmpi eq, %select_n3A_2650, %eq3A_2693 : vector<16xi32>
      %and3A_2695 = arith.andi %gt3A_2691, %eq3A_2694 : vector<16xi1>
      %add3A_2696 = arith.constant 16 : i32
      %add3A_2697 = vector.broadcast %add3A_2696 : i32 to vector<16xi32>
      %add3A_2698 = arith.addi %add3A_2697, %max3A_2681 : vector<16xi32>
      %select_n3A_2699 = arith.select %and3A_2695, %add3A_2698, %select_n3A_2644 : vector<16xi1>, vector<16xi32>
      %sub3A_2700 = arith.subi %add3A_2685, %gather3A_2688 : vector<16xi32>
      %sub3A_2701 = arith.subi %select_n3A_1835, %sub3A_2700 : vector<16xi32>
      %select_n3A_2702 = arith.select %and3A_2695, %sub3A_2701, %select_n3A_2647 : vector<16xi1>, vector<16xi32>
      %jit3A_2703 = arith.constant 1 : i32
      %broadcast_in_dim3A_2704 = vector.broadcast %jit3A_2703 : i32 to vector<16xi32>
      %select_n3A_2705 = arith.select %and3A_2695, %broadcast_in_dim3A_2704, %select_n3A_2650 : vector<16xi1>, vector<16xi32>
      %broadcast_in_dim3A_2706 = arith.constant true
      %broadcast_in_dim3A_2707 = vector.broadcast %broadcast_in_dim3A_2706 : i1 to vector<16xi1>
      %masked_cumsum3A_2708 = tpu.scan <sum>, %get3A_2659 masked %broadcast_in_dim3A_2707 : vector<16xi32>, vector<16xi1> -> vector<16xi32>
      %broadcast_in_dim3A_2709 = vector.shape_cast %broadcast_in_dim3A_7 : vector<16xi32> to vector<16x1xi32>
      %gather3A_2710 = vector.shape_cast %broadcast_in_dim3A_2709 : vector<16x1xi32> to vector<16xi32>
      %gather3A_2711 = tpu.dynamic_gather %masked_cumsum3A_2708[%gather3A_2710] in [0] : vector<16xi32>, vector<16xi32> -> vector<16xi32>
      %add3A_2712 = arith.addi %add3A_2657, %gather3A_2711 : vector<16xi32>
      %get3A_2713 = arith.constant 0 : index
      %get3A_2714 = tpu.vector_load %arg7[%get3A_2713] {strides = array<i32>} : memref<256xi32, #tpu.memory_space<vmem>>, vector<16xi32>,
      %rev3A_2715 = arith.constant 15 : i32
      %rev3A_2716 = vector.broadcast %rev3A_2715 : i32 to vector<16xi32>
      %rev3A_2717 = tpu.iota {dimensions = array<i32: 0>} : vector<16xi32>
      %rev3A_2718 = arith.subi %rev3A_2716, %rev3A_2717 : vector<16xi32>
      %rev3A_2719 = tpu.dynamic_gather %get3A_2714[%rev3A_2718] in [0] : vector<16xi32>, vector<16xi32> -> vector<16xi32>
      %broadcast_in_dim3A_2720 = arith.constant true
      %broadcast_in_dim3A_2721 = vector.broadcast %broadcast_in_dim3A_2720 : i1 to vector<16xi1>
      %masked_cumsum3A_2722 = tpu.scan <sum>, %rev3A_2719 masked %broadcast_in_dim3A_2721 : vector<16xi32>, vector<16xi1> -> vector<16xi32>
      %rev3A_2723 = arith.constant 15 : i32
      %rev3A_2724 = vector.broadcast %rev3A_2723 : i32 to vector<16xi32>
      %rev3A_2725 = tpu.iota {dimensions = array<i32: 0>} : vector<16xi32>
      %rev3A_2726 = arith.subi %rev3A_2724, %rev3A_2725 : vector<16xi32>
      %rev3A_2727 = tpu.dynamic_gather %masked_cumsum3A_2722[%rev3A_2726] in [0] : vector<16xi32>, vector<16xi32> -> vector<16xi32>
      %add3A_2728 = arith.addi %rev3A_2727, %add3A_2712 : vector<16xi32>
      %ge3A_2729 = arith.cmpi sge, %add3A_2728, %select_n3A_1835 : vector<16xi32>
      %all_reduce_population_count3A_2730 = tpu.all_reduce %ge3A_2729 {dim = 0 : i64, kind = #tpu.reduction_kind<sum>} : vector<16xi1> -> vector<16xi32>
      %sub3A_2731 = arith.constant 1 : i32
      %sub3A_2732 = vector.broadcast %sub3A_2731 : i32 to vector<16xi32>
      %sub3A_2733 = arith.subi %all_reduce_population_count3A_2730, %sub3A_2732 : vector<16xi32>
      %max3A_2734 = arith.constant 0 : i32
      %max3A_2735 = vector.broadcast %max3A_2734 : i32 to vector<16xi32>
      %max3A_2736 = arith.maxsi %sub3A_2733, %max3A_2735 : vector<16xi32>
      %broadcast_in_dim3A_2737 = vector.shape_cast %max3A_2736 : vector<16xi32> to vector<16x1xi32>
      %gather3A_2738 = vector.shape_cast %broadcast_in_dim3A_2737 : vector<16x1xi32> to vector<16xi32>
      %gather3A_2739 = tpu.dynamic_gather %rev3A_2727[%gather3A_2738] in [0] : vector<16xi32>, vector<16xi32> -> vector<16xi32>
      %add3A_2740 = arith.addi %gather3A_2739, %add3A_2712 : vector<16xi32>
      %broadcast_in_dim3A_2741 = vector.shape_cast %max3A_2736 : vector<16xi32> to vector<16x1xi32>
      %gather3A_2742 = vector.shape_cast %broadcast_in_dim3A_2741 : vector<16x1xi32> to vector<16xi32>
      %gather3A_2743 = tpu.dynamic_gather %get3A_2714[%gather3A_2742] in [0] : vector<16xi32>, vector<16xi32> -> vector<16xi32>
      %gt3A_2744 = arith.constant 0 : i32
      %gt3A_2745 = vector.broadcast %gt3A_2744 : i32 to vector<16xi32>
      %gt3A_2746 = arith.cmpi sgt, %all_reduce_population_count3A_2730, %gt3A_2745 : vector<16xi32>
      %eq3A_2747 = arith.constant 0 : i32
      %eq3A_2748 = vector.broadcast %eq3A_2747 : i32 to vector<16xi32>
      %eq3A_2749 = arith.cmpi eq, %select_n3A_2705, %eq3A_2748 : vector<16xi32>
      %and3A_2750 = arith.andi %gt3A_2746, %eq3A_2749 : vector<16xi1>
      %add3A_2751 = arith.constant 0 : i32
      %add3A_2752 = vector.broadcast %add3A_2751 : i32 to vector<16xi32>
      %add3A_2753 = arith.addi %add3A_2752, %max3A_2736 : vector<16xi32>
      %select_n3A_2754 = arith.select %and3A_2750, %add3A_2753, %select_n3A_2699 : vector<16xi1>, vector<16xi32>
      %sub3A_2755 = arith.subi %add3A_2740, %gather3A_2743 : vector<16xi32>
      %sub3A_2756 = arith.subi %select_n3A_1835, %sub3A_2755 : vector<16xi32>
      %select_n3A_2757 = arith.select %and3A_2750, %sub3A_2756, %select_n3A_2702 : vector<16xi1>, vector<16xi32>
      %jit3A_2758 = arith.constant 1 : i32
      %broadcast_in_dim3A_2759 = vector.broadcast %jit3A_2758 : i32 to vector<16xi32>
      %select_n3A_2760 = arith.select %and3A_2750, %broadcast_in_dim3A_2759, %select_n3A_2705 : vector<16xi1>, vector<16xi32>
      %broadcast_in_dim3A_2761 = arith.constant true
      %broadcast_in_dim3A_2762 = vector.broadcast %broadcast_in_dim3A_2761 : i1 to vector<16xi1>
      %masked_cumsum3A_2763 = tpu.scan <sum>, %get3A_2714 masked %broadcast_in_dim3A_2762 : vector<16xi32>, vector<16xi1> -> vector<16xi32>
      %broadcast_in_dim3A_2764 = vector.shape_cast %broadcast_in_dim3A_7 : vector<16xi32> to vector<16x1xi32>
      %gather3A_2765 = vector.shape_cast %broadcast_in_dim3A_2764 : vector<16x1xi32> to vector<16xi32>
      %gather3A_2766 = tpu.dynamic_gather %masked_cumsum3A_2763[%gather3A_2765] in [0] : vector<16xi32>, vector<16xi32> -> vector<16xi32>
      %add3A_2767 = arith.addi %add3A_2712, %gather3A_2766 : vector<16xi32>
      %mul3A_2768 = arith.constant 256 : i32
      %mul3A_2769 = vector.broadcast %mul3A_2768 : i32 to vector<16xi32>
      %mul3A_2770 = arith.muli %add3A_1849, %mul3A_2769 : vector<16xi32>
      %add3A_2771 = arith.addi %mul3A_2770, %select_n3A_2754 : vector<16xi32>
      %swap3A_2772 = arith.constant 0 : index
      %swap3A_2773 = tpu.vector_load %arg7[%swap3A_2772] {strides = array<i32>} : memref<256xi32, #tpu.memory_space<vmem>>, vector<16xi32>,
      tpu.vector_store %arg7[%swap3A_2772], %broadcast_in_dim3A_1 {strides = array<i32>} : memref<256xi32, #tpu.memory_space<vmem>>, vector<16xi32>,
      %swap3A_2774 = arith.constant 16 : index
      %swap3A_2775 = tpu.vector_load %arg7[%swap3A_2774] {strides = array<i32>} : memref<256xi32, #tpu.memory_space<vmem>>, vector<16xi32>,
      tpu.vector_store %arg7[%swap3A_2774], %broadcast_in_dim3A_1 {strides = array<i32>} : memref<256xi32, #tpu.memory_space<vmem>>, vector<16xi32>,
      %swap3A_2776 = arith.constant 32 : index
      %swap3A_2777 = tpu.vector_load %arg7[%swap3A_2776] {strides = array<i32>} : memref<256xi32, #tpu.memory_space<vmem>>, vector<16xi32>,
      tpu.vector_store %arg7[%swap3A_2776], %broadcast_in_dim3A_1 {strides = array<i32>} : memref<256xi32, #tpu.memory_space<vmem>>, vector<16xi32>,
      %swap3A_2778 = arith.constant 48 : index
      %swap3A_2779 = tpu.vector_load %arg7[%swap3A_2778] {strides = array<i32>} : memref<256xi32, #tpu.memory_space<vmem>>, vector<16xi32>,
      tpu.vector_store %arg7[%swap3A_2778], %broadcast_in_dim3A_1 {strides = array<i32>} : memref<256xi32, #tpu.memory_space<vmem>>, vector<16xi32>,
      %swap3A_2780 = arith.constant 64 : index
      %swap3A_2781 = tpu.vector_load %arg7[%swap3A_2780] {strides = array<i32>} : memref<256xi32, #tpu.memory_space<vmem>>, vector<16xi32>,
      tpu.vector_store %arg7[%swap3A_2780], %broadcast_in_dim3A_1 {strides = array<i32>} : memref<256xi32, #tpu.memory_space<vmem>>, vector<16xi32>,
      %swap3A_2782 = arith.constant 80 : index
      %swap3A_2783 = tpu.vector_load %arg7[%swap3A_2782] {strides = array<i32>} : memref<256xi32, #tpu.memory_space<vmem>>, vector<16xi32>,
      tpu.vector_store %arg7[%swap3A_2782], %broadcast_in_dim3A_1 {strides = array<i32>} : memref<256xi32, #tpu.memory_space<vmem>>, vector<16xi32>,
      %swap3A_2784 = arith.constant 96 : index
      %swap3A_2785 = tpu.vector_load %arg7[%swap3A_2784] {strides = array<i32>} : memref<256xi32, #tpu.memory_space<vmem>>, vector<16xi32>,
      tpu.vector_store %arg7[%swap3A_2784], %broadcast_in_dim3A_1 {strides = array<i32>} : memref<256xi32, #tpu.memory_space<vmem>>, vector<16xi32>,
      %swap3A_2786 = arith.constant 112 : index
      %swap3A_2787 = tpu.vector_load %arg7[%swap3A_2786] {strides = array<i32>} : memref<256xi32, #tpu.memory_space<vmem>>, vector<16xi32>,
      tpu.vector_store %arg7[%swap3A_2786], %broadcast_in_dim3A_1 {strides = array<i32>} : memref<256xi32, #tpu.memory_space<vmem>>, vector<16xi32>,
      %scan3A_2788 = arith.constant 0 : i32
      %scan3A_2789 = arith.constant 0 : i32
      %scan3A_2790 = arith.constant 546 : i32
      %scan3A_2791 = arith.addi %scan3A_2789, %scan3A_2790 : i32
      %scan3A_2792 = arith.constant 1 : i32
      scf.for %scan3A_3260 = %scan3A_2789 to %scan3A_2791 step %scan3A_2792  : i32 {
        %mul3A_3261 = arith.constant 16 : i32
        %mul3A_3262 = arith.muli %scan3A_3260, %mul3A_3261 : i32
        %get3A_3263 = arith.index_cast %mul3A_3262 : i32 to index
        %get3A_3264 = tpu.vector_load %arg5[%get3A_3263] {strides = array<i32>} : memref<8736xf32, #tpu.memory_space<vmem>>, vector<16xf32>,
        %bitcast_convert_type3A_3265 = tpu.bitcast %get3A_3264 : vector<16xf32> -> vector<16xi32>
        %shift_right_logical3A = arith.constant 0 : i32
        %shift_right_logical3A_3266 = vector.broadcast %shift_right_logical3A : i32 to vector<16xi32>
        %shift_right_logical3A_3267 = arith.shrui %bitcast_convert_type3A_3265, %shift_right_logical3A_3266 : vector<16xi32>
        %and3A_3268 = arith.constant 127 : i32
        %and3A_3269 = vector.broadcast %and3A_3268 : i32 to vector<16xi32>
        %and3A_3270 = arith.andi %shift_right_logical3A_3267, %and3A_3269 : vector<16xi32>
        %shift_right_logical3A_3271 = arith.constant 7 : i32
        %shift_right_logical3A_3272 = vector.broadcast %shift_right_logical3A_3271 : i32 to vector<16xi32>
        %shift_right_logical3A_3273 = arith.shrui %bitcast_convert_type3A_3265, %shift_right_logical3A_3272 : vector<16xi32>
        %eq3A_3274 = arith.cmpi eq, %shift_right_logical3A_3273, %add3A_2771 : vector<16xi32>
        tpu.vector_store_idx %arg7[%and3A_3270], %broadcast_in_dim3A_5 masked %eq3A_3274 {add = true} : memref<256xi32, #tpu.memory_space<vmem>>[vector<16xi32>], vector<16xi32>, vector<16xi1>
      }
      %scan3A_2793 = arith.constant 546 : i32
      %get3A_2794 = arith.constant 112 : index
      %get3A_2795 = tpu.vector_load %arg7[%get3A_2794] {strides = array<i32>} : memref<256xi32, #tpu.memory_space<vmem>>, vector<16xi32>,
      %rev3A_2796 = arith.constant 15 : i32
      %rev3A_2797 = vector.broadcast %rev3A_2796 : i32 to vector<16xi32>
      %rev3A_2798 = tpu.iota {dimensions = array<i32: 0>} : vector<16xi32>
      %rev3A_2799 = arith.subi %rev3A_2797, %rev3A_2798 : vector<16xi32>
      %rev3A_2800 = tpu.dynamic_gather %get3A_2795[%rev3A_2799] in [0] : vector<16xi32>, vector<16xi32> -> vector<16xi32>
      %broadcast_in_dim3A_2801 = arith.constant true
      %broadcast_in_dim3A_2802 = vector.broadcast %broadcast_in_dim3A_2801 : i1 to vector<16xi1>
      %masked_cumsum3A_2803 = tpu.scan <sum>, %rev3A_2800 masked %broadcast_in_dim3A_2802 : vector<16xi32>, vector<16xi1> -> vector<16xi32>
      %rev3A_2804 = arith.constant 15 : i32
      %rev3A_2805 = vector.broadcast %rev3A_2804 : i32 to vector<16xi32>
      %rev3A_2806 = tpu.iota {dimensions = array<i32: 0>} : vector<16xi32>
      %rev3A_2807 = arith.subi %rev3A_2805, %rev3A_2806 : vector<16xi32>
      %rev3A_2808 = tpu.dynamic_gather %masked_cumsum3A_2803[%rev3A_2807] in [0] : vector<16xi32>, vector<16xi32> -> vector<16xi32>
      %add3A_2809 = arith.addi %rev3A_2808, %broadcast_in_dim3A_1 : vector<16xi32>
      %ge3A_2810 = arith.cmpi sge, %add3A_2809, %select_n3A_2757 : vector<16xi32>
      %all_reduce_population_count3A_2811 = tpu.all_reduce %ge3A_2810 {dim = 0 : i64, kind = #tpu.reduction_kind<sum>} : vector<16xi1> -> vector<16xi32>
      %sub3A_2812 = arith.constant 1 : i32
      %sub3A_2813 = vector.broadcast %sub3A_2812 : i32 to vector<16xi32>
      %sub3A_2814 = arith.subi %all_reduce_population_count3A_2811, %sub3A_2813 : vector<16xi32>
      %max3A_2815 = arith.constant 0 : i32
      %max3A_2816 = vector.broadcast %max3A_2815 : i32 to vector<16xi32>
      %max3A_2817 = arith.maxsi %sub3A_2814, %max3A_2816 : vector<16xi32>
      %broadcast_in_dim3A_2818 = vector.shape_cast %max3A_2817 : vector<16xi32> to vector<16x1xi32>
      %gather3A_2819 = vector.shape_cast %broadcast_in_dim3A_2818 : vector<16x1xi32> to vector<16xi32>
      %gather3A_2820 = tpu.dynamic_gather %rev3A_2808[%gather3A_2819] in [0] : vector<16xi32>, vector<16xi32> -> vector<16xi32>
      %add3A_2821 = arith.addi %gather3A_2820, %broadcast_in_dim3A_1 : vector<16xi32>
      %broadcast_in_dim3A_2822 = vector.shape_cast %max3A_2817 : vector<16xi32> to vector<16x1xi32>
      %gather3A_2823 = vector.shape_cast %broadcast_in_dim3A_2822 : vector<16x1xi32> to vector<16xi32>
      %gather3A_2824 = tpu.dynamic_gather %get3A_2795[%gather3A_2823] in [0] : vector<16xi32>, vector<16xi32> -> vector<16xi32>
      %gt3A_2825 = arith.constant 0 : i32
      %gt3A_2826 = vector.broadcast %gt3A_2825 : i32 to vector<16xi32>
      %gt3A_2827 = arith.cmpi sgt, %all_reduce_population_count3A_2811, %gt3A_2826 : vector<16xi32>
      %eq3A_2828 = arith.constant 0 : i32
      %eq3A_2829 = vector.broadcast %eq3A_2828 : i32 to vector<16xi32>
      %eq3A_2830 = arith.cmpi eq, %broadcast_in_dim3A_1, %eq3A_2829 : vector<16xi32>
      %and3A_2831 = arith.andi %gt3A_2827, %eq3A_2830 : vector<16xi1>
      %add3A_2832 = arith.constant 112 : i32
      %add3A_2833 = vector.broadcast %add3A_2832 : i32 to vector<16xi32>
      %add3A_2834 = arith.addi %add3A_2833, %max3A_2817 : vector<16xi32>
      %select_n3A_2835 = arith.select %and3A_2831, %add3A_2834, %broadcast_in_dim3A_1 : vector<16xi1>, vector<16xi32>
      %sub3A_2836 = arith.subi %add3A_2821, %gather3A_2824 : vector<16xi32>
      %sub3A_2837 = arith.subi %select_n3A_2757, %sub3A_2836 : vector<16xi32>
      %select_n3A_2838 = arith.select %and3A_2831, %sub3A_2837, %select_n3A_2757 : vector<16xi1>, vector<16xi32>
      %jit3A_2839 = arith.constant 1 : i32
      %broadcast_in_dim3A_2840 = vector.broadcast %jit3A_2839 : i32 to vector<16xi32>
      %select_n3A_2841 = arith.select %and3A_2831, %broadcast_in_dim3A_2840, %broadcast_in_dim3A_1 : vector<16xi1>, vector<16xi32>
      %broadcast_in_dim3A_2842 = arith.constant true
      %broadcast_in_dim3A_2843 = vector.broadcast %broadcast_in_dim3A_2842 : i1 to vector<16xi1>
      %masked_cumsum3A_2844 = tpu.scan <sum>, %get3A_2795 masked %broadcast_in_dim3A_2843 : vector<16xi32>, vector<16xi1> -> vector<16xi32>
      %broadcast_in_dim3A_2845 = vector.shape_cast %broadcast_in_dim3A_7 : vector<16xi32> to vector<16x1xi32>
      %gather3A_2846 = vector.shape_cast %broadcast_in_dim3A_2845 : vector<16x1xi32> to vector<16xi32>
      %gather3A_2847 = tpu.dynamic_gather %masked_cumsum3A_2844[%gather3A_2846] in [0] : vector<16xi32>, vector<16xi32> -> vector<16xi32>
      %add3A_2848 = arith.addi %broadcast_in_dim3A_1, %gather3A_2847 : vector<16xi32>
      %get3A_2849 = arith.constant 96 : index
      %get3A_2850 = tpu.vector_load %arg7[%get3A_2849] {strides = array<i32>} : memref<256xi32, #tpu.memory_space<vmem>>, vector<16xi32>,
      %rev3A_2851 = arith.constant 15 : i32
      %rev3A_2852 = vector.broadcast %rev3A_2851 : i32 to vector<16xi32>
      %rev3A_2853 = tpu.iota {dimensions = array<i32: 0>} : vector<16xi32>
      %rev3A_2854 = arith.subi %rev3A_2852, %rev3A_2853 : vector<16xi32>
      %rev3A_2855 = tpu.dynamic_gather %get3A_2850[%rev3A_2854] in [0] : vector<16xi32>, vector<16xi32> -> vector<16xi32>
      %broadcast_in_dim3A_2856 = arith.constant true
      %broadcast_in_dim3A_2857 = vector.broadcast %broadcast_in_dim3A_2856 : i1 to vector<16xi1>
      %masked_cumsum3A_2858 = tpu.scan <sum>, %rev3A_2855 masked %broadcast_in_dim3A_2857 : vector<16xi32>, vector<16xi1> -> vector<16xi32>
      %rev3A_2859 = arith.constant 15 : i32
      %rev3A_2860 = vector.broadcast %rev3A_2859 : i32 to vector<16xi32>
      %rev3A_2861 = tpu.iota {dimensions = array<i32: 0>} : vector<16xi32>
      %rev3A_2862 = arith.subi %rev3A_2860, %rev3A_2861 : vector<16xi32>
      %rev3A_2863 = tpu.dynamic_gather %masked_cumsum3A_2858[%rev3A_2862] in [0] : vector<16xi32>, vector<16xi32> -> vector<16xi32>
      %add3A_2864 = arith.addi %rev3A_2863, %add3A_2848 : vector<16xi32>
      %ge3A_2865 = arith.cmpi sge, %add3A_2864, %select_n3A_2757 : vector<16xi32>
      %all_reduce_population_count3A_2866 = tpu.all_reduce %ge3A_2865 {dim = 0 : i64, kind = #tpu.reduction_kind<sum>} : vector<16xi1> -> vector<16xi32>
      %sub3A_2867 = arith.constant 1 : i32
      %sub3A_2868 = vector.broadcast %sub3A_2867 : i32 to vector<16xi32>
      %sub3A_2869 = arith.subi %all_reduce_population_count3A_2866, %sub3A_2868 : vector<16xi32>
      %max3A_2870 = arith.constant 0 : i32
      %max3A_2871 = vector.broadcast %max3A_2870 : i32 to vector<16xi32>
      %max3A_2872 = arith.maxsi %sub3A_2869, %max3A_2871 : vector<16xi32>
      %broadcast_in_dim3A_2873 = vector.shape_cast %max3A_2872 : vector<16xi32> to vector<16x1xi32>
      %gather3A_2874 = vector.shape_cast %broadcast_in_dim3A_2873 : vector<16x1xi32> to vector<16xi32>
      %gather3A_2875 = tpu.dynamic_gather %rev3A_2863[%gather3A_2874] in [0] : vector<16xi32>, vector<16xi32> -> vector<16xi32>
      %add3A_2876 = arith.addi %gather3A_2875, %add3A_2848 : vector<16xi32>
      %broadcast_in_dim3A_2877 = vector.shape_cast %max3A_2872 : vector<16xi32> to vector<16x1xi32>
      %gather3A_2878 = vector.shape_cast %broadcast_in_dim3A_2877 : vector<16x1xi32> to vector<16xi32>
      %gather3A_2879 = tpu.dynamic_gather %get3A_2850[%gather3A_2878] in [0] : vector<16xi32>, vector<16xi32> -> vector<16xi32>
      %gt3A_2880 = arith.constant 0 : i32
      %gt3A_2881 = vector.broadcast %gt3A_2880 : i32 to vector<16xi32>
      %gt3A_2882 = arith.cmpi sgt, %all_reduce_population_count3A_2866, %gt3A_2881 : vector<16xi32>
      %eq3A_2883 = arith.constant 0 : i32
      %eq3A_2884 = vector.broadcast %eq3A_2883 : i32 to vector<16xi32>
      %eq3A_2885 = arith.cmpi eq, %select_n3A_2841, %eq3A_2884 : vector<16xi32>
      %and3A_2886 = arith.andi %gt3A_2882, %eq3A_2885 : vector<16xi1>
      %add3A_2887 = arith.constant 96 : i32
      %add3A_2888 = vector.broadcast %add3A_2887 : i32 to vector<16xi32>
      %add3A_2889 = arith.addi %add3A_2888, %max3A_2872 : vector<16xi32>
      %select_n3A_2890 = arith.select %and3A_2886, %add3A_2889, %select_n3A_2835 : vector<16xi1>, vector<16xi32>
      %sub3A_2891 = arith.subi %add3A_2876, %gather3A_2879 : vector<16xi32>
      %sub3A_2892 = arith.subi %select_n3A_2757, %sub3A_2891 : vector<16xi32>
      %select_n3A_2893 = arith.select %and3A_2886, %sub3A_2892, %select_n3A_2838 : vector<16xi1>, vector<16xi32>
      %jit3A_2894 = arith.constant 1 : i32
      %broadcast_in_dim3A_2895 = vector.broadcast %jit3A_2894 : i32 to vector<16xi32>
      %select_n3A_2896 = arith.select %and3A_2886, %broadcast_in_dim3A_2895, %select_n3A_2841 : vector<16xi1>, vector<16xi32>
      %broadcast_in_dim3A_2897 = arith.constant true
      %broadcast_in_dim3A_2898 = vector.broadcast %broadcast_in_dim3A_2897 : i1 to vector<16xi1>
      %masked_cumsum3A_2899 = tpu.scan <sum>, %get3A_2850 masked %broadcast_in_dim3A_2898 : vector<16xi32>, vector<16xi1> -> vector<16xi32>
      %broadcast_in_dim3A_2900 = vector.shape_cast %broadcast_in_dim3A_7 : vector<16xi32> to vector<16x1xi32>
      %gather3A_2901 = vector.shape_cast %broadcast_in_dim3A_2900 : vector<16x1xi32> to vector<16xi32>
      %gather3A_2902 = tpu.dynamic_gather %masked_cumsum3A_2899[%gather3A_2901] in [0] : vector<16xi32>, vector<16xi32> -> vector<16xi32>
      %add3A_2903 = arith.addi %add3A_2848, %gather3A_2902 : vector<16xi32>
      %get3A_2904 = arith.constant 80 : index
      %get3A_2905 = tpu.vector_load %arg7[%get3A_2904] {strides = array<i32>} : memref<256xi32, #tpu.memory_space<vmem>>, vector<16xi32>,
      %rev3A_2906 = arith.constant 15 : i32
      %rev3A_2907 = vector.broadcast %rev3A_2906 : i32 to vector<16xi32>
      %rev3A_2908 = tpu.iota {dimensions = array<i32: 0>} : vector<16xi32>
      %rev3A_2909 = arith.subi %rev3A_2907, %rev3A_2908 : vector<16xi32>
      %rev3A_2910 = tpu.dynamic_gather %get3A_2905[%rev3A_2909] in [0] : vector<16xi32>, vector<16xi32> -> vector<16xi32>
      %broadcast_in_dim3A_2911 = arith.constant true
      %broadcast_in_dim3A_2912 = vector.broadcast %broadcast_in_dim3A_2911 : i1 to vector<16xi1>
      %masked_cumsum3A_2913 = tpu.scan <sum>, %rev3A_2910 masked %broadcast_in_dim3A_2912 : vector<16xi32>, vector<16xi1> -> vector<16xi32>
      %rev3A_2914 = arith.constant 15 : i32
      %rev3A_2915 = vector.broadcast %rev3A_2914 : i32 to vector<16xi32>
      %rev3A_2916 = tpu.iota {dimensions = array<i32: 0>} : vector<16xi32>
      %rev3A_2917 = arith.subi %rev3A_2915, %rev3A_2916 : vector<16xi32>
      %rev3A_2918 = tpu.dynamic_gather %masked_cumsum3A_2913[%rev3A_2917] in [0] : vector<16xi32>, vector<16xi32> -> vector<16xi32>
      %add3A_2919 = arith.addi %rev3A_2918, %add3A_2903 : vector<16xi32>
      %ge3A_2920 = arith.cmpi sge, %add3A_2919, %select_n3A_2757 : vector<16xi32>
      %all_reduce_population_count3A_2921 = tpu.all_reduce %ge3A_2920 {dim = 0 : i64, kind = #tpu.reduction_kind<sum>} : vector<16xi1> -> vector<16xi32>
      %sub3A_2922 = arith.constant 1 : i32
      %sub3A_2923 = vector.broadcast %sub3A_2922 : i32 to vector<16xi32>
      %sub3A_2924 = arith.subi %all_reduce_population_count3A_2921, %sub3A_2923 : vector<16xi32>
      %max3A_2925 = arith.constant 0 : i32
      %max3A_2926 = vector.broadcast %max3A_2925 : i32 to vector<16xi32>
      %max3A_2927 = arith.maxsi %sub3A_2924, %max3A_2926 : vector<16xi32>
      %broadcast_in_dim3A_2928 = vector.shape_cast %max3A_2927 : vector<16xi32> to vector<16x1xi32>
      %gather3A_2929 = vector.shape_cast %broadcast_in_dim3A_2928 : vector<16x1xi32> to vector<16xi32>
      %gather3A_2930 = tpu.dynamic_gather %rev3A_2918[%gather3A_2929] in [0] : vector<16xi32>, vector<16xi32> -> vector<16xi32>
      %add3A_2931 = arith.addi %gather3A_2930, %add3A_2903 : vector<16xi32>
      %broadcast_in_dim3A_2932 = vector.shape_cast %max3A_2927 : vector<16xi32> to vector<16x1xi32>
      %gather3A_2933 = vector.shape_cast %broadcast_in_dim3A_2932 : vector<16x1xi32> to vector<16xi32>
      %gather3A_2934 = tpu.dynamic_gather %get3A_2905[%gather3A_2933] in [0] : vector<16xi32>, vector<16xi32> -> vector<16xi32>
      %gt3A_2935 = arith.constant 0 : i32
      %gt3A_2936 = vector.broadcast %gt3A_2935 : i32 to vector<16xi32>
      %gt3A_2937 = arith.cmpi sgt, %all_reduce_population_count3A_2921, %gt3A_2936 : vector<16xi32>
      %eq3A_2938 = arith.constant 0 : i32
      %eq3A_2939 = vector.broadcast %eq3A_2938 : i32 to vector<16xi32>
      %eq3A_2940 = arith.cmpi eq, %select_n3A_2896, %eq3A_2939 : vector<16xi32>
      %and3A_2941 = arith.andi %gt3A_2937, %eq3A_2940 : vector<16xi1>
      %add3A_2942 = arith.constant 80 : i32
      %add3A_2943 = vector.broadcast %add3A_2942 : i32 to vector<16xi32>
      %add3A_2944 = arith.addi %add3A_2943, %max3A_2927 : vector<16xi32>
      %select_n3A_2945 = arith.select %and3A_2941, %add3A_2944, %select_n3A_2890 : vector<16xi1>, vector<16xi32>
      %sub3A_2946 = arith.subi %add3A_2931, %gather3A_2934 : vector<16xi32>
      %sub3A_2947 = arith.subi %select_n3A_2757, %sub3A_2946 : vector<16xi32>
      %select_n3A_2948 = arith.select %and3A_2941, %sub3A_2947, %select_n3A_2893 : vector<16xi1>, vector<16xi32>
      %jit3A_2949 = arith.constant 1 : i32
      %broadcast_in_dim3A_2950 = vector.broadcast %jit3A_2949 : i32 to vector<16xi32>
      %select_n3A_2951 = arith.select %and3A_2941, %broadcast_in_dim3A_2950, %select_n3A_2896 : vector<16xi1>, vector<16xi32>
      %broadcast_in_dim3A_2952 = arith.constant true
      %broadcast_in_dim3A_2953 = vector.broadcast %broadcast_in_dim3A_2952 : i1 to vector<16xi1>
      %masked_cumsum3A_2954 = tpu.scan <sum>, %get3A_2905 masked %broadcast_in_dim3A_2953 : vector<16xi32>, vector<16xi1> -> vector<16xi32>
      %broadcast_in_dim3A_2955 = vector.shape_cast %broadcast_in_dim3A_7 : vector<16xi32> to vector<16x1xi32>
      %gather3A_2956 = vector.shape_cast %broadcast_in_dim3A_2955 : vector<16x1xi32> to vector<16xi32>
      %gather3A_2957 = tpu.dynamic_gather %masked_cumsum3A_2954[%gather3A_2956] in [0] : vector<16xi32>, vector<16xi32> -> vector<16xi32>
      %add3A_2958 = arith.addi %add3A_2903, %gather3A_2957 : vector<16xi32>
      %get3A_2959 = arith.constant 64 : index
      %get3A_2960 = tpu.vector_load %arg7[%get3A_2959] {strides = array<i32>} : memref<256xi32, #tpu.memory_space<vmem>>, vector<16xi32>,
      %rev3A_2961 = arith.constant 15 : i32
      %rev3A_2962 = vector.broadcast %rev3A_2961 : i32 to vector<16xi32>
      %rev3A_2963 = tpu.iota {dimensions = array<i32: 0>} : vector<16xi32>
      %rev3A_2964 = arith.subi %rev3A_2962, %rev3A_2963 : vector<16xi32>
      %rev3A_2965 = tpu.dynamic_gather %get3A_2960[%rev3A_2964] in [0] : vector<16xi32>, vector<16xi32> -> vector<16xi32>
      %broadcast_in_dim3A_2966 = arith.constant true
      %broadcast_in_dim3A_2967 = vector.broadcast %broadcast_in_dim3A_2966 : i1 to vector<16xi1>
      %masked_cumsum3A_2968 = tpu.scan <sum>, %rev3A_2965 masked %broadcast_in_dim3A_2967 : vector<16xi32>, vector<16xi1> -> vector<16xi32>
      %rev3A_2969 = arith.constant 15 : i32
      %rev3A_2970 = vector.broadcast %rev3A_2969 : i32 to vector<16xi32>
      %rev3A_2971 = tpu.iota {dimensions = array<i32: 0>} : vector<16xi32>
      %rev3A_2972 = arith.subi %rev3A_2970, %rev3A_2971 : vector<16xi32>
      %rev3A_2973 = tpu.dynamic_gather %masked_cumsum3A_2968[%rev3A_2972] in [0] : vector<16xi32>, vector<16xi32> -> vector<16xi32>
      %add3A_2974 = arith.addi %rev3A_2973, %add3A_2958 : vector<16xi32>
      %ge3A_2975 = arith.cmpi sge, %add3A_2974, %select_n3A_2757 : vector<16xi32>
      %all_reduce_population_count3A_2976 = tpu.all_reduce %ge3A_2975 {dim = 0 : i64, kind = #tpu.reduction_kind<sum>} : vector<16xi1> -> vector<16xi32>
      %sub3A_2977 = arith.constant 1 : i32
      %sub3A_2978 = vector.broadcast %sub3A_2977 : i32 to vector<16xi32>
      %sub3A_2979 = arith.subi %all_reduce_population_count3A_2976, %sub3A_2978 : vector<16xi32>
      %max3A_2980 = arith.constant 0 : i32
      %max3A_2981 = vector.broadcast %max3A_2980 : i32 to vector<16xi32>
      %max3A_2982 = arith.maxsi %sub3A_2979, %max3A_2981 : vector<16xi32>
      %broadcast_in_dim3A_2983 = vector.shape_cast %max3A_2982 : vector<16xi32> to vector<16x1xi32>
      %gather3A_2984 = vector.shape_cast %broadcast_in_dim3A_2983 : vector<16x1xi32> to vector<16xi32>
      %gather3A_2985 = tpu.dynamic_gather %rev3A_2973[%gather3A_2984] in [0] : vector<16xi32>, vector<16xi32> -> vector<16xi32>
      %add3A_2986 = arith.addi %gather3A_2985, %add3A_2958 : vector<16xi32>
      %broadcast_in_dim3A_2987 = vector.shape_cast %max3A_2982 : vector<16xi32> to vector<16x1xi32>
      %gather3A_2988 = vector.shape_cast %broadcast_in_dim3A_2987 : vector<16x1xi32> to vector<16xi32>
      %gather3A_2989 = tpu.dynamic_gather %get3A_2960[%gather3A_2988] in [0] : vector<16xi32>, vector<16xi32> -> vector<16xi32>
      %gt3A_2990 = arith.constant 0 : i32
      %gt3A_2991 = vector.broadcast %gt3A_2990 : i32 to vector<16xi32>
      %gt3A_2992 = arith.cmpi sgt, %all_reduce_population_count3A_2976, %gt3A_2991 : vector<16xi32>
      %eq3A_2993 = arith.constant 0 : i32
      %eq3A_2994 = vector.broadcast %eq3A_2993 : i32 to vector<16xi32>
      %eq3A_2995 = arith.cmpi eq, %select_n3A_2951, %eq3A_2994 : vector<16xi32>
      %and3A_2996 = arith.andi %gt3A_2992, %eq3A_2995 : vector<16xi1>
      %add3A_2997 = arith.constant 64 : i32
      %add3A_2998 = vector.broadcast %add3A_2997 : i32 to vector<16xi32>
      %add3A_2999 = arith.addi %add3A_2998, %max3A_2982 : vector<16xi32>
      %select_n3A_3000 = arith.select %and3A_2996, %add3A_2999, %select_n3A_2945 : vector<16xi1>, vector<16xi32>
      %sub3A_3001 = arith.subi %add3A_2986, %gather3A_2989 : vector<16xi32>
      %sub3A_3002 = arith.subi %select_n3A_2757, %sub3A_3001 : vector<16xi32>
      %select_n3A_3003 = arith.select %and3A_2996, %sub3A_3002, %select_n3A_2948 : vector<16xi1>, vector<16xi32>
      %jit3A_3004 = arith.constant 1 : i32
      %broadcast_in_dim3A_3005 = vector.broadcast %jit3A_3004 : i32 to vector<16xi32>
      %select_n3A_3006 = arith.select %and3A_2996, %broadcast_in_dim3A_3005, %select_n3A_2951 : vector<16xi1>, vector<16xi32>
      %broadcast_in_dim3A_3007 = arith.constant true
      %broadcast_in_dim3A_3008 = vector.broadcast %broadcast_in_dim3A_3007 : i1 to vector<16xi1>
      %masked_cumsum3A_3009 = tpu.scan <sum>, %get3A_2960 masked %broadcast_in_dim3A_3008 : vector<16xi32>, vector<16xi1> -> vector<16xi32>
      %broadcast_in_dim3A_3010 = vector.shape_cast %broadcast_in_dim3A_7 : vector<16xi32> to vector<16x1xi32>
      %gather3A_3011 = vector.shape_cast %broadcast_in_dim3A_3010 : vector<16x1xi32> to vector<16xi32>
      %gather3A_3012 = tpu.dynamic_gather %masked_cumsum3A_3009[%gather3A_3011] in [0] : vector<16xi32>, vector<16xi32> -> vector<16xi32>
      %add3A_3013 = arith.addi %add3A_2958, %gather3A_3012 : vector<16xi32>
      %get3A_3014 = arith.constant 48 : index
      %get3A_3015 = tpu.vector_load %arg7[%get3A_3014] {strides = array<i32>} : memref<256xi32, #tpu.memory_space<vmem>>, vector<16xi32>,
      %rev3A_3016 = arith.constant 15 : i32
      %rev3A_3017 = vector.broadcast %rev3A_3016 : i32 to vector<16xi32>
      %rev3A_3018 = tpu.iota {dimensions = array<i32: 0>} : vector<16xi32>
      %rev3A_3019 = arith.subi %rev3A_3017, %rev3A_3018 : vector<16xi32>
      %rev3A_3020 = tpu.dynamic_gather %get3A_3015[%rev3A_3019] in [0] : vector<16xi32>, vector<16xi32> -> vector<16xi32>
      %broadcast_in_dim3A_3021 = arith.constant true
      %broadcast_in_dim3A_3022 = vector.broadcast %broadcast_in_dim3A_3021 : i1 to vector<16xi1>
      %masked_cumsum3A_3023 = tpu.scan <sum>, %rev3A_3020 masked %broadcast_in_dim3A_3022 : vector<16xi32>, vector<16xi1> -> vector<16xi32>
      %rev3A_3024 = arith.constant 15 : i32
      %rev3A_3025 = vector.broadcast %rev3A_3024 : i32 to vector<16xi32>
      %rev3A_3026 = tpu.iota {dimensions = array<i32: 0>} : vector<16xi32>
      %rev3A_3027 = arith.subi %rev3A_3025, %rev3A_3026 : vector<16xi32>
      %rev3A_3028 = tpu.dynamic_gather %masked_cumsum3A_3023[%rev3A_3027] in [0] : vector<16xi32>, vector<16xi32> -> vector<16xi32>
      %add3A_3029 = arith.addi %rev3A_3028, %add3A_3013 : vector<16xi32>
      %ge3A_3030 = arith.cmpi sge, %add3A_3029, %select_n3A_2757 : vector<16xi32>
      %all_reduce_population_count3A_3031 = tpu.all_reduce %ge3A_3030 {dim = 0 : i64, kind = #tpu.reduction_kind<sum>} : vector<16xi1> -> vector<16xi32>
      %sub3A_3032 = arith.constant 1 : i32
      %sub3A_3033 = vector.broadcast %sub3A_3032 : i32 to vector<16xi32>
      %sub3A_3034 = arith.subi %all_reduce_population_count3A_3031, %sub3A_3033 : vector<16xi32>
      %max3A_3035 = arith.constant 0 : i32
      %max3A_3036 = vector.broadcast %max3A_3035 : i32 to vector<16xi32>
      %max3A_3037 = arith.maxsi %sub3A_3034, %max3A_3036 : vector<16xi32>
      %broadcast_in_dim3A_3038 = vector.shape_cast %max3A_3037 : vector<16xi32> to vector<16x1xi32>
      %gather3A_3039 = vector.shape_cast %broadcast_in_dim3A_3038 : vector<16x1xi32> to vector<16xi32>
      %gather3A_3040 = tpu.dynamic_gather %rev3A_3028[%gather3A_3039] in [0] : vector<16xi32>, vector<16xi32> -> vector<16xi32>
      %add3A_3041 = arith.addi %gather3A_3040, %add3A_3013 : vector<16xi32>
      %broadcast_in_dim3A_3042 = vector.shape_cast %max3A_3037 : vector<16xi32> to vector<16x1xi32>
      %gather3A_3043 = vector.shape_cast %broadcast_in_dim3A_3042 : vector<16x1xi32> to vector<16xi32>
      %gather3A_3044 = tpu.dynamic_gather %get3A_3015[%gather3A_3043] in [0] : vector<16xi32>, vector<16xi32> -> vector<16xi32>
      %gt3A_3045 = arith.constant 0 : i32
      %gt3A_3046 = vector.broadcast %gt3A_3045 : i32 to vector<16xi32>
      %gt3A_3047 = arith.cmpi sgt, %all_reduce_population_count3A_3031, %gt3A_3046 : vector<16xi32>
      %eq3A_3048 = arith.constant 0 : i32
      %eq3A_3049 = vector.broadcast %eq3A_3048 : i32 to vector<16xi32>
      %eq3A_3050 = arith.cmpi eq, %select_n3A_3006, %eq3A_3049 : vector<16xi32>
      %and3A_3051 = arith.andi %gt3A_3047, %eq3A_3050 : vector<16xi1>
      %add3A_3052 = arith.constant 48 : i32
      %add3A_3053 = vector.broadcast %add3A_3052 : i32 to vector<16xi32>
      %add3A_3054 = arith.addi %add3A_3053, %max3A_3037 : vector<16xi32>
      %select_n3A_3055 = arith.select %and3A_3051, %add3A_3054, %select_n3A_3000 : vector<16xi1>, vector<16xi32>
      %sub3A_3056 = arith.subi %add3A_3041, %gather3A_3044 : vector<16xi32>
      %sub3A_3057 = arith.subi %select_n3A_2757, %sub3A_3056 : vector<16xi32>
      %select_n3A_3058 = arith.select %and3A_3051, %sub3A_3057, %select_n3A_3003 : vector<16xi1>, vector<16xi32>
      %jit3A_3059 = arith.constant 1 : i32
      %broadcast_in_dim3A_3060 = vector.broadcast %jit3A_3059 : i32 to vector<16xi32>
      %select_n3A_3061 = arith.select %and3A_3051, %broadcast_in_dim3A_3060, %select_n3A_3006 : vector<16xi1>, vector<16xi32>
      %broadcast_in_dim3A_3062 = arith.constant true
      %broadcast_in_dim3A_3063 = vector.broadcast %broadcast_in_dim3A_3062 : i1 to vector<16xi1>
      %masked_cumsum3A_3064 = tpu.scan <sum>, %get3A_3015 masked %broadcast_in_dim3A_3063 : vector<16xi32>, vector<16xi1> -> vector<16xi32>
      %broadcast_in_dim3A_3065 = vector.shape_cast %broadcast_in_dim3A_7 : vector<16xi32> to vector<16x1xi32>
      %gather3A_3066 = vector.shape_cast %broadcast_in_dim3A_3065 : vector<16x1xi32> to vector<16xi32>
      %gather3A_3067 = tpu.dynamic_gather %masked_cumsum3A_3064[%gather3A_3066] in [0] : vector<16xi32>, vector<16xi32> -> vector<16xi32>
      %add3A_3068 = arith.addi %add3A_3013, %gather3A_3067 : vector<16xi32>
      %get3A_3069 = arith.constant 32 : index
      %get3A_3070 = tpu.vector_load %arg7[%get3A_3069] {strides = array<i32>} : memref<256xi32, #tpu.memory_space<vmem>>, vector<16xi32>,
      %rev3A_3071 = arith.constant 15 : i32
      %rev3A_3072 = vector.broadcast %rev3A_3071 : i32 to vector<16xi32>
      %rev3A_3073 = tpu.iota {dimensions = array<i32: 0>} : vector<16xi32>
      %rev3A_3074 = arith.subi %rev3A_3072, %rev3A_3073 : vector<16xi32>
      %rev3A_3075 = tpu.dynamic_gather %get3A_3070[%rev3A_3074] in [0] : vector<16xi32>, vector<16xi32> -> vector<16xi32>
      %broadcast_in_dim3A_3076 = arith.constant true
      %broadcast_in_dim3A_3077 = vector.broadcast %broadcast_in_dim3A_3076 : i1 to vector<16xi1>
      %masked_cumsum3A_3078 = tpu.scan <sum>, %rev3A_3075 masked %broadcast_in_dim3A_3077 : vector<16xi32>, vector<16xi1> -> vector<16xi32>
      %rev3A_3079 = arith.constant 15 : i32
      %rev3A_3080 = vector.broadcast %rev3A_3079 : i32 to vector<16xi32>
      %rev3A_3081 = tpu.iota {dimensions = array<i32: 0>} : vector<16xi32>
      %rev3A_3082 = arith.subi %rev3A_3080, %rev3A_3081 : vector<16xi32>
      %rev3A_3083 = tpu.dynamic_gather %masked_cumsum3A_3078[%rev3A_3082] in [0] : vector<16xi32>, vector<16xi32> -> vector<16xi32>
      %add3A_3084 = arith.addi %rev3A_3083, %add3A_3068 : vector<16xi32>
      %ge3A_3085 = arith.cmpi sge, %add3A_3084, %select_n3A_2757 : vector<16xi32>
      %all_reduce_population_count3A_3086 = tpu.all_reduce %ge3A_3085 {dim = 0 : i64, kind = #tpu.reduction_kind<sum>} : vector<16xi1> -> vector<16xi32>
      %sub3A_3087 = arith.constant 1 : i32
      %sub3A_3088 = vector.broadcast %sub3A_3087 : i32 to vector<16xi32>
      %sub3A_3089 = arith.subi %all_reduce_population_count3A_3086, %sub3A_3088 : vector<16xi32>
      %max3A_3090 = arith.constant 0 : i32
      %max3A_3091 = vector.broadcast %max3A_3090 : i32 to vector<16xi32>
      %max3A_3092 = arith.maxsi %sub3A_3089, %max3A_3091 : vector<16xi32>
      %broadcast_in_dim3A_3093 = vector.shape_cast %max3A_3092 : vector<16xi32> to vector<16x1xi32>
      %gather3A_3094 = vector.shape_cast %broadcast_in_dim3A_3093 : vector<16x1xi32> to vector<16xi32>
      %gather3A_3095 = tpu.dynamic_gather %rev3A_3083[%gather3A_3094] in [0] : vector<16xi32>, vector<16xi32> -> vector<16xi32>
      %add3A_3096 = arith.addi %gather3A_3095, %add3A_3068 : vector<16xi32>
      %broadcast_in_dim3A_3097 = vector.shape_cast %max3A_3092 : vector<16xi32> to vector<16x1xi32>
      %gather3A_3098 = vector.shape_cast %broadcast_in_dim3A_3097 : vector<16x1xi32> to vector<16xi32>
      %gather3A_3099 = tpu.dynamic_gather %get3A_3070[%gather3A_3098] in [0] : vector<16xi32>, vector<16xi32> -> vector<16xi32>
      %gt3A_3100 = arith.constant 0 : i32
      %gt3A_3101 = vector.broadcast %gt3A_3100 : i32 to vector<16xi32>
      %gt3A_3102 = arith.cmpi sgt, %all_reduce_population_count3A_3086, %gt3A_3101 : vector<16xi32>
      %eq3A_3103 = arith.constant 0 : i32
      %eq3A_3104 = vector.broadcast %eq3A_3103 : i32 to vector<16xi32>
      %eq3A_3105 = arith.cmpi eq, %select_n3A_3061, %eq3A_3104 : vector<16xi32>
      %and3A_3106 = arith.andi %gt3A_3102, %eq3A_3105 : vector<16xi1>
      %add3A_3107 = arith.constant 32 : i32
      %add3A_3108 = vector.broadcast %add3A_3107 : i32 to vector<16xi32>
      %add3A_3109 = arith.addi %add3A_3108, %max3A_3092 : vector<16xi32>
      %select_n3A_3110 = arith.select %and3A_3106, %add3A_3109, %select_n3A_3055 : vector<16xi1>, vector<16xi32>
      %sub3A_3111 = arith.subi %add3A_3096, %gather3A_3099 : vector<16xi32>
      %sub3A_3112 = arith.subi %select_n3A_2757, %sub3A_3111 : vector<16xi32>
      %select_n3A_3113 = arith.select %and3A_3106, %sub3A_3112, %select_n3A_3058 : vector<16xi1>, vector<16xi32>
      %jit3A_3114 = arith.constant 1 : i32
      %broadcast_in_dim3A_3115 = vector.broadcast %jit3A_3114 : i32 to vector<16xi32>
      %select_n3A_3116 = arith.select %and3A_3106, %broadcast_in_dim3A_3115, %select_n3A_3061 : vector<16xi1>, vector<16xi32>
      %broadcast_in_dim3A_3117 = arith.constant true
      %broadcast_in_dim3A_3118 = vector.broadcast %broadcast_in_dim3A_3117 : i1 to vector<16xi1>
      %masked_cumsum3A_3119 = tpu.scan <sum>, %get3A_3070 masked %broadcast_in_dim3A_3118 : vector<16xi32>, vector<16xi1> -> vector<16xi32>
      %broadcast_in_dim3A_3120 = vector.shape_cast %broadcast_in_dim3A_7 : vector<16xi32> to vector<16x1xi32>
      %gather3A_3121 = vector.shape_cast %broadcast_in_dim3A_3120 : vector<16x1xi32> to vector<16xi32>
      %gather3A_3122 = tpu.dynamic_gather %masked_cumsum3A_3119[%gather3A_3121] in [0] : vector<16xi32>, vector<16xi32> -> vector<16xi32>
      %add3A_3123 = arith.addi %add3A_3068, %gather3A_3122 : vector<16xi32>
      %get3A_3124 = arith.constant 16 : index
      %get3A_3125 = tpu.vector_load %arg7[%get3A_3124] {strides = array<i32>} : memref<256xi32, #tpu.memory_space<vmem>>, vector<16xi32>,
      %rev3A_3126 = arith.constant 15 : i32
      %rev3A_3127 = vector.broadcast %rev3A_3126 : i32 to vector<16xi32>
      %rev3A_3128 = tpu.iota {dimensions = array<i32: 0>} : vector<16xi32>
      %rev3A_3129 = arith.subi %rev3A_3127, %rev3A_3128 : vector<16xi32>
      %rev3A_3130 = tpu.dynamic_gather %get3A_3125[%rev3A_3129] in [0] : vector<16xi32>, vector<16xi32> -> vector<16xi32>
      %broadcast_in_dim3A_3131 = arith.constant true
      %broadcast_in_dim3A_3132 = vector.broadcast %broadcast_in_dim3A_3131 : i1 to vector<16xi1>
      %masked_cumsum3A_3133 = tpu.scan <sum>, %rev3A_3130 masked %broadcast_in_dim3A_3132 : vector<16xi32>, vector<16xi1> -> vector<16xi32>
      %rev3A_3134 = arith.constant 15 : i32
      %rev3A_3135 = vector.broadcast %rev3A_3134 : i32 to vector<16xi32>
      %rev3A_3136 = tpu.iota {dimensions = array<i32: 0>} : vector<16xi32>
      %rev3A_3137 = arith.subi %rev3A_3135, %rev3A_3136 : vector<16xi32>
      %rev3A_3138 = tpu.dynamic_gather %masked_cumsum3A_3133[%rev3A_3137] in [0] : vector<16xi32>, vector<16xi32> -> vector<16xi32>
      %add3A_3139 = arith.addi %rev3A_3138, %add3A_3123 : vector<16xi32>
      %ge3A_3140 = arith.cmpi sge, %add3A_3139, %select_n3A_2757 : vector<16xi32>
      %all_reduce_population_count3A_3141 = tpu.all_reduce %ge3A_3140 {dim = 0 : i64, kind = #tpu.reduction_kind<sum>} : vector<16xi1> -> vector<16xi32>
      %sub3A_3142 = arith.constant 1 : i32
      %sub3A_3143 = vector.broadcast %sub3A_3142 : i32 to vector<16xi32>
      %sub3A_3144 = arith.subi %all_reduce_population_count3A_3141, %sub3A_3143 : vector<16xi32>
      %max3A_3145 = arith.constant 0 : i32
      %max3A_3146 = vector.broadcast %max3A_3145 : i32 to vector<16xi32>
      %max3A_3147 = arith.maxsi %sub3A_3144, %max3A_3146 : vector<16xi32>
      %broadcast_in_dim3A_3148 = vector.shape_cast %max3A_3147 : vector<16xi32> to vector<16x1xi32>
      %gather3A_3149 = vector.shape_cast %broadcast_in_dim3A_3148 : vector<16x1xi32> to vector<16xi32>
      %gather3A_3150 = tpu.dynamic_gather %rev3A_3138[%gather3A_3149] in [0] : vector<16xi32>, vector<16xi32> -> vector<16xi32>
      %add3A_3151 = arith.addi %gather3A_3150, %add3A_3123 : vector<16xi32>
      %broadcast_in_dim3A_3152 = vector.shape_cast %max3A_3147 : vector<16xi32> to vector<16x1xi32>
      %gather3A_3153 = vector.shape_cast %broadcast_in_dim3A_3152 : vector<16x1xi32> to vector<16xi32>
      %gather3A_3154 = tpu.dynamic_gather %get3A_3125[%gather3A_3153] in [0] : vector<16xi32>, vector<16xi32> -> vector<16xi32>
      %gt3A_3155 = arith.constant 0 : i32
      %gt3A_3156 = vector.broadcast %gt3A_3155 : i32 to vector<16xi32>
      %gt3A_3157 = arith.cmpi sgt, %all_reduce_population_count3A_3141, %gt3A_3156 : vector<16xi32>
      %eq3A_3158 = arith.constant 0 : i32
      %eq3A_3159 = vector.broadcast %eq3A_3158 : i32 to vector<16xi32>
      %eq3A_3160 = arith.cmpi eq, %select_n3A_3116, %eq3A_3159 : vector<16xi32>
      %and3A_3161 = arith.andi %gt3A_3157, %eq3A_3160 : vector<16xi1>
      %add3A_3162 = arith.constant 16 : i32
      %add3A_3163 = vector.broadcast %add3A_3162 : i32 to vector<16xi32>
      %add3A_3164 = arith.addi %add3A_3163, %max3A_3147 : vector<16xi32>
      %select_n3A_3165 = arith.select %and3A_3161, %add3A_3164, %select_n3A_3110 : vector<16xi1>, vector<16xi32>
      %sub3A_3166 = arith.subi %add3A_3151, %gather3A_3154 : vector<16xi32>
      %sub3A_3167 = arith.subi %select_n3A_2757, %sub3A_3166 : vector<16xi32>
      %select_n3A_3168 = arith.select %and3A_3161, %sub3A_3167, %select_n3A_3113 : vector<16xi1>, vector<16xi32>
      %jit3A_3169 = arith.constant 1 : i32
      %broadcast_in_dim3A_3170 = vector.broadcast %jit3A_3169 : i32 to vector<16xi32>
      %select_n3A_3171 = arith.select %and3A_3161, %broadcast_in_dim3A_3170, %select_n3A_3116 : vector<16xi1>, vector<16xi32>
      %broadcast_in_dim3A_3172 = arith.constant true
      %broadcast_in_dim3A_3173 = vector.broadcast %broadcast_in_dim3A_3172 : i1 to vector<16xi1>
      %masked_cumsum3A_3174 = tpu.scan <sum>, %get3A_3125 masked %broadcast_in_dim3A_3173 : vector<16xi32>, vector<16xi1> -> vector<16xi32>
      %broadcast_in_dim3A_3175 = vector.shape_cast %broadcast_in_dim3A_7 : vector<16xi32> to vector<16x1xi32>
      %gather3A_3176 = vector.shape_cast %broadcast_in_dim3A_3175 : vector<16x1xi32> to vector<16xi32>
      %gather3A_3177 = tpu.dynamic_gather %masked_cumsum3A_3174[%gather3A_3176] in [0] : vector<16xi32>, vector<16xi32> -> vector<16xi32>
      %add3A_3178 = arith.addi %add3A_3123, %gather3A_3177 : vector<16xi32>
      %get3A_3179 = arith.constant 0 : index
      %get3A_3180 = tpu.vector_load %arg7[%get3A_3179] {strides = array<i32>} : memref<256xi32, #tpu.memory_space<vmem>>, vector<16xi32>,
      %rev3A_3181 = arith.constant 15 : i32
      %rev3A_3182 = vector.broadcast %rev3A_3181 : i32 to vector<16xi32>
      %rev3A_3183 = tpu.iota {dimensions = array<i32: 0>} : vector<16xi32>
      %rev3A_3184 = arith.subi %rev3A_3182, %rev3A_3183 : vector<16xi32>
      %rev3A_3185 = tpu.dynamic_gather %get3A_3180[%rev3A_3184] in [0] : vector<16xi32>, vector<16xi32> -> vector<16xi32>
      %broadcast_in_dim3A_3186 = arith.constant true
      %broadcast_in_dim3A_3187 = vector.broadcast %broadcast_in_dim3A_3186 : i1 to vector<16xi1>
      %masked_cumsum3A_3188 = tpu.scan <sum>, %rev3A_3185 masked %broadcast_in_dim3A_3187 : vector<16xi32>, vector<16xi1> -> vector<16xi32>
      %rev3A_3189 = arith.constant 15 : i32
      %rev3A_3190 = vector.broadcast %rev3A_3189 : i32 to vector<16xi32>
      %rev3A_3191 = tpu.iota {dimensions = array<i32: 0>} : vector<16xi32>
      %rev3A_3192 = arith.subi %rev3A_3190, %rev3A_3191 : vector<16xi32>
      %rev3A_3193 = tpu.dynamic_gather %masked_cumsum3A_3188[%rev3A_3192] in [0] : vector<16xi32>, vector<16xi32> -> vector<16xi32>
      %add3A_3194 = arith.addi %rev3A_3193, %add3A_3178 : vector<16xi32>
      %ge3A_3195 = arith.cmpi sge, %add3A_3194, %select_n3A_2757 : vector<16xi32>
      %all_reduce_population_count3A_3196 = tpu.all_reduce %ge3A_3195 {dim = 0 : i64, kind = #tpu.reduction_kind<sum>} : vector<16xi1> -> vector<16xi32>
      %sub3A_3197 = arith.constant 1 : i32
      %sub3A_3198 = vector.broadcast %sub3A_3197 : i32 to vector<16xi32>
      %sub3A_3199 = arith.subi %all_reduce_population_count3A_3196, %sub3A_3198 : vector<16xi32>
      %max3A_3200 = arith.constant 0 : i32
      %max3A_3201 = vector.broadcast %max3A_3200 : i32 to vector<16xi32>
      %max3A_3202 = arith.maxsi %sub3A_3199, %max3A_3201 : vector<16xi32>
      %broadcast_in_dim3A_3203 = vector.shape_cast %max3A_3202 : vector<16xi32> to vector<16x1xi32>
      %gather3A_3204 = vector.shape_cast %broadcast_in_dim3A_3203 : vector<16x1xi32> to vector<16xi32>
      %gather3A_3205 = tpu.dynamic_gather %rev3A_3193[%gather3A_3204] in [0] : vector<16xi32>, vector<16xi32> -> vector<16xi32>
      %add3A_3206 = arith.addi %gather3A_3205, %add3A_3178 : vector<16xi32>
      %broadcast_in_dim3A_3207 = vector.shape_cast %max3A_3202 : vector<16xi32> to vector<16x1xi32>
      %gather3A_3208 = vector.shape_cast %broadcast_in_dim3A_3207 : vector<16x1xi32> to vector<16xi32>
      %gather3A_3209 = tpu.dynamic_gather %get3A_3180[%gather3A_3208] in [0] : vector<16xi32>, vector<16xi32> -> vector<16xi32>
      %gt3A_3210 = arith.constant 0 : i32
      %gt3A_3211 = vector.broadcast %gt3A_3210 : i32 to vector<16xi32>
      %gt3A_3212 = arith.cmpi sgt, %all_reduce_population_count3A_3196, %gt3A_3211 : vector<16xi32>
      %eq3A_3213 = arith.constant 0 : i32
      %eq3A_3214 = vector.broadcast %eq3A_3213 : i32 to vector<16xi32>
      %eq3A_3215 = arith.cmpi eq, %select_n3A_3171, %eq3A_3214 : vector<16xi32>
      %and3A_3216 = arith.andi %gt3A_3212, %eq3A_3215 : vector<16xi1>
      %add3A_3217 = arith.constant 0 : i32
      %add3A_3218 = vector.broadcast %add3A_3217 : i32 to vector<16xi32>
      %add3A_3219 = arith.addi %add3A_3218, %max3A_3202 : vector<16xi32>
      %select_n3A_3220 = arith.select %and3A_3216, %add3A_3219, %select_n3A_3165 : vector<16xi1>, vector<16xi32>
      %sub3A_3221 = arith.subi %add3A_3206, %gather3A_3209 : vector<16xi32>
      %sub3A_3222 = arith.subi %select_n3A_2757, %sub3A_3221 : vector<16xi32>
      %select_n3A_3223 = arith.select %and3A_3216, %sub3A_3222, %select_n3A_3168 : vector<16xi1>, vector<16xi32>
      %jit3A_3224 = arith.constant 1 : i32
      %broadcast_in_dim3A_3225 = vector.broadcast %jit3A_3224 : i32 to vector<16xi32>
      %select_n3A_3226 = arith.select %and3A_3216, %broadcast_in_dim3A_3225, %select_n3A_3171 : vector<16xi1>, vector<16xi32>
      %broadcast_in_dim3A_3227 = arith.constant true
      %broadcast_in_dim3A_3228 = vector.broadcast %broadcast_in_dim3A_3227 : i1 to vector<16xi1>
      %masked_cumsum3A_3229 = tpu.scan <sum>, %get3A_3180 masked %broadcast_in_dim3A_3228 : vector<16xi32>, vector<16xi1> -> vector<16xi32>
      %broadcast_in_dim3A_3230 = vector.shape_cast %broadcast_in_dim3A_7 : vector<16xi32> to vector<16x1xi32>
      %gather3A_3231 = vector.shape_cast %broadcast_in_dim3A_3230 : vector<16x1xi32> to vector<16xi32>
      %gather3A_3232 = tpu.dynamic_gather %masked_cumsum3A_3229[%gather3A_3231] in [0] : vector<16xi32>, vector<16xi32> -> vector<16xi32>
      %add3A_3233 = arith.addi %add3A_3178, %gather3A_3232 : vector<16xi32>
      %mul3A_3234 = arith.constant 128 : i32
      %mul3A_3235 = vector.broadcast %mul3A_3234 : i32 to vector<16xi32>
      %mul3A_3236 = arith.muli %add3A_2771, %mul3A_3235 : vector<16xi32>
      %add3A_3237 = arith.addi %mul3A_3236, %select_n3A_3220 : vector<16xi32>
      %bitcast_convert_type3A = tpu.bitcast %add3A_3237 : vector<16xi32> -> vector<16xf32>
      %scan3A_3238 = arith.constant 0 : i32
      %scan3A_3239 = arith.constant 546 : i32
      %scan3A_3240 = arith.addi %scan3A_3238, %scan3A_3239 : i32
      %scan3A_3241 = arith.constant 1 : i32
      %scan3A_3242 = scf.for %scan3A_3260 = %scan3A_3238 to %scan3A_3240 step %scan3A_3241 iter_args(%scan3A_3261 = %broadcast_in_dim3A_3) -> (vector<16xf32>)  : i32 {
        %mul3A_3262 = arith.constant 16 : i32
        %mul3A_3263 = arith.muli %scan3A_3260, %mul3A_3262 : i32
        %get3A_3264 = arith.index_cast %mul3A_3263 : i32 to index
        %get3A_3265 = tpu.vector_load %arg5[%get3A_3264] {strides = array<i32>} : memref<8736xf32, #tpu.memory_space<vmem>>, vector<16xf32>,
        %gt3A_3266 = arith.cmpf ogt, %get3A_3265, %bitcast_convert_type3A : vector<16xf32>
        %jit3A_3267 = arith.constant 0.000000e+00 : f32
        %broadcast_in_dim3A_3268 = vector.broadcast %jit3A_3267 : f32 to vector<16xf32>
        %select_n3A_3269 = arith.select %gt3A_3266, %get3A_3265, %broadcast_in_dim3A_3268 : vector<16xi1>, vector<16xf32>
        %add3A_3270 = arith.addf %scan3A_3261, %select_n3A_3269 : vector<16xf32>
        scf.yield %add3A_3270 : vector<16xf32>
      }
      %scan3A_3243 = arith.constant 546 : i32
      %broadcast_in_dim3A_3244 = arith.constant true
      %broadcast_in_dim3A_3245 = vector.broadcast %broadcast_in_dim3A_3244 : i1 to vector<16xi1>
      %masked_cumsum3A_3246 = tpu.scan <sum>, %scan3A_3242 masked %broadcast_in_dim3A_3245 : vector<16xf32>, vector<16xi1> -> vector<16xf32>
      %broadcast_in_dim3A_3247 = vector.shape_cast %broadcast_in_dim3A_7 : vector<16xi32> to vector<16x1xi32>
      %gather3A_3248 = vector.shape_cast %broadcast_in_dim3A_3247 : vector<16x1xi32> to vector<16xi32>
      %gather3A_3249 = tpu.dynamic_gather %masked_cumsum3A_3246[%gather3A_3248] in [0] : vector<16xf32>, vector<16xi32> -> vector<16xf32>
      %convert_element_type3A = arith.sitofp %select_n3A_3223 : vector<16xi32> to vector<16xf32>
      %mul3A_3250 = arith.mulf %convert_element_type3A, %bitcast_convert_type3A : vector<16xf32>
      %add3A_3251 = arith.addf %gather3A_3249, %mul3A_3250 : vector<16xf32>
      %gt3A_3252 = arith.constant 0 : i32
      %gt3A_3253 = vector.broadcast %gt3A_3252 : i32 to vector<16xi32>
      %gt3A_3254 = arith.cmpi sgt, %get3A_18, %gt3A_3253 : vector<16xi32>
      %jit3A_3255 = arith.constant 0.000000e+00 : f32
      %broadcast_in_dim3A_3256 = vector.broadcast %jit3A_3255 : f32 to vector<16xf32>
      %select_n3A_3257 = arith.select %gt3A_3254, %add3A_3251, %broadcast_in_dim3A_3256 : vector<16xi1>, vector<16xf32>
      %swap3A_3258 = arith.constant 0 : index
      %swap3A_3259 = tpu.vector_load %arg8[%swap3A_3258] {strides = array<i32>} : memref<16xf32, #tpu.memory_space<vmem>>, vector<16xf32>,
      tpu.vector_store %arg8[%swap3A_3258], %select_n3A_3257 {strides = array<i32>} : memref<16xf32, #tpu.memory_space<vmem>>, vector<16xf32>,
      "tpu.region"() ({
        %run_scoped3A_3260 = tpu.sem_alloc : memref<!tpu.dma_semaphore, #tpu.memory_space<semaphore_mem>>
        %dma_start3A = arith.constant 0 : i32
        %dma_start3A_3261 = tpu.memref_slice %arg4[%add3A_16, %dma_start3A] : memref<128x16xf32, #tpu.memory_space<hbm>> -> memref<1x16xf32, #tpu.memory_space<hbm>>
        %dma_start3A_3262 = tpu.memref_squeeze %dma_start3A_3261 : memref<1x16xf32, #tpu.memory_space<hbm>> -> memref<16xf32, #tpu.memory_space<hbm>>
        %dma_start3A_3263 = arith.constant 0 : i32
        %dma_start3A_3264 = tpu.memref_slice %arg4[%add3A_16, %dma_start3A_3263] : memref<128x16xf32, #tpu.memory_space<hbm>> -> memref<1x16xf32, #tpu.memory_space<hbm>>
        %dma_start3A_3265 = tpu.memref_squeeze %dma_start3A_3264 : memref<1x16xf32, #tpu.memory_space<hbm>> -> memref<16xf32, #tpu.memory_space<hbm>>
        tpu.enqueue_dma source(%arg8 : memref<16xf32, #tpu.memory_space<vmem>>) target(%dma_start3A_3265 : memref<16xf32, #tpu.memory_space<hbm>>) target_semaphore(%run_scoped3A_3260 : memref<!tpu.dma_semaphore, #tpu.memory_space<semaphore_mem>>)
        %dma_wait3A = arith.constant 0 : i32
        %dma_wait3A_3266 = tpu.memref_slice %arg4[%add3A_16, %dma_wait3A] : memref<128x16xf32, #tpu.memory_space<hbm>> -> memref<1x16xf32, #tpu.memory_space<hbm>>
        %dma_wait3A_3267 = tpu.memref_squeeze %dma_wait3A_3266 : memref<1x16xf32, #tpu.memory_space<hbm>> -> memref<16xf32, #tpu.memory_space<hbm>>
        %dma_wait3A_3268 = arith.constant 0 : i32
        %dma_wait3A_3269 = tpu.memref_slice %arg4[%add3A_16, %dma_wait3A_3268] : memref<128x16xf32, #tpu.memory_space<hbm>> -> memref<1x16xf32, #tpu.memory_space<hbm>>
        %dma_wait3A_3270 = tpu.memref_squeeze %dma_wait3A_3269 : memref<1x16xf32, #tpu.memory_space<hbm>> -> memref<16xf32, #tpu.memory_space<hbm>>
        tpu.wait_dma2 semaphore(%run_scoped3A_3260 : memref<!tpu.dma_semaphore, #tpu.memory_space<semaphore_mem>>) src(%arg8 : memref<16xf32, #tpu.memory_space<vmem>>) dst(%dma_wait3A_3270 : memref<16xf32, #tpu.memory_space<hbm>>)
        tpu.yield
      }) : () -> ()
    }
    %scan3A_12 = arith.constant 4 : i32
    return
  }
}

module attributes {stable_mosaic.version = 14 : i64} {
  func.func @_fin_body(%arg0: memref<2x128xf32, #tpu.memory_space<vmem>>, %arg1: memref<128x16xf32, #tpu.memory_space<vmem>>, %arg2: memref<1x1xf32, #tpu.memory_space<vmem>>) attributes {dimension_semantics = [], scalar_prefetch = 0 : i64, scratch_operands = 0 : i64, tpu.core_type = #tpu.core_type<tc>} {
    %get3A = arith.constant 0 : index
    %get3A_0 = arith.constant 0 : index
    %get3A_1 = vector.load %arg0[%get3A, %get3A_0] : memref<2x128xf32, #tpu.memory_space<vmem>>, vector<2x128xf32>
    %get3A_2 = arith.constant 0 : index
    %get3A_3 = arith.constant 0 : index
    %get3A_4 = vector.load %arg1[%get3A_2, %get3A_3] : memref<128x16xf32, #tpu.memory_space<vmem>>, vector<128x16xf32>
    %slice3A = vector.extract_strided_slice %get3A_1 {offsets = [0, 0], sizes = [1, 128], strides = [1, 1]} : vector<2x128xf32> to vector<1x128xf32>
    %reduce_sum3A = vector.shape_cast %slice3A : vector<1x128xf32> to vector<1x1x128xf32>
    %reduce_sum3A_5 = arith.constant dense<0.000000e+00> : vector<1xf32>
    %reduce_sum3A_6 = vector.multi_reduction <add>, %reduce_sum3A, %reduce_sum3A_5 [1, 2] : vector<1x1x128xf32> to vector<1xf32>
    %reduce_sum3A_7 = vector.shape_cast %reduce_sum3A_6 : vector<1xf32> to vector<1x1x1xf32>
    %reduce_sum3A_8 = vector.extract %reduce_sum3A_7[0, 0, 0] : f32 from vector<1x1x1xf32>
    %slice3A_9 = vector.extract_strided_slice %get3A_4 {offsets = [0, 0], sizes = [128, 1], strides = [1, 1]} : vector<128x16xf32> to vector<128x1xf32>
    %reduce_sum3A_10 = vector.shape_cast %slice3A_9 : vector<128x1xf32> to vector<1x128x1xf32>
    %reduce_sum3A_11 = arith.constant dense<0.000000e+00> : vector<1xf32>
    %reduce_sum3A_12 = vector.multi_reduction <add>, %reduce_sum3A_10, %reduce_sum3A_11 [1, 2] : vector<1x128x1xf32> to vector<1xf32>
    %reduce_sum3A_13 = vector.shape_cast %reduce_sum3A_12 : vector<1xf32> to vector<1x1x1xf32>
    %reduce_sum3A_14 = vector.extract %reduce_sum3A_13[0, 0, 0] : f32 from vector<1x1x1xf32>
    %add3A = arith.addf %reduce_sum3A_8, %reduce_sum3A_14 : f32
    %slice3A_15 = vector.extract_strided_slice %get3A_1 {offsets = [1, 0], sizes = [1, 128], strides = [1, 1]} : vector<2x128xf32> to vector<1x128xf32>
    %reduce_sum3A_16 = vector.shape_cast %slice3A_15 : vector<1x128xf32> to vector<1x1x128xf32>
    %reduce_sum3A_17 = arith.constant dense<0.000000e+00> : vector<1xf32>
    %reduce_sum3A_18 = vector.multi_reduction <add>, %reduce_sum3A_16, %reduce_sum3A_17 [1, 2] : vector<1x1x128xf32> to vector<1xf32>
    %reduce_sum3A_19 = vector.shape_cast %reduce_sum3A_18 : vector<1xf32> to vector<1x1x1xf32>
    %reduce_sum3A_20 = vector.extract %reduce_sum3A_19[0, 0, 0] : f32 from vector<1x1x1xf32>
    %div3A = arith.divf %add3A, %reduce_sum3A_20 : f32
    %reshape3A = vector.broadcast %div3A : f32 to vector<1x1xf32>
    %swap3A = arith.constant 0 : index
    %swap3A_21 = arith.constant 0 : index
    %swap3A_22 = vector.load %arg2[%swap3A, %swap3A_21] : memref<1x1xf32, #tpu.memory_space<vmem>>, vector<1x1xf32>
    tpu.vector_store %arg2[%swap3A, %swap3A_21], %reshape3A {strides = array<i32>} : memref<1x1xf32, #tpu.memory_space<vmem>>, vector<1x1xf32>,
    return
  }
}

module attributes {stable_mosaic.version = 14 : i64} {
  func.func @_s1_body(%arg0: i32, %arg1: memref<4x21x8732xf32, #tpu.memory_space<vmem>>, %arg2: memref<4x1x8732xi32, #tpu.memory_space<vmem>>, %arg3: memref<4x4x8732xf32, #tpu.memory_space<vmem>>, %arg4: memref<4x4x8732xf32, #tpu.memory_space<vmem>>, %arg5: memref<4x1x8736xf32, #tpu.memory_space<vmem>>, %arg6: memref<4x1x128xi32, #tpu.memory_space<vmem>>, %arg7: memref<2x128xf32, #tpu.memory_space<vmem>>) attributes {dimension_semantics = [#tpu.dimension_semantics<arbitrary>], iteration_bounds = array<i64: 32>, scalar_prefetch = 0 : i64, scratch_operands = 0 : i64, tpu.core_type = #tpu.core_type<tc>, window_params = [{transform_indices = @transform_0, window_bounds = array<i64: 4, 21, 8732>}, {transform_indices = @transform_1, window_bounds = array<i64: 4, 1, 8732>}, {transform_indices = @transform_2, window_bounds = array<i64: 4, 4, 8732>}, {transform_indices = @transform_3, window_bounds = array<i64: 4, 4, 8732>}, {transform_indices = @transform_4, window_bounds = array<i64: 4, 1, 8736>}, {transform_indices = @transform_5, window_bounds = array<i64: 4, 1, 128>}, {pipeline_mode = #tpu.pipeline_mode<synchronous>, transform_indices = @transform_6, window_bounds = array<i64: 2, 128>}]} {
    %get3A = arith.constant 0 : index
    %get3A_0 = arith.constant 0 : index
    %get3A_1 = arith.constant 0 : index
    %get3A_2 = vector.load %arg1[%get3A, %get3A_0, %get3A_1] : memref<4x21x8732xf32, #tpu.memory_space<vmem>>, vector<4x21x8732xf32>
    %exp3A = math.exp %get3A_2 : vector<4x21x8732xf32>
    %reduce_sum3A = arith.constant dense<0.000000e+00> : vector<4x8732xf32>
    %reduce_sum3A_3 = vector.multi_reduction <add>, %exp3A, %reduce_sum3A [1] : vector<4x21x8732xf32> to vector<4x8732xf32>
    %log3A = math.log %reduce_sum3A_3 : vector<4x8732xf32>
    %get3A_4 = arith.constant 0 : index
    %get3A_5 = arith.constant 0 : index
    %get3A_6 = arith.constant 0 : index
    %get3A_7 = vector.load %arg2[%get3A_4, %get3A_5, %get3A_6] : memref<4x1x8732xi32, #tpu.memory_space<vmem>>, vector<4x1x8732xi32>
    %get3A_8 = vector.shape_cast %get3A_7 : vector<4x1x8732xi32> to vector<4x8732xi32>
    %iota3A = tpu.iota {dimensions = array<i32: 1>} : vector<4x21x8732xi32>
    %broadcast_in_dim3A = vector.shape_cast %get3A_8 : vector<4x8732xi32> to vector<4x1x8732xi32>
    %eq3A = vector.broadcast %broadcast_in_dim3A : vector<4x1x8732xi32> to vector<4x21x8732xi32>
    %eq3A_9 = arith.cmpi eq, %iota3A, %eq3A : vector<4x21x8732xi32>
    %jit3A = arith.constant 0.000000e+00 : f32
    %broadcast_in_dim3A_10 = vector.broadcast %jit3A : f32 to vector<4x21x8732xf32>
    %select_n3A = arith.select %eq3A_9, %get3A_2, %broadcast_in_dim3A_10 : vector<4x21x8732xi1>, vector<4x21x8732xf32>
    %reduce_sum3A_11 = arith.constant dense<0.000000e+00> : vector<4x8732xf32>
    %reduce_sum3A_12 = vector.multi_reduction <add>, %select_n3A, %reduce_sum3A_11 [1] : vector<4x21x8732xf32> to vector<4x8732xf32>
    %sub3A = arith.subf %log3A, %reduce_sum3A_12 : vector<4x8732xf32>
    %gt3A = arith.constant 0 : i32
    %gt3A_13 = vector.broadcast %gt3A : i32 to vector<4x8732xi32>
    %gt3A_14 = arith.cmpi sgt, %get3A_8, %gt3A_13 : vector<4x8732xi32>
    %convert_element_type3A = arith.extui %gt3A_14 : vector<4x8732xi1> to vector<4x8732xi32>
    %convert_element_type3A_15 = arith.sitofp %convert_element_type3A : vector<4x8732xi32> to vector<4x8732xf32>
    %convert_element_type3A_16 = arith.extui %gt3A_14 : vector<4x8732xi1> to vector<4x8732xi32>
    %reduce_sum3A_17 = arith.constant dense<0> : vector<4xi32>
    %reduce_sum3A_18 = vector.multi_reduction <add>, %convert_element_type3A_16, %reduce_sum3A_17 [1] : vector<4x8732xi32> to vector<4xi32>
    %broadcast_in_dim3A_19 = vector.shape_cast %reduce_sum3A_18 : vector<4xi32> to vector<4x1xi32>
    %mul3A = arith.constant 3 : i32
    %mul3A_20 = vector.broadcast %mul3A : i32 to vector<4x1xi32>
    %mul3A_21 = arith.muli %mul3A_20, %broadcast_in_dim3A_19 : vector<4x1xi32>
    %min3A = arith.constant 8731 : i32
    %min3A_22 = vector.broadcast %min3A : i32 to vector<4x1xi32>
    %min3A_23 = arith.minsi %mul3A_21, %min3A_22 : vector<4x1xi32>
    %broadcast_in_dim3A_24 = vector.shape_cast %min3A_23 : vector<4x1xi32> to vector<4x1xi32>
    %broadcast_in_dim3A_25 = vector.broadcast %broadcast_in_dim3A_24 : vector<4x1xi32> to vector<4x128xi32>
    %swap3A = arith.constant 0 : index
    %swap3A_26 = arith.constant 0 : index
    %swap3A_27 = arith.constant 0 : index
    %swap3A_28 = vector.load %arg6[%swap3A, %swap3A_26, %swap3A_27] : memref<4x1x128xi32, #tpu.memory_space<vmem>>, vector<4x1x128xi32>
    %swap3A_29 = vector.shape_cast %swap3A_28 : vector<4x1x128xi32> to vector<4x128xi32>
    %swap3A_30 = vector.shape_cast %broadcast_in_dim3A_25 : vector<4x128xi32> to vector<4x1x128xi32>
    tpu.vector_store %arg6[%swap3A, %swap3A_26, %swap3A_27], %swap3A_30 {strides = array<i32>} : memref<4x1x128xi32, #tpu.memory_space<vmem>>, vector<4x1x128xi32>,
    %max3A = arith.constant 0.000000e+00 : f32
    %max3A_31 = vector.broadcast %max3A : f32 to vector<4x8732xf32>
    %max3A_32 = arith.maximumf %sub3A, %max3A_31 : vector<4x8732xf32>
    %jit3A_33 = arith.constant 0.000000e+00 : f32
    %broadcast_in_dim3A_34 = vector.broadcast %jit3A_33 : f32 to vector<4x8732xf32>
    %select_n3A_35 = arith.select %gt3A_14, %broadcast_in_dim3A_34, %max3A_32 : vector<4x8732xi1>, vector<4x8732xf32>
    %broadcast_in_dim3A_36 = arith.constant 0.000000e+00 : f32
    %broadcast_in_dim3A_37 = vector.broadcast %broadcast_in_dim3A_36 : f32 to vector<4x4xf32>
    %concatenate3A = tpu.concatenate %select_n3A_35, %broadcast_in_dim3A_37 in 1 : vector<4x8732xf32>, vector<4x4xf32> -> vector<4x8736xf32>
    %swap3A_38 = arith.constant 0 : index
    %swap3A_39 = arith.constant 0 : index
    %swap3A_40 = arith.constant 0 : index
    %swap3A_41 = vector.load %arg5[%swap3A_38, %swap3A_39, %swap3A_40] : memref<4x1x8736xf32, #tpu.memory_space<vmem>>, vector<4x1x8736xf32>
    %swap3A_42 = vector.shape_cast %swap3A_41 : vector<4x1x8736xf32> to vector<4x8736xf32>
    %swap3A_43 = vector.shape_cast %concatenate3A : vector<4x8736xf32> to vector<4x1x8736xf32>
    tpu.vector_store %arg5[%swap3A_38, %swap3A_39, %swap3A_40], %swap3A_43 {strides = array<i32>} : memref<4x1x8736xf32, #tpu.memory_space<vmem>>, vector<4x1x8736xf32>,
    %get3A_44 = arith.constant 0 : index
    %get3A_45 = arith.constant 0 : index
    %get3A_46 = arith.constant 0 : index
    %get3A_47 = vector.load %arg3[%get3A_44, %get3A_45, %get3A_46] : memref<4x4x8732xf32, #tpu.memory_space<vmem>>, vector<4x4x8732xf32>
    %get3A_48 = arith.constant 0 : index
    %get3A_49 = arith.constant 0 : index
    %get3A_50 = arith.constant 0 : index
    %get3A_51 = vector.load %arg4[%get3A_48, %get3A_49, %get3A_50] : memref<4x4x8732xf32, #tpu.memory_space<vmem>>, vector<4x4x8732xf32>
    %sub3A_52 = arith.subf %get3A_47, %get3A_51 : vector<4x4x8732xf32>
    %abs3A = math.absf %sub3A_52 : vector<4x4x8732xf32>
    %lt3A = arith.constant 1.000000e+00 : f32
    %lt3A_53 = vector.broadcast %lt3A : f32 to vector<4x4x8732xf32>
    %lt3A_54 = arith.cmpf olt, %abs3A, %lt3A_53 : vector<4x4x8732xf32>
    %mul3A_55 = arith.constant 5.000000e-01 : f32
    %mul3A_56 = vector.broadcast %mul3A_55 : f32 to vector<4x4x8732xf32>
    %mul3A_57 = arith.mulf %mul3A_56, %sub3A_52 : vector<4x4x8732xf32>
    %mul3A_58 = arith.mulf %mul3A_57, %sub3A_52 : vector<4x4x8732xf32>
    %sub3A_59 = arith.constant 5.000000e-01 : f32
    %sub3A_60 = vector.broadcast %sub3A_59 : f32 to vector<4x4x8732xf32>
    %sub3A_61 = arith.subf %abs3A, %sub3A_60 : vector<4x4x8732xf32>
    %select_n3A_62 = arith.select %lt3A_54, %mul3A_58, %sub3A_61 : vector<4x4x8732xi1>, vector<4x4x8732xf32>
    %reduce_sum3A_63 = arith.constant dense<0.000000e+00> : vector<4x8732xf32>
    %reduce_sum3A_64 = vector.multi_reduction <add>, %select_n3A_62, %reduce_sum3A_63 [1] : vector<4x4x8732xf32> to vector<4x8732xf32>
    %mul3A_65 = arith.mulf %reduce_sum3A_64, %convert_element_type3A_15 : vector<4x8732xf32>
    %reduce_sum3A_66 = vector.shape_cast %mul3A_65 : vector<4x8732xf32> to vector<1x4x8732xf32>
    %reduce_sum3A_67 = arith.constant dense<0.000000e+00> : vector<1xf32>
    %reduce_sum3A_68 = vector.multi_reduction <add>, %reduce_sum3A_66, %reduce_sum3A_67 [1, 2] : vector<1x4x8732xf32> to vector<1xf32>
    %reduce_sum3A_69 = vector.shape_cast %reduce_sum3A_68 : vector<1xf32> to vector<1x1x1xf32>
    %reduce_sum3A_70 = vector.extract %reduce_sum3A_69[0, 0, 0] : f32 from vector<1x1x1xf32>
    %mul3A_71 = arith.mulf %sub3A, %convert_element_type3A_15 : vector<4x8732xf32>
    %reduce_sum3A_72 = vector.shape_cast %mul3A_71 : vector<4x8732xf32> to vector<1x4x8732xf32>
    %reduce_sum3A_73 = arith.constant dense<0.000000e+00> : vector<1xf32>
    %reduce_sum3A_74 = vector.multi_reduction <add>, %reduce_sum3A_72, %reduce_sum3A_73 [1, 2] : vector<1x4x8732xf32> to vector<1xf32>
    %reduce_sum3A_75 = vector.shape_cast %reduce_sum3A_74 : vector<1xf32> to vector<1x1x1xf32>
    %reduce_sum3A_76 = vector.extract %reduce_sum3A_75[0, 0, 0] : f32 from vector<1x1x1xf32>
    %reduce_sum3A_77 = vector.shape_cast %convert_element_type3A_15 : vector<4x8732xf32> to vector<1x4x8732xf32>
    %reduce_sum3A_78 = arith.constant dense<0.000000e+00> : vector<1xf32>
    %reduce_sum3A_79 = vector.multi_reduction <add>, %reduce_sum3A_77, %reduce_sum3A_78 [1, 2] : vector<1x4x8732xf32> to vector<1xf32>
    %reduce_sum3A_80 = vector.shape_cast %reduce_sum3A_79 : vector<1xf32> to vector<1x1x1xf32>
    %reduce_sum3A_81 = vector.extract %reduce_sum3A_80[0, 0, 0] : f32 from vector<1x1x1xf32>
    %eq3A_82 = arith.constant 0 : i32
    %eq3A_83 = arith.cmpi eq, %arg0, %eq3A_82 : i32
    %convert_element_type3A_84 = arith.extui %eq3A_83 : i1 to i32
    %cond3A = arith.constant 0 : i32
    %cond3A_85 = arith.cmpi ne, %convert_element_type3A_84, %cond3A : i32
    scf.if %cond3A_85 {
      %broadcast_in_dim3A_109 = arith.constant 0.000000e+00 : f32
      %broadcast_in_dim3A_110 = vector.broadcast %broadcast_in_dim3A_109 : f32 to vector<2x128xf32>
      %swap3A_111 = arith.constant 0 : index
      %swap3A_112 = arith.constant 0 : index
      %swap3A_113 = vector.load %arg7[%swap3A_111, %swap3A_112] : memref<2x128xf32, #tpu.memory_space<vmem>>, vector<2x128xf32>
      tpu.vector_store %arg7[%swap3A_111, %swap3A_112], %broadcast_in_dim3A_110 {strides = array<i32>} : memref<2x128xf32, #tpu.memory_space<vmem>>, vector<2x128xf32>,
    } else {
    }
    %iota3A_86 = tpu.iota {dimensions = array<i32: 1>} : vector<1x128xi32>
    %eq3A_87 = arith.constant 0 : i32
    %eq3A_88 = vector.broadcast %eq3A_87 : i32 to vector<1x128xi32>
    %eq3A_89 = arith.cmpi eq, %iota3A_86, %eq3A_88 : vector<1x128xi32>
    %add3A = arith.addf %reduce_sum3A_70, %reduce_sum3A_76 : f32
    %jit3A_90 = arith.constant 0.000000e+00 : f32
    %broadcast_in_dim3A_91 = vector.broadcast %add3A : f32 to vector<1x128xf32>
    %broadcast_in_dim3A_92 = vector.broadcast %jit3A_90 : f32 to vector<1x128xf32>
    %select_n3A_93 = arith.select %eq3A_89, %broadcast_in_dim3A_91, %broadcast_in_dim3A_92 : vector<1x128xi1>, vector<1x128xf32>
    %eq3A_94 = arith.constant 0 : i32
    %eq3A_95 = vector.broadcast %eq3A_94 : i32 to vector<1x128xi32>
    %eq3A_96 = arith.cmpi eq, %iota3A_86, %eq3A_95 : vector<1x128xi32>
    %jit3A_97 = arith.constant 0.000000e+00 : f32
    %broadcast_in_dim3A_98 = vector.broadcast %reduce_sum3A_81 : f32 to vector<1x128xf32>
    %broadcast_in_dim3A_99 = vector.broadcast %jit3A_97 : f32 to vector<1x128xf32>
    %select_n3A_100 = arith.select %eq3A_96, %broadcast_in_dim3A_98, %broadcast_in_dim3A_99 : vector<1x128xi1>, vector<1x128xf32>
    %get3A_101 = arith.constant 0 : index
    %get3A_102 = arith.constant 0 : index
    %get3A_103 = vector.load %arg7[%get3A_101, %get3A_102] : memref<2x128xf32, #tpu.memory_space<vmem>>, vector<2x128xf32>
    %concatenate3A_104 = tpu.concatenate %select_n3A_93, %select_n3A_100 in 0 : vector<1x128xf32>, vector<1x128xf32> -> vector<2x128xf32>
    %add3A_105 = arith.addf %get3A_103, %concatenate3A_104 : vector<2x128xf32>
    %swap3A_106 = arith.constant 0 : index
    %swap3A_107 = arith.constant 0 : index
    %swap3A_108 = vector.load %arg7[%swap3A_106, %swap3A_107] : memref<2x128xf32, #tpu.memory_space<vmem>>, vector<2x128xf32>
    tpu.vector_store %arg7[%swap3A_106, %swap3A_107], %add3A_105 {strides = array<i32>} : memref<2x128xf32, #tpu.memory_space<vmem>>, vector<2x128xf32>,
    return
  }
  func.func @transform_0(%arg0: i32) -> (i32, i32, i32) {
    %c0_i32 = arith.constant 0 : i32
    %c0_i32_0 = arith.constant 0 : i32
    %c0_i32_1 = arith.constant 0 : i32
    return %arg0, %c0_i32, %c0_i32_0 : i32, i32, i32
  }
  func.func @transform_1(%arg0: i32) -> (i32, i32, i32) {
    %c0_i32 = arith.constant 0 : i32
    %c0_i32_0 = arith.constant 0 : i32
    %c0_i32_1 = arith.constant 0 : i32
    return %arg0, %c0_i32, %c0_i32_0 : i32, i32, i32
  }
  func.func @transform_2(%arg0: i32) -> (i32, i32, i32) {
    %c0_i32 = arith.constant 0 : i32
    %c0_i32_0 = arith.constant 0 : i32
    %c0_i32_1 = arith.constant 0 : i32
    return %arg0, %c0_i32, %c0_i32_0 : i32, i32, i32
  }
  func.func @transform_3(%arg0: i32) -> (i32, i32, i32) {
    %c0_i32 = arith.constant 0 : i32
    %c0_i32_0 = arith.constant 0 : i32
    %c0_i32_1 = arith.constant 0 : i32
    return %arg0, %c0_i32, %c0_i32_0 : i32, i32, i32
  }
  func.func @transform_4(%arg0: i32) -> (i32, i32, i32) {
    %c0_i32 = arith.constant 0 : i32
    %c0_i32_0 = arith.constant 0 : i32
    %c0_i32_1 = arith.constant 0 : i32
    return %arg0, %c0_i32, %c0_i32_0 : i32, i32, i32
  }
  func.func @transform_5(%arg0: i32) -> (i32, i32, i32) {
    %c0_i32 = arith.constant 0 : i32
    %c0_i32_0 = arith.constant 0 : i32
    %c0_i32_1 = arith.constant 0 : i32
    return %arg0, %c0_i32, %c0_i32_0 : i32, i32, i32
  }
  func.func @transform_6(%arg0: i32) -> (i32, i32) {
    %c0_i32 = arith.constant 0 : i32
    %c0_i32_0 = arith.constant 0 : i32
    %c0_i32_1 = arith.constant 0 : i32
    return %c0_i32, %c0_i32_0 : i32, i32
  }
}

</mosaic_0001>

<sc_bundles>
// kernel: kernel.5.cloned.1.call-start
scs
__scs_entry_jumppad:
0x0: {  	(pc) =	sbr.rel $0x88, $3  }
0x1: {  	(tag) =	ssettag $0x0;
	lr =	simm.s32 $0x1  }
0x2: {  	[smem:$0x3F9D] =	sst lr;
	_ =	strace $0xD0000000  }
0x3: {  	_ = 	snop  }
0x4: {  	_ = 	snop  }
0x5: {  	_ = 	snop  }
0x6: {  	_ = 	snop  }
0x7: {  	_ = 	snop  }
__scs_overlays_trampoline_lowered:
0x8: {  	[smem:$0x3FAC] =	sst s0  }
0x9: {  	[smem:$0x3FAD] =	sst s1  }
0xa: {  	[smem:$0x3FAE] =	sst s2  }
0xb: {  	[smem:$0x3FAF] =	sst s3  }
0xc: {  	[smem:$0x3FB0] =	sst s4  }
0xd: {  	[smem:$0x3FB1] =	sst s5  }
0xe: {  	[smem:$0x3FB2] =	sst s6  }
0xf: {  	[smem:$0x3FB3] =	sst s7  }
0x10: {  	[smem:$0x3FB4] =	sst s8  }
0x11: {  	[smem:$0x3FB5] =	sst s9;
	s0 =	simm.s32 @!p0 $0x0  }
0x12: {  	s1 =	sld [smem:$0x3F9B];
	s0 =	simm.s32 @p0 $0x1  }
0x13: {  	[smem:$0x3FB6] =	sst s0;
	s0 =	simm.s32 @!p1 $0x0  }
0x14: {  	s2 =	sld [smem:$0x3F9A];
	s0 =	simm.s32 @p1 $0x1  }
0x15: {  	[smem:$0x3FB7] =	sst s0;
	s0 =	simm.s32 @!p2 $0x0  }
0x16: {  	s3 =	sld [smem:$0x3FDB];
	s0 =	simm.s32 @p2 $0x1  }
0x17: {  	s4 =	simm.s32 $0x1BF5;
	[smem:$0x3FB9] =	sst s0  }
0x18: {  	s0 =	sld [smem:$0x3F9C];
	_ =	swait.ge [sflag:s4], $0x0  }
0x19: {  	s7 =	sld [smem:$0x3F9D]  }
0x1a: {  	s8 =	sadd.s32 $0xFFFFE003, lr  }
0x1b: {  	s9 =	sadd.s32 $0xFFFFFEF7, lr;
	s5 =	simm.s32 $0xFFFFFFFF;
	p2 =	slt.u32 s8, $0xFFFFF086  }
0x1c: {  	p1 =	slt.u32 s9, $0xF7A;
	s5 =	simm.s32 @!p2 $0x0  }
0x1d: {  	s5 =	simm.s32 @p1 $0x1;
	p0 =	seq.s32 s7, s2  }
0x1e: {  	s7 =	smul.u32 @!p0 $0xF7A, s2;
	p2 =	seq.s32 @!p0 s5, $0x0  }
0x1f: {  	s9 =	smul.u32 $0xF7A, s1;
	s8 =	simm.s32 @!p0 $0x1BF5;
	p2 =	por !p2, p0  }
0x20: {  	[sflag:s8] =	ssyncset.s32 @!p0 $0xFFFFF086;
	s6 =	sadd.s32 @!p0 s3, s7;
	s7 =	simm.s32 @!p0 $0x108  }
0x21: {  	s3 =	sadd.s32 s3, s9;
	s6 =	sadd.s32 @!p0 $0x88, s6;
	s7 =	simm.s32 @p2 $0x1082  }
0x22: {  	[simem:s7], [sflag:s8] =	dma.local @!p0 [hbm:s6], $0xF7A  }
0x23: {  	s9 =	sor.u32 $0xD0000000, s2;
	s6 =	simm.s32 $0x108;
	_ =	swait.ge @!p0 [sflag:s8], $0x0  }
0x24: {  	s3 =	sadd.s32 $0x88, s3;
	s6 =	simm.s32 @!p1 $0x1082;
	[sflag:s4] =	ssyncset.s32 $0xFFFFF086  }
0x25: {  	[simem:s6], [sflag:s4] =	dma.local [hbm:s3], $0xF7A  }
0x26: {  	[smem:$0x3F9D] =	sst s1;
	(tag) =	ssettag s2;
	_ =	strace s9  }
0x27: {  	s1 =	sld [smem:$0x3FAD]  }
0x28: {  	s2 =	sld [smem:$0x3FAE]  }
0x29: {  	s4 =	sld [smem:$0x3FB0]  }
0x2a: {  	p0 =	seq.s32 s5, $0x0;
	s5 =	sld [smem:$0x3FB1]  }
0x2b: {  	s6 =	sld [smem:$0x3FB2]  }
0x2c: {  	s7 =	sld [smem:$0x3FB3]  }
0x2d: {  	s3 =	simm.s32 $0x108;
	s8 =	sld [smem:$0x3FB4]  }
0x2e: {  	s3 =	simm.s32 @!p0 $0x1082;
	s9 =	sld [smem:$0x3FB5]  }
0x2f: {  	lr =	sadd.s32 s0, s3;
	s0 =	sld [smem:$0x3FAC]  }
0x30: {  	s3 =	sld [smem:$0x3FAF]  }
0x31: {  	[smem:$0x3FB8] =	sst s10  }
0x32: {  	s10 =	sld [smem:$0x3FB6];
	_ =	sdelay $0x3  }
0x33: {  	p0 =	seq.s32 s10, $0x1;
	s10 =	sld [smem:$0x3FB8];
	_ =	sdelay $0x3  }
0x34: {  	[smem:$0x3FB8] =	sst s10  }
0x35: {  	s10 =	sld [smem:$0x3FB7];
	_ =	sdelay $0x3  }
0x36: {  	p1 =	seq.s32 s10, $0x1;
	s10 =	sld [smem:$0x3FB8];
	_ =	sdelay $0x3  }
0x37: {  	[smem:$0x3FB8] =	sst s10  }
0x38: {  	s10 =	sld [smem:$0x3FB9]  }
0x39: {  	_ = 	snop;
	(pc) =	sbr.ind lr, $3  }
0x3a: {  	_ = 	snop  }
0x3b: {  	_ = 	snop  }
0x3c: {  	p2 =	seq.s32 s10, $0x1;
	s10 =	sld [smem:$0x3FB8]  }
0x3d: {  	_ =	shalt  }
0x3e: {  	_ =	shalt  }
0x3f: {  	_ =	shalt  }
0x40: {  	_ =	shalt  }
0x41: {  	_ =	shalt  }
0x42: {  	_ =	shalt  }
0x43: {  	_ =	shalt  }
0x44: {  	_ =	shalt  }
0x45: {  	_ =	shalt  }
0x46: {  	_ =	shalt  }
0x47: {  	_ =	shalt  }
0x48: {  	_ =	shalt  }
0x49: {  	_ =	shalt  }
0x4a: {  	_ =	shalt  }
0x4b: {  	_ =	shalt  }
0x4c: {  	_ =	shalt  }
0x4d: {  	_ =	shalt  }
0x4e: {  	_ =	shalt  }
0x4f: {  	_ =	shalt  }
0x50: {  	_ =	shalt  }
0x51: {  	_ =	shalt  }
0x52: {  	_ =	shalt  }
0x53: {  	_ =	shalt  }
0x54: {  	_ =	shalt  }
0x55: {  	_ =	shalt  }
0x56: {  	_ =	shalt  }
0x57: {  	_ =	shalt  }
0x58: {  	_ =	shalt  }
0x59: {  	_ =	shalt  }
0x5a: {  	_ =	shalt  }
0x5b: {  	_ =	shalt  }
0x5c: {  	_ =	shalt  }
0x5d: {  	_ =	shalt  }
0x5e: {  	_ =	shalt  }
0x5f: {  	_ =	shalt  }
0x60: {  	_ =	shalt  }
0x61: {  	_ =	shalt  }
0x62: {  	_ =	shalt  }
0x63: {  	_ =	shalt  }
0x64: {  	_ =	shalt  }
0x65: {  	_ =	shalt  }
0x66: {  	_ =	shalt  }
0x67: {  	_ =	shalt  }
0x68: {  	_ =	shalt  }
0x69: {  	_ =	shalt  }
0x6a: {  	_ =	shalt  }
0x6b: {  	_ =	shalt  }
0x6c: {  	_ =	shalt  }
0x6d: {  	_ =	shalt  }
0x6e: {  	_ =	shalt  }
0x6f: {  	_ =	shalt  }
0x70: {  	_ =	shalt  }
0x71: {  	_ =	shalt  }
0x72: {  	_ =	shalt  }
0x73: {  	_ =	shalt  }
0x74: {  	_ =	shalt  }
0x75: {  	_ =	shalt  }
0x76: {  	_ =	shalt  }
0x77: {  	_ =	shalt  }
0x78: {  	_ =	shalt  }
0x79: {  	_ =	shalt  }
0x7a: {  	_ =	shalt  }
0x7b: {  	_ =	shalt  }
0x7c: {  	_ =	shalt  }
0x7d: {  	_ =	shalt  }
0x7e: {  	_ =	shalt  }
0x7f: {  	_ =	shalt  }
0x80: {  	_ =	shalt  }
0x81: {  	_ =	shalt  }
0x82: {  	_ =	shalt  }
0x83: {  	_ =	shalt  }
0x84: {  	_ =	shalt  }
0x85: {  	_ =	shalt  }
0x86: {  	_ =	shalt  }
0x87: {  	_ =	shalt  }
.Lfunc_end0:
.L_simem_size_0:
called_computation_lowered:
.L_overlay_start_0:
0x88: {  	s2 =	sld [smem:$0x3FD9]  }
0x89: {  	s3 =	sld [smem:$0x3FFE];
	_ =	sdelay $0x1  }
0x8a: {  	s1 =	srdreg.scid  }
0x8b: {  	s0 =	sand.u32 $0x1, s1  }
0x8c: {  	s16 =	sshll.u32 s0, $0xA;
	s2 =	sadd.s32 s3, s2  }
0x8d: {  	s2 =	sadd.s32 s2, s16  }
0x8e: {  	[smem:$0x3FC4] =	sst s2  }
0x8f: {  	_ = 	snop  }
0x90: {  	(tm) =	ssettm $0x1  }
0x91: {  	s17 =	sld [smem:$0x3FFB];
	_ =	sdelay $0x3  }
0x92: {  	_ =	strace s17  }
0x93: {  	s2 =	sld [smem:$0x3FFC];
	_ =	sdelay $0x3  }
0x94: {  	_ =	strace s2  }
0x95: {  	s2 =	sld [smem:$0x3FFD];
	_ =	sdelay $0x3  }
0x96: {  	_ =	strace s2  }
0x97: {  	_ =	strace $0x8FFFFFFF  }
0x98: {  	s18 =	sld [smem:$0x3FDB];
	_ =	sdelay $0x1  }
0x99: {  	s19 =	simm.s32 $_scs_section_size  }
0x9a: {  	s4 =	simm.s32 $_size__tile_overlayer_lowered;
	s5 =	simm.s32 $_tile_overlayer_lowered  }
0x9b: {  	s22 =	simm.s32 $0x1BFF;
	s21 =	sshll.u32 s5, $0x1;
	s2 =	sadd.s32 s19, s18  }
0x9c: {  	s6 =	simm.s32 $0x0;
	s20 =	sshll.u32 s4, $0x1;
	s4 =	sadd.s32 s21, s2  }
0x9d: {  	[timem:s6], [sflag:s22] =	dma.local [hbm:s4], s20  }
0x9e: {  	_ =	swait.ge [sflag:s22], s20  }
0x9f: {  	s3 =	ssub.s32 $0x0, s20;
	[sflag:s22] =	ssyncset.done $0x0  }
0xa0: {  	[sflag:s22] =	ssyncadd.s32 s3;
	_ =	sdelay $0x1  }
0xa1: {  	s23 =	simm.s32 $0x1B8B  }
0xa2: {  	_ =	swait.ge [sflag:s23], $0x1  }
0xa3: {  	[sflag:s23] =	ssyncset.done $0x0  }
0xa4: {  	s25 =	simm.s32 $0x1B8E;
	s24 =	sld [smem:$0x3FFE];
	[sflag:s23] =	ssyncadd.s32 $0xFFFFFFFF  }
0xa5: {  	s26 =	simm.s32 $execute0_lowered;
	[smem:$0x3FD2] =	sst s25  }
0xa6: {  	s4 =	sshll.u32 s26, $0x1;
	_ =	strace $0x80000046;
	[dreg:$0x1] =	wrdreg $0xFFFFFFFF  }
0xa7: {  	s28 =	simm.s32 $_size_execute0_lowered;
	s2 =	sadd.s32 s2, s4;
	[dreg:$0x0] =	wrdreg $0x0  }
0xa8: {  	s4 =	sshll.u32 s28, $0x1;
	[dreg:$0x2] =	wrdreg s2  }
0xa9: {  	[dreg:$0x3] =	wrdreg s4  }
0xaa: {  	[dreg:$0x4] =	wrdreg $0xC0  }
0xab: {  	_ =	task [dreg:s6], $0x5FFFF  }
0xac: {  	[dreg:$0x1] =	wrdreg $0xFFFFFFFF  }
0xad: {  	[dreg:$0x0] =	wrdreg $0x60  }
0xae: {  	[dreg:$0x2] =	wrdreg s24  }
0xaf: {  	[dreg:$0x3] =	wrdreg $0x9  }
0xb0: {  	_ =	task.clear_ibuf [dreg:s6], $0x4FFFF;
	_ =	strace $0x90000046  }
0xb1: {  	s29 =	simm.s32 $0x9;
	_ =	strace $0x80000048  }
0xb2: {  	_ =	swait.ge [sflag:s29], $0x1  }
0xb3: {  	[sflag:s29] =	ssyncadd.s32 $0xFFFFFFFF  }
0xb4: {  	_ =	strace $0x90000048  }
0xb5: {  	_ =	sfence  }
0xb6: {  	s30 =	sld [smem:$0x0];
	_ =	sdelay $0x2  }
0xb7: {  	s31 =	sshll.u32 s1, $0xD;
	s1 =	sshrl.u32 s1, $0x2  }
0xb8: {  	s3 =	sand.u32 $0x4000, s31;
	s1 =	sadd.s32 s1, s30  }
0xb9: {  	s0 =	sor.u32 s3, s0;
	s1 =	sshll.u32 s1, $0x11  }
0xba: {  	s0 =	sor.u32 s1, s0  }
0xbb: {  	s0 =	sadd.s32 $0x8F2B, s0  }
0xbc: {  	[sflag:s0] =	ssyncadd.remote.s32 $0x1  }
0xbd: {  	_ =	sfence.sel $0xFFFF  }
0xbe: {  	[dreg:$0x0] =	wrdreg $0xFFFFFFFF;
	(pc) =	sbr.abs _section_cstart, $3  }
0xbf: {  	[dreg:$0x1] =	wrdreg $0xFFFFFFFF  }
0xc0: {  	_ =	task.clear_ibuf [dreg:s6], $0x2FFFF;
	_ =	strace $0x9FFFFFFF  }
0xc1: {  	(tm) =	ssettm $0x7FFFFFFF  }
tec
execute0_lowered:
.L_overlay_start_1:
0x0: {  	(tag) =	ssettag $0x1  }
0x1: {  	s5 =	rddreg [dreg:$0x0]  }
0x2: {  	s0 =	rddreg [dreg:$0x1];
	s2 =	simm.s32 $0x0;
	s1 =	stileid.u32  }
0x3: {  	s4 =	srdreg.scid;
	s10 =	simm.s32 $0x2300;
	s11 =	simm.s32 $0x2400  }
0x4: {  	s12 =	simm.s32 $0x0;
	[smem:$0x7FF] =	sst s2;
	s3 =	sadd.s32 $0x2000, s5  }
0x5: {  	s6 =	sshll.u32 s1, $0x7;
	s7 =	sand.u32 $0x1, s4;
	s4 =	sadd.s32 $0x24800, s5  }
0x6: {  	v0 =	vlaneseq.u32;
	s9 =	sshll.u32 s1, $0x3;
	_ =	strace $0x80000047;
	s31 =	ssub.s32 $0x2, s7  }
0x7: {  	v2 =	vmul.u32 $0xFFFFFFFF, v0;
	s6 =	sadd.s32 s6, s5;
	s7 =	sshll.u32 s7, $0x2;
	s8 =	sshrl.u32 s31, $0x1  }
0x8: {  	v1 =	vimm.s32 $0x1;
	s5 =	sor.u32 s7, s9;
	s6 =	sadd.s32 $0x25000, s6;
	s8 =	ssub.s32 s31, s8  }
0x9: {  	v3 =	vimm.s32 $0xF;
	v0 =	vimm.s32 $0x0;
	s9 =	simm.s32 $0x2280;
	v2 =	vadd.s32 $0xF, v2;
	s7 =	smax.u32 s8, $0x1;
	s8 =	simm.s32 $0x1  }
.LBB2_1:
0xa: {  	s13 =	simm.s32 $0x0  }
.LBB2_2:
0xb: {  	s14 =	sadd.s32 s5, s13  }
0xc: {  	s15 =	smul.u32 $0x450, s14;
	_ =	sdelay $0x1  }
0xd: {  	s16 =	simm.s32 $0x0;
	s15 =	sadd.s32 s3, s15  }
0xe: {  	[tilespmem:s16], [sflag:$0x1] =	stream.linear.gather [hbm4b:s15+s16], $0x2280, $0x38;
	[tilespmem:$0x2480] =	vst v63  }
0xf: {  	_ =	swait.ge [sflag:s8], $0x2280  }
0x10: {  	s14 =	sshll.u32 s14, $0x4;
	[sflag:s8] =	ssyncset.done $0x0  }
0x11: {  	s31 =	sadd.s32 s4, s14;
	[sflag:s8] =	ssyncadd.s32 $0xFFFFDD80  }
0x12: {  	[tilespmem:s9], [sflag:$0x1] =	stream.linear.gather [hbm4b:s31+s16], $0x80, $0x38;
	[tilespmem:$0x2480] =	vst v63  }
0x13: {  	_ =	swait.ge [sflag:s8], $0x80  }
0x14: {  	[sflag:s8] =	ssyncset.done $0x0  }
0x15: {  	[sflag:s8] =	ssyncadd.s32 $0xFFFFFF80  }
0x16: {  	[tilespmem:$0x2300] =	vst v0  }
0x17: {  	[tilespmem:$0x2310] =	vst v0  }
0x18: {  	[tilespmem:$0x2320] =	vst v0  }
0x19: {  	[tilespmem:$0x2330] =	vst v0  }
0x1a: {  	[tilespmem:$0x2340] =	vst v0  }
0x1b: {  	[tilespmem:$0x2350] =	vst v0  }
0x1c: {  	[tilespmem:$0x2360] =	vst v0  }
0x1d: {  	[tilespmem:$0x2370] =	vst v0  }
0x1e: {  	[tilespmem:$0x2380] =	vst v0  }
0x1f: {  	[tilespmem:$0x2390] =	vst v0  }
0x20: {  	[tilespmem:$0x23A0] =	vst v0  }
0x21: {  	[tilespmem:$0x23B0] =	vst v0;
	v4 =	vld [tilespmem:$0x2280]  }
0x22: {  	[tilespmem:$0x23C0] =	vst v0  }
0x23: {  	[tilespmem:$0x23D0] =	vst v0  }
0x24: {  	[tilespmem:$0x23E0] =	vst v0  }
0x25: {  	[tilespmem:$0x23F0] =	vst v0  }
0x26: {  	s15 =	simm.s32 $0x40;
	s16 =	simm.s32 $0x0;
	[tilespmem:$0x1FFF0] =	vst v4  }
.LBB2_3:
0x27: {  	p0 =	sne.s32 s15, $0x8840;
	v5 =	vld [tilespmem:s16+$0x0];
	_ =	sdelay $0x4  }
0x28: {  	v5 =	vshrl.u32 v5, $0x17  }
0x29: {  	v5 =	vand.u32 $0xFF, v5  }
.Ltmp0:
0x2a: {  	(pc) =	sbr.rel @p0 .LBB2_3-.Ltmp0, $2  }
0x2b: {  	_ =	sdelay $0x2  }
0x2c: {  	s16 =	sshra.s32 s15, $0x2;
	s15 =	sadd.s32 $0x40, s15;
	[tilespmem:v5+s10+$0x0] =	vst.idx.add.s32.msk $0xffff, v1  }
0x2d: {  	v5 =	vld [tilespmem:s16+$0x0];
	_ =	sdelay $0x4  }
0x2e: {  	v5 =	vshrl.u32 v5, $0x17  }
0x2f: {  	v5 =	vand.u32 $0xFF, v5;
	_ =	sdelay $0x4  }
0x30: {  	[tilespmem:v5+s10+$0x0] =	vst.idx.add.s32.msk $0xffff, v1  }
0x31: {  	v14 =	vld [tilespmem:$0x23F0];
	_ =	sdelay $0x2  }
0x32: {  	v11 =	vld [tilespmem:$0x23E0];
	_ =	sdelay $0x1  }
0x33: {  	v5 =	vperm.xlane v14, v2  }
0x34: {  	v6 =	vld [tilespmem:$0x23D0]  }
0x35: {  	(xrf0) =	vadd.scan.msk.s32 $0xffff, v5  }
0x36: {  	v5 =	vperm.xlane v11, v2  }
0x37: {  	(xrf0) =	vadd.scan.msk.s32 $0xffff, v14  }
0x38: {  	v13 =	vld [tilespmem:$0x23C0];
	(xrf0) =	vadd.scan.msk.s32 $0xffff, v5  }
0x39: {  	v4 =	vld [tilespmem:$0x1FFF0];
	v5 =	vperm.xlane v6, v2;
	(xrf0) =	vadd.scan.msk.s32 $0xffff, v11;
	_ =	sdelay $0x1  }
0x3a: {  	v7, _, _ =	vpop (xrf0)  }
0x3b: {  	(xrf0) =	vadd.scan.msk.s32 $0xffff, v5;
	v19 =	vperm.xlane v7, v2  }
0x3c: {  	v16 =	vld [tilespmem:$0x23B0];
	v5, _, _ =	vpop (xrf0);
	v7 =	vperm.xlane v13, v2  }
0x3d: {  	v9, _, _ =	vpop (xrf0);
	(xrf0) =	vadd.scan.msk.s32 $0xffff, v6;
	vm0 =	vge.s32 v19, v4  }
0x3e: {  	v20 =	vperm.xlane v9, v2;
	v9, _, _ =	vpop (xrf0);
	(xrf0) =	vadd.scan.msk.s32 $0xffff, v7;
	v8 =	vmpcnt.ones.xlane vm0  }
0x3f: {  	v5 =	vperm.xlane v5, v3  }
0x40: {  	v17 =	vld [tilespmem:$0x23A0];
	v10 =	vadd.s32 $0xFFFFFFFF, v8  }
0x41: {  	v15 =	vperm.xlane v16, v2;
	v7 =	vperm.xlane v9, v3;
	v12 =	vadd.s32 v5, v20;
	v9, _, _ =	vpop (xrf0)  }
0x42: {  	vm1 =	vge.s32 v12, v4;
	v21 =	vperm.xlane v9, v2;
	vm0 =	vgt.s32 v10, $0x0  }
0x43: {  	[tilespmem:$0x1FF40] =	vst v5;
	v5 =	vadd.s32 v5, v7;
	vm2 =	vgt.s32 v8, $0x0;
	v24 =	vnsel vm0, $0x0, v10;
	v10, _, _ =	vpop (xrf0)  }
0x44: {  	(xrf0) =	vadd.scan.msk.s32 $0xffff, v13;
	v9 =	vmpcnt.ones.xlane vm1;
	v12 =	vadd.s32 v5, v21;
	v10 =	vperm.xlane v10, v3;
	v22, _, _ =	vpop (xrf0)  }
0x45: {  	(xrf0) =	vadd.scan.msk.s32 $0xffff, v15;
	v15 =	vperm.xlane v17, v2;
	vm0 =	vge.s32 v12, v4;
	v25 =	vperm.xlane v22, v2  }
0x46: {  	[tilespmem:$0x1FF50] =	vst v5;
	v12 =	vadd.s32 $0xFFFFFFFF, v9;
	v18 =	vmpcnt.ones.xlane vm0;
	v5 =	vadd.s32 v5, v10  }
0x47: {  	v7 =	vimm.s32 $0x0;
	(xrf0) =	vadd.scan.msk.s32 $0xffff, v16;
	vm1 =	vgt.s32 v12, $0x0;
	v22 =	vld [tilespmem:$0x2390];
	v10 =	vadd.s32 v5, v25  }
0x48: {  	(xrf0) =	vadd.scan.msk.s32 $0xffff, v15;
	vm0 =	vgt.s32 v9, $0x0;
	v9 =	vadd.s32 $0xFFFFFFFF, v18;
	vm4 =	vge.s32 v10, v4  }
0x49: {  	v7 =	vsel vm2, $0xFFFFFFFF, v7;
	v27 =	vnsel vm1, $0x0, v12;
	v10 =	vmpcnt.ones.xlane vm4  }
0x4a: {  	vm3 =	vmor vm2, vm0;
	vm5 =	vge.s32 v18, $0x1;
	vm2 =	vgt.s32 v9, $0x0  }
0x4b: {  	v30 =	vnsel vm2, $0x0, v9;
	vm2 =	vlt.s32 v18, $0x1;
	v9, _, _ =	vpop (xrf0);
	v18 =	vadd.s32 $0xFFFFFFFF, v10  }
0x4c: {  	vm4 =	vmor vm3, vm5;
	v15 =	vperm.xlane v22, v2;
	v9 =	vperm.xlane v9, v3;
	v12, _, _ =	vpop (xrf0)  }
0x4d: {  	[tilespmem:$0x1FF60] =	vst v5;
	vm1 =	vmor vm3, vm2;
	v32 =	vperm.xlane v12, v2;
	vm3 =	vgt.s32 v18, $0x0;
	v12, _, _ =	vpop (xrf0)  }
0x4e: {  	v26 =	vld [tilespmem:$0x2380];
	(xrf0) =	vadd.scan.msk.s32 $0xffff, v17;
	v5 =	vadd.s32 v5, v9;
	v35 =	vnsel vm3, $0x0, v18;
	v12 =	vperm.xlane v12, v3;
	v18, _, _ =	vpop (xrf0)  }
0x4f: {  	(xrf0) =	vadd.scan.msk.s32 $0xffff, v15;
	v15 =	vadd.s32 v5, v32;
	v33 =	vperm.xlane v18, v2  }
0x50: {  	[tilespmem:$0x1FF70] =	vst v5;
	vm3 =	vge.s32 v15, v4;
	v5 =	vadd.s32 v5, v12  }
0x51: {  	v29 =	vld [tilespmem:$0x2370];
	[tilespmem:$0x1FFB0] =	vst v7;
	v7 =	vimm.s32 $0x0;
	v15 =	vmpcnt.ones.xlane vm3;
	v12 =	vadd.s32 v5, v33  }
0x52: {  	v7 =	vsel vm1, $0xFFFFFFFF, v7;
	vm5 =	vge.s32 v10, $0x1;
	vm6 =	vlt.s32 v10, $0x1  }
0x53: {  	v46 =	vld [tilespmem:$0x2330];
	vm1 =	vmor vm4, vm6;
	v18 =	vperm.xlane v26, v2;
	v23 =	vadd.s32 $0xFFFFFFFF, v15  }
0x54: {  	vm5 =	vmor vm4, vm5;
	(xrf0) =	vadd.scan.msk.s32 $0xffff, v22;
	vm4 =	vge.s32 v12, v4;
	vm6 =	vgt.s32 v23, $0x0;
	v12, _, _ =	vpop (xrf0)  }
0x55: {  	v28 =	vmpcnt.ones.xlane vm4;
	vm4 =	vlt.s32 v15, $0x1;
	(xrf0) =	vadd.scan.msk.s32 $0xffff, v18;
	v12 =	vperm.xlane v12, v3;
	v31, _, _ =	vpop (xrf0)  }
0x56: {  	v39 =	vnsel vm6, $0x0, v23;
	v18 =	vperm.xlane v29, v2;
	v37 =	vperm.xlane v31, v2  }
0x57: {  	v34 =	vld [tilespmem:$0x2360];
	vm6 =	vge.s32 v15, $0x1;
	v15 =	vadd.s32 $0xFFFFFFFF, v28;
	v12 =	vadd.s32 v5, v12  }
0x58: {  	v62 =	vperm.xlane v46, v2;
	vm2 =	vmor vm5, vm4;
	(xrf0) =	vadd.scan.msk.s32 $0xffff, v26;
	v23 =	vadd.s32 v12, v37  }
0x59: {  	vm6 =	vmor vm5, vm6;
	(xrf0) =	vadd.scan.msk.s32 $0xffff, v18;
	vm5 =	vgt.s32 v15, $0x0;
	vm7 =	vge.s32 v23, v4  }
0x5a: {  	vm8 =	vge.s32 v28, $0x1;
	v42 =	vnsel vm5, $0x0, v15;
	v15, _, _ =	vpop (xrf0);
	v18 =	vmpcnt.ones.xlane vm7  }
0x5b: {  	[tilespmem:$0x1FF80] =	vst v5;
	v5 =	vimm.s32 $0x0;
	vm5 =	vlt.s32 v28, $0x1;
	v15 =	vperm.xlane v15, v3;
	v23, _, _ =	vpop (xrf0)  }
0x5c: {  	v28 =	vperm.xlane v34, v2;
	v31 =	vadd.s32 $0xFFFFFFFF, v18;
	v43 =	vperm.xlane v23, v2  }
0x5d: {  	v5 =	vsel vm2, $0xFFFFFFFF, v5;
	vm4 =	vmor vm6, vm5;
	(xrf0) =	vadd.scan.msk.s32 $0xffff, v29;
	v15 =	vadd.s32 v12, v15  }
0x5e: {  	v38 =	vld [tilespmem:$0x2350];
	vm7 =	vmor vm6, vm8;
	v23, _, _ =	vpop (xrf0);
	(xrf0) =	vadd.scan.msk.s32 $0xffff, v28;
	vm6 =	vgt.s32 v31, $0x0;
	v28 =	vadd.s32 v15, v43  }
0x5f: {  	v23 =	vperm.xlane v23, v3;
	v48 =	vnsel vm6, $0x0, v31;
	v31, _, _ =	vpop (xrf0);
	vm6 =	vge.s32 v28, v4  }
0x60: {  	v40 =	vld [tilespmem:$0x2340];
	vm9 =	vlt.s32 v18, $0x1;
	v45 =	vperm.xlane v31, v2;
	v28 =	vmpcnt.ones.xlane vm6  }
0x61: {  	vm8 =	vge.s32 v18, $0x1;
	vm5 =	vmor vm7, vm9;
	v18 =	vadd.s32 v15, v23  }
0x62: {  	vm8 =	vmor vm7, vm8;
	v23 =	vadd.s32 v18, v45;
	v36 =	vadd.s32 $0xFFFFFFFF, v28  }
0x63: {  	(xrf0) =	vadd.scan.msk.s32 $0xffff, v34;
	v31 =	vperm.xlane v38, v2;
	vm7 =	vge.s32 v23, v4;
	vm9 =	vgt.s32 v36, $0x0  }
0x64: {  	[tilespmem:$0x1FFC0] =	vst v5;
	v5 =	vimm.s32 $0x0;
	v41 =	vmpcnt.ones.xlane vm7;
	v51 =	vnsel vm9, $0x0, v36  }
0x65: {  	vm9 =	vge.s32 v28, $0x1;
	vm7 =	vlt.s32 v28, $0x1;
	v23, _, _ =	vpop (xrf0);
	(xrf0) =	vadd.scan.msk.s32 $0xffff, v31;
	v31 =	vperm.xlane v40, v2  }
0x66: {  	v50 =	vld [tilespmem:$0x2320];
	vm2 =	vmor vm8, vm7;
	v23 =	vperm.xlane v23, v3;
	v44, _, _ =	vpop (xrf0);
	(xrf0) =	vadd.scan.msk.s32 $0xffff, v38;
	v28 =	vadd.s32 $0xFFFFFFFF, v41  }
0x67: {  	vm9 =	vmor vm8, vm9;
	v5 =	vsel vm2, $0xFFFFFFFF, v5;
	v49 =	vperm.xlane v44, v2  }
0x68: {  	v52 =	vld [tilespmem:$0x2310];
	vm11 =	vge.s32 v41, $0x1;
	(xrf0) =	vadd.scan.msk.s32 $0xffff, v31;
	vm8 =	vgt.s32 v28, $0x0;
	v23 =	vadd.s32 v18, v23  }
0x69: {  	[tilespmem:$0x1FFD0] =	vst v5;
	v5 =	vimm.s32 $0x0;
	v53 =	vnsel vm8, $0x0, v28;
	v60 =	vadd.s32 v23, v49;
	v28, _, _ =	vpop (xrf0)  }
0x6a: {  	vm8 =	vlt.s32 v41, $0x1;
	vm10 =	vge.s32 v60, v4;
	v28 =	vperm.xlane v28, v3  }
0x6b: {  	vm7 =	vmor vm9, vm8;
	v60 =	vperm.xlane v50, v2;
	v31 =	vmpcnt.ones.xlane vm10;
	v61, _, _ =	vpop (xrf0)  }
0x6c: {  	(xrf0) =	vadd.scan.msk.s32 $0xffff, v40;
	vm10 =	vmor vm9, vm11;
	v55 =	vperm.xlane v61, v2;
	v28 =	vadd.s32 v23, v28;
	v54, _, _ =	vpop (xrf0)  }
0x6d: {  	(xrf0) =	vadd.scan.msk.s32 $0xffff, v62;
	v62 =	vperm.xlane v52, v2;
	v63 =	vadd.s32 $0xFFFFFFFF, v31;
	v36 =	vperm.xlane v54, v3  }
0x6e: {  	v59, _, _ =	vpop (xrf0);
	vm11 =	vge.s32 v31, $0x1;
	vm9 =	vgt.s32 v63, $0x0;
	v58 =	vadd.s32 v28, v55  }
0x6f: {  	v54 =	vld [tilespmem:$0x2300];
	v56 =	vperm.xlane v59, v2;
	v57 =	vnsel vm9, $0x0, v63;
	vm9 =	vge.s32 v58, v4  }
0x70: {  	vm12 =	vlt.s32 v31, $0x1;
	(xrf0) =	vadd.scan.msk.s32 $0xffff, v46;
	v31 =	vadd.s32 v28, v36;
	v41 =	vmpcnt.ones.xlane vm9  }
0x71: {  	vm2 =	vmor vm10, vm12;
	vm11 =	vmor vm10, vm11;
	v36 =	vadd.s32 v31, v56  }
0x72: {  	v5 =	vsel vm2, $0xFFFFFFFF, v5;
	vm10 =	vge.s32 v36, v4;
	v61, _, _ =	vpop (xrf0);
	v47 =	vadd.s32 $0xFFFFFFFF, v41  }
0x73: {  	(xrf0) =	vadd.scan.msk.s32 $0xffff, v60;
	v59 =	vmpcnt.ones.xlane vm10;
	v36 =	vperm.xlane v61, v3;
	v58, _, _ =	vpop (xrf0);
	vm10 =	vlt.s32 v41, $0x1  }
0x74: {  	(xrf0) =	vadd.scan.msk.s32 $0xffff, v50;
	v44 =	vperm.xlane v54, v2;
	vm12 =	vgt.s32 v47, $0x0;
	v58 =	vperm.xlane v58, v2  }
0x75: {  	vm8 =	vmor vm11, vm10;
	v60 =	vnsel vm12, $0x0, v47;
	v36 =	vadd.s32 v31, v36  }
0x76: {  	(xrf0) =	vadd.scan.msk.s32 $0xffff, v62;
	v62, _, _ =	vpop (xrf0);
	vm12 =	vge.s32 v41, $0x1;
	v63 =	vadd.s32 $0xFFFFFFFF, v59;
	v61 =	vadd.s32 v36, v58  }
0x77: {  	v41 =	vperm.xlane v62, v3;
	vm13 =	vgt.s32 v63, $0x0;
	vm14 =	vge.s32 v61, v4  }
0x78: {  	(xrf0) =	vadd.scan.msk.s32 $0xffff, v52;
	vm12 =	vmor vm11, vm12;
	vm11 =	vlt.s32 v59, $0x1;
	v47 =	vmpcnt.ones.xlane vm14  }
0x79: {  	v61 =	vnsel vm13, $0x0, v63;
	vm13 =	vge.s32 v59, $0x1;
	vm11 =	vmor vm12, vm11;
	v63, _, _ =	vpop (xrf0);
	(xrf0) =	vadd.scan.msk.s32 $0xffff, v44  }
0x7a: {  	v41 =	vadd.s32 v36, v41;
	v59 =	vperm.xlane v63, v2;
	v62, _, _ =	vpop (xrf0);
	v44 =	vadd.s32 $0xFFFFFFFF, v47  }
0x7b: {  	vm13 =	vmor vm12, vm13;
	v62 =	vperm.xlane v62, v3;
	vm12 =	vgt.s32 v44, $0x0  }
0x7c: {  	[tilespmem:$0x1FFE0] =	vst v5;
	v63, _, _ =	vpop (xrf0);
	v5 =	vnsel vm12, $0x0, v44;
	v44 =	vadd.s32 v41, v59  }
0x7d: {  	vm14 =	vge.s32 v47, $0x1;
	v63 =	vperm.xlane v63, v2;
	vm12 =	vge.s32 v44, v4  }
0x7e: {  	[tilespmem:$0x1FF90] =	vst v7;
	vm15 =	vlt.s32 v47, $0x1;
	v7, _, _ =	vpop (xrf0);
	v44 =	vadd.s32 v41, v62;
	v8 =	vmpcnt.ones.xlane vm12  }
0x7f: {  	vm9 =	vmor vm13, vm15;
	v7 =	vperm.xlane v7, v3;
	v47 =	vadd.s32 v44, v63;
	v62, _, _ =	vpop (xrf0)  }
0x80: {  	vm15 =	vge.s32 v47, v4;
	v62 =	vperm.xlane v62, v2;
	v9 =	vadd.s32 $0xFFFFFFFF, v8  }
0x81: {  	v47 =	vadd.s32 v44, v7;
	v10 =	vmpcnt.ones.xlane vm15;
	vm15 =	vgt.s32 v9, $0x0  }
0x82: {  	v7 =	vnsel vm15, $0x0, v9;
	v9 =	vadd.s32 v47, v62  }
0x83: {  	vm14 =	vmor vm13, vm14;
	vm13 =	vge.s32 v9, v4;
	v9 =	vadd.s32 $0xFFFFFFFF, v10  }
0x84: {  	vm15 =	vge.s32 v8, $0x1;
	vm2 =	vgt.s32 v9, $0x0  }
0x85: {  	v4 =	vmpcnt.ones.xlane vm13;
	vm13 =	vlt.s32 v8, $0x1;
	v8 =	vnsel vm2, $0x0, v9;
	v9 =	vld [tilespmem:$0x1FF90]  }
0x86: {  	v20 =	vperm.xlane v20, v27;
	vm13 =	vmor vm14, vm13;
	vm14 =	vmor vm14, vm15  }
0x87: {  	vm2 =	vgt.s32 v4, $0x0;
	v4 =	vadd.s32 $0xFFFFFFFF, v4;
	vm15 =	vmneg vm14  }
0x88: {  	vm3 =	vlt.s32 v10, $0x1;
	vm2 =	vmand vm2, vm15;
	vm15 =	vgt.s32 v4, $0x0  }
0x89: {  	v4 =	vnsel vm15, $0x0, v4;
	vm15 =	vmor vm14, vm3;
	vm14 =	vmand vm3, vm2  }
0x8a: {  	vm3 =	vnez.u8 v9;
	v9 =	vadd.s32 $0xE0, v27;
	v27 =	vperm.xlane v11, v27;
	v11 =	vld [tilespmem:$0x1FFB0];
	_ =	sdelay $0x2  }
0x8b: {  	v19 =	vperm.xlane v19, v24  }
0x8c: {  	v14 =	vperm.xlane v14, v24;
	v10 =	vadd.s32 $0xF0, v24;
	v24 =	vimm.s32 $0x0  }
0x8d: {  	v24 =	vsel vm0, $0xFFFFFFFF, v24;
	v9 =	vnsel vm0, $0x0, v9;
	vm0 =	vnez.u8 v11  }
0x8e: {  	v9 =	vsel vm0, v10, v9;
	v10 =	vadd.s32 $0xD0, v30  }
0x8f: {  	v11 =	vperm.xlane v6, v30;
	v6 =	vsel vm3, v9, v10;
	v9 =	vadd.s32 $0xC0, v35  }
0x90: {  	v6 =	vsel vm1, v6, v9;
	v9 =	vld [tilespmem:$0x1FFC0];
	_ =	sdelay $0x4  }
0x91: {  	vm0 =	vmmov vm1;
	vm1 =	vnez.u8 v9;
	v9 =	vadd.s32 $0xB0, v39  }
0x92: {  	v6 =	vsel vm1, v6, v9;
	v9 =	vadd.s32 $0xA0, v42  }
0x93: {  	v6 =	vsel vm4, v6, v9;
	v9 =	vadd.s32 $0x90, v48  }
0x94: {  	v6 =	vsel vm5, v6, v9;
	v9 =	vld [tilespmem:$0x1FFD0];
	_ =	sdelay $0x1  }
0x95: {  	v21 =	vperm.xlane v21, v30;
	v13 =	vperm.xlane v13, v35  }
0x96: {  	[tilespmem:$0x2310] =	vst v0;
	v16 =	vperm.xlane v16, v39;
	v17 =	vperm.xlane v17, v42  }
0x97: {  	[tilespmem:$0x2320] =	vst v0;
	v22 =	vperm.xlane v22, v48;
	vm6 =	vmmov vm4;
	v26 =	vperm.xlane v26, v51  }
0x98: {  	[tilespmem:$0x2330] =	vst v0;
	vm4 =	vmmov vm5;
	vm5 =	vnez.u8 v9;
	v9 =	vadd.s32 $0x80, v51  }
0x99: {  	[tilespmem:$0x2340] =	vst v0;
	v29 =	vperm.xlane v29, v53;
	v6 =	vsel vm5, v6, v9;
	v9 =	vadd.s32 $0x70, v53  }
0x9a: {  	[tilespmem:$0x2350] =	vst v0;
	v34 =	vperm.xlane v34, v57;
	v38 =	vperm.xlane v38, v60;
	v6 =	vsel vm7, v6, v9;
	v9 =	vld [tilespmem:$0x1FFE0]  }
0x9b: {  	v40 =	vperm.xlane v40, v61;
	[tilespmem:$0x1FFA0] =	vst v24;
	v24 =	vperm.xlane v25, v35  }
0x9c: {  	[tilespmem:$0x2360] =	vst v0;
	v25 =	vperm.xlane v32, v39;
	v32 =	vperm.xlane v37, v48  }
0x9d: {  	[tilespmem:$0x2370] =	vst v0;
	vm10 =	vmmov vm7;
	v37 =	vperm.xlane v49, v57;
	v49 =	vperm.xlane v52, v8  }
0x9e: {  	[tilespmem:$0x2380] =	vst v0;
	vm12 =	vmmov vm8;
	v30 =	vperm.xlane v33, v42;
	v33 =	vperm.xlane v43, v51  }
0x9f: {  	[tilespmem:$0x23A0] =	vst v0;
	v43 =	vperm.xlane v56, v61;
	vm7 =	vnez.u8 v9;
	v9 =	vadd.s32 $0x60, v57  }
0xa0: {  	[tilespmem:$0x23B0] =	vst v0;
	v35 =	vperm.xlane v45, v53;
	v6 =	vsel vm7, v6, v9;
	v9 =	vadd.s32 $0x50, v60  }
0xa1: {  	[tilespmem:$0x23C0] =	vst v0;
	v45 =	vperm.xlane v58, v5;
	v6 =	vsel vm8, v6, v9;
	v9 =	vadd.s32 $0x40, v61  }
0xa2: {  	[tilespmem:$0x23D0] =	vst v0;
	v42 =	vperm.xlane v46, v5;
	v5 =	vadd.s32 $0x30, v5;
	v6 =	vsel vm11, v6, v9  }
0xa3: {  	[tilespmem:$0x23E0] =	vst v0;
	v39 =	vperm.xlane v55, v60;
	v5 =	vsel vm9, v6, v5;
	v6 =	vadd.s32 $0x20, v7  }
0xa4: {  	[tilespmem:$0x23F0] =	vst v0;
	v46 =	vperm.xlane v59, v7;
	v5 =	vsel vm13, v5, v6;
	v6 =	vadd.s32 $0x10, v8  }
0xa5: {  	[tilespmem:$0x2390] =	vst v0;
	v48 =	vperm.xlane v50, v7;
	v50 =	vperm.xlane v54, v4;
	v5 =	vsel vm15, v5, v6  }
0xa6: {  	s16 =	simm.s32 $0x0;
	s15 =	simm.s32 $0x40;
	[tilespmem:$0x2300] =	vst v0;
	v51 =	vperm.xlane v62, v4;
	v53 =	vperm.xlane v63, v8;
	v6 =	vsel vm14, v4, v5  }
.LBB2_5:
0xa7: {  	p0 =	sne.s32 s15, $0x8840;
	v4 =	vld [tilespmem:s16+$0x0];
	_ =	sdelay $0x4  }
0xa8: {  	v5 =	vshrl.u32 v4, $0x17  }
0xa9: {  	v4 =	vshrl.u32 v4, $0xF;
	vm2 =	veq.s32 v5, v6  }
0xaa: {  	v4 =	vand.u32 $0xFF, v4  }
.Ltmp1:
0xab: {  	(pc) =	sbr.rel @p0 .LBB2_5-.Ltmp1, $2  }
0xac: {  	_ =	sdelay $0x2  }
0xad: {  	s16 =	sshra.s32 s15, $0x2;
	s15 =	sadd.s32 $0x40, s15;
	[tilespmem:v4+s10+$0x0] =	vst.idx.add.s32.msk vm2, v1  }
0xae: {  	v4 =	vld [tilespmem:s16+$0x0];
	_ =	sdelay $0x4  }
0xaf: {  	v5 =	vshrl.u32 v4, $0x17  }
0xb0: {  	v4 =	vshrl.u32 v4, $0xF;
	vm2 =	veq.s32 v5, v6  }
0xb1: {  	v4 =	vand.u32 $0xFF, v4  }
0xb2: {  	v7 =	vld [tilespmem:$0x1FFA0];
	_ =	sdelay $0x1  }
0xb3: {  	v8 =	vld [tilespmem:$0x1FFB0]  }
0xb4: {  	v5 =	vld [tilespmem:$0x1FF40]  }
0xb5: {  	[tilespmem:v4+s10+$0x0] =	vst.idx.add.s32.msk vm2, v1  }
0xb6: {  	vm2 =	vnez.u8 v7;
	v7 =	vld [tilespmem:$0x1FF50];
	_ =	sdelay $0x2  }
0xb7: {  	v5 =	vadd.s32 v5, v20  }
0xb8: {  	v5 =	vsub.s32 v27, v5;
	v4 =	vsub.s32 v14, v19  }
0xb9: {  	v5 =	vnsel vm2, $0x0, v5;
	vm2 =	vnez.u8 v8;
	v7 =	vadd.s32 v7, v21  }
0xba: {  	v4 =	vsel vm2, v4, v5;
	v5 =	vsub.s32 v11, v7;
	v7 =	vld [tilespmem:$0x1FF60];
	_ =	sdelay $0x4  }
0xbb: {  	v7 =	vadd.s32 v7, v24  }
0xbc: {  	v4 =	vsel vm3, v4, v5;
	v5 =	vsub.s32 v13, v7;
	v7 =	vld [tilespmem:$0x1FF70];
	_ =	sdelay $0x4  }
0xbd: {  	v7 =	vadd.s32 v7, v25  }
0xbe: {  	v4 =	vsel vm0, v4, v5;
	v5 =	vsub.s32 v16, v7;
	v7 =	vld [tilespmem:$0x1FF80];
	_ =	sdelay $0x4  }
0xbf: {  	v7 =	vadd.s32 v7, v30  }
0xc0: {  	v4 =	vsel vm1, v4, v5;
	v5 =	vsub.s32 v17, v7;
	v7 =	vadd.s32 v12, v32  }
0xc1: {  	v4 =	vsel vm6, v4, v5;
	v5 =	vsub.s32 v22, v7;
	v7 =	vadd.s32 v15, v33  }
0xc2: {  	v4 =	vsel vm4, v4, v5;
	v5 =	vsub.s32 v26, v7  }
0xc3: {  	v11 =	vld [tilespmem:$0x23F0];
	v4 =	vsel vm5, v4, v5;
	v5 =	vadd.s32 v18, v35  }
0xc4: {  	v7 =	vadd.s32 v23, v37;
	v5 =	vsub.s32 v29, v5  }
0xc5: {  	v4 =	vsel vm10, v4, v5;
	v5 =	vsub.s32 v34, v7;
	v7 =	vadd.s32 v28, v39  }
0xc6: {  	v4 =	vsel vm7, v4, v5;
	v5 =	vsub.s32 v38, v7  }
0xc7: {  	v4 =	vsel vm12, v4, v5;
	v5 =	vadd.s32 v31, v43  }
0xc8: {  	v8 =	vperm.xlane v11, v2;
	v7 =	vadd.s32 v36, v45;
	v5 =	vsub.s32 v40, v5  }
0xc9: {  	v13 =	vld [tilespmem:$0x23E0];
	v4 =	vsel vm11, v4, v5;
	v5 =	vsub.s32 v42, v7;
	v7 =	vadd.s32 v41, v46  }
0xca: {  	(xrf0) =	vadd.scan.msk.s32 $0xffff, v8;
	v4 =	vsel vm9, v4, v5;
	v5 =	vsub.s32 v48, v7;
	v7 =	vadd.s32 v44, v53  }
0xcb: {  	v4 =	vsel vm13, v4, v5;
	v5 =	vsub.s32 v49, v7;
	v7 =	vadd.s32 v47, v51  }
0xcc: {  	v4 =	vsel vm15, v4, v5;
	v5 =	vsub.s32 v50, v7  }
0xcd: {  	v4 =	vsel vm14, v5, v4;
	v5 =	vld [tilespmem:$0x1FFF0]  }
0xce: {  	v8 =	vperm.xlane v13, v2;
	v15 =	vld [tilespmem:$0x23D0]  }
0xcf: {  	(xrf0) =	vadd.scan.msk.s32 $0xffff, v11  }
0xd0: {  	v16 =	vld [tilespmem:$0x23C0];
	(xrf0) =	vadd.scan.msk.s32 $0xffff, v8;
	v7, _, _ =	vpop (xrf0)  }
0xd1: {  	v7 =	vperm.xlane v7, v2  }
0xd2: {  	v5 =	vadd.s32 v5, v4  }
0xd3: {  	v8 =	vperm.xlane v15, v2;
	vm0 =	vge.s32 v7, v5  }
0xd4: {  	v18 =	vld [tilespmem:$0x23B0];
	(xrf0) =	vadd.scan.msk.s32 $0xffff, v13;
	v9 =	vmpcnt.ones.xlane vm0  }
0xd5: {  	(xrf0) =	vadd.scan.msk.s32 $0xffff, v8;
	v8 =	vperm.xlane v16, v2;
	v4, _, _ =	vpop (xrf0)  }
0xd6: {  	(xrf0) =	vadd.scan.msk.s32 $0xffff, v15;
	[tilespmem:$0x1FEE0] =	vst v7;
	v10, _, _ =	vpop (xrf0);
	v7 =	vperm.xlane v4, v3;
	v4 =	vadd.s32 $0xFFFFFFFF, v9  }
0xd7: {  	(xrf0) =	vadd.scan.msk.s32 $0xffff, v8;
	v22 =	vperm.xlane v10, v2;
	vm1 =	vgt.s32 v4, $0x0  }
0xd8: {  	vm3 =	vgt.s32 v9, $0x0;
	v26 =	vnsel vm1, $0x0, v4;
	v4 =	vimm.s32 $0x0  }
0xd9: {  	v12 =	vperm.xlane v18, v2;
	v4 =	vsel vm3, $0xFFFFFFFF, v4  }
0xda: {  	v10, _, _ =	vpop (xrf0);
	v8 =	vadd.s32 v7, v22  }
0xdb: {  	vm0 =	vge.s32 v8, v5;
	v8 =	vperm.xlane v10, v3;
	v10, _, _ =	vpop (xrf0)  }
0xdc: {  	(xrf0) =	vadd.scan.msk.s32 $0xffff, v16;
	[tilespmem:$0x1FF00] =	vst v4;
	v4, _, _ =	vpop (xrf0)  }
0xdd: {  	v25 =	vperm.xlane v10, v2;
	(xrf0) =	vadd.scan.msk.s32 $0xffff, v12;
	v4 =	vperm.xlane v4, v3;
	v12, _, _ =	vpop (xrf0)  }
0xde: {  	v21 =	vld [tilespmem:$0x23A0];
	[tilespmem:$0x1FE50] =	vst v7;
	v14 =	vmpcnt.ones.xlane vm0;
	v7 =	vadd.s32 v7, v8;
	v28 =	vperm.xlane v12, v2  }
0xdf: {  	v10 =	vadd.s32 v7, v25;
	[tilespmem:$0x1FE60] =	vst v7;
	v7 =	vadd.s32 v7, v4  }
0xe0: {  	v23 =	vld [tilespmem:$0x2390];
	v9 =	vadd.s32 $0xFFFFFFFF, v14;
	vm2 =	vge.s32 v10, v5;
	v4 =	vadd.s32 v7, v28  }
0xe1: {  	vm0 =	vgt.s32 v14, $0x0;
	vm1 =	vgt.s32 v9, $0x0;
	v10 =	vmpcnt.ones.xlane vm2  }
0xe2: {  	vm3 =	vmor vm3, vm0;
	v30 =	vnsel vm1, $0x0, v9  }
0xe3: {  	v12 =	vperm.xlane v21, v2;
	v14 =	vadd.s32 $0xFFFFFFFF, v10;
	vm2 =	vge.s32 v4, v5;
	v4, _, _ =	vpop (xrf0)  }
0xe4: {  	(xrf0) =	vadd.scan.msk.s32 $0xffff, v18;
	v17 =	vmpcnt.ones.xlane vm2;
	vm2 =	vlt.s32 v10, $0x1;
	v4 =	vperm.xlane v4, v3  }
0xe5: {  	vm4 =	vgt.s32 v14, $0x0;
	(xrf0) =	vadd.scan.msk.s32 $0xffff, v12;
	v12 =	vperm.xlane v23, v2;
	vm1 =	vmor vm3, vm2;
	v20, _, _ =	vpop (xrf0)  }
0xe6: {  	[tilespmem:$0x1FE70] =	vst v7;
	v31 =	vperm.xlane v20, v2;
	v7 =	vadd.s32 v7, v4;
	v4 =	vimm.s32 $0x0  }
0xe7: {  	v27 =	vld [tilespmem:$0x2380];
	v33 =	vnsel vm4, $0x0, v14;
	(xrf0) =	vadd.scan.msk.s32 $0xffff, v21;
	v4 =	vsel vm1, $0xFFFFFFFF, v4  }
0xe8: {  	vm4 =	vge.s32 v10, $0x1;
	v14 =	vadd.s32 v7, v31;
	[tilespmem:$0x1FED0] =	vst v4;
	v4 =	vadd.s32 $0xFFFFFFFF, v17  }
0xe9: {  	vm4 =	vmor vm3, vm4;
	(xrf0) =	vadd.scan.msk.s32 $0xffff, v12;
	vm5 =	vge.s32 v14, v5;
	vm3 =	vgt.s32 v4, $0x0  }
0xea: {  	v8 =	vimm.s32 $0x0;
	v12, _, _ =	vpop (xrf0);
	v36 =	vnsel vm3, $0x0, v4;
	v4 =	vmpcnt.ones.xlane vm5  }
0xeb: {  	vm6 =	vge.s32 v17, $0x1;
	v12 =	vperm.xlane v12, v3;
	vm3 =	vlt.s32 v17, $0x1;
	v14, _, _ =	vpop (xrf0)  }
0xec: {  	v44 =	vld [tilespmem:$0x2340];
	(xrf0) =	vadd.scan.msk.s32 $0xffff, v23;
	v17 =	vperm.xlane v27, v2;
	v38 =	vperm.xlane v14, v2;
	v20 =	vadd.s32 $0xFFFFFFFF, v4  }
0xed: {  	v32 =	vld [tilespmem:$0x2370];
	[tilespmem:$0x1FE80] =	vst v7;
	v7 =	vadd.s32 v7, v12;
	vm5 =	vmor vm4, vm6;
	vm1 =	vmor vm4, vm3;
	v14, _, _ =	vpop (xrf0)  }
0xee: {  	(xrf0) =	vadd.scan.msk.s32 $0xffff, v17;
	v14 =	vperm.xlane v14, v3;
	vm4 =	vgt.s32 v20, $0x0;
	v17 =	vadd.s32 v7, v38  }
0xef: {  	v35 =	vld [tilespmem:$0x2360];
	vm6 =	vge.s32 v4, $0x1;
	v41 =	vnsel vm4, $0x0, v20;
	vm4 =	vge.s32 v17, v5;
	v20, _, _ =	vpop (xrf0)  }
0xf0: {  	vm7 =	vlt.s32 v4, $0x1;
	v4 =	vmpcnt.ones.xlane vm4;
	v40 =	vperm.xlane v20, v2  }
0xf1: {  	v61 =	vperm.xlane v44, v2;
	[tilespmem:$0x1FE90] =	vst v7;
	v8 =	vsel vm1, $0xFFFFFFFF, v8;
	v7 =	vadd.s32 v7, v14  }
0xf2: {  	v20 =	vperm.xlane v32, v2;
	v24 =	vadd.s32 $0xFFFFFFFF, v4;
	v17 =	vadd.s32 v7, v40  }
0xf3: {  	vm1 =	vmor vm5, vm7;
	vm6 =	vmor vm5, vm6;
	(xrf0) =	vadd.scan.msk.s32 $0xffff, v27;
	vm7 =	vgt.s32 v24, $0x0  }
0xf4: {  	(xrf0) =	vadd.scan.msk.s32 $0xffff, v20;
	v20 =	vperm.xlane v35, v2;
	vm5 =	vge.s32 v17, v5;
	v46 =	vnsel vm7, $0x0, v24  }
0xf5: {  	vm7 =	vge.s32 v4, $0x1;
	v29 =	vmpcnt.ones.xlane vm5;
	vm5 =	vlt.s32 v4, $0x1;
	v17, _, _ =	vpop (xrf0)  }
0xf6: {  	v39 =	vld [tilespmem:$0x2350];
	[tilespmem:$0x1FEA0] =	vst v7;
	v4 =	vimm.s32 $0x0;
	vm2 =	vmor vm6, vm5;
	v17 =	vperm.xlane v17, v3;
	v58, _, _ =	vpop (xrf0)  }
0xf7: {  	vm7 =	vmor vm6, vm7;
	(xrf0) =	vadd.scan.msk.s32 $0xffff, v32;
	v4 =	vsel vm2, $0xFFFFFFFF, v4;
	v42 =	vperm.xlane v58, v2  }
0xf8: {  	[tilespmem:$0x1FF10] =	vst v4;
	v4 =	vadd.s32 $0xFFFFFFFF, v29;
	(xrf0) =	vadd.scan.msk.s32 $0xffff, v20;
	v7 =	vadd.s32 v7, v17  }
0xf9: {  	vm9 =	vge.s32 v29, $0x1;
	v20, _, _ =	vpop (xrf0);
	vm6 =	vgt.s32 v4, $0x0;
	v24 =	vadd.s32 v7, v42  }
0xfa: {  	v20 =	vperm.xlane v20, v3;
	v49 =	vnsel vm6, $0x0, v4;
	vm8 =	vge.s32 v24, v5  }
0xfb: {  	vm6 =	vlt.s32 v29, $0x1;
	v29 =	vperm.xlane v39, v2;
	v4 =	vmpcnt.ones.xlane vm8  }
0xfc: {  	[tilespmem:$0x1FEB0] =	vst v7;
	vm5 =	vmor vm7, vm6;
	v20 =	vadd.s32 v7, v20;
	v7 =	vimm.s32 $0x0;
	v24, _, _ =	vpop (xrf0)  }
0xfd: {  	v53 =	vld [tilespmem:$0x2320];
	vm8 =	vmor vm7, vm9;
	v59 =	vadd.s32 $0xFFFFFFFF, v4;
	v50 =	vperm.xlane v24, v2;
	v24, _, _ =	vpop (xrf0)  }
0xfe: {  	v48 =	vld [tilespmem:$0x2330];
	(xrf0) =	vadd.scan.msk.s32 $0xffff, v35;
	vm9 =	vge.s32 v4, $0x1;
	vm10 =	vlt.s32 v4, $0x1;
	v24 =	vperm.xlane v24, v3;
	v60, _, _ =	vpop (xrf0)  }
0xff: {  	(xrf0) =	vadd.scan.msk.s32 $0xffff, v29;
	vm7 =	vgt.s32 v59, $0x0;
	v29 =	vadd.s32 v20, v50;
	v51 =	vperm.xlane v60, v2  }
0x100: {  	v52 =	vnsel vm7, $0x0, v59;
	vm7 =	vge.s32 v29, v5;
	v24 =	vadd.s32 v20, v24  }
0x101: {  	vm2 =	vmor vm8, vm10;
	(xrf0) =	vadd.scan.msk.s32 $0xffff, v39;
	v4 =	vmpcnt.ones.xlane vm7;
	v29 =	vadd.s32 v24, v51  }
0x102: {  	v45 =	vperm.xlane v53, v2;
	vm9 =	vmor vm8, vm9;
	v7 =	vsel vm2, $0xFFFFFFFF, v7;
	(xrf0) =	vadd.scan.msk.s32 $0xffff, v61  }
0x103: {  	v59 =	vperm.xlane v48, v2;
	vm8 =	vge.s32 v29, v5;
	v62 =	vadd.s32 $0xFFFFFFFF, v4  }
0x104: {  	(xrf0) =	vadd.scan.msk.s32 $0xffff, v44;
	v63 =	vmpcnt.ones.xlane vm8;
	vm8 =	vlt.s32 v4, $0x1;
	v29, _, _ =	vpop (xrf0);
	vm10 =	vgt.s32 v62, $0x0  }
0x105: {  	vm7 =	vmor vm9, vm8;
	v29 =	vperm.xlane v29, v3;
	v55, _, _ =	vpop (xrf0);
	v57 =	vnsel vm10, $0x0, v62  }
0x106: {  	vm10 =	vge.s32 v4, $0x1;
	v4 =	vadd.s32 $0xFFFFFFFF, v63;
	(xrf0) =	vadd.scan.msk.s32 $0xffff, v59;
	v55 =	vperm.xlane v55, v2  }
0x107: {  	vm10 =	vmor vm9, vm10;
	vm9 =	vgt.s32 v4, $0x0;
	v61, _, _ =	vpop (xrf0);
	v29 =	vadd.s32 v24, v29  }
0x108: {  	v58 =	vnsel vm9, $0x0, v4;
	v34 =	vperm.xlane v61, v3;
	v62, _, _ =	vpop (xrf0);
	v60 =	vadd.s32 v29, v55  }
0x109: {  	vm9 =	vlt.s32 v63, $0x1;
	v59 =	vperm.xlane v62, v2;
	vm11 =	vge.s32 v60, v5  }
0x10a: {  	v54 =	vld [tilespmem:$0x2310];
	vm2 =	vmor vm10, vm9;
	v37, _, _ =	vpop (xrf0);
	v34 =	vadd.s32 v29, v34;
	v4 =	vmpcnt.ones.xlane vm11  }
0x10b: {  	v56 =	vld [tilespmem:$0x2300];
	v37 =	vperm.xlane v37, v3;
	vm11 =	vge.s32 v63, $0x1;
	v60 =	vadd.s32 v34, v59  }
0x10c: {  	vm11 =	vmor vm10, vm11;
	v62, _, _ =	vpop (xrf0);
	vm12 =	vge.s32 v60, v5;
	v63 =	vadd.s32 $0xFFFFFFFF, v4  }
0x10d: {  	(xrf0) =	vadd.scan.msk.s32 $0xffff, v48;
	v37 =	vadd.s32 v34, v37;
	v60 =	vperm.xlane v62, v2;
	vm10 =	vgt.s32 v63, $0x0  }
0x10e: {  	(xrf0) =	vadd.scan.msk.s32 $0xffff, v45;
	v43 =	vmpcnt.ones.xlane vm12;
	vm12 =	vge.s32 v4, $0x1;
	v61 =	vnsel vm10, $0x0, v63  }
0x10f: {  	[tilespmem:$0x1FF20] =	vst v7;
	vm10 =	vlt.s32 v4, $0x1;
	v63 =	vperm.xlane v54, v2;
	v4 =	vadd.s32 v37, v60  }
0x110: {  	v7 =	vimm.s32 $0x0;
	(xrf0) =	vadd.scan.msk.s32 $0xffff, v53;
	vm13 =	vge.s32 v4, v5;
	v4 =	vperm.xlane v56, v2  }
0x111: {  	v7 =	vsel vm2, $0xFFFFFFFF, v7;
	vm12 =	vmor vm11, vm12;
	v62 =	vadd.s32 $0xFFFFFFFF, v43;
	(xrf0) =	vadd.scan.msk.s32 $0xffff, v63  }
0x112: {  	vm9 =	vmor vm11, vm10;
	vm11 =	vgt.s32 v62, $0x0;
	v45 =	vmpcnt.ones.xlane vm13;
	(xrf0) =	vadd.scan.msk.s32 $0xffff, v54  }
0x113: {  	v62 =	vnsel vm11, $0x0, v62;
	vm13 =	vge.s32 v43, $0x1;
	vm11 =	vlt.s32 v43, $0x1;
	v63, _, _ =	vpop (xrf0);
	(xrf0) =	vadd.scan.msk.s32 $0xffff, v4  }
0x114: {  	vm8 =	vmor vm12, vm11;
	v47 =	vadd.s32 $0xFFFFFFFF, v45;
	v4, _, _ =	vpop (xrf0);
	v43 =	vperm.xlane v63, v3  }
0x115: {  	vm13 =	vmor vm12, vm13;
	vm12 =	vgt.s32 v47, $0x0;
	v4 =	vperm.xlane v4, v2  }
0x116: {  	[tilespmem:$0x1FF30] =	vst v7;
	vm14 =	vge.s32 v45, $0x1;
	v63, _, _ =	vpop (xrf0);
	v7 =	vnsel vm12, $0x0, v47;
	v43 =	vadd.s32 v37, v43  }
0x117: {  	vm12 =	vlt.s32 v45, $0x1;
	v63 =	vperm.xlane v63, v3;
	v47, _, _ =	vpop (xrf0);
	v45 =	vadd.s32 v43, v4  }
0x118: {  	[tilespmem:$0x1FEC0] =	vst v8;
	vm14 =	vmor vm13, vm14;
	v8, _, _ =	vpop (xrf0);
	vm15 =	vge.s32 v45, v5;
	v9 =	vperm.xlane v47, v2  }
0x119: {  	v45 =	vadd.s32 v43, v63;
	v10 =	vmpcnt.ones.xlane vm15;
	v8 =	vperm.xlane v8, v3;
	v47, _, _ =	vpop (xrf0)  }
0x11a: {  	vm11 =	vmor vm13, vm12;
	v63 =	vadd.s32 v45, v9;
	v12 =	vperm.xlane v47, v2  }
0x11b: {  	vm13 =	vge.s32 v63, v5;
	v63 =	vadd.s32 $0xFFFFFFFF, v10;
	v47 =	vadd.s32 v45, v8  }
0x11c: {  	v14 =	vld [tilespmem:$0x1FEC0];
	vm15 =	vgt.s32 v63, $0x0;
	v19 =	vadd.s32 v47, v12  }
0x11d: {  	v8 =	vmpcnt.ones.xlane vm13;
	vm13 =	vge.s32 v19, v5;
	v63 =	vnsel vm15, $0x0, v63  }
0x11e: {  	vm15 =	vge.s32 v10, $0x1;
	v19 =	vmpcnt.ones.xlane vm13;
	vm13 =	vlt.s32 v10, $0x1  }
0x11f: {  	vm13 =	vmor vm14, vm13;
	vm14 =	vmor vm14, vm15  }
0x120: {  	vm3 =	vgt.s32 v19, $0x0;
	vm4 =	vmneg vm14  }
0x121: {  	vm3 =	vmand vm3, vm4;
	vm4 =	vnez.u8 v14;
	v14 =	vld [tilespmem:$0x1FED0]  }
0x122: {  	v10 =	vadd.s32 $0xFFFFFFFF, v8  }
0x123: {  	vm2 =	vlt.s32 v8, $0x1;
	vm15 =	vgt.s32 v10, $0x0;
	v8 =	vadd.s32 $0xFFFFFFFF, v19  }
0x124: {  	v10 =	vnsel vm15, $0x0, v10;
	vm15 =	vgt.s32 v8, $0x0  }
0x125: {  	v8 =	vnsel vm15, $0x0, v8  }
0x126: {  	vm15 =	vmor vm14, vm2;
	vm14 =	vmand vm2, vm3;
	vm3 =	vnez.u8 v14;
	v14 =	vld [tilespmem:$0x1FEE0];
	_ =	sdelay $0x3  }
0x127: {  	v11 =	vperm.xlane v11, v26  }
0x128: {  	v17 =	vadd.s32 $0xF0, v26;
	v19 =	vperm.xlane v14, v26;
	v26 =	vimm.s32 $0x0  }
0x129: {  	v26 =	vsel vm0, $0xFFFFFFFF, v26  }
0x12a: {  	v14 =	vadd.s32 $0xE0, v30;
	[tilespmem:$0x1FEF0] =	vst v26;
	v26 =	vperm.xlane v22, v30;
	v30 =	vperm.xlane v13, v30;
	v13 =	vld [tilespmem:$0x1FF00];
	_ =	sdelay $0x4  }
0x12b: {  	v14 =	vnsel vm0, $0x0, v14;
	vm0 =	vnez.u8 v13  }
0x12c: {  	v13 =	vperm.xlane v15, v33;
	v15 =	vadd.s32 $0xD0, v33;
	v14 =	vsel vm0, v17, v14  }
0x12d: {  	v17 =	vadd.s32 $0xC0, v36;
	v14 =	vsel vm3, v14, v15  }
0x12e: {  	v14 =	vsel vm4, v14, v17;
	v17 =	vadd.s32 $0xB0, v41  }
0x12f: {  	v14 =	vsel vm1, v14, v17;
	v17 =	vld [tilespmem:$0x1FF10];
	_ =	sdelay $0x4  }
0x130: {  	vm0 =	vmmov vm1;
	vm1 =	vnez.u8 v17;
	v17 =	vadd.s32 $0xA0, v46  }
0x131: {  	v14 =	vsel vm1, v14, v17;
	v17 =	vadd.s32 $0x90, v49  }
0x132: {  	v14 =	vsel vm5, v14, v17;
	v17 =	vld [tilespmem:$0x1FF20];
	_ =	sdelay $0x2  }
0x133: {  	v16 =	vperm.xlane v16, v36;
	v18 =	vperm.xlane v18, v41  }
0x134: {  	v21 =	vperm.xlane v21, v46;
	v23 =	vperm.xlane v23, v49  }
0x135: {  	[tilespmem:$0x2300] =	vst v0;
	vm6 =	vmmov vm5;
	vm5 =	vnez.u8 v17;
	v17 =	vadd.s32 $0x80, v52  }
0x136: {  	[tilespmem:$0x2310] =	vst v0;
	v27 =	vperm.xlane v27, v52;
	v14 =	vsel vm5, v14, v17;
	v17 =	vadd.s32 $0x70, v57  }
0x137: {  	[tilespmem:$0x2380] =	vst v0;
	v32 =	vperm.xlane v32, v57;
	v35 =	vperm.xlane v35, v58;
	v14 =	vsel vm7, v14, v17;
	v17 =	vld [tilespmem:$0x1FF30]  }
0x138: {  	[tilespmem:$0x23A0] =	vst v0;
	v22 =	vperm.xlane v25, v33;
	v25 =	vperm.xlane v31, v41  }
0x139: {  	v6 =	vshll.u32 v6, $0x8;
	[tilespmem:$0x23F0] =	vst v0;
	v31 =	vperm.xlane v40, v49;
	v40 =	vperm.xlane v39, v61  }
0x13a: {  	[tilespmem:$0x23E0] =	vst v0;
	vm10 =	vmmov vm7;
	v39 =	vperm.xlane v44, v62;
	v44 =	vperm.xlane v60, v7  }
0x13b: {  	[tilespmem:$0x23C0] =	vst v0;
	vm12 =	vmmov vm9;
	v33 =	vperm.xlane v42, v52;
	v42 =	vperm.xlane v55, v61  }
0x13c: {  	[tilespmem:$0x2370] =	vst v0;
	v15 =	vperm.xlane v28, v36;
	vm7 =	vnez.u8 v17;
	v17 =	vadd.s32 $0x60, v58  }
0x13d: {  	[tilespmem:$0x23D0] =	vst v0;
	v28 =	vperm.xlane v38, v46;
	v14 =	vsel vm7, v14, v17;
	v17 =	vadd.s32 $0x50, v61  }
0x13e: {  	[tilespmem:$0x2390] =	vst v0;
	v36 =	vperm.xlane v50, v57;
	v14 =	vsel vm9, v14, v17;
	v17 =	vadd.s32 $0x40, v62  }
0x13f: {  	[tilespmem:$0x2360] =	vst v0;
	v38 =	vperm.xlane v51, v58;
	v14 =	vsel vm8, v14, v17;
	v17 =	vadd.s32 $0x30, v7  }
0x140: {  	[tilespmem:$0x23B0] =	vst v0;
	v46 =	vperm.xlane v48, v7;
	v7 =	vsel vm11, v14, v17;
	v14 =	vadd.s32 $0x20, v63  }
0x141: {  	[tilespmem:$0x2350] =	vst v0;
	v48 =	vperm.xlane v4, v63;
	v4 =	vsel vm13, v7, v14;
	v7 =	vadd.s32 $0x10, v10  }
0x142: {  	[tilespmem:$0x2320] =	vst v0;
	v50 =	vperm.xlane v53, v63;
	v51 =	vperm.xlane v9, v10;
	v4 =	vsel vm15, v4, v7  }
0x143: {  	[tilespmem:$0x2330] =	vst v0;
	v53 =	vperm.xlane v12, v8;
	v41 =	vperm.xlane v59, v62;
	v4 =	vsel vm14, v8, v4  }
0x144: {  	s16 =	simm.s32 $0x0;
	s15 =	simm.s32 $0x40;
	[tilespmem:$0x2340] =	vst v0;
	v49 =	vperm.xlane v54, v10;
	v52 =	vperm.xlane v56, v8;
	v6 =	vadd.s32 v6, v4  }
.LBB2_7:
0x145: {  	p0 =	sne.s32 s15, $0x8840;
	v4 =	vld [tilespmem:s16+$0x0];
	_ =	sdelay $0x4  }
0x146: {  	v7 =	vshrl.u32 v4, $0xF  }
0x147: {  	v4 =	vshrl.u32 v4, $0x7;
	vm2 =	veq.s32 v7, v6  }
0x148: {  	v4 =	vand.u32 $0xFF, v4  }
.Ltmp2:
0x149: {  	(pc) =	sbr.rel @p0 .LBB2_7-.Ltmp2, $2  }
0x14a: {  	_ =	sdelay $0x2  }
0x14b: {  	s16 =	sshra.s32 s15, $0x2;
	s15 =	sadd.s32 $0x40, s15;
	[tilespmem:v4+s10+$0x0] =	vst.idx.add.s32.msk vm2, v1  }
0x14c: {  	v4 =	vld [tilespmem:s16+$0x0];
	_ =	sdelay $0x4  }
0x14d: {  	v7 =	vshrl.u32 v4, $0xF  }
0x14e: {  	v4 =	vshrl.u32 v4, $0x7;
	vm2 =	veq.s32 v7, v6  }
0x14f: {  	v4 =	vand.u32 $0xFF, v4  }
0x150: {  	v8 =	vld [tilespmem:$0x1FEF0];
	_ =	sdelay $0x1  }
0x151: {  	v9 =	vld [tilespmem:$0x1FF00]  }
0x152: {  	v7 =	vld [tilespmem:$0x1FE50]  }
0x153: {  	[tilespmem:v4+s10+$0x0] =	vst.idx.add.s32.msk vm2, v1  }
0x154: {  	vm2 =	vnez.u8 v8;
	v8 =	vld [tilespmem:$0x1FE60];
	_ =	sdelay $0x2  }
0x155: {  	v7 =	vadd.s32 v7, v26  }
0x156: {  	v7 =	vsub.s32 v30, v7;
	v4 =	vsub.s32 v11, v19  }
0x157: {  	v7 =	vnsel vm2, $0x0, v7;
	vm2 =	vnez.u8 v9;
	v8 =	vadd.s32 v8, v22  }
0x158: {  	v4 =	vsel vm2, v4, v7;
	v7 =	vsub.s32 v13, v8;
	v8 =	vld [tilespmem:$0x1FE70];
	_ =	sdelay $0x4  }
0x159: {  	v8 =	vadd.s32 v8, v15  }
0x15a: {  	v4 =	vsel vm3, v4, v7;
	v7 =	vsub.s32 v16, v8;
	v8 =	vld [tilespmem:$0x1FE80];
	_ =	sdelay $0x4  }
0x15b: {  	v8 =	vadd.s32 v8, v25  }
0x15c: {  	v4 =	vsel vm4, v4, v7;
	v7 =	vsub.s32 v18, v8;
	v8 =	vld [tilespmem:$0x1FE90];
	_ =	sdelay $0x4  }
0x15d: {  	v8 =	vadd.s32 v8, v28  }
0x15e: {  	v4 =	vsel vm0, v4, v7;
	v7 =	vsub.s32 v21, v8;
	v8 =	vld [tilespmem:$0x1FEA0];
	_ =	sdelay $0x4  }
0x15f: {  	v8 =	vadd.s32 v8, v31  }
0x160: {  	v4 =	vsel vm1, v4, v7;
	v7 =	vsub.s32 v23, v8;
	v8 =	vld [tilespmem:$0x1FEB0];
	_ =	sdelay $0x4  }
0x161: {  	v11 =	vld [tilespmem:$0x23F0];
	v8 =	vadd.s32 v8, v33  }
0x162: {  	v4 =	vsel vm6, v4, v7;
	v7 =	vsub.s32 v27, v8  }
0x163: {  	v4 =	vsel vm5, v4, v7;
	v7 =	vadd.s32 v20, v36  }
0x164: {  	v8 =	vadd.s32 v24, v38;
	v7 =	vsub.s32 v32, v7  }
0x165: {  	v4 =	vsel vm10, v4, v7;
	v7 =	vsub.s32 v35, v8;
	v8 =	vadd.s32 v29, v42  }
0x166: {  	v9 =	vperm.xlane v11, v2;
	v4 =	vsel vm7, v4, v7;
	v7 =	vsub.s32 v40, v8  }
0x167: {  	v12 =	vld [tilespmem:$0x23E0];
	v4 =	vsel vm12, v4, v7;
	v7 =	vadd.s32 v34, v41  }
0x168: {  	(xrf0) =	vadd.scan.msk.s32 $0xffff, v9;
	v8 =	vadd.s32 v37, v44;
	v7 =	vsub.s32 v39, v7  }
0x169: {  	v4 =	vsel vm8, v4, v7;
	v7 =	vsub.s32 v46, v8;
	v8 =	vadd.s32 v43, v48  }
0x16a: {  	v4 =	vsel vm11, v4, v7;
	v7 =	vsub.s32 v50, v8;
	v8 =	vadd.s32 v45, v51  }
0x16b: {  	v14 =	vld [tilespmem:$0x23D0];
	v4 =	vsel vm13, v4, v7;
	v7 =	vsub.s32 v49, v8;
	v8 =	vadd.s32 v47, v53  }
0x16c: {  	v9 =	vperm.xlane v12, v2  }
0x16d: {  	(xrf0) =	vadd.scan.msk.s32 $0xffff, v11  }
0x16e: {  	(xrf0) =	vadd.scan.msk.s32 $0xffff, v9;
	v16 =	vld [tilespmem:$0x23C0];
	v4 =	vsel vm15, v4, v7;
	v7 =	vsub.s32 v52, v8;
	v8, _, _ =	vpop (xrf0)  }
0x16f: {  	v4 =	vsel vm14, v7, v4;
	v7 =	vperm.xlane v8, v2  }
0x170: {  	v9 =	vperm.xlane v14, v2;
	v5 =	vadd.s32 v5, v4  }
0x171: {  	(xrf0) =	vadd.scan.msk.s32 $0xffff, v12;
	vm0 =	vge.s32 v7, v5  }
0x172: {  	v17 =	vld [tilespmem:$0x23B0];
	(xrf0) =	vadd.scan.msk.s32 $0xffff, v9;
	v9 =	vmpcnt.ones.xlane vm0  }
0x173: {  	v8 =	vperm.xlane v16, v2;
	v4, _, _ =	vpop (xrf0)  }
0x174: {  	(xrf0) =	vadd.scan.msk.s32 $0xffff, v14;
	[tilespmem:$0x1FDE0] =	vst v7;
	v10, _, _ =	vpop (xrf0);
	v7 =	vperm.xlane v4, v3;
	v4 =	vadd.s32 $0xFFFFFFFF, v9  }
0x175: {  	(xrf0) =	vadd.scan.msk.s32 $0xffff, v8;
	v21 =	vperm.xlane v10, v2;
	vm1 =	vgt.s32 v4, $0x0  }
0x176: {  	vm3 =	vgt.s32 v9, $0x0;
	v26 =	vnsel vm1, $0x0, v4;
	v4 =	vimm.s32 $0x0  }
0x177: {  	v13 =	vperm.xlane v17, v2;
	v4 =	vsel vm3, $0xFFFFFFFF, v4  }
0x178: {  	v8 =	vadd.s32 v7, v21;
	v10, _, _ =	vpop (xrf0)  }
0x179: {  	vm0 =	vge.s32 v8, v5;
	v8 =	vperm.xlane v10, v3;
	v10, _, _ =	vpop (xrf0)  }
0x17a: {  	(xrf0) =	vadd.scan.msk.s32 $0xffff, v16;
	[tilespmem:$0x1FE00] =	vst v4;
	v4, _, _ =	vpop (xrf0)  }
0x17b: {  	v24 =	vperm.xlane v10, v2;
	(xrf0) =	vadd.scan.msk.s32 $0xffff, v13;
	v4 =	vperm.xlane v4, v3;
	v13, _, _ =	vpop (xrf0)  }
0x17c: {  	v20 =	vld [tilespmem:$0x23A0];
	[tilespmem:$0x1FD50] =	vst v7;
	v15 =	vmpcnt.ones.xlane vm0;
	v7 =	vadd.s32 v7, v8;
	v27 =	vperm.xlane v13, v2  }
0x17d: {  	v10 =	vadd.s32 v7, v24;
	[tilespmem:$0x1FD60] =	vst v7;
	v7 =	vadd.s32 v7, v4  }
0x17e: {  	v22 =	vld [tilespmem:$0x2390];
	v9 =	vadd.s32 $0xFFFFFFFF, v15;
	vm2 =	vge.s32 v10, v5;
	v4 =	vadd.s32 v7, v27  }
0x17f: {  	vm0 =	vgt.s32 v15, $0x0;
	vm1 =	vgt.s32 v9, $0x0;
	v10 =	vmpcnt.ones.xlane vm2  }
0x180: {  	vm3 =	vmor vm3, vm0;
	v29 =	vnsel vm1, $0x0, v9  }
0x181: {  	(xrf0) =	vadd.scan.msk.s32 $0xffff, v17;
	v13 =	vperm.xlane v20, v2;
	v15 =	vadd.s32 $0xFFFFFFFF, v10;
	vm2 =	vge.s32 v4, v5;
	v4, _, _ =	vpop (xrf0)  }
0x182: {  	v18 =	vmpcnt.ones.xlane vm2;
	vm2 =	vlt.s32 v10, $0x1;
	v4 =	vperm.xlane v4, v3  }
0x183: {  	vm4 =	vgt.s32 v15, $0x0;
	(xrf0) =	vadd.scan.msk.s32 $0xffff, v13;
	v13 =	vperm.xlane v22, v2;
	vm1 =	vmor vm3, vm2;
	v23, _, _ =	vpop (xrf0)  }
0x184: {  	v48 =	vld [tilespmem:$0x2330];
	[tilespmem:$0x1FD70] =	vst v7;
	v31 =	vperm.xlane v23, v2;
	v7 =	vadd.s32 v7, v4;
	v4 =	vimm.s32 $0x0  }
0x185: {  	v32 =	vnsel vm4, $0x0, v15;
	vm4 =	vge.s32 v10, $0x1;
	v4 =	vsel vm1, $0xFFFFFFFF, v4  }
0x186: {  	v28 =	vld [tilespmem:$0x2380];
	(xrf0) =	vadd.scan.msk.s32 $0xffff, v20;
	v15 =	vadd.s32 v7, v31;
	[tilespmem:$0x1FDD0] =	vst v4;
	v4 =	vadd.s32 $0xFFFFFFFF, v18  }
0x187: {  	vm4 =	vmor vm3, vm4;
	(xrf0) =	vadd.scan.msk.s32 $0xffff, v13;
	v13, _, _ =	vpop (xrf0);
	vm5 =	vge.s32 v15, v5;
	vm3 =	vgt.s32 v4, $0x0  }
0x188: {  	v13 =	vperm.xlane v13, v3;
	v35 =	vnsel vm3, $0x0, v4;
	v4 =	vmpcnt.ones.xlane vm5  }
0x189: {  	v46 =	vperm.xlane v48, v2  }
0x18a: {  	vm6 =	vge.s32 v18, $0x1;
	[tilespmem:$0x1FD80] =	vst v7;
	v7 =	vadd.s32 v7, v13;
	v15, _, _ =	vpop (xrf0);
	v23 =	vadd.s32 $0xFFFFFFFF, v4  }
0x18b: {  	v33 =	vld [tilespmem:$0x2370];
	vm3 =	vlt.s32 v18, $0x1;
	v18 =	vperm.xlane v28, v2;
	v37 =	vperm.xlane v15, v2  }
0x18c: {  	(xrf0) =	vadd.scan.msk.s32 $0xffff, v22;
	vm5 =	vmor vm4, vm6;
	vm1 =	vmor vm4, vm3;
	v15, _, _ =	vpop (xrf0);
	vm4 =	vgt.s32 v23, $0x0  }
0x18d: {  	v36 =	vld [tilespmem:$0x2360];
	(xrf0) =	vadd.scan.msk.s32 $0xffff, v18;
	v15 =	vperm.xlane v15, v3;
	v18 =	vadd.s32 v7, v37;
	v39 =	vnsel vm4, $0x0, v23;
	v23, _, _ =	vpop (xrf0)  }
0x18e: {  	vm6 =	vge.s32 v4, $0x1;
	vm4 =	vge.s32 v18, v5;
	v40 =	vperm.xlane v23, v2  }
0x18f: {  	[tilespmem:$0x1FD90] =	vst v7;
	vm7 =	vlt.s32 v4, $0x1;
	v7 =	vadd.s32 v7, v15;
	v4 =	vmpcnt.ones.xlane vm4  }
0x190: {  	v8 =	vimm.s32 $0x0;
	v23 =	vperm.xlane v33, v2;
	v18 =	vadd.s32 v7, v40  }
0x191: {  	v8 =	vsel vm1, $0xFFFFFFFF, v8;
	vm1 =	vmor vm5, vm7;
	(xrf0) =	vadd.scan.msk.s32 $0xffff, v28;
	v25 =	vadd.s32 $0xFFFFFFFF, v4  }
0x192: {  	v45 =	vld [tilespmem:$0x2340];
	vm6 =	vmor vm5, vm6;
	vm7 =	vgt.s32 v25, $0x0;
	(xrf0) =	vadd.scan.msk.s32 $0xffff, v23;
	v23 =	vperm.xlane v36, v2  }
0x193: {  	vm5 =	vge.s32 v18, v5;
	v44 =	vnsel vm7, $0x0, v25;
	vm7 =	vge.s32 v4, $0x1;
	v18, _, _ =	vpop (xrf0)  }
0x194: {  	v30 =	vmpcnt.ones.xlane vm5;
	vm5 =	vlt.s32 v4, $0x1;
	v18 =	vperm.xlane v18, v3;
	v57, _, _ =	vpop (xrf0)  }
0x195: {  	v41 =	vld [tilespmem:$0x2350];
	v4 =	vimm.s32 $0x0;
	vm2 =	vmor vm6, vm5;
	(xrf0) =	vadd.scan.msk.s32 $0xffff, v33;
	v42 =	vperm.xlane v57, v2  }
0x196: {  	[tilespmem:$0x1FDA0] =	vst v7;
	v4 =	vsel vm2, $0xFFFFFFFF, v4;
	(xrf0) =	vadd.scan.msk.s32 $0xffff, v23;
	v7 =	vadd.s32 v7, v18  }
0x197: {  	v60 =	vperm.xlane v45, v2;
	[tilespmem:$0x1FE10] =	vst v4;
	v4 =	vadd.s32 $0xFFFFFFFF, v30;
	v25 =	vadd.s32 v7, v42  }
0x198: {  	[tilespmem:$0x1FDC0] =	vst v8;
	v8 =	vimm.s32 $0x0;
	vm7 =	vmor vm6, vm7;
	v23, _, _ =	vpop (xrf0);
	vm6 =	vgt.s32 v4, $0x0  }
0x199: {  	vm9 =	vge.s32 v30, $0x1;
	v23 =	vperm.xlane v23, v3;
	v49 =	vnsel vm6, $0x0, v4  }
0x19a: {  	vm6 =	vlt.s32 v30, $0x1;
	v30 =	vperm.xlane v41, v2;
	vm8 =	vge.s32 v25, v5;
	v25, _, _ =	vpop (xrf0)  }
0x19b: {  	vm2 =	vmor vm7, vm6;
	v4 =	vmpcnt.ones.xlane vm8;
	v50 =	vperm.xlane v25, v2;
	v25, _, _ =	vpop (xrf0)  }
0x19c: {  	(xrf0) =	vadd.scan.msk.s32 $0xffff, v36;
	v23 =	vadd.s32 v7, v23;
	v8 =	vsel vm2, $0xFFFFFFFF, v8;
	v25 =	vperm.xlane v25, v3;
	v59, _, _ =	vpop (xrf0)  }
0x19d: {  	vm8 =	vmor vm7, vm9;
	v58 =	vadd.s32 $0xFFFFFFFF, v4;
	v52 =	vperm.xlane v59, v2  }
0x19e: {  	(xrf0) =	vadd.scan.msk.s32 $0xffff, v30;
	vm7 =	vgt.s32 v58, $0x0;
	v30 =	vadd.s32 v23, v50;
	v25 =	vadd.s32 v23, v25  }
0x19f: {  	v51 =	vnsel vm7, $0x0, v58;
	vm7 =	vge.s32 v30, v5;
	v30 =	vadd.s32 v25, v52  }
0x1a0: {  	v53 =	vld [tilespmem:$0x2320];
	vm9 =	vge.s32 v4, $0x1;
	vm10 =	vlt.s32 v4, $0x1;
	(xrf0) =	vadd.scan.msk.s32 $0xffff, v41;
	v4 =	vmpcnt.ones.xlane vm7  }
0x1a1: {  	vm5 =	vmor vm8, vm10;
	vm9 =	vmor vm8, vm9;
	(xrf0) =	vadd.scan.msk.s32 $0xffff, v60;
	vm8 =	vge.s32 v30, v5  }
0x1a2: {  	v61 =	vadd.s32 $0xFFFFFFFF, v4;
	v62 =	vmpcnt.ones.xlane vm8;
	vm8 =	vlt.s32 v4, $0x1;
	v30, _, _ =	vpop (xrf0)  }
0x1a3: {  	(xrf0) =	vadd.scan.msk.s32 $0xffff, v45;
	vm10 =	vgt.s32 v61, $0x0;
	vm2 =	vmor vm9, vm8;
	v30 =	vperm.xlane v30, v3  }
0x1a4: {  	v63, _, _ =	vpop (xrf0);
	v57 =	vnsel vm10, $0x0, v61;
	vm10 =	vge.s32 v4, $0x1;
	v4 =	vimm.s32 $0x0  }
0x1a5: {  	(xrf0) =	vadd.scan.msk.s32 $0xffff, v46;
	v46 =	vperm.xlane v53, v2;
	v55 =	vperm.xlane v63, v2;
	v4 =	vsel vm2, $0xFFFFFFFF, v4  }
0x1a6: {  	vm10 =	vmor vm9, vm10;
	v56, _, _ =	vpop (xrf0);
	v30 =	vadd.s32 v25, v30;
	[tilespmem:$0x1FE30] =	vst v4;
	v4 =	vadd.s32 $0xFFFFFFFF, v62  }
0x1a7: {  	v34 =	vperm.xlane v56, v3;
	v59, _, _ =	vpop (xrf0);
	v47 =	vadd.s32 v30, v55;
	vm9 =	vgt.s32 v4, $0x0  }
0x1a8: {  	v59 =	vperm.xlane v59, v2;
	vm11 =	vge.s32 v47, v5;
	v58 =	vnsel vm9, $0x0, v4  }
0x1a9: {  	v38, _, _ =	vpop (xrf0);
	vm9 =	vlt.s32 v62, $0x1;
	v34 =	vadd.s32 v30, v34;
	v4 =	vmpcnt.ones.xlane vm11  }
0x1aa: {  	v38 =	vperm.xlane v38, v3;
	vm11 =	vge.s32 v62, $0x1;
	vm6 =	vmor vm10, vm9  }
0x1ab: {  	v54 =	vld [tilespmem:$0x2310];
	v61 =	vadd.s32 v34, v59;
	vm11 =	vmor vm10, vm11;
	v62, _, _ =	vpop (xrf0);
	v60 =	vadd.s32 $0xFFFFFFFF, v4  }
0x1ac: {  	v56 =	vld [tilespmem:$0x2300];
	vm12 =	vge.s32 v61, v5;
	v61 =	vperm.xlane v62, v2;
	vm10 =	vgt.s32 v60, $0x0  }
0x1ad: {  	v43 =	vmpcnt.ones.xlane vm12;
	v60 =	vnsel vm10, $0x0, v60;
	vm10 =	vlt.s32 v4, $0x1  }
0x1ae: {  	(xrf0) =	vadd.scan.msk.s32 $0xffff, v48;
	vm12 =	vge.s32 v4, $0x1;
	v4 =	vimm.s32 $0x0;
	vm2 =	vmor vm11, vm10  }
0x1af: {  	(xrf0) =	vadd.scan.msk.s32 $0xffff, v46;
	v38 =	vadd.s32 v34, v38;
	v4 =	vsel vm2, $0xFFFFFFFF, v4  }
0x1b0: {  	v63 =	vperm.xlane v54, v2;
	[tilespmem:$0x1FE40] =	vst v4;
	v4 =	vadd.s32 v38, v61  }
0x1b1: {  	(xrf0) =	vadd.scan.msk.s32 $0xffff, v53;
	v62 =	vadd.s32 $0xFFFFFFFF, v43;
	vm13 =	vge.s32 v4, v5;
	v4 =	vperm.xlane v56, v2  }
0x1b2: {  	(xrf0) =	vadd.scan.msk.s32 $0xffff, v63;
	vm12 =	vmor vm11, vm12;
	vm11 =	vgt.s32 v62, $0x0  }
0x1b3: {  	(xrf0) =	vadd.scan.msk.s32 $0xffff, v54;
	v62 =	vnsel vm11, $0x0, v62;
	vm11 =	vlt.s32 v43, $0x1;
	v46 =	vmpcnt.ones.xlane vm13  }
0x1b4: {  	v63, _, _ =	vpop (xrf0);
	vm8 =	vmor vm12, vm11;
	(xrf0) =	vadd.scan.msk.s32 $0xffff, v4  }
0x1b5: {  	vm13 =	vge.s32 v43, $0x1;
	v43 =	vperm.xlane v63, v3;
	v47 =	vadd.s32 $0xFFFFFFFF, v46;
	v4, _, _ =	vpop (xrf0)  }
0x1b6: {  	vm13 =	vmor vm12, vm13;
	vm12 =	vgt.s32 v47, $0x0;
	v4 =	vperm.xlane v4, v2  }
0x1b7: {  	[tilespmem:$0x1FDB0] =	vst v7;
	vm14 =	vge.s32 v46, $0x1;
	v43 =	vadd.s32 v38, v43;
	v63, _, _ =	vpop (xrf0);
	v7 =	vnsel vm12, $0x0, v47  }
0x1b8: {  	vm12 =	vlt.s32 v46, $0x1;
	v47, _, _ =	vpop (xrf0);
	v63 =	vperm.xlane v63, v3;
	v46 =	vadd.s32 v43, v4  }
0x1b9: {  	[tilespmem:$0x1FE20] =	vst v8;
	vm14 =	vmor vm13, vm14;
	v8, _, _ =	vpop (xrf0);
	v9 =	vperm.xlane v47, v2;
	vm15 =	vge.s32 v46, v5  }
0x1ba: {  	v46 =	vadd.s32 v43, v63;
	v8 =	vperm.xlane v8, v3;
	v47, _, _ =	vpop (xrf0);
	v10 =	vmpcnt.ones.xlane vm15  }
0x1bb: {  	vm11 =	vmor vm13, vm12;
	v63 =	vadd.s32 v46, v9;
	v13 =	vperm.xlane v47, v2  }
0x1bc: {  	vm13 =	vge.s32 v63, v5;
	v47 =	vadd.s32 v46, v8;
	v63 =	vadd.s32 $0xFFFFFFFF, v10  }
0x1bd: {  	v15 =	vld [tilespmem:$0x1FDC0];
	v19 =	vadd.s32 v47, v13;
	vm15 =	vgt.s32 v63, $0x0  }
0x1be: {  	v8 =	vmpcnt.ones.xlane vm13;
	vm13 =	vge.s32 v19, v5;
	v63 =	vnsel vm15, $0x0, v63  }
0x1bf: {  	vm15 =	vge.s32 v10, $0x1;
	v19 =	vmpcnt.ones.xlane vm13;
	vm13 =	vlt.s32 v10, $0x1  }
0x1c0: {  	vm10 =	vmor vm14, vm13;
	vm14 =	vmor vm14, vm15  }
0x1c1: {  	vm3 =	vgt.s32 v19, $0x0;
	vm4 =	vmneg vm14  }
0x1c2: {  	vm3 =	vmand vm3, vm4;
	vm4 =	vnez.u8 v15;
	v15 =	vld [tilespmem:$0x1FDD0];
	_ =	sdelay $0x3  }
0x1c3: {  	vm2 =	vlt.s32 v8, $0x1  }
0x1c4: {  	vm12 =	vmand vm2, vm3;
	vm3 =	vnez.u8 v15;
	v15 =	vld [tilespmem:$0x1FDE0];
	_ =	sdelay $0x3  }
0x1c5: {  	v11 =	vperm.xlane v11, v26;
	v18 =	vadd.s32 $0xF0, v26;
	v10 =	vadd.s32 $0xFFFFFFFF, v8  }
0x1c6: {  	v8 =	vadd.s32 $0xFFFFFFFF, v19;
	v19 =	vperm.xlane v15, v26;
	v26 =	vimm.s32 $0x0  }
0x1c7: {  	v26 =	vsel vm0, $0xFFFFFFFF, v26  }
0x1c8: {  	v15 =	vadd.s32 $0xE0, v29;
	[tilespmem:$0x1FDF0] =	vst v26;
	v26 =	vperm.xlane v21, v29;
	v29 =	vperm.xlane v12, v29;
	v12 =	vld [tilespmem:$0x1FE00];
	_ =	sdelay $0x4  }
0x1c9: {  	v15 =	vnsel vm0, $0x0, v15;
	vm0 =	vnez.u8 v12  }
0x1ca: {  	v12 =	vperm.xlane v14, v32;
	v14 =	vadd.s32 $0xD0, v32;
	v15 =	vsel vm0, v18, v15  }
0x1cb: {  	v18 =	vadd.s32 $0xC0, v35;
	v15 =	vsel vm3, v15, v14  }
0x1cc: {  	v15 =	vsel vm4, v15, v18;
	v18 =	vadd.s32 $0xB0, v39  }
0x1cd: {  	v15 =	vsel vm1, v15, v18;
	v18 =	vld [tilespmem:$0x1FE10]  }
0x1ce: {  	v14 =	vperm.xlane v27, v35;
	v27 =	vld [tilespmem:$0x1FE20]  }
0x1cf: {  	vm15 =	vgt.s32 v10, $0x0  }
0x1d0: {  	v10 =	vnsel vm15, $0x0, v10;
	vm15 =	vgt.s32 v8, $0x0  }
0x1d1: {  	v8 =	vnsel vm15, $0x0, v8;
	vm15 =	vmor vm14, vm2  }
0x1d2: {  	vm0 =	vmmov vm1;
	vm1 =	vnez.u8 v18;
	v18 =	vadd.s32 $0xA0, v44  }
0x1d3: {  	vm2 =	vnez.u8 v27;
	v15 =	vsel vm1, v15, v18;
	v18 =	vadd.s32 $0x90, v49  }
0x1d4: {  	v15 =	vsel vm2, v15, v18;
	v18 =	vadd.s32 $0x80, v51  }
0x1d5: {  	v15 =	vsel vm5, v15, v18;
	v18 =	vld [tilespmem:$0x1FE30];
	_ =	sdelay $0x1  }
0x1d6: {  	v16 =	vperm.xlane v16, v35  }
0x1d7: {  	v31 =	vperm.xlane v31, v39;
	v17 =	vperm.xlane v17, v39  }
0x1d8: {  	v20 =	vperm.xlane v20, v44;
	v22 =	vperm.xlane v22, v49  }
0x1d9: {  	vm9 =	vmmov vm5;
	vm5 =	vnez.u8 v18;
	v18 =	vadd.s32 $0x70, v57  }
0x1da: {  	v33 =	vperm.xlane v33, v57;
	v15 =	vsel vm5, v15, v18;
	v18 =	vadd.s32 $0x60, v58  }
0x1db: {  	v36 =	vperm.xlane v36, v58;
	v21 =	vperm.xlane v24, v32;
	v15 =	vsel vm6, v15, v18;
	v18 =	vld [tilespmem:$0x1FE40]  }
0x1dc: {  	v24 =	vperm.xlane v37, v44;
	v37 =	vperm.xlane v52, v58  }
0x1dd: {  	v6 =	vshll.u32 v6, $0x8;
	v52 =	vperm.xlane v9, v10;
	v32 =	vperm.xlane v40, v49  }
0x1de: {  	vm13 =	vmmov vm8;
	v40 =	vperm.xlane v42, v51;
	v42 =	vperm.xlane v50, v57  }
0x1df: {  	vm14 =	vmmov vm6;
	v50 =	vperm.xlane v54, v10;
	v35 =	vperm.xlane v28, v51  }
0x1e0: {  	[tilespmem:$0x2310] =	vst v0;
	v28 =	vperm.xlane v45, v62;
	vm6 =	vnez.u8 v18;
	v18 =	vadd.s32 $0x50, v60  }
0x1e1: {  	[tilespmem:$0x2370] =	vst v0;
	v45 =	vperm.xlane v48, v7;
	v15 =	vsel vm6, v15, v18;
	v18 =	vadd.s32 $0x40, v62  }
0x1e2: {  	[tilespmem:$0x2360] =	vst v0;
	v48 =	vperm.xlane v4, v63;
	v15 =	vsel vm8, v15, v18;
	v18 =	vadd.s32 $0x30, v7  }
0x1e3: {  	[tilespmem:$0x2350] =	vst v0;
	v39 =	vperm.xlane v61, v7;
	v7 =	vsel vm11, v15, v18;
	v15 =	vadd.s32 $0x20, v63  }
0x1e4: {  	[tilespmem:$0x2330] =	vst v0;
	v27 =	vperm.xlane v41, v60;
	v4 =	vsel vm10, v7, v15;
	v7 =	vadd.s32 $0x10, v10  }
0x1e5: {  	[tilespmem:$0x2340] =	vst v0;
	v41 =	vperm.xlane v59, v62;
	vm7 =	vmmov vm2;
	v4 =	vsel vm15, v4, v7  }
0x1e6: {  	[tilespmem:$0x2320] =	vst v0;
	v44 =	vperm.xlane v55, v60;
	v49 =	vperm.xlane v53, v63;
	v4 =	vsel vm12, v8, v4  }
0x1e7: {  	s16 =	simm.s32 $0x0;
	s15 =	simm.s32 $0x40;
	[tilespmem:$0x2300] =	vst v0;
	v53 =	vperm.xlane v13, v8;
	v51 =	vperm.xlane v56, v8;
	v6 =	vadd.s32 v6, v4  }
.LBB2_9:
0x1e8: {  	p0 =	sne.s32 s15, $0x8840;
	v4 =	vld [tilespmem:s16+$0x0];
	_ =	sdelay $0x4  }
0x1e9: {  	v7 =	vshrl.u32 v4, $0x7  }
0x1ea: {  	vm2 =	veq.s32 v7, v6  }
0x1eb: {  	v4 =	vand.u32 $0x7F, v4  }
.Ltmp3:
0x1ec: {  	(pc) =	sbr.rel @p0 .LBB2_9-.Ltmp3, $2  }
0x1ed: {  	_ =	sdelay $0x2  }
0x1ee: {  	s16 =	sshra.s32 s15, $0x2;
	s15 =	sadd.s32 $0x40, s15;
	[tilespmem:v4+s10+$0x0] =	vst.idx.add.s32.msk vm2, v1  }
0x1ef: {  	v4 =	vld [tilespmem:s16+$0x0];
	_ =	sdelay $0x4  }
0x1f0: {  	v7 =	vshrl.u32 v4, $0x7  }
0x1f1: {  	vm2 =	veq.s32 v7, v6  }
0x1f2: {  	v4 =	vand.u32 $0x7F, v4;
	_ =	sdelay $0x2  }
0x1f3: {  	v8 =	vld [tilespmem:$0x1FD60]  }
0x1f4: {  	v7 =	vld [tilespmem:$0x1FD50]  }
0x1f5: {  	[tilespmem:v4+s10+$0x0] =	vst.idx.add.s32.msk vm2, v1  }
0x1f6: {  	v4 =	vld [tilespmem:$0x1FDF0]  }
0x1f7: {  	v9 =	vld [tilespmem:$0x1FE00];
	_ =	sdelay $0x2  }
0x1f8: {  	v7 =	vadd.s32 v7, v26  }
0x1f9: {  	v8 =	vadd.s32 v8, v21;
	v7 =	vsub.s32 v29, v7;
	vm2 =	vnez.u8 v4  }
0x1fa: {  	v4 =	vnsel vm2, $0x0, v7;
	v7 =	vsub.s32 v11, v19;
	vm2 =	vnez.u8 v9  }
0x1fb: {  	v4 =	vsel vm2, v7, v4;
	v7 =	vsub.s32 v12, v8;
	v8 =	vld [tilespmem:$0x1FD70];
	_ =	sdelay $0x4  }
0x1fc: {  	v8 =	vadd.s32 v8, v14  }
0x1fd: {  	v4 =	vsel vm3, v4, v7;
	v7 =	vsub.s32 v16, v8;
	v8 =	vld [tilespmem:$0x1FD80];
	_ =	sdelay $0x4  }
0x1fe: {  	v9 =	vadd.s32 v8, v31  }
0x1ff: {  	v4 =	vsel vm4, v4, v7;
	v7 =	vsub.s32 v17, v9;
	v9 =	vld [tilespmem:$0x1FD90];
	_ =	sdelay $0x4  }
0x200: {  	v9 =	vadd.s32 v9, v24  }
0x201: {  	v4 =	vsel vm0, v4, v7;
	v7 =	vsub.s32 v20, v9;
	v9 =	vld [tilespmem:$0x1FDA0];
	_ =	sdelay $0x4  }
0x202: {  	v10 =	vadd.s32 v9, v32  }
0x203: {  	v4 =	vsel vm1, v4, v7;
	v7 =	vsub.s32 v22, v10;
	v10 =	vld [tilespmem:$0x1FDB0];
	_ =	sdelay $0x3  }
0x204: {  	v8 =	vld [tilespmem:$0x2370]  }
0x205: {  	v10 =	vadd.s32 v10, v40  }
0x206: {  	v9 =	vld [tilespmem:$0x2360];
	v4 =	vsel vm7, v4, v7;
	v7 =	vsub.s32 v35, v10;
	v10 =	vadd.s32 v23, v42  }
0x207: {  	v4 =	vsel vm9, v4, v7;
	v7 =	vsub.s32 v33, v10  }
0x208: {  	v4 =	vsel vm5, v4, v7;
	v7 =	vadd.s32 v25, v37  }
0x209: {  	v12 =	vadd.s32 v30, v44;
	v11 =	vperm.xlane v8, v2;
	v7 =	vsub.s32 v36, v7  }
0x20a: {  	v4 =	vsel vm14, v4, v7;
	v7 =	vsub.s32 v27, v12;
	v12 =	vadd.s32 v34, v41  }
0x20b: {  	(xrf0) =	vadd.scan.msk.s32 $0xffff, v11;
	v11 =	vperm.xlane v9, v2;
	v4 =	vsel vm6, v4, v7;
	v7 =	vsub.s32 v28, v12  }
0x20c: {  	(xrf0) =	vadd.scan.msk.s32 $0xffff, v8;
	v10 =	vld [tilespmem:$0x2350];
	v4 =	vsel vm13, v4, v7;
	v7 =	vadd.s32 v38, v39  }
0x20d: {  	(xrf0) =	vadd.scan.msk.s32 $0xffff, v11;
	v11 =	vadd.s32 v43, v48;
	v7 =	vsub.s32 v45, v7  }
0x20e: {  	v4 =	vsel vm11, v4, v7;
	v7 =	vsub.s32 v49, v11;
	v11 =	vadd.s32 v46, v52  }
0x20f: {  	v4 =	vsel vm10, v4, v7;
	v7 =	vsub.s32 v50, v11;
	v11 =	vadd.s32 v47, v53  }
0x210: {  	(xrf0) =	vadd.scan.msk.s32 $0xffff, v9;
	v12 =	vld [tilespmem:$0x2340]  }
0x211: {  	v15, _, _ =	vpop (xrf0);
	v13 =	vperm.xlane v10, v2  }
0x212: {  	v4 =	vsel vm15, v4, v7;
	v7 =	vsub.s32 v51, v11;
	v11, _, _ =	vpop (xrf0)  }
0x213: {  	v14 =	vld [tilespmem:$0x2330];
	v19 =	vperm.xlane v15, v2;
	(xrf0) =	vadd.scan.msk.s32 $0xffff, v13;
	v4 =	vsel vm12, v7, v4;
	v7 =	vperm.xlane v11, v3;
	v11, _, _ =	vpop (xrf0)  }
0x214: {  	v5 =	vadd.s32 v5, v4;
	v4 =	vperm.xlane v11, v2  }
0x215: {  	vm0 =	vge.s32 v19, v5;
	v11 =	vperm.xlane v12, v2  }
0x216: {  	v25 =	vld [tilespmem:$0x2320];
	(xrf0) =	vadd.scan.msk.s32 $0xffff, v10;
	v13 =	vmpcnt.ones.xlane vm0;
	v16, _, _ =	vpop (xrf0);
	v15 =	vadd.s32 v7, v4  }
0x217: {  	v6 =	vshll.u32 v6, $0x7;
	(xrf0) =	vadd.scan.msk.s32 $0xffff, v11;
	v11 =	vperm.xlane v16, v3  }
0x218: {  	v16 =	vperm.xlane v14, v2;
	v17 =	vadd.s32 $0xFFFFFFFF, v13;
	vm0 =	vge.s32 v15, v5  }
0x219: {  	v18 =	vmpcnt.ones.xlane vm0;
	vm0 =	vgt.s32 v17, $0x0;
	v11 =	vadd.s32 v7, v11;
	v15, _, _ =	vpop (xrf0)  }
0x21a: {  	(xrf0) =	vadd.scan.msk.s32 $0xffff, v12;
	v20 =	vnsel vm0, $0x0, v17;
	vm0 =	vgt.s32 v13, $0x0;
	v22 =	vperm.xlane v15, v2  }
0x21b: {  	(xrf0) =	vadd.scan.msk.s32 $0xffff, v16;
	v15 =	vadd.s32 $0xFFFFFFFF, v18;
	vm1 =	vgt.s32 v18, $0x0;
	v18 =	vperm.xlane v25, v2  }
0x21c: {  	v13, _, _ =	vpop (xrf0);
	(xrf0) =	vadd.scan.msk.s32 $0xffff, v14;
	v19 =	vperm.xlane v19, v20;
	v8 =	vperm.xlane v8, v20;
	v61 =	vadd.s32 $0x70, v20  }
0x21d: {  	vm2 =	vgt.s32 v15, $0x0;
	v13 =	vperm.xlane v13, v3;
	v16 =	vadd.s32 v11, v22;
	v17, _, _ =	vpop (xrf0)  }
0x21e: {  	v21 =	vnsel vm2, $0x0, v15;
	vm3 =	vge.s32 v16, v5;
	v23 =	vperm.xlane v17, v2  }
0x21f: {  	v13 =	vadd.s32 v11, v13;
	v62 =	vadd.s32 $0x60, v21;
	v20 =	vperm.xlane v4, v21  }
0x220: {  	v26 =	vld [tilespmem:$0x2310];
	v17, _, _ =	vpop (xrf0);
	v21 =	vperm.xlane v9, v21;
	v16 =	vmpcnt.ones.xlane vm3;
	vm3 =	vmor vm0, vm1  }
0x221: {  	v17 =	vperm.xlane v17, v3;
	v4 =	vnsel vm1, $0x0, v62;
	v24 =	vadd.s32 v13, v23;
	v27, _, _ =	vpop (xrf0)  }
0x222: {  	v4 =	vsel vm0, v61, v4;
	v15 =	vadd.s32 $0xFFFFFFFF, v16;
	vm4 =	vge.s32 v16, $0x1;
	v30, _, _ =	vpop (xrf0)  }
0x223: {  	v29 =	vld [tilespmem:$0x2300];
	vm2 =	vgt.s32 v15, $0x0;
	vm4 =	vmor vm3, vm4;
	v30 =	vperm.xlane v30, v3  }
0x224: {  	v28 =	vnsel vm2, $0x0, v15;
	vm2 =	vge.s32 v24, v5;
	v24 =	vperm.xlane v27, v2  }
0x225: {  	(xrf0) =	vadd.scan.msk.s32 $0xffff, v18;
	v15 =	vadd.s32 v13, v17;
	v17 =	vperm.xlane v26, v2;
	v18 =	vmpcnt.ones.xlane vm2  }
0x226: {  	vm2 =	vlt.s32 v16, $0x1;
	v22 =	vperm.xlane v22, v28;
	v63 =	vadd.s32 $0x50, v28  }
0x227: {  	v9 =	vperm.xlane v10, v28;
	v16 =	vadd.s32 v15, v24;
	vm2 =	vmor vm3, vm2  }
0x228: {  	(xrf0) =	vadd.scan.msk.s32 $0xffff, v25;
	v27 =	vadd.s32 $0xFFFFFFFF, v18;
	vm5 =	vge.s32 v16, v5;
	v16 =	vperm.xlane v29, v2  }
0x229: {  	(xrf0) =	vadd.scan.msk.s32 $0xffff, v17;
	vm3 =	vlt.s32 v18, $0x1;
	v4 =	vsel vm2, v4, v63;
	v17 =	vmpcnt.ones.xlane vm5  }
0x22a: {  	vm6 =	vgt.s32 v27, $0x0;
	vm5 =	vge.s32 v18, $0x1;
	vm3 =	vmor vm4, vm3  }
0x22b: {  	(xrf0) =	vadd.scan.msk.s32 $0xffff, v26;
	v27 =	vnsel vm6, $0x0, v27;
	vm5 =	vmor vm4, vm5;
	v18 =	vadd.s32 $0xFFFFFFFF, v17  }
0x22c: {  	(xrf0) =	vadd.scan.msk.s32 $0xffff, v16;
	vm4 =	vlt.s32 v17, $0x1;
	v28 =	vadd.s32 $0x40, v27;
	v23 =	vperm.xlane v23, v27  }
0x22d: {  	v10 =	vperm.xlane v12, v27;
	v16, _, _ =	vpop (xrf0);
	vm6 =	vgt.s32 v18, $0x0;
	vm4 =	vmor vm5, vm4  }
0x22e: {  	v4 =	vsel vm3, v4, v28;
	v31 =	vperm.xlane v16, v2;
	v49, _, _ =	vpop (xrf0);
	v50 =	vnsel vm6, $0x0, v18  }
0x22f: {  	v16 =	vadd.s32 v15, v30;
	vm6 =	vge.s32 v17, $0x1;
	v32 =	vperm.xlane v49, v3  }
0x230: {  	v18, _, _ =	vpop (xrf0);
	vm6 =	vmor vm5, vm6;
	v24 =	vperm.xlane v24, v50;
	v30 =	vadd.s32 v16, v31  }
0x231: {  	v12 =	vperm.xlane v14, v50;
	v51, _, _ =	vpop (xrf0);
	vm7 =	vge.s32 v30, v5;
	v30 =	vperm.xlane v18, v2  }
0x232: {  	v14 =	vadd.s32 $0x30, v50;
	v18 =	vperm.xlane v51, v3;
	v53, _, _ =	vpop (xrf0);
	v52 =	vmpcnt.ones.xlane vm7  }
0x233: {  	v4 =	vsel vm4, v4, v14;
	v17 =	vadd.s32 v16, v32;
	v32 =	vperm.xlane v53, v2  }
0x234: {  	v54 =	vadd.s32 v17, v30;
	v18 =	vadd.s32 v17, v18;
	v55 =	vadd.s32 $0xFFFFFFFF, v52  }
0x235: {  	vm7 =	vge.s32 v54, v5;
	v56 =	vadd.s32 v18, v32;
	vm8 =	vgt.s32 v55, $0x0  }
0x236: {  	v34 =	vmpcnt.ones.xlane vm7;
	vm5 =	vge.s32 v56, v5;
	vm7 =	vlt.s32 v52, $0x1  }
0x237: {  	v36 =	vnsel vm8, $0x0, v55;
	v58 =	vmpcnt.ones.xlane vm5;
	vm8 =	vge.s32 v52, $0x1  }
0x238: {  	vm5 =	vmor vm6, vm7;
	v57 =	vadd.s32 $0xFFFFFFFF, v34;
	vm6 =	vmor vm6, vm8  }
0x239: {  	vm15 =	vlt.s32 v34, $0x1;
	v14 =	vperm.xlane v31, v36;
	v27 =	vadd.s32 $0x20, v36  }
0x23a: {  	v25 =	vperm.xlane v25, v36;
	vm7 =	vgt.s32 v57, $0x0;
	v60 =	vadd.s32 $0xFFFFFFFF, v58  }
0x23b: {  	vm8 =	vgt.s32 v58, $0x0;
	vm14 =	vmneg vm6;
	v4 =	vsel vm5, v4, v27  }
0x23c: {  	v59 =	vnsel vm7, $0x0, v57;
	vm7 =	vgt.s32 v60, $0x0;
	vm8 =	vmand vm8, vm14  }
0x23d: {  	v37 =	vnsel vm7, $0x0, v60;
	vm7 =	vmor vm6, vm15;
	v28 =	vadd.s32 $0x10, v59  }
0x23e: {  	s31 =	simm.s32 $0x0;
	vm6 =	vmand vm15, vm8;
	v27 =	vperm.xlane v30, v59;
	v4 =	vsel vm7, v4, v28  }
0x23f: {  	v31 =	vld [tilespmem:s31+$0x0];
	v26 =	vperm.xlane v26, v59;
	v30 =	vimm.f32 $0.0e+00;
	v4 =	vsel vm6, v37, v4  }
0x240: {  	s15 =	simm.s32 $0x40;
	v28 =	vperm.xlane v32, v37;
	v29 =	vperm.xlane v29, v37;
	v6 =	vadd.s32 v6, v4  }
.LBB2_11:
0x241: {  	p0 =	sne.s32 s15, $0x8840  }
.Ltmp4:
0x242: {  	_ = 	snop;
	(pc) =	sbr.rel @p0 .LBB2_11-.Ltmp4, $4  }
0x243: {  	_ = 	snop  }
0x244: {  	s16 =	sshra.s32 s15, $0x2;
	s15 =	sadd.s32 $0x40, s15;
	vm8 =	vgt.f32 v31, v6  }
0x245: {  	v4 =	vnsel vm8, $0x0, v31;
	v31 =	vld [tilespmem:s16+$0x0]  }
0x246: {  	v30 =	vadd.f32 v4, v30  }
0x247: {  	_ =	sdelay $0x2  }
0x248: {  	vm8 =	vgt.f32 v31, v6  }
0x249: {  	v4 =	vnsel vm8, $0x0, v31  }
0x24a: {  	v7 =	vadd.s32 v7, v20;
	v4 =	vadd.f32 v4, v30  }
0x24b: {  	v7 =	vsub.s32 v21, v7  }
0x24c: {  	v8 =	vsub.s32 v8, v19;
	v11 =	vadd.s32 v11, v22;
	v7 =	vnsel vm1, $0x0, v7;
	(xrf2) =	vadd.scan.msk.f32 $0xffff, v4  }
0x24d: {  	v54 =	vadd.s32 v13, v23;
	v53 =	vsub.s32 v9, v11;
	v4 =	vsel vm0, v8, v7  }
0x24e: {  	v56 =	vadd.s32 v15, v24;
	v55 =	vsub.s32 v10, v54;
	v4 =	vsel vm2, v4, v53  }
0x24f: {  	v58 =	vadd.s32 v16, v14;
	v57 =	vsub.s32 v12, v56;
	v4 =	vsel vm3, v4, v55  }
0x250: {  	v60 =	vadd.s32 v17, v27;
	v59 =	vsub.s32 v25, v58;
	v4 =	vsel vm4, v4, v57  }
0x251: {  	v62 =	vadd.s32 v18, v28;
	v61 =	vsub.s32 v26, v60;
	v4 =	vsel vm5, v4, v59  }
0x252: {  	v63 =	vsub.s32 v29, v62;
	v4 =	vsel vm7, v4, v61  }
0x253: {  	v4 =	vsel vm6, v63, v4  }
0x254: {  	v4 =	vadd.s32 v5, v4  }
0x255: {  	v4 =	vcvt.s32.f32 v4  }
0x256: {  	v5, _, _ =	vpop (xrf2)  }
0x257: {  	v4 =	vmul.f32 v6, v4;
	v5 =	vperm.xlane v5, v3;
	_ =	sdelay $0x1  }
0x258: {  	v4 =	vadd.f32 v5, v4;
	v5 =	vld [tilespmem:$0x1FFF0];
	_ =	sdelay $0x4  }
0x259: {  	s13 =	sadd.s32 $0x1, s13;
	vm15 =	vgt.s32 v5, $0x0  }
0x25a: {  	s14 =	sand.u32 $0x70, s14;
	p0 =	sne.s32 s13, $0x4;
	v4 =	vnsel vm15, $0x0, v4  }
.Ltmp5:
0x25b: {  	s14 =	sadd.s32 s14, s6;
	[tilespmem:$0x2400] =	vst v4;
	(pc) =	sbr.rel @p0 .LBB2_2-.Ltmp5, $4  }
0x25c: {  	[hbm4b:s14+s2] =	stream.linear.scatter [tilespmem:s11], [sflag:$0x1], $0x80, $0x38;
	[tilespmem:$0x2480] =	vst v63  }
0x25d: {  	_ =	swait.ge [sflag:s8], $0x80  }
0x25e: {  	[sflag:s8] =	ssyncset.done $0x0  }
0x25f: {  	[sflag:s8] =	ssyncadd.s32 $0xFFFFFF80  }
0x260: {  	s12 =	sadd.s32 $0x1, s12  }
0x261: {  	p0 =	sne.s32 s12, s7  }
.Ltmp6:
0x262: {  	_ = 	snop;
	(pc) =	sbr.rel @p0 .LBB2_1-.Ltmp6, $1  }
0x263: {  	_ =	sdelay $0x3  }
0x264: {  	_ =	sfence.sel $0x180000  }
0x265: {  	[bflag:$0x0] =	sbarrier.arrive $0xFFFF  }
0x266: {  	p0 =	sne.s32 s1, $0x0;
	_ =	strace $0x90000047  }
0x267: {  	s0 =	sadd.s32 @!p0 $0x100000, s0;
	[bflag:$0x2] =	sbarrier.arrive $0xFFFF  }
0x268: {  	[sflag:s0] =	ssyncadd.tile.s32 @!p0 $0x1;
	_ =	shalt  }
.Lfunc_end2:
_tile_overlayer_lowered:
.L_overlay_start_2:
0x269: {  	(tag) =	ssettag $0x2  }
0x26a: {  	s0 =	rddreg [dreg:$0x0];
	s2 =	stileid.u32  }
0x26b: {  	s1 =	rddreg [dreg:$0x1];
	p0 =	sne.s32 s2, $0x0  }
0x26c: {  	s3 =	rddreg [dreg:$0x2];
	[bflag:$0x3] =	sbarrier.arrive $0xFFFF;
	s2 =	simm.s32 @!p0 $0x1C01  }
0x26d: {  	[timem:s3], [sflag:s2] =	dma.local @!p0 [hbm:s0], s1  }
0x26e: {  	s0 =	simm.s32 @!p0 $0x1  }
0x26f: {  	_ =	swait.ge @!p0 [sflag:s0], s1  }
0x270: {  	s1 =	ssub.s32 @!p0 $0x0, s1;
	[sflag:s0] =	ssyncset.done @!p0 $0x0  }
0x271: {  	[sflag:s0] =	ssyncadd.s32 @!p0 s1  }
0x272: {  	[bflag:$0x3] =	sbarrier.arrive $0xFFFF  }
0x273: {  	_ =	shalt  }

</sc_bundles>
